<compile_context>
chip_gen: v7x
topology: tpu7x:2x2x1
jax: 0.10.2.dev20260603
libtpu: 0.0.44.dev20260713+nightly
codegen_flags: <defaults>
</compile_context>

<pallas_src>
import jax
import jax.numpy as jnp
import numpy as np
from jax import lax
from jax.experimental import pallas as pl
from jax.experimental.pallas import tpu as pltpu
from jax.experimental.pallas import tpu_sc as plsc

N_LEVELS = 16
LEVEL_DIM = 2
BASE_RES = 16
LOG2_HASH = 19
TABLE_SIZE = 2 ** LOG2_HASH
DESIRED_RES = 200
PER_LEVEL_SCALE = float(np.exp2(np.log2(DESIRED_RES / BASE_RES) / (N_LEVELS - 1)))
N_FREQ = 12

RES = [int(np.floor(BASE_RES * (PER_LEVEL_SCALE ** l))) for l in range(N_LEVELS)]
DENSE = [(r + 1) ** 3 <= TABLE_SIZE for r in RES]
USED = [min((r + 1) ** 3, TABLE_SIZE) for r in RES]

P1_I32 = int(np.int32(np.int64(2654435761) - (1 << 32)))
P2_I32 = int(np.int32(805459861))
HASH_MASK = TABLE_SIZE - 1

NC, NS = 2, 16
NW = NC * NS
LANES = 16

CHUNK = 2048
STAGE = 8192


def _ceil8(v):
    return (v + 7) & ~7


def _pe_body(pts_ref, out_ref):
    pts = pts_ref[...]
    col = lax.broadcasted_iota(jnp.int32, (1, 2 * N_FREQ), 1)
    f_il = jnp.exp2((col // 2).astype(jnp.float32)) * np.float32(np.pi)
    phase = jnp.where(col % 2 == 1, np.float32(np.pi / 2), np.float32(0.0))
    parts = []
    for d in range(3):
        parts.append(pts[:, d:d + 1] * f_il + phase)
    ang = jnp.concatenate(parts, axis=1)
    out_ref[...] = jnp.sin(ang)


def _freq_pe(pts):
    n = pts.shape[0]
    blk = 2048
    return pl.pallas_call(
        _pe_body,
        grid=(n // blk,),
        in_specs=[pl.BlockSpec((blk, 3), lambda i: (i, 0))],
        out_specs=pl.BlockSpec((blk, 2 * 3 * N_FREQ), lambda i: (i, 0)),
        out_shape=jax.ShapeDtypeStruct((n, 2 * 3 * N_FREQ), jnp.float32),
    )(pts)


def _grid_body(x_hbm, y_hbm, z_hbm, tblp_hbm,
               resf_h, m1_h, m2_h, out_hbm,
               xb, yb, zb, wb, ob0, ob1, shp, stb,
               resfb, m1b, m2b, sem0, sem1, *cbufs):
    idxb = cbufs[0:16]
    gpb = cbufs[16:32]
    sems = (sem0, sem1)
    HALF = CHUNK // 2
    n = x_hbm.shape[0]
    per_w = n // NW
    nchunks = per_w // CHUNK
    wid = lax.axis_index("s") * NC + lax.axis_index("c")
    sid = lax.axis_index("s")
    base0 = wid * per_w

    pltpu.sync_copy(resf_h, resfb)
    pltpu.sync_copy(m1_h, m1b)
    pltpu.sync_copy(m2_h, m2b)

    def level_body(l, dense, nparts):
        lsplat = jnp.zeros((LANES,), jnp.int32) + l
        res_f = plsc.load_gather(resfb, [lsplat])
        m1 = plsc.load_gather(m1b, [lsplat])
        m2 = plsc.load_gather(m2b, [lsplat])
        lvl_base = l * TABLE_SIZE

        sl_sz = nparts * STAGE
        off = sid * sl_sz

        @pl.loop(0, nparts)
        def _(p):
            po = off + p * STAGE
            pltpu.sync_copy(tblp_hbm.at[pl.ds(lvl_base + po, STAGE)], stb)
            pltpu.sync_copy(stb, shp.at[pl.ds(po, STAGE)])
        plsc.subcore_barrier()

        def phase_a(h):
            hoff = h * HALF

            @plsc.parallel_loop(0, HALF // LANES, unroll=4)
            def _(g):
                sl = pl.ds(hoff + g * LANES, LANES)
                px = xb[sl] * res_f
                py = yb[sl] * res_f
                pz = zb[sl] * res_f
                x0 = px.astype(jnp.int32)
                y0 = py.astype(jnp.int32)
                z0 = pz.astype(jnp.int32)
                fx = px - x0.astype(jnp.float32)
                fy = py - y0.astype(jnp.float32)
                fz = pz - z0.astype(jnp.float32)
                wx = (1.0 - fx, fx)
                wy = (1.0 - fy, fy)
                wz = (1.0 - fz, fz)
                ix = (x0, x0 + 1)
                iy0 = y0 * m1
                iy = (iy0, iy0 + m1)
                iz0 = z0 * m2
                iz = (iz0, iz0 + m2)
                gsl = pl.ds(g * LANES, LANES)
                c = 0
                for dx in (0, 1):
                    for dy in (0, 1):
                        wxy = wx[dx] * wy[dy]
                        for dz in (0, 1):
                            if dense:
                                idx = ix[dx] + iy[dy] + iz[dz]
                            else:
                                idx = (ix[dx] ^ iy[dy] ^ iz[dz]) & HASH_MASK
                            idxb[h * 8 + c][gsl] = idx
                            wb[c, sl] = wxy * wz[dz]
                            c += 1

        def fire(h):
            copies = []
            for c in range(8):
                copies.append(pltpu.async_copy(
                    shp.at[idxb[h * 8 + c]], gpb[h * 8 + c], sems[h]))
            return copies

        def phase_b(h):
            hoff = h * HALF

            @plsc.parallel_loop(0, HALF // LANES, unroll=4)
            def _(g):
                sl = pl.ds(hoff + g * LANES, LANES)
                gsl = pl.ds(g * LANES, LANES)
                acc0 = jnp.zeros((LANES,), jnp.float32)
                acc1 = jnp.zeros((LANES,), jnp.float32)
                for c in range(8):
                    w = wb[c, sl]
                    v = gpb[h * 8 + c][gsl]
                    f0 = plsc.bitcast(v << 16, jnp.float32)
                    f1 = plsc.bitcast(v & jnp.int32(-65536), jnp.float32)
                    acc0 = acc0 + w * f0
                    acc1 = acc1 + w * f1
                ob0[sl] = acc0
                ob1[sl] = acc1

        @pl.loop(0, nchunks)
        def chunk_loop(ci):
            base = base0 + ci * CHUNK
            pltpu.sync_copy(x_hbm.at[pl.ds(base, CHUNK)], xb)
            pltpu.sync_copy(y_hbm.at[pl.ds(base, CHUNK)], yb)
            pltpu.sync_copy(z_hbm.at[pl.ds(base, CHUNK)], zb)

            phase_a(0)
            f0 = fire(0)
            phase_a(1)
            f1 = fire(1)
            for cp in f0:
                cp.wait()
            phase_b(0)
            for cp in f1:
                cp.wait()
            phase_b(1)

            pltpu.sync_copy(ob0, out_hbm.at[pl.ds((2 * l) * n + base, CHUNK)])
            pltpu.sync_copy(ob1, out_hbm.at[pl.ds((2 * l + 1) * n + base,
                                                  CHUNK)])
        plsc.subcore_barrier()

    n_dense = sum(DENSE)
    np_dense = max(((USED[l] + NS - 1) // NS + STAGE - 1) // STAGE
                   for l in range(n_dense))
    np_hash = (TABLE_SIZE // NS) // STAGE

    @pl.loop(0, n_dense)
    def dense_levels(l):
        level_body(l, True, np_dense)

    @pl.loop(n_dense, N_LEVELS)
    def hashed_levels(l):
        level_body(l, False, np_hash)


_M1_HOST = np.array(
    [RES[l] + 1 if DENSE[l] else P1_I32 for l in range(N_LEVELS)], np.int32)
_M2_HOST = np.array(
    [(RES[l] + 1) ** 2 if DENSE[l] else P2_I32 for l in range(N_LEVELS)],
    np.int32)
_RESF_HOST = np.array(RES, np.float32)


def _hash_grid_sc(x, y, z, tblp):
    n = x.shape[0]
    mesh = plsc.VectorSubcoreMesh(core_axis_name="c", subcore_axis_name="s",
                                  num_cores=NC, num_subcores=NS)
    k = pl.kernel(
        _grid_body,
        out_type=jax.ShapeDtypeStruct((2 * N_LEVELS * n,), jnp.float32),
        mesh=mesh,
        scratch_types=(
            [pltpu.VMEM((CHUNK,), jnp.float32)] * 3
            + [pltpu.VMEM((8, CHUNK), jnp.float32)]
            + [pltpu.VMEM((CHUNK,), jnp.float32)] * 2
            + [pltpu.VMEM_SHARED((TABLE_SIZE,), jnp.int32)]
            + [pltpu.VMEM((STAGE,), jnp.int32)]
            + [pltpu.VMEM((N_LEVELS,), jnp.float32)]
            + [pltpu.VMEM((N_LEVELS,), jnp.int32)] * 2
            + [pltpu.SemaphoreType.DMA] * 2
            + [pltpu.VMEM((CHUNK // 2,), jnp.int32)] * 16
            + [pltpu.VMEM((CHUNK // 2,), jnp.int32)] * 16
        ),
        compiler_params=pltpu.CompilerParams(needs_layout_passes=False),
    )
    return k(x, y, z, tblp,
             jnp.asarray(_RESF_HOST), jnp.asarray(_M1_HOST),
             jnp.asarray(_M2_HOST))


def kernel(pts, grid_table):
    n = pts.shape[0]
    tblp = lax.bitcast_convert_type(
        grid_table.astype(jnp.bfloat16), jnp.int32).reshape(-1)
    pe = _freq_pe(pts)
    grid_flat = _hash_grid_sc(pts[:, 0], pts[:, 1], pts[:, 2], tblp)
    grid = grid_flat.reshape(N_LEVELS, LEVEL_DIM, n).transpose(2, 0, 1)
    grid = grid.reshape(n, N_LEVELS * LEVEL_DIM)
    return (pe, grid)

# --- scband reference (transcript-rebuilt; emitter-appended) ---
"""Pipeline reference for scband-pos-encoding-7009386627750 (READ-ONLY COPY).

The authoritative reference and input builder live on the scoring server;
editing this copy changes nothing except your own understanding.
"""

import jax, jax.numpy as jnp
import numpy as np

N_LEVELS = 16
LEVEL_DIM = 2
BASE_RES = 16
LOG2_HASH = 19
TABLE_SIZE = 2 ** LOG2_HASH
# bound = [[-1,1]]*3 -> dim_max = 2.0; voxel_size = 0.01 -> resolution = int(2.0/0.01) = 200
DESIRED_RES = 200
PER_LEVEL_SCALE = float(np.exp2(np.log2(DESIRED_RES / BASE_RES) / (N_LEVELS - 1)))
N_FREQ = 12
PRIMES = np.array([1, 2654435761, 805459861], dtype=np.uint32)
N_PTS = 1048576


def setup_inputs(seed: int = 0) -> dict:
    key = jax.random.key(seed)
    k1, k2 = jax.random.split(key)
    pts = jax.random.uniform(k1, (N_PTS, 3), dtype=jnp.float32)
    # tcnn HashGrid initializes features uniform in [-1e-4, 1e-4]
    grid_table = jax.random.uniform(k2, (N_LEVELS, TABLE_SIZE, LEVEL_DIM), dtype=jnp.float32, minval=-1e-4, maxval=1e-4)
    return {"pts": pts, "grid_table": grid_table}


def _freq_encoding(pts):
    # tcnn Frequency encoding: sin/cos of x * 2^j * pi for j in [0, n_frequencies)
    freqs = (2.0 ** jnp.arange(N_FREQ, dtype=jnp.float32)) * jnp.pi  # [F]
    ang = pts[:, :, None] * freqs[None, None, :]  # [N, 3, F]
    enc = jnp.stack([jnp.sin(ang), jnp.cos(ang)], axis=-1)  # [N, 3, F, 2]
    return enc.reshape(pts.shape[0], 3 * N_FREQ * 2)


def _grid_level(pts, table_l, res):
    pos = pts * res
    pos0f = jnp.floor(pos)
    frac = pos - pos0f
    pos0 = pos0f.astype(jnp.int32)
    dense = (res + 1) ** 3 <= TABLE_SIZE
    out = jnp.zeros((pts.shape[0], LEVEL_DIM), dtype=table_l.dtype)
    for dx in (0, 1):
        for dy in (0, 1):
            for dz in (0, 1):
                off = jnp.array([dx, dy, dz], dtype=jnp.int32)
                c = jnp.clip(pos0 + off, 0, res)
                if dense:
                    idx = c[:, 0] + (res + 1) * (c[:, 1] + (res + 1) * c[:, 2])
                else:
                    cu = c.astype(jnp.uint32)
                    h = (cu[:, 0] * jnp.uint32(int(PRIMES[0]))) ^ (cu[:, 1] * jnp.uint32(int(PRIMES[1]))) ^ (cu[:, 2] * jnp.uint32(int(PRIMES[2])))
                    idx = (h % jnp.uint32(TABLE_SIZE)).astype(jnp.int32)
                mask = jnp.array([dx, dy, dz], dtype=bool)
                w = jnp.prod(jnp.where(mask[None, :], frac, 1.0 - frac), axis=-1)  # [N]
                out = out + w[:, None] * jnp.take(table_l, idx, axis=0)
    return out


def _hash_grid(pts, grid_table):
    outs = []
    for l in range(N_LEVELS):
        res = int(np.floor(BASE_RES * (PER_LEVEL_SCALE ** l)))
        outs.append(_grid_level(pts, grid_table[l], res))
    return jnp.concatenate(outs, axis=-1)  # [N, 32]


def reference(pts, grid_table):
    pe = _freq_encoding(pts)       # [N, 72]
    grid = _hash_grid(pts, grid_table)  # [N, 32]
    return (pe, grid)

if __name__ == "__main__":
    import jax
    _d = setup_inputs()
    print(jax.jit(kernel)(*tuple(_d.values())))

</pallas_src>

<mosaic_0001>
#map = affine_map<(d0, d1) -> (0)>
module attributes {stable_mosaic.version = 14 : i64} {
  func.func @_grid_body(%arg0: i32, %arg1: i32, %arg2: memref<1048576xf32, #tpu.memory_space<hbm>>, %arg3: memref<1048576xf32, #tpu.memory_space<hbm>>, %arg4: memref<1048576xf32, #tpu.memory_space<hbm>>, %arg5: memref<8388608xi32, #tpu.memory_space<hbm>>, %arg6: memref<16xf32, #tpu.memory_space<hbm>>, %arg7: memref<16xi32, #tpu.memory_space<hbm>>, %arg8: memref<16xi32, #tpu.memory_space<hbm>>, %arg9: memref<33554432xf32, #tpu.memory_space<hbm>>, %arg10: memref<2048xf32, #tpu.memory_space<vmem>>, %arg11: memref<2048xf32, #tpu.memory_space<vmem>>, %arg12: memref<2048xf32, #tpu.memory_space<vmem>>, %arg13: memref<8x2048xf32, #tpu.memory_space<vmem>>, %arg14: memref<2048xf32, #tpu.memory_space<vmem>>, %arg15: memref<2048xf32, #tpu.memory_space<vmem>>, %arg16: memref<524288xi32, #tpu.memory_space<vmem_shared>>, %arg17: memref<8192xi32, #tpu.memory_space<vmem>>, %arg18: memref<16xf32, #tpu.memory_space<vmem>>, %arg19: memref<16xi32, #tpu.memory_space<vmem>>, %arg20: memref<16xi32, #tpu.memory_space<vmem>>, %arg21: memref<!tpu.dma_semaphore, #tpu.memory_space<semaphore_mem>>, %arg22: memref<!tpu.dma_semaphore, #tpu.memory_space<semaphore_mem>>, %arg23: memref<1024xi32, #tpu.memory_space<vmem>>, %arg24: memref<1024xi32, #tpu.memory_space<vmem>>, %arg25: memref<1024xi32, #tpu.memory_space<vmem>>, %arg26: memref<1024xi32, #tpu.memory_space<vmem>>, %arg27: memref<1024xi32, #tpu.memory_space<vmem>>, %arg28: memref<1024xi32, #tpu.memory_space<vmem>>, %arg29: memref<1024xi32, #tpu.memory_space<vmem>>, %arg30: memref<1024xi32, #tpu.memory_space<vmem>>, %arg31: memref<1024xi32, #tpu.memory_space<vmem>>, %arg32: memref<1024xi32, #tpu.memory_space<vmem>>, %arg33: memref<1024xi32, #tpu.memory_space<vmem>>, %arg34: memref<1024xi32, #tpu.memory_space<vmem>>, %arg35: memref<1024xi32, #tpu.memory_space<vmem>>, %arg36: memref<1024xi32, #tpu.memory_space<vmem>>, %arg37: memref<1024xi32, #tpu.memory_space<vmem>>, %arg38: memref<1024xi32, #tpu.memory_space<vmem>>, %arg39: memref<1024xi32, #tpu.memory_space<vmem>>, %arg40: memref<1024xi32, #tpu.memory_space<vmem>>, %arg41: memref<1024xi32, #tpu.memory_space<vmem>>, %arg42: memref<1024xi32, #tpu.memory_space<vmem>>, %arg43: memref<1024xi32, #tpu.memory_space<vmem>>, %arg44: memref<1024xi32, #tpu.memory_space<vmem>>, %arg45: memref<1024xi32, #tpu.memory_space<vmem>>, %arg46: memref<1024xi32, #tpu.memory_space<vmem>>, %arg47: memref<1024xi32, #tpu.memory_space<vmem>>, %arg48: memref<1024xi32, #tpu.memory_space<vmem>>, %arg49: memref<1024xi32, #tpu.memory_space<vmem>>, %arg50: memref<1024xi32, #tpu.memory_space<vmem>>, %arg51: memref<1024xi32, #tpu.memory_space<vmem>>, %arg52: memref<1024xi32, #tpu.memory_space<vmem>>, %arg53: memref<1024xi32, #tpu.memory_space<vmem>>, %arg54: memref<1024xi32, #tpu.memory_space<vmem>>) attributes {dimension_semantics = [#tpu.dimension_semantics<core_parallel>, #tpu.dimension_semantics<subcore_parallel>], iteration_bounds = array<i64: 2, 16>, scalar_prefetch = 0 : i64, scratch_operands = 45 : i64, tpu.core_type = #tpu.core_type<sc_vector_subcore>, window_params = [{transform_indices = #map}, {transform_indices = #map}, {transform_indices = #map}, {transform_indices = #map}, {transform_indices = #map}, {transform_indices = #map}, {transform_indices = #map}, {transform_indices = #map}]} {
    %mul3A = arith.constant 2 : i32
    %mul3A_0 = arith.muli %arg1, %mul3A : i32
    %add3A = arith.addi %mul3A_0, %arg0 : i32
    %mul3A_1 = arith.constant 32768 : i32
    %mul3A_2 = arith.muli %add3A, %mul3A_1 : i32
    "tpu.region"() ({
      %run_scoped3A = tpu.sem_alloc : memref<!tpu.dma_semaphore, #tpu.memory_space<semaphore_mem>>
      tpu.enqueue_dma source(%arg6 : memref<16xf32, #tpu.memory_space<hbm>>) target(%arg18 : memref<16xf32, #tpu.memory_space<vmem>>) target_semaphore(%run_scoped3A : memref<!tpu.dma_semaphore, #tpu.memory_space<semaphore_mem>>)
      tpu.wait_dma2 semaphore(%run_scoped3A : memref<!tpu.dma_semaphore, #tpu.memory_space<semaphore_mem>>) src(%arg6 : memref<16xf32, #tpu.memory_space<hbm>>) dst(%arg18 : memref<16xf32, #tpu.memory_space<vmem>>)
      tpu.yield
    }) : () -> ()
    "tpu.region"() ({
      %run_scoped3A = tpu.sem_alloc : memref<!tpu.dma_semaphore, #tpu.memory_space<semaphore_mem>>
      tpu.enqueue_dma source(%arg7 : memref<16xi32, #tpu.memory_space<hbm>>) target(%arg19 : memref<16xi32, #tpu.memory_space<vmem>>) target_semaphore(%run_scoped3A : memref<!tpu.dma_semaphore, #tpu.memory_space<semaphore_mem>>)
      tpu.wait_dma2 semaphore(%run_scoped3A : memref<!tpu.dma_semaphore, #tpu.memory_space<semaphore_mem>>) src(%arg7 : memref<16xi32, #tpu.memory_space<hbm>>) dst(%arg19 : memref<16xi32, #tpu.memory_space<vmem>>)
      tpu.yield
    }) : () -> ()
    "tpu.region"() ({
      %run_scoped3A = tpu.sem_alloc : memref<!tpu.dma_semaphore, #tpu.memory_space<semaphore_mem>>
      tpu.enqueue_dma source(%arg8 : memref<16xi32, #tpu.memory_space<hbm>>) target(%arg20 : memref<16xi32, #tpu.memory_space<vmem>>) target_semaphore(%run_scoped3A : memref<!tpu.dma_semaphore, #tpu.memory_space<semaphore_mem>>)
      tpu.wait_dma2 semaphore(%run_scoped3A : memref<!tpu.dma_semaphore, #tpu.memory_space<semaphore_mem>>) src(%arg8 : memref<16xi32, #tpu.memory_space<hbm>>) dst(%arg20 : memref<16xi32, #tpu.memory_space<vmem>>)
      tpu.yield
    }) : () -> ()
    %scan3A = arith.constant 0 : i32
    %scan3A_3 = arith.constant 10 : i32
    %scan3A_4 = arith.addi %scan3A, %scan3A_3 : i32
    %scan3A_5 = arith.constant 1 : i32
    scf.for %scan3A_12 = %scan3A to %scan3A_4 step %scan3A_5  : i32 {
      %mul3A_13 = arith.constant 1 : i32
      %mul3A_14 = arith.muli %scan3A_12, %mul3A_13 : i32
      %add3A_15 = arith.constant 0 : i32
      %add3A_16 = arith.addi %add3A_15, %mul3A_14 : i32
      %broadcast_in_dim3A = arith.constant 0 : i32
      %broadcast_in_dim3A_17 = vector.broadcast %broadcast_in_dim3A : i32 to vector<16xi32>
      %add3A_18 = vector.broadcast %add3A_16 : i32 to vector<16xi32>
      %add3A_19 = arith.addi %broadcast_in_dim3A_17, %add3A_18 : vector<16xi32>
      %gather3A = tpu.vector_load_idx %arg18[%add3A_19] : memref<16xf32, #tpu.memory_space<vmem>>[vector<16xi32>], vector<16xf32>,
      %gather3A_20 = tpu.vector_load_idx %arg19[%add3A_19] : memref<16xi32, #tpu.memory_space<vmem>>[vector<16xi32>], vector<16xi32>,
      %gather3A_21 = tpu.vector_load_idx %arg20[%add3A_19] : memref<16xi32, #tpu.memory_space<vmem>>[vector<16xi32>], vector<16xi32>,
      %mul3A_22 = arith.constant 524288 : i32
      %mul3A_23 = arith.muli %add3A_16, %mul3A_22 : i32
      %mul3A_24 = arith.constant 24576 : i32
      %mul3A_25 = arith.muli %arg1, %mul3A_24 : i32
      %scan3A_26 = arith.constant 0 : i32
      %scan3A_27 = arith.constant 3 : i32
      %scan3A_28 = arith.addi %scan3A_26, %scan3A_27 : i32
      %scan3A_29 = arith.constant 1 : i32
      scf.for %scan3A_37 = %scan3A_26 to %scan3A_28 step %scan3A_29  : i32 {
        %mul3A_38 = arith.constant 1 : i32
        %mul3A_39 = arith.muli %scan3A_37, %mul3A_38 : i32
        %add3A_40 = arith.constant 0 : i32
        %add3A_41 = arith.addi %add3A_40, %mul3A_39 : i32
        %mul3A_42 = arith.constant 8192 : i32
        %mul3A_43 = arith.muli %add3A_41, %mul3A_42 : i32
        %add3A_44 = arith.addi %mul3A_25, %mul3A_43 : i32
        %add3A_45 = arith.addi %mul3A_23, %add3A_44 : i32
        "tpu.region"() ({
          %run_scoped3A = tpu.sem_alloc : memref<!tpu.dma_semaphore, #tpu.memory_space<semaphore_mem>>
          %dma_start3A = tpu.memref_slice %arg5[%add3A_45] : memref<8388608xi32, #tpu.memory_space<hbm>> -> memref<8192xi32, #tpu.memory_space<hbm>>
          %dma_start3A_46 = tpu.memref_slice %arg5[%add3A_45] : memref<8388608xi32, #tpu.memory_space<hbm>> -> memref<8192xi32, #tpu.memory_space<hbm>>
          tpu.enqueue_dma source(%dma_start3A_46 : memref<8192xi32, #tpu.memory_space<hbm>>) target(%arg17 : memref<8192xi32, #tpu.memory_space<vmem>>) target_semaphore(%run_scoped3A : memref<!tpu.dma_semaphore, #tpu.memory_space<semaphore_mem>>)
          %dma_wait3A = tpu.memref_slice %arg5[%add3A_45] : memref<8388608xi32, #tpu.memory_space<hbm>> -> memref<8192xi32, #tpu.memory_space<hbm>>
          %dma_wait3A_47 = tpu.memref_slice %arg5[%add3A_45] : memref<8388608xi32, #tpu.memory_space<hbm>> -> memref<8192xi32, #tpu.memory_space<hbm>>
          tpu.wait_dma2 semaphore(%run_scoped3A : memref<!tpu.dma_semaphore, #tpu.memory_space<semaphore_mem>>) src(%dma_wait3A_47 : memref<8192xi32, #tpu.memory_space<hbm>>) dst(%arg17 : memref<8192xi32, #tpu.memory_space<vmem>>)
          tpu.yield
        }) : () -> ()
        "tpu.region"() ({
          %run_scoped3A = tpu.sem_alloc : memref<!tpu.dma_semaphore, #tpu.memory_space<semaphore_mem>>
          %dma_start3A = tpu.memref_slice %arg16[%add3A_44] : memref<524288xi32, #tpu.memory_space<vmem_shared>> -> memref<8192xi32, #tpu.memory_space<vmem_shared>>
          %dma_start3A_46 = tpu.memref_slice %arg16[%add3A_44] : memref<524288xi32, #tpu.memory_space<vmem_shared>> -> memref<8192xi32, #tpu.memory_space<vmem_shared>>
          tpu.enqueue_dma source(%arg17 : memref<8192xi32, #tpu.memory_space<vmem>>) target(%dma_start3A_46 : memref<8192xi32, #tpu.memory_space<vmem_shared>>) target_semaphore(%run_scoped3A : memref<!tpu.dma_semaphore, #tpu.memory_space<semaphore_mem>>)
          %dma_wait3A = tpu.memref_slice %arg16[%add3A_44] : memref<524288xi32, #tpu.memory_space<vmem_shared>> -> memref<8192xi32, #tpu.memory_space<vmem_shared>>
          %dma_wait3A_47 = tpu.memref_slice %arg16[%add3A_44] : memref<524288xi32, #tpu.memory_space<vmem_shared>> -> memref<8192xi32, #tpu.memory_space<vmem_shared>>
          tpu.wait_dma2 semaphore(%run_scoped3A : memref<!tpu.dma_semaphore, #tpu.memory_space<semaphore_mem>>) src(%arg17 : memref<8192xi32, #tpu.memory_space<vmem>>) dst(%dma_wait3A_47 : memref<8192xi32, #tpu.memory_space<vmem_shared>>)
          tpu.yield
        }) : () -> ()
      }
      %scan3A_30 = arith.constant 3 : i32
      %barrier3A = arith.constant 0 : index
      tpu.barrier barrier_id(%barrier3A)
      %scan3A_31 = arith.constant 0 : i32
      %scan3A_32 = arith.constant 16 : i32
      %scan3A_33 = arith.addi %scan3A_31, %scan3A_32 : i32
      %scan3A_34 = arith.constant 1 : i32
      scf.for %scan3A_37 = %scan3A_31 to %scan3A_33 step %scan3A_34  : i32 {
        %mul3A_38 = arith.constant 1 : i32
        %mul3A_39 = arith.muli %scan3A_37, %mul3A_38 : i32
        %add3A_40 = arith.constant 0 : i32
        %add3A_41 = arith.addi %add3A_40, %mul3A_39 : i32
        %mul3A_42 = arith.constant 2048 : i32
        %mul3A_43 = arith.muli %add3A_41, %mul3A_42 : i32
        %add3A_44 = arith.addi %mul3A_2, %mul3A_43 : i32
        "tpu.region"() ({
          %run_scoped3A = tpu.sem_alloc : memref<!tpu.dma_semaphore, #tpu.memory_space<semaphore_mem>>
          %dma_start3A_130 = tpu.memref_slice %arg2[%add3A_44] : memref<1048576xf32, #tpu.memory_space<hbm>> -> memref<2048xf32, #tpu.memory_space<hbm>>
          %dma_start3A_131 = tpu.memref_slice %arg2[%add3A_44] : memref<1048576xf32, #tpu.memory_space<hbm>> -> memref<2048xf32, #tpu.memory_space<hbm>>
          tpu.enqueue_dma source(%dma_start3A_131 : memref<2048xf32, #tpu.memory_space<hbm>>) target(%arg10 : memref<2048xf32, #tpu.memory_space<vmem>>) target_semaphore(%run_scoped3A : memref<!tpu.dma_semaphore, #tpu.memory_space<semaphore_mem>>)
          %dma_wait3A_132 = tpu.memref_slice %arg2[%add3A_44] : memref<1048576xf32, #tpu.memory_space<hbm>> -> memref<2048xf32, #tpu.memory_space<hbm>>
          %dma_wait3A_133 = tpu.memref_slice %arg2[%add3A_44] : memref<1048576xf32, #tpu.memory_space<hbm>> -> memref<2048xf32, #tpu.memory_space<hbm>>
          tpu.wait_dma2 semaphore(%run_scoped3A : memref<!tpu.dma_semaphore, #tpu.memory_space<semaphore_mem>>) src(%dma_wait3A_133 : memref<2048xf32, #tpu.memory_space<hbm>>) dst(%arg10 : memref<2048xf32, #tpu.memory_space<vmem>>)
          tpu.yield
        }) : () -> ()
        "tpu.region"() ({
          %run_scoped3A = tpu.sem_alloc : memref<!tpu.dma_semaphore, #tpu.memory_space<semaphore_mem>>
          %dma_start3A_130 = tpu.memref_slice %arg3[%add3A_44] : memref<1048576xf32, #tpu.memory_space<hbm>> -> memref<2048xf32, #tpu.memory_space<hbm>>
          %dma_start3A_131 = tpu.memref_slice %arg3[%add3A_44] : memref<1048576xf32, #tpu.memory_space<hbm>> -> memref<2048xf32, #tpu.memory_space<hbm>>
          tpu.enqueue_dma source(%dma_start3A_131 : memref<2048xf32, #tpu.memory_space<hbm>>) target(%arg11 : memref<2048xf32, #tpu.memory_space<vmem>>) target_semaphore(%run_scoped3A : memref<!tpu.dma_semaphore, #tpu.memory_space<semaphore_mem>>)
          %dma_wait3A_132 = tpu.memref_slice %arg3[%add3A_44] : memref<1048576xf32, #tpu.memory_space<hbm>> -> memref<2048xf32, #tpu.memory_space<hbm>>
          %dma_wait3A_133 = tpu.memref_slice %arg3[%add3A_44] : memref<1048576xf32, #tpu.memory_space<hbm>> -> memref<2048xf32, #tpu.memory_space<hbm>>
          tpu.wait_dma2 semaphore(%run_scoped3A : memref<!tpu.dma_semaphore, #tpu.memory_space<semaphore_mem>>) src(%dma_wait3A_133 : memref<2048xf32, #tpu.memory_space<hbm>>) dst(%arg11 : memref<2048xf32, #tpu.memory_space<vmem>>)
          tpu.yield
        }) : () -> ()
        "tpu.region"() ({
          %run_scoped3A = tpu.sem_alloc : memref<!tpu.dma_semaphore, #tpu.memory_space<semaphore_mem>>
          %dma_start3A_130 = tpu.memref_slice %arg4[%add3A_44] : memref<1048576xf32, #tpu.memory_space<hbm>> -> memref<2048xf32, #tpu.memory_space<hbm>>
          %dma_start3A_131 = tpu.memref_slice %arg4[%add3A_44] : memref<1048576xf32, #tpu.memory_space<hbm>> -> memref<2048xf32, #tpu.memory_space<hbm>>
          tpu.enqueue_dma source(%dma_start3A_131 : memref<2048xf32, #tpu.memory_space<hbm>>) target(%arg12 : memref<2048xf32, #tpu.memory_space<vmem>>) target_semaphore(%run_scoped3A : memref<!tpu.dma_semaphore, #tpu.memory_space<semaphore_mem>>)
          %dma_wait3A_132 = tpu.memref_slice %arg4[%add3A_44] : memref<1048576xf32, #tpu.memory_space<hbm>> -> memref<2048xf32, #tpu.memory_space<hbm>>
          %dma_wait3A_133 = tpu.memref_slice %arg4[%add3A_44] : memref<1048576xf32, #tpu.memory_space<hbm>> -> memref<2048xf32, #tpu.memory_space<hbm>>
          tpu.wait_dma2 semaphore(%run_scoped3A : memref<!tpu.dma_semaphore, #tpu.memory_space<semaphore_mem>>) src(%dma_wait3A_133 : memref<2048xf32, #tpu.memory_space<hbm>>) dst(%arg12 : memref<2048xf32, #tpu.memory_space<vmem>>)
          tpu.yield
        }) : () -> ()
        %parallel_loop3A = arith.constant 0 : i32
        %parallel_loop3A_45 = arith.constant 64 : i32
        %parallel_loop3A_46 = arith.constant 1 : i32
        scf.for %parallel_loop3A_130 = %parallel_loop3A to %parallel_loop3A_45 step %parallel_loop3A_46  : i32 {
          %parallel_loop3A_131 = arith.constant 16 : i32
          %parallel_loop3A_132 = arith.muli %parallel_loop3A_130, %parallel_loop3A_131 : i32
          %parallel_loop3A_133 = arith.constant 0 : i32
          %parallel_loop3A_134 = arith.addi %parallel_loop3A_133, %parallel_loop3A_132 : i32
          %parallel_loop3A_135 = arith.index_cast %parallel_loop3A_134 : i32 to index
          %parallel_loop3A_136 = tpu.vector_load %arg10[%parallel_loop3A_135] {strides = array<i32>} : memref<2048xf32, #tpu.memory_space<vmem>>, vector<16xf32>,
          %parallel_loop3A_137 = arith.mulf %parallel_loop3A_136, %gather3A : vector<16xf32>
          %parallel_loop3A_138 = arith.index_cast %parallel_loop3A_134 : i32 to index
          %parallel_loop3A_139 = tpu.vector_load %arg11[%parallel_loop3A_138] {strides = array<i32>} : memref<2048xf32, #tpu.memory_space<vmem>>, vector<16xf32>,
          %parallel_loop3A_140 = arith.mulf %parallel_loop3A_139, %gather3A : vector<16xf32>
          %parallel_loop3A_141 = arith.index_cast %parallel_loop3A_134 : i32 to index
          %parallel_loop3A_142 = tpu.vector_load %arg12[%parallel_loop3A_141] {strides = array<i32>} : memref<2048xf32, #tpu.memory_space<vmem>>, vector<16xf32>,
          %parallel_loop3A_143 = arith.mulf %parallel_loop3A_142, %gather3A : vector<16xf32>
          %parallel_loop3A_144 = arith.fptosi %parallel_loop3A_137 : vector<16xf32> to vector<16xi32>
          %parallel_loop3A_145 = arith.fptosi %parallel_loop3A_140 : vector<16xf32> to vector<16xi32>
          %parallel_loop3A_146 = arith.fptosi %parallel_loop3A_143 : vector<16xf32> to vector<16xi32>
          %parallel_loop3A_147 = arith.sitofp %parallel_loop3A_144 : vector<16xi32> to vector<16xf32>
          %parallel_loop3A_148 = arith.subf %parallel_loop3A_137, %parallel_loop3A_147 : vector<16xf32>
          %parallel_loop3A_149 = arith.sitofp %parallel_loop3A_145 : vector<16xi32> to vector<16xf32>
          %parallel_loop3A_150 = arith.subf %parallel_loop3A_140, %parallel_loop3A_149 : vector<16xf32>
          %parallel_loop3A_151 = arith.sitofp %parallel_loop3A_146 : vector<16xi32> to vector<16xf32>
          %parallel_loop3A_152 = arith.subf %parallel_loop3A_143, %parallel_loop3A_151 : vector<16xf32>
          %parallel_loop3A_153 = arith.constant 1.000000e+00 : f32
          %parallel_loop3A_154 = vector.broadcast %parallel_loop3A_153 : f32 to vector<16xf32>
          %parallel_loop3A_155 = arith.subf %parallel_loop3A_154, %parallel_loop3A_148 : vector<16xf32>
          %parallel_loop3A_156 = arith.constant 1.000000e+00 : f32
          %parallel_loop3A_157 = vector.broadcast %parallel_loop3A_156 : f32 to vector<16xf32>
          %parallel_loop3A_158 = arith.subf %parallel_loop3A_157, %parallel_loop3A_150 : vector<16xf32>
          %parallel_loop3A_159 = arith.constant 1.000000e+00 : f32
          %parallel_loop3A_160 = vector.broadcast %parallel_loop3A_159 : f32 to vector<16xf32>
          %parallel_loop3A_161 = arith.subf %parallel_loop3A_160, %parallel_loop3A_152 : vector<16xf32>
          %parallel_loop3A_162 = arith.constant 1 : i32
          %parallel_loop3A_163 = vector.broadcast %parallel_loop3A_162 : i32 to vector<16xi32>
          %parallel_loop3A_164 = arith.addi %parallel_loop3A_144, %parallel_loop3A_163 : vector<16xi32>
          %parallel_loop3A_165 = arith.muli %parallel_loop3A_145, %gather3A_20 : vector<16xi32>
          %parallel_loop3A_166 = arith.addi %parallel_loop3A_165, %gather3A_20 : vector<16xi32>
          %parallel_loop3A_167 = arith.muli %parallel_loop3A_146, %gather3A_21 : vector<16xi32>
          %parallel_loop3A_168 = arith.addi %parallel_loop3A_167, %gather3A_21 : vector<16xi32>
          %parallel_loop3A_169 = arith.constant 16 : i32
          %parallel_loop3A_170 = arith.muli %parallel_loop3A_130, %parallel_loop3A_169 : i32
          %parallel_loop3A_171 = arith.mulf %parallel_loop3A_155, %parallel_loop3A_158 : vector<16xf32>
          %parallel_loop3A_172 = arith.addi %parallel_loop3A_144, %parallel_loop3A_165 : vector<16xi32>
          %parallel_loop3A_173 = arith.addi %parallel_loop3A_172, %parallel_loop3A_167 : vector<16xi32>
          %parallel_loop3A_174 = arith.index_cast %parallel_loop3A_170 : i32 to index
          %parallel_loop3A_175 = tpu.vector_load %arg23[%parallel_loop3A_174] {strides = array<i32>} : memref<1024xi32, #tpu.memory_space<vmem>>, vector<16xi32>,
          tpu.vector_store %arg23[%parallel_loop3A_174], %parallel_loop3A_173 {strides = array<i32>} : memref<1024xi32, #tpu.memory_space<vmem>>, vector<16xi32>,
          %parallel_loop3A_176 = arith.mulf %parallel_loop3A_171, %parallel_loop3A_161 : vector<16xf32>
          %parallel_loop3A_177 = arith.constant 0 : i32
          %parallel_loop3A_178 = arith.index_cast %parallel_loop3A_177 : i32 to index
          %parallel_loop3A_179 = arith.index_cast %parallel_loop3A_134 : i32 to index
          %parallel_loop3A_180 = tpu.vector_load %arg13[%parallel_loop3A_178, %parallel_loop3A_179] {strides = array<i32>} : memref<8x2048xf32, #tpu.memory_space<vmem>>, vector<16xf32>,
          tpu.vector_store %arg13[%parallel_loop3A_178, %parallel_loop3A_179], %parallel_loop3A_176 {strides = array<i32>} : memref<8x2048xf32, #tpu.memory_space<vmem>>, vector<16xf32>,
          %parallel_loop3A_181 = arith.addi %parallel_loop3A_144, %parallel_loop3A_165 : vector<16xi32>
          %parallel_loop3A_182 = arith.addi %parallel_loop3A_181, %parallel_loop3A_168 : vector<16xi32>
          %parallel_loop3A_183 = arith.index_cast %parallel_loop3A_170 : i32 to index
          %parallel_loop3A_184 = tpu.vector_load %arg24[%parallel_loop3A_183] {strides = array<i32>} : memref<1024xi32, #tpu.memory_space<vmem>>, vector<16xi32>,
          tpu.vector_store %arg24[%parallel_loop3A_183], %parallel_loop3A_182 {strides = array<i32>} : memref<1024xi32, #tpu.memory_space<vmem>>, vector<16xi32>,
          %parallel_loop3A_185 = arith.mulf %parallel_loop3A_171, %parallel_loop3A_152 : vector<16xf32>
          %parallel_loop3A_186 = arith.constant 1 : i32
          %parallel_loop3A_187 = arith.index_cast %parallel_loop3A_186 : i32 to index
          %parallel_loop3A_188 = arith.index_cast %parallel_loop3A_134 : i32 to index
          %parallel_loop3A_189 = tpu.vector_load %arg13[%parallel_loop3A_187, %parallel_loop3A_188] {strides = array<i32>} : memref<8x2048xf32, #tpu.memory_space<vmem>>, vector<16xf32>,
          tpu.vector_store %arg13[%parallel_loop3A_187, %parallel_loop3A_188], %parallel_loop3A_185 {strides = array<i32>} : memref<8x2048xf32, #tpu.memory_space<vmem>>, vector<16xf32>,
          %parallel_loop3A_190 = arith.mulf %parallel_loop3A_155, %parallel_loop3A_150 : vector<16xf32>
          %parallel_loop3A_191 = arith.addi %parallel_loop3A_144, %parallel_loop3A_166 : vector<16xi32>
          %parallel_loop3A_192 = arith.addi %parallel_loop3A_191, %parallel_loop3A_167 : vector<16xi32>
          %parallel_loop3A_193 = arith.index_cast %parallel_loop3A_170 : i32 to index
          %parallel_loop3A_194 = tpu.vector_load %arg25[%parallel_loop3A_193] {strides = array<i32>} : memref<1024xi32, #tpu.memory_space<vmem>>, vector<16xi32>,
          tpu.vector_store %arg25[%parallel_loop3A_193], %parallel_loop3A_192 {strides = array<i32>} : memref<1024xi32, #tpu.memory_space<vmem>>, vector<16xi32>,
          %parallel_loop3A_195 = arith.mulf %parallel_loop3A_190, %parallel_loop3A_161 : vector<16xf32>
          %parallel_loop3A_196 = arith.constant 2 : i32
          %parallel_loop3A_197 = arith.index_cast %parallel_loop3A_196 : i32 to index
          %parallel_loop3A_198 = arith.index_cast %parallel_loop3A_134 : i32 to index
          %parallel_loop3A_199 = tpu.vector_load %arg13[%parallel_loop3A_197, %parallel_loop3A_198] {strides = array<i32>} : memref<8x2048xf32, #tpu.memory_space<vmem>>, vector<16xf32>,
          tpu.vector_store %arg13[%parallel_loop3A_197, %parallel_loop3A_198], %parallel_loop3A_195 {strides = array<i32>} : memref<8x2048xf32, #tpu.memory_space<vmem>>, vector<16xf32>,
          %parallel_loop3A_200 = arith.addi %parallel_loop3A_144, %parallel_loop3A_166 : vector<16xi32>
          %parallel_loop3A_201 = arith.addi %parallel_loop3A_200, %parallel_loop3A_168 : vector<16xi32>
          %parallel_loop3A_202 = arith.index_cast %parallel_loop3A_170 : i32 to index
          %parallel_loop3A_203 = tpu.vector_load %arg26[%parallel_loop3A_202] {strides = array<i32>} : memref<1024xi32, #tpu.memory_space<vmem>>, vector<16xi32>,
          tpu.vector_store %arg26[%parallel_loop3A_202], %parallel_loop3A_201 {strides = array<i32>} : memref<1024xi32, #tpu.memory_space<vmem>>, vector<16xi32>,
          %parallel_loop3A_204 = arith.mulf %parallel_loop3A_190, %parallel_loop3A_152 : vector<16xf32>
          %parallel_loop3A_205 = arith.constant 3 : i32
          %parallel_loop3A_206 = arith.index_cast %parallel_loop3A_205 : i32 to index
          %parallel_loop3A_207 = arith.index_cast %parallel_loop3A_134 : i32 to index
          %parallel_loop3A_208 = tpu.vector_load %arg13[%parallel_loop3A_206, %parallel_loop3A_207] {strides = array<i32>} : memref<8x2048xf32, #tpu.memory_space<vmem>>, vector<16xf32>,
          tpu.vector_store %arg13[%parallel_loop3A_206, %parallel_loop3A_207], %parallel_loop3A_204 {strides = array<i32>} : memref<8x2048xf32, #tpu.memory_space<vmem>>, vector<16xf32>,
          %parallel_loop3A_209 = arith.mulf %parallel_loop3A_148, %parallel_loop3A_158 : vector<16xf32>
          %parallel_loop3A_210 = arith.addi %parallel_loop3A_164, %parallel_loop3A_165 : vector<16xi32>
          %parallel_loop3A_211 = arith.addi %parallel_loop3A_210, %parallel_loop3A_167 : vector<16xi32>
          %parallel_loop3A_212 = arith.index_cast %parallel_loop3A_170 : i32 to index
          %parallel_loop3A_213 = tpu.vector_load %arg27[%parallel_loop3A_212] {strides = array<i32>} : memref<1024xi32, #tpu.memory_space<vmem>>, vector<16xi32>,
          tpu.vector_store %arg27[%parallel_loop3A_212], %parallel_loop3A_211 {strides = array<i32>} : memref<1024xi32, #tpu.memory_space<vmem>>, vector<16xi32>,
          %parallel_loop3A_214 = arith.mulf %parallel_loop3A_209, %parallel_loop3A_161 : vector<16xf32>
          %parallel_loop3A_215 = arith.constant 4 : i32
          %parallel_loop3A_216 = arith.index_cast %parallel_loop3A_215 : i32 to index
          %parallel_loop3A_217 = arith.index_cast %parallel_loop3A_134 : i32 to index
          %parallel_loop3A_218 = tpu.vector_load %arg13[%parallel_loop3A_216, %parallel_loop3A_217] {strides = array<i32>} : memref<8x2048xf32, #tpu.memory_space<vmem>>, vector<16xf32>,
          tpu.vector_store %arg13[%parallel_loop3A_216, %parallel_loop3A_217], %parallel_loop3A_214 {strides = array<i32>} : memref<8x2048xf32, #tpu.memory_space<vmem>>, vector<16xf32>,
          %parallel_loop3A_219 = arith.addi %parallel_loop3A_164, %parallel_loop3A_165 : vector<16xi32>
          %parallel_loop3A_220 = arith.addi %parallel_loop3A_219, %parallel_loop3A_168 : vector<16xi32>
          %parallel_loop3A_221 = arith.index_cast %parallel_loop3A_170 : i32 to index
          %parallel_loop3A_222 = tpu.vector_load %arg28[%parallel_loop3A_221] {strides = array<i32>} : memref<1024xi32, #tpu.memory_space<vmem>>, vector<16xi32>,
          tpu.vector_store %arg28[%parallel_loop3A_221], %parallel_loop3A_220 {strides = array<i32>} : memref<1024xi32, #tpu.memory_space<vmem>>, vector<16xi32>,
          %parallel_loop3A_223 = arith.mulf %parallel_loop3A_209, %parallel_loop3A_152 : vector<16xf32>
          %parallel_loop3A_224 = arith.constant 5 : i32
          %parallel_loop3A_225 = arith.index_cast %parallel_loop3A_224 : i32 to index
          %parallel_loop3A_226 = arith.index_cast %parallel_loop3A_134 : i32 to index
          %parallel_loop3A_227 = tpu.vector_load %arg13[%parallel_loop3A_225, %parallel_loop3A_226] {strides = array<i32>} : memref<8x2048xf32, #tpu.memory_space<vmem>>, vector<16xf32>,
          tpu.vector_store %arg13[%parallel_loop3A_225, %parallel_loop3A_226], %parallel_loop3A_223 {strides = array<i32>} : memref<8x2048xf32, #tpu.memory_space<vmem>>, vector<16xf32>,
          %parallel_loop3A_228 = arith.mulf %parallel_loop3A_148, %parallel_loop3A_150 : vector<16xf32>
          %parallel_loop3A_229 = arith.addi %parallel_loop3A_164, %parallel_loop3A_166 : vector<16xi32>
          %parallel_loop3A_230 = arith.addi %parallel_loop3A_229, %parallel_loop3A_167 : vector<16xi32>
          %parallel_loop3A_231 = arith.index_cast %parallel_loop3A_170 : i32 to index
          %parallel_loop3A_232 = tpu.vector_load %arg29[%parallel_loop3A_231] {strides = array<i32>} : memref<1024xi32, #tpu.memory_space<vmem>>, vector<16xi32>,
          tpu.vector_store %arg29[%parallel_loop3A_231], %parallel_loop3A_230 {strides = array<i32>} : memref<1024xi32, #tpu.memory_space<vmem>>, vector<16xi32>,
          %parallel_loop3A_233 = arith.mulf %parallel_loop3A_228, %parallel_loop3A_161 : vector<16xf32>
          %parallel_loop3A_234 = arith.constant 6 : i32
          %parallel_loop3A_235 = arith.index_cast %parallel_loop3A_234 : i32 to index
          %parallel_loop3A_236 = arith.index_cast %parallel_loop3A_134 : i32 to index
          %parallel_loop3A_237 = tpu.vector_load %arg13[%parallel_loop3A_235, %parallel_loop3A_236] {strides = array<i32>} : memref<8x2048xf32, #tpu.memory_space<vmem>>, vector<16xf32>,
          tpu.vector_store %arg13[%parallel_loop3A_235, %parallel_loop3A_236], %parallel_loop3A_233 {strides = array<i32>} : memref<8x2048xf32, #tpu.memory_space<vmem>>, vector<16xf32>,
          %parallel_loop3A_238 = arith.addi %parallel_loop3A_164, %parallel_loop3A_166 : vector<16xi32>
          %parallel_loop3A_239 = arith.addi %parallel_loop3A_238, %parallel_loop3A_168 : vector<16xi32>
          %parallel_loop3A_240 = arith.index_cast %parallel_loop3A_170 : i32 to index
          %parallel_loop3A_241 = tpu.vector_load %arg30[%parallel_loop3A_240] {strides = array<i32>} : memref<1024xi32, #tpu.memory_space<vmem>>, vector<16xi32>,
          tpu.vector_store %arg30[%parallel_loop3A_240], %parallel_loop3A_239 {strides = array<i32>} : memref<1024xi32, #tpu.memory_space<vmem>>, vector<16xi32>,
          %parallel_loop3A_242 = arith.mulf %parallel_loop3A_228, %parallel_loop3A_152 : vector<16xf32>
          %parallel_loop3A_243 = arith.constant 7 : i32
          %parallel_loop3A_244 = arith.index_cast %parallel_loop3A_243 : i32 to index
          %parallel_loop3A_245 = arith.index_cast %parallel_loop3A_134 : i32 to index
          %parallel_loop3A_246 = tpu.vector_load %arg13[%parallel_loop3A_244, %parallel_loop3A_245] {strides = array<i32>} : memref<8x2048xf32, #tpu.memory_space<vmem>>, vector<16xf32>,
          tpu.vector_store %arg13[%parallel_loop3A_244, %parallel_loop3A_245], %parallel_loop3A_242 {strides = array<i32>} : memref<8x2048xf32, #tpu.memory_space<vmem>>, vector<16xf32>,
        } {sc.loop_unroll_factor = 4 : i64, sc.parallel_access}
        %dma_start3A = arith.constant 0 : i32
        %dma_start3A_47 = tpu.memref_slice %arg16[%dma_start3A] : memref<524288xi32, #tpu.memory_space<vmem_shared>> -> memref<524288xi32, #tpu.memory_space<vmem_shared>>
        tpu.enqueue_indirect_dma source(%dma_start3A_47 : memref<524288xi32, #tpu.memory_space<vmem_shared>>) target(%arg39 : memref<1024xi32, #tpu.memory_space<vmem>>) offsets(%arg23 : memref<1024xi32, #tpu.memory_space<vmem>>) semaphore(%arg21 : memref<!tpu.dma_semaphore, #tpu.memory_space<semaphore_mem>>)
        %dma_start3A_48 = arith.constant 0 : i32
        %dma_start3A_49 = tpu.memref_slice %arg16[%dma_start3A_48] : memref<524288xi32, #tpu.memory_space<vmem_shared>> -> memref<524288xi32, #tpu.memory_space<vmem_shared>>
        tpu.enqueue_indirect_dma source(%dma_start3A_49 : memref<524288xi32, #tpu.memory_space<vmem_shared>>) target(%arg40 : memref<1024xi32, #tpu.memory_space<vmem>>) offsets(%arg24 : memref<1024xi32, #tpu.memory_space<vmem>>) semaphore(%arg21 : memref<!tpu.dma_semaphore, #tpu.memory_space<semaphore_mem>>)
        %dma_start3A_50 = arith.constant 0 : i32
        %dma_start3A_51 = tpu.memref_slice %arg16[%dma_start3A_50] : memref<524288xi32, #tpu.memory_space<vmem_shared>> -> memref<524288xi32, #tpu.memory_space<vmem_shared>>
        tpu.enqueue_indirect_dma source(%dma_start3A_51 : memref<524288xi32, #tpu.memory_space<vmem_shared>>) target(%arg41 : memref<1024xi32, #tpu.memory_space<vmem>>) offsets(%arg25 : memref<1024xi32, #tpu.memory_space<vmem>>) semaphore(%arg21 : memref<!tpu.dma_semaphore, #tpu.memory_space<semaphore_mem>>)
        %dma_start3A_52 = arith.constant 0 : i32
        %dma_start3A_53 = tpu.memref_slice %arg16[%dma_start3A_52] : memref<524288xi32, #tpu.memory_space<vmem_shared>> -> memref<524288xi32, #tpu.memory_space<vmem_shared>>
        tpu.enqueue_indirect_dma source(%dma_start3A_53 : memref<524288xi32, #tpu.memory_space<vmem_shared>>) target(%arg42 : memref<1024xi32, #tpu.memory_space<vmem>>) offsets(%arg26 : memref<1024xi32, #tpu.memory_space<vmem>>) semaphore(%arg21 : memref<!tpu.dma_semaphore, #tpu.memory_space<semaphore_mem>>)
        %dma_start3A_54 = arith.constant 0 : i32
        %dma_start3A_55 = tpu.memref_slice %arg16[%dma_start3A_54] : memref<524288xi32, #tpu.memory_space<vmem_shared>> -> memref<524288xi32, #tpu.memory_space<vmem_shared>>
        tpu.enqueue_indirect_dma source(%dma_start3A_55 : memref<524288xi32, #tpu.memory_space<vmem_shared>>) target(%arg43 : memref<1024xi32, #tpu.memory_space<vmem>>) offsets(%arg27 : memref<1024xi32, #tpu.memory_space<vmem>>) semaphore(%arg21 : memref<!tpu.dma_semaphore, #tpu.memory_space<semaphore_mem>>)
        %dma_start3A_56 = arith.constant 0 : i32
        %dma_start3A_57 = tpu.memref_slice %arg16[%dma_start3A_56] : memref<524288xi32, #tpu.memory_space<vmem_shared>> -> memref<524288xi32, #tpu.memory_space<vmem_shared>>
        tpu.enqueue_indirect_dma source(%dma_start3A_57 : memref<524288xi32, #tpu.memory_space<vmem_shared>>) target(%arg44 : memref<1024xi32, #tpu.memory_space<vmem>>) offsets(%arg28 : memref<1024xi32, #tpu.memory_space<vmem>>) semaphore(%arg21 : memref<!tpu.dma_semaphore, #tpu.memory_space<semaphore_mem>>)
        %dma_start3A_58 = arith.constant 0 : i32
        %dma_start3A_59 = tpu.memref_slice %arg16[%dma_start3A_58] : memref<524288xi32, #tpu.memory_space<vmem_shared>> -> memref<524288xi32, #tpu.memory_space<vmem_shared>>
        tpu.enqueue_indirect_dma source(%dma_start3A_59 : memref<524288xi32, #tpu.memory_space<vmem_shared>>) target(%arg45 : memref<1024xi32, #tpu.memory_space<vmem>>) offsets(%arg29 : memref<1024xi32, #tpu.memory_space<vmem>>) semaphore(%arg21 : memref<!tpu.dma_semaphore, #tpu.memory_space<semaphore_mem>>)
        %dma_start3A_60 = arith.constant 0 : i32
        %dma_start3A_61 = tpu.memref_slice %arg16[%dma_start3A_60] : memref<524288xi32, #tpu.memory_space<vmem_shared>> -> memref<524288xi32, #tpu.memory_space<vmem_shared>>
        tpu.enqueue_indirect_dma source(%dma_start3A_61 : memref<524288xi32, #tpu.memory_space<vmem_shared>>) target(%arg46 : memref<1024xi32, #tpu.memory_space<vmem>>) offsets(%arg30 : memref<1024xi32, #tpu.memory_space<vmem>>) semaphore(%arg21 : memref<!tpu.dma_semaphore, #tpu.memory_space<semaphore_mem>>)
        %parallel_loop3A_62 = arith.constant 0 : i32
        %parallel_loop3A_63 = arith.constant 64 : i32
        %parallel_loop3A_64 = arith.constant 1 : i32
        scf.for %parallel_loop3A_130 = %parallel_loop3A_62 to %parallel_loop3A_63 step %parallel_loop3A_64  : i32 {
          %parallel_loop3A_131 = arith.constant 16 : i32
          %parallel_loop3A_132 = arith.muli %parallel_loop3A_130, %parallel_loop3A_131 : i32
          %parallel_loop3A_133 = arith.constant 1024 : i32
          %parallel_loop3A_134 = arith.addi %parallel_loop3A_133, %parallel_loop3A_132 : i32
          %parallel_loop3A_135 = arith.index_cast %parallel_loop3A_134 : i32 to index
          %parallel_loop3A_136 = tpu.vector_load %arg10[%parallel_loop3A_135] {strides = array<i32>} : memref<2048xf32, #tpu.memory_space<vmem>>, vector<16xf32>,
          %parallel_loop3A_137 = arith.mulf %parallel_loop3A_136, %gather3A : vector<16xf32>
          %parallel_loop3A_138 = arith.index_cast %parallel_loop3A_134 : i32 to index
          %parallel_loop3A_139 = tpu.vector_load %arg11[%parallel_loop3A_138] {strides = array<i32>} : memref<2048xf32, #tpu.memory_space<vmem>>, vector<16xf32>,
          %parallel_loop3A_140 = arith.mulf %parallel_loop3A_139, %gather3A : vector<16xf32>
          %parallel_loop3A_141 = arith.index_cast %parallel_loop3A_134 : i32 to index
          %parallel_loop3A_142 = tpu.vector_load %arg12[%parallel_loop3A_141] {strides = array<i32>} : memref<2048xf32, #tpu.memory_space<vmem>>, vector<16xf32>,
          %parallel_loop3A_143 = arith.mulf %parallel_loop3A_142, %gather3A : vector<16xf32>
          %parallel_loop3A_144 = arith.fptosi %parallel_loop3A_137 : vector<16xf32> to vector<16xi32>
          %parallel_loop3A_145 = arith.fptosi %parallel_loop3A_140 : vector<16xf32> to vector<16xi32>
          %parallel_loop3A_146 = arith.fptosi %parallel_loop3A_143 : vector<16xf32> to vector<16xi32>
          %parallel_loop3A_147 = arith.sitofp %parallel_loop3A_144 : vector<16xi32> to vector<16xf32>
          %parallel_loop3A_148 = arith.subf %parallel_loop3A_137, %parallel_loop3A_147 : vector<16xf32>
          %parallel_loop3A_149 = arith.sitofp %parallel_loop3A_145 : vector<16xi32> to vector<16xf32>
          %parallel_loop3A_150 = arith.subf %parallel_loop3A_140, %parallel_loop3A_149 : vector<16xf32>
          %parallel_loop3A_151 = arith.sitofp %parallel_loop3A_146 : vector<16xi32> to vector<16xf32>
          %parallel_loop3A_152 = arith.subf %parallel_loop3A_143, %parallel_loop3A_151 : vector<16xf32>
          %parallel_loop3A_153 = arith.constant 1.000000e+00 : f32
          %parallel_loop3A_154 = vector.broadcast %parallel_loop3A_153 : f32 to vector<16xf32>
          %parallel_loop3A_155 = arith.subf %parallel_loop3A_154, %parallel_loop3A_148 : vector<16xf32>
          %parallel_loop3A_156 = arith.constant 1.000000e+00 : f32
          %parallel_loop3A_157 = vector.broadcast %parallel_loop3A_156 : f32 to vector<16xf32>
          %parallel_loop3A_158 = arith.subf %parallel_loop3A_157, %parallel_loop3A_150 : vector<16xf32>
          %parallel_loop3A_159 = arith.constant 1.000000e+00 : f32
          %parallel_loop3A_160 = vector.broadcast %parallel_loop3A_159 : f32 to vector<16xf32>
          %parallel_loop3A_161 = arith.subf %parallel_loop3A_160, %parallel_loop3A_152 : vector<16xf32>
          %parallel_loop3A_162 = arith.constant 1 : i32
          %parallel_loop3A_163 = vector.broadcast %parallel_loop3A_162 : i32 to vector<16xi32>
          %parallel_loop3A_164 = arith.addi %parallel_loop3A_144, %parallel_loop3A_163 : vector<16xi32>
          %parallel_loop3A_165 = arith.muli %parallel_loop3A_145, %gather3A_20 : vector<16xi32>
          %parallel_loop3A_166 = arith.addi %parallel_loop3A_165, %gather3A_20 : vector<16xi32>
          %parallel_loop3A_167 = arith.muli %parallel_loop3A_146, %gather3A_21 : vector<16xi32>
          %parallel_loop3A_168 = arith.addi %parallel_loop3A_167, %gather3A_21 : vector<16xi32>
          %parallel_loop3A_169 = arith.constant 16 : i32
          %parallel_loop3A_170 = arith.muli %parallel_loop3A_130, %parallel_loop3A_169 : i32
          %parallel_loop3A_171 = arith.mulf %parallel_loop3A_155, %parallel_loop3A_158 : vector<16xf32>
          %parallel_loop3A_172 = arith.addi %parallel_loop3A_144, %parallel_loop3A_165 : vector<16xi32>
          %parallel_loop3A_173 = arith.addi %parallel_loop3A_172, %parallel_loop3A_167 : vector<16xi32>
          %parallel_loop3A_174 = arith.index_cast %parallel_loop3A_170 : i32 to index
          %parallel_loop3A_175 = tpu.vector_load %arg31[%parallel_loop3A_174] {strides = array<i32>} : memref<1024xi32, #tpu.memory_space<vmem>>, vector<16xi32>,
          tpu.vector_store %arg31[%parallel_loop3A_174], %parallel_loop3A_173 {strides = array<i32>} : memref<1024xi32, #tpu.memory_space<vmem>>, vector<16xi32>,
          %parallel_loop3A_176 = arith.mulf %parallel_loop3A_171, %parallel_loop3A_161 : vector<16xf32>
          %parallel_loop3A_177 = arith.constant 0 : i32
          %parallel_loop3A_178 = arith.index_cast %parallel_loop3A_177 : i32 to index
          %parallel_loop3A_179 = arith.index_cast %parallel_loop3A_134 : i32 to index
          %parallel_loop3A_180 = tpu.vector_load %arg13[%parallel_loop3A_178, %parallel_loop3A_179] {strides = array<i32>} : memref<8x2048xf32, #tpu.memory_space<vmem>>, vector<16xf32>,
          tpu.vector_store %arg13[%parallel_loop3A_178, %parallel_loop3A_179], %parallel_loop3A_176 {strides = array<i32>} : memref<8x2048xf32, #tpu.memory_space<vmem>>, vector<16xf32>,
          %parallel_loop3A_181 = arith.addi %parallel_loop3A_144, %parallel_loop3A_165 : vector<16xi32>
          %parallel_loop3A_182 = arith.addi %parallel_loop3A_181, %parallel_loop3A_168 : vector<16xi32>
          %parallel_loop3A_183 = arith.index_cast %parallel_loop3A_170 : i32 to index
          %parallel_loop3A_184 = tpu.vector_load %arg32[%parallel_loop3A_183] {strides = array<i32>} : memref<1024xi32, #tpu.memory_space<vmem>>, vector<16xi32>,
          tpu.vector_store %arg32[%parallel_loop3A_183], %parallel_loop3A_182 {strides = array<i32>} : memref<1024xi32, #tpu.memory_space<vmem>>, vector<16xi32>,
          %parallel_loop3A_185 = arith.mulf %parallel_loop3A_171, %parallel_loop3A_152 : vector<16xf32>
          %parallel_loop3A_186 = arith.constant 1 : i32
          %parallel_loop3A_187 = arith.index_cast %parallel_loop3A_186 : i32 to index
          %parallel_loop3A_188 = arith.index_cast %parallel_loop3A_134 : i32 to index
          %parallel_loop3A_189 = tpu.vector_load %arg13[%parallel_loop3A_187, %parallel_loop3A_188] {strides = array<i32>} : memref<8x2048xf32, #tpu.memory_space<vmem>>, vector<16xf32>,
          tpu.vector_store %arg13[%parallel_loop3A_187, %parallel_loop3A_188], %parallel_loop3A_185 {strides = array<i32>} : memref<8x2048xf32, #tpu.memory_space<vmem>>, vector<16xf32>,
          %parallel_loop3A_190 = arith.mulf %parallel_loop3A_155, %parallel_loop3A_150 : vector<16xf32>
          %parallel_loop3A_191 = arith.addi %parallel_loop3A_144, %parallel_loop3A_166 : vector<16xi32>
          %parallel_loop3A_192 = arith.addi %parallel_loop3A_191, %parallel_loop3A_167 : vector<16xi32>
          %parallel_loop3A_193 = arith.index_cast %parallel_loop3A_170 : i32 to index
          %parallel_loop3A_194 = tpu.vector_load %arg33[%parallel_loop3A_193] {strides = array<i32>} : memref<1024xi32, #tpu.memory_space<vmem>>, vector<16xi32>,
          tpu.vector_store %arg33[%parallel_loop3A_193], %parallel_loop3A_192 {strides = array<i32>} : memref<1024xi32, #tpu.memory_space<vmem>>, vector<16xi32>,
          %parallel_loop3A_195 = arith.mulf %parallel_loop3A_190, %parallel_loop3A_161 : vector<16xf32>
          %parallel_loop3A_196 = arith.constant 2 : i32
          %parallel_loop3A_197 = arith.index_cast %parallel_loop3A_196 : i32 to index
          %parallel_loop3A_198 = arith.index_cast %parallel_loop3A_134 : i32 to index
          %parallel_loop3A_199 = tpu.vector_load %arg13[%parallel_loop3A_197, %parallel_loop3A_198] {strides = array<i32>} : memref<8x2048xf32, #tpu.memory_space<vmem>>, vector<16xf32>,
          tpu.vector_store %arg13[%parallel_loop3A_197, %parallel_loop3A_198], %parallel_loop3A_195 {strides = array<i32>} : memref<8x2048xf32, #tpu.memory_space<vmem>>, vector<16xf32>,
          %parallel_loop3A_200 = arith.addi %parallel_loop3A_144, %parallel_loop3A_166 : vector<16xi32>
          %parallel_loop3A_201 = arith.addi %parallel_loop3A_200, %parallel_loop3A_168 : vector<16xi32>
          %parallel_loop3A_202 = arith.index_cast %parallel_loop3A_170 : i32 to index
          %parallel_loop3A_203 = tpu.vector_load %arg34[%parallel_loop3A_202] {strides = array<i32>} : memref<1024xi32, #tpu.memory_space<vmem>>, vector<16xi32>,
          tpu.vector_store %arg34[%parallel_loop3A_202], %parallel_loop3A_201 {strides = array<i32>} : memref<1024xi32, #tpu.memory_space<vmem>>, vector<16xi32>,
          %parallel_loop3A_204 = arith.mulf %parallel_loop3A_190, %parallel_loop3A_152 : vector<16xf32>
          %parallel_loop3A_205 = arith.constant 3 : i32
          %parallel_loop3A_206 = arith.index_cast %parallel_loop3A_205 : i32 to index
          %parallel_loop3A_207 = arith.index_cast %parallel_loop3A_134 : i32 to index
          %parallel_loop3A_208 = tpu.vector_load %arg13[%parallel_loop3A_206, %parallel_loop3A_207] {strides = array<i32>} : memref<8x2048xf32, #tpu.memory_space<vmem>>, vector<16xf32>,
          tpu.vector_store %arg13[%parallel_loop3A_206, %parallel_loop3A_207], %parallel_loop3A_204 {strides = array<i32>} : memref<8x2048xf32, #tpu.memory_space<vmem>>, vector<16xf32>,
          %parallel_loop3A_209 = arith.mulf %parallel_loop3A_148, %parallel_loop3A_158 : vector<16xf32>
          %parallel_loop3A_210 = arith.addi %parallel_loop3A_164, %parallel_loop3A_165 : vector<16xi32>
          %parallel_loop3A_211 = arith.addi %parallel_loop3A_210, %parallel_loop3A_167 : vector<16xi32>
          %parallel_loop3A_212 = arith.index_cast %parallel_loop3A_170 : i32 to index
          %parallel_loop3A_213 = tpu.vector_load %arg35[%parallel_loop3A_212] {strides = array<i32>} : memref<1024xi32, #tpu.memory_space<vmem>>, vector<16xi32>,
          tpu.vector_store %arg35[%parallel_loop3A_212], %parallel_loop3A_211 {strides = array<i32>} : memref<1024xi32, #tpu.memory_space<vmem>>, vector<16xi32>,
          %parallel_loop3A_214 = arith.mulf %parallel_loop3A_209, %parallel_loop3A_161 : vector<16xf32>
          %parallel_loop3A_215 = arith.constant 4 : i32
          %parallel_loop3A_216 = arith.index_cast %parallel_loop3A_215 : i32 to index
          %parallel_loop3A_217 = arith.index_cast %parallel_loop3A_134 : i32 to index
          %parallel_loop3A_218 = tpu.vector_load %arg13[%parallel_loop3A_216, %parallel_loop3A_217] {strides = array<i32>} : memref<8x2048xf32, #tpu.memory_space<vmem>>, vector<16xf32>,
          tpu.vector_store %arg13[%parallel_loop3A_216, %parallel_loop3A_217], %parallel_loop3A_214 {strides = array<i32>} : memref<8x2048xf32, #tpu.memory_space<vmem>>, vector<16xf32>,
          %parallel_loop3A_219 = arith.addi %parallel_loop3A_164, %parallel_loop3A_165 : vector<16xi32>
          %parallel_loop3A_220 = arith.addi %parallel_loop3A_219, %parallel_loop3A_168 : vector<16xi32>
          %parallel_loop3A_221 = arith.index_cast %parallel_loop3A_170 : i32 to index
          %parallel_loop3A_222 = tpu.vector_load %arg36[%parallel_loop3A_221] {strides = array<i32>} : memref<1024xi32, #tpu.memory_space<vmem>>, vector<16xi32>,
          tpu.vector_store %arg36[%parallel_loop3A_221], %parallel_loop3A_220 {strides = array<i32>} : memref<1024xi32, #tpu.memory_space<vmem>>, vector<16xi32>,
          %parallel_loop3A_223 = arith.mulf %parallel_loop3A_209, %parallel_loop3A_152 : vector<16xf32>
          %parallel_loop3A_224 = arith.constant 5 : i32
          %parallel_loop3A_225 = arith.index_cast %parallel_loop3A_224 : i32 to index
          %parallel_loop3A_226 = arith.index_cast %parallel_loop3A_134 : i32 to index
          %parallel_loop3A_227 = tpu.vector_load %arg13[%parallel_loop3A_225, %parallel_loop3A_226] {strides = array<i32>} : memref<8x2048xf32, #tpu.memory_space<vmem>>, vector<16xf32>,
          tpu.vector_store %arg13[%parallel_loop3A_225, %parallel_loop3A_226], %parallel_loop3A_223 {strides = array<i32>} : memref<8x2048xf32, #tpu.memory_space<vmem>>, vector<16xf32>,
          %parallel_loop3A_228 = arith.mulf %parallel_loop3A_148, %parallel_loop3A_150 : vector<16xf32>
          %parallel_loop3A_229 = arith.addi %parallel_loop3A_164, %parallel_loop3A_166 : vector<16xi32>
          %parallel_loop3A_230 = arith.addi %parallel_loop3A_229, %parallel_loop3A_167 : vector<16xi32>
          %parallel_loop3A_231 = arith.index_cast %parallel_loop3A_170 : i32 to index
          %parallel_loop3A_232 = tpu.vector_load %arg37[%parallel_loop3A_231] {strides = array<i32>} : memref<1024xi32, #tpu.memory_space<vmem>>, vector<16xi32>,
          tpu.vector_store %arg37[%parallel_loop3A_231], %parallel_loop3A_230 {strides = array<i32>} : memref<1024xi32, #tpu.memory_space<vmem>>, vector<16xi32>,
          %parallel_loop3A_233 = arith.mulf %parallel_loop3A_228, %parallel_loop3A_161 : vector<16xf32>
          %parallel_loop3A_234 = arith.constant 6 : i32
          %parallel_loop3A_235 = arith.index_cast %parallel_loop3A_234 : i32 to index
          %parallel_loop3A_236 = arith.index_cast %parallel_loop3A_134 : i32 to index
          %parallel_loop3A_237 = tpu.vector_load %arg13[%parallel_loop3A_235, %parallel_loop3A_236] {strides = array<i32>} : memref<8x2048xf32, #tpu.memory_space<vmem>>, vector<16xf32>,
          tpu.vector_store %arg13[%parallel_loop3A_235, %parallel_loop3A_236], %parallel_loop3A_233 {strides = array<i32>} : memref<8x2048xf32, #tpu.memory_space<vmem>>, vector<16xf32>,
          %parallel_loop3A_238 = arith.addi %parallel_loop3A_164, %parallel_loop3A_166 : vector<16xi32>
          %parallel_loop3A_239 = arith.addi %parallel_loop3A_238, %parallel_loop3A_168 : vector<16xi32>
          %parallel_loop3A_240 = arith.index_cast %parallel_loop3A_170 : i32 to index
          %parallel_loop3A_241 = tpu.vector_load %arg38[%parallel_loop3A_240] {strides = array<i32>} : memref<1024xi32, #tpu.memory_space<vmem>>, vector<16xi32>,
          tpu.vector_store %arg38[%parallel_loop3A_240], %parallel_loop3A_239 {strides = array<i32>} : memref<1024xi32, #tpu.memory_space<vmem>>, vector<16xi32>,
          %parallel_loop3A_242 = arith.mulf %parallel_loop3A_228, %parallel_loop3A_152 : vector<16xf32>
          %parallel_loop3A_243 = arith.constant 7 : i32
          %parallel_loop3A_244 = arith.index_cast %parallel_loop3A_243 : i32 to index
          %parallel_loop3A_245 = arith.index_cast %parallel_loop3A_134 : i32 to index
          %parallel_loop3A_246 = tpu.vector_load %arg13[%parallel_loop3A_244, %parallel_loop3A_245] {strides = array<i32>} : memref<8x2048xf32, #tpu.memory_space<vmem>>, vector<16xf32>,
          tpu.vector_store %arg13[%parallel_loop3A_244, %parallel_loop3A_245], %parallel_loop3A_242 {strides = array<i32>} : memref<8x2048xf32, #tpu.memory_space<vmem>>, vector<16xf32>,
        } {sc.loop_unroll_factor = 4 : i64, sc.parallel_access}
        %dma_start3A_65 = arith.constant 0 : i32
        %dma_start3A_66 = tpu.memref_slice %arg16[%dma_start3A_65] : memref<524288xi32, #tpu.memory_space<vmem_shared>> -> memref<524288xi32, #tpu.memory_space<vmem_shared>>
        tpu.enqueue_indirect_dma source(%dma_start3A_66 : memref<524288xi32, #tpu.memory_space<vmem_shared>>) target(%arg47 : memref<1024xi32, #tpu.memory_space<vmem>>) offsets(%arg31 : memref<1024xi32, #tpu.memory_space<vmem>>) semaphore(%arg22 : memref<!tpu.dma_semaphore, #tpu.memory_space<semaphore_mem>>)
        %dma_start3A_67 = arith.constant 0 : i32
        %dma_start3A_68 = tpu.memref_slice %arg16[%dma_start3A_67] : memref<524288xi32, #tpu.memory_space<vmem_shared>> -> memref<524288xi32, #tpu.memory_space<vmem_shared>>
        tpu.enqueue_indirect_dma source(%dma_start3A_68 : memref<524288xi32, #tpu.memory_space<vmem_shared>>) target(%arg48 : memref<1024xi32, #tpu.memory_space<vmem>>) offsets(%arg32 : memref<1024xi32, #tpu.memory_space<vmem>>) semaphore(%arg22 : memref<!tpu.dma_semaphore, #tpu.memory_space<semaphore_mem>>)
        %dma_start3A_69 = arith.constant 0 : i32
        %dma_start3A_70 = tpu.memref_slice %arg16[%dma_start3A_69] : memref<524288xi32, #tpu.memory_space<vmem_shared>> -> memref<524288xi32, #tpu.memory_space<vmem_shared>>
        tpu.enqueue_indirect_dma source(%dma_start3A_70 : memref<524288xi32, #tpu.memory_space<vmem_shared>>) target(%arg49 : memref<1024xi32, #tpu.memory_space<vmem>>) offsets(%arg33 : memref<1024xi32, #tpu.memory_space<vmem>>) semaphore(%arg22 : memref<!tpu.dma_semaphore, #tpu.memory_space<semaphore_mem>>)
        %dma_start3A_71 = arith.constant 0 : i32
        %dma_start3A_72 = tpu.memref_slice %arg16[%dma_start3A_71] : memref<524288xi32, #tpu.memory_space<vmem_shared>> -> memref<524288xi32, #tpu.memory_space<vmem_shared>>
        tpu.enqueue_indirect_dma source(%dma_start3A_72 : memref<524288xi32, #tpu.memory_space<vmem_shared>>) target(%arg50 : memref<1024xi32, #tpu.memory_space<vmem>>) offsets(%arg34 : memref<1024xi32, #tpu.memory_space<vmem>>) semaphore(%arg22 : memref<!tpu.dma_semaphore, #tpu.memory_space<semaphore_mem>>)
        %dma_start3A_73 = arith.constant 0 : i32
        %dma_start3A_74 = tpu.memref_slice %arg16[%dma_start3A_73] : memref<524288xi32, #tpu.memory_space<vmem_shared>> -> memref<524288xi32, #tpu.memory_space<vmem_shared>>
        tpu.enqueue_indirect_dma source(%dma_start3A_74 : memref<524288xi32, #tpu.memory_space<vmem_shared>>) target(%arg51 : memref<1024xi32, #tpu.memory_space<vmem>>) offsets(%arg35 : memref<1024xi32, #tpu.memory_space<vmem>>) semaphore(%arg22 : memref<!tpu.dma_semaphore, #tpu.memory_space<semaphore_mem>>)
        %dma_start3A_75 = arith.constant 0 : i32
        %dma_start3A_76 = tpu.memref_slice %arg16[%dma_start3A_75] : memref<524288xi32, #tpu.memory_space<vmem_shared>> -> memref<524288xi32, #tpu.memory_space<vmem_shared>>
        tpu.enqueue_indirect_dma source(%dma_start3A_76 : memref<524288xi32, #tpu.memory_space<vmem_shared>>) target(%arg52 : memref<1024xi32, #tpu.memory_space<vmem>>) offsets(%arg36 : memref<1024xi32, #tpu.memory_space<vmem>>) semaphore(%arg22 : memref<!tpu.dma_semaphore, #tpu.memory_space<semaphore_mem>>)
        %dma_start3A_77 = arith.constant 0 : i32
        %dma_start3A_78 = tpu.memref_slice %arg16[%dma_start3A_77] : memref<524288xi32, #tpu.memory_space<vmem_shared>> -> memref<524288xi32, #tpu.memory_space<vmem_shared>>
        tpu.enqueue_indirect_dma source(%dma_start3A_78 : memref<524288xi32, #tpu.memory_space<vmem_shared>>) target(%arg53 : memref<1024xi32, #tpu.memory_space<vmem>>) offsets(%arg37 : memref<1024xi32, #tpu.memory_space<vmem>>) semaphore(%arg22 : memref<!tpu.dma_semaphore, #tpu.memory_space<semaphore_mem>>)
        %dma_start3A_79 = arith.constant 0 : i32
        %dma_start3A_80 = tpu.memref_slice %arg16[%dma_start3A_79] : memref<524288xi32, #tpu.memory_space<vmem_shared>> -> memref<524288xi32, #tpu.memory_space<vmem_shared>>
        tpu.enqueue_indirect_dma source(%dma_start3A_80 : memref<524288xi32, #tpu.memory_space<vmem_shared>>) target(%arg54 : memref<1024xi32, #tpu.memory_space<vmem>>) offsets(%arg38 : memref<1024xi32, #tpu.memory_space<vmem>>) semaphore(%arg22 : memref<!tpu.dma_semaphore, #tpu.memory_space<semaphore_mem>>)
        %dma_wait3A = arith.constant 0 : i32
        %dma_wait3A_81 = tpu.memref_slice %arg16[%dma_wait3A] : memref<524288xi32, #tpu.memory_space<vmem_shared>> -> memref<524288xi32, #tpu.memory_space<vmem_shared>>
        tpu.wait_indirect_dma semaphore(%arg21 : memref<!tpu.dma_semaphore, #tpu.memory_space<semaphore_mem>>) src(%dma_wait3A_81 : memref<524288xi32, #tpu.memory_space<vmem_shared>>) dst(%arg39 : memref<1024xi32, #tpu.memory_space<vmem>>)
        %dma_wait3A_82 = arith.constant 0 : i32
        %dma_wait3A_83 = tpu.memref_slice %arg16[%dma_wait3A_82] : memref<524288xi32, #tpu.memory_space<vmem_shared>> -> memref<524288xi32, #tpu.memory_space<vmem_shared>>
        tpu.wait_indirect_dma semaphore(%arg21 : memref<!tpu.dma_semaphore, #tpu.memory_space<semaphore_mem>>) src(%dma_wait3A_83 : memref<524288xi32, #tpu.memory_space<vmem_shared>>) dst(%arg40 : memref<1024xi32, #tpu.memory_space<vmem>>)
        %dma_wait3A_84 = arith.constant 0 : i32
        %dma_wait3A_85 = tpu.memref_slice %arg16[%dma_wait3A_84] : memref<524288xi32, #tpu.memory_space<vmem_shared>> -> memref<524288xi32, #tpu.memory_space<vmem_shared>>
        tpu.wait_indirect_dma semaphore(%arg21 : memref<!tpu.dma_semaphore, #tpu.memory_space<semaphore_mem>>) src(%dma_wait3A_85 : memref<524288xi32, #tpu.memory_space<vmem_shared>>) dst(%arg41 : memref<1024xi32, #tpu.memory_space<vmem>>)
        %dma_wait3A_86 = arith.constant 0 : i32
        %dma_wait3A_87 = tpu.memref_slice %arg16[%dma_wait3A_86] : memref<524288xi32, #tpu.memory_space<vmem_shared>> -> memref<524288xi32, #tpu.memory_space<vmem_shared>>
        tpu.wait_indirect_dma semaphore(%arg21 : memref<!tpu.dma_semaphore, #tpu.memory_space<semaphore_mem>>) src(%dma_wait3A_87 : memref<524288xi32, #tpu.memory_space<vmem_shared>>) dst(%arg42 : memref<1024xi32, #tpu.memory_space<vmem>>)
        %dma_wait3A_88 = arith.constant 0 : i32
        %dma_wait3A_89 = tpu.memref_slice %arg16[%dma_wait3A_88] : memref<524288xi32, #tpu.memory_space<vmem_shared>> -> memref<524288xi32, #tpu.memory_space<vmem_shared>>
        tpu.wait_indirect_dma semaphore(%arg21 : memref<!tpu.dma_semaphore, #tpu.memory_space<semaphore_mem>>) src(%dma_wait3A_89 : memref<524288xi32, #tpu.memory_space<vmem_shared>>) dst(%arg43 : memref<1024xi32, #tpu.memory_space<vmem>>)
        %dma_wait3A_90 = arith.constant 0 : i32
        %dma_wait3A_91 = tpu.memref_slice %arg16[%dma_wait3A_90] : memref<524288xi32, #tpu.memory_space<vmem_shared>> -> memref<524288xi32, #tpu.memory_space<vmem_shared>>
        tpu.wait_indirect_dma semaphore(%arg21 : memref<!tpu.dma_semaphore, #tpu.memory_space<semaphore_mem>>) src(%dma_wait3A_91 : memref<524288xi32, #tpu.memory_space<vmem_shared>>) dst(%arg44 : memref<1024xi32, #tpu.memory_space<vmem>>)
        %dma_wait3A_92 = arith.constant 0 : i32
        %dma_wait3A_93 = tpu.memref_slice %arg16[%dma_wait3A_92] : memref<524288xi32, #tpu.memory_space<vmem_shared>> -> memref<524288xi32, #tpu.memory_space<vmem_shared>>
        tpu.wait_indirect_dma semaphore(%arg21 : memref<!tpu.dma_semaphore, #tpu.memory_space<semaphore_mem>>) src(%dma_wait3A_93 : memref<524288xi32, #tpu.memory_space<vmem_shared>>) dst(%arg45 : memref<1024xi32, #tpu.memory_space<vmem>>)
        %dma_wait3A_94 = arith.constant 0 : i32
        %dma_wait3A_95 = tpu.memref_slice %arg16[%dma_wait3A_94] : memref<524288xi32, #tpu.memory_space<vmem_shared>> -> memref<524288xi32, #tpu.memory_space<vmem_shared>>
        tpu.wait_indirect_dma semaphore(%arg21 : memref<!tpu.dma_semaphore, #tpu.memory_space<semaphore_mem>>) src(%dma_wait3A_95 : memref<524288xi32, #tpu.memory_space<vmem_shared>>) dst(%arg46 : memref<1024xi32, #tpu.memory_space<vmem>>)
        %parallel_loop3A_96 = arith.constant 0 : i32
        %parallel_loop3A_97 = arith.constant 64 : i32
        %parallel_loop3A_98 = arith.constant 1 : i32
        scf.for %parallel_loop3A_130 = %parallel_loop3A_96 to %parallel_loop3A_97 step %parallel_loop3A_98  : i32 {
          %parallel_loop3A_131 = arith.constant 16 : i32
          %parallel_loop3A_132 = arith.muli %parallel_loop3A_130, %parallel_loop3A_131 : i32
          %parallel_loop3A_133 = arith.constant 0 : i32
          %parallel_loop3A_134 = arith.addi %parallel_loop3A_133, %parallel_loop3A_132 : i32
          %parallel_loop3A_135 = arith.constant 16 : i32
          %parallel_loop3A_136 = arith.muli %parallel_loop3A_130, %parallel_loop3A_135 : i32
          %parallel_loop3A_137 = arith.constant 0.000000e+00 : f32
          %parallel_loop3A_138 = vector.broadcast %parallel_loop3A_137 : f32 to vector<16xf32>
          %parallel_loop3A_139 = arith.constant 0.000000e+00 : f32
          %parallel_loop3A_140 = vector.broadcast %parallel_loop3A_139 : f32 to vector<16xf32>
          %parallel_loop3A_141 = arith.constant 0 : i32
          %parallel_loop3A_142 = arith.index_cast %parallel_loop3A_141 : i32 to index
          %parallel_loop3A_143 = arith.index_cast %parallel_loop3A_134 : i32 to index
          %parallel_loop3A_144 = tpu.vector_load %arg13[%parallel_loop3A_142, %parallel_loop3A_143] {strides = array<i32>} : memref<8x2048xf32, #tpu.memory_space<vmem>>, vector<16xf32>,
          %parallel_loop3A_145 = arith.index_cast %parallel_loop3A_136 : i32 to index
          %parallel_loop3A_146 = tpu.vector_load %arg39[%parallel_loop3A_145] {strides = array<i32>} : memref<1024xi32, #tpu.memory_space<vmem>>, vector<16xi32>,
          %parallel_loop3A_147 = arith.constant 16 : i32
          %parallel_loop3A_148 = vector.broadcast %parallel_loop3A_147 : i32 to vector<16xi32>
          %parallel_loop3A_149 = arith.shli %parallel_loop3A_146, %parallel_loop3A_148 : vector<16xi32>
          %parallel_loop3A_150 = vector.bitcast %parallel_loop3A_149 : vector<16xi32> to vector<16xf32>
          %parallel_loop3A_151 = arith.constant -65536 : i32
          %parallel_loop3A_152 = vector.broadcast %parallel_loop3A_151 : i32 to vector<16xi32>
          %parallel_loop3A_153 = arith.andi %parallel_loop3A_146, %parallel_loop3A_152 : vector<16xi32>
          %parallel_loop3A_154 = vector.bitcast %parallel_loop3A_153 : vector<16xi32> to vector<16xf32>
          %parallel_loop3A_155 = arith.mulf %parallel_loop3A_144, %parallel_loop3A_150 : vector<16xf32>
          %parallel_loop3A_156 = arith.addf %parallel_loop3A_138, %parallel_loop3A_155 : vector<16xf32>
          %parallel_loop3A_157 = arith.mulf %parallel_loop3A_144, %parallel_loop3A_154 : vector<16xf32>
          %parallel_loop3A_158 = arith.addf %parallel_loop3A_140, %parallel_loop3A_157 : vector<16xf32>
          %parallel_loop3A_159 = arith.constant 1 : i32
          %parallel_loop3A_160 = arith.index_cast %parallel_loop3A_159 : i32 to index
          %parallel_loop3A_161 = arith.index_cast %parallel_loop3A_134 : i32 to index
          %parallel_loop3A_162 = tpu.vector_load %arg13[%parallel_loop3A_160, %parallel_loop3A_161] {strides = array<i32>} : memref<8x2048xf32, #tpu.memory_space<vmem>>, vector<16xf32>,
          %parallel_loop3A_163 = arith.index_cast %parallel_loop3A_136 : i32 to index
          %parallel_loop3A_164 = tpu.vector_load %arg40[%parallel_loop3A_163] {strides = array<i32>} : memref<1024xi32, #tpu.memory_space<vmem>>, vector<16xi32>,
          %parallel_loop3A_165 = arith.constant 16 : i32
          %parallel_loop3A_166 = vector.broadcast %parallel_loop3A_165 : i32 to vector<16xi32>
          %parallel_loop3A_167 = arith.shli %parallel_loop3A_164, %parallel_loop3A_166 : vector<16xi32>
          %parallel_loop3A_168 = vector.bitcast %parallel_loop3A_167 : vector<16xi32> to vector<16xf32>
          %parallel_loop3A_169 = arith.constant -65536 : i32
          %parallel_loop3A_170 = vector.broadcast %parallel_loop3A_169 : i32 to vector<16xi32>
          %parallel_loop3A_171 = arith.andi %parallel_loop3A_164, %parallel_loop3A_170 : vector<16xi32>
          %parallel_loop3A_172 = vector.bitcast %parallel_loop3A_171 : vector<16xi32> to vector<16xf32>
          %parallel_loop3A_173 = arith.mulf %parallel_loop3A_162, %parallel_loop3A_168 : vector<16xf32>
          %parallel_loop3A_174 = arith.addf %parallel_loop3A_156, %parallel_loop3A_173 : vector<16xf32>
          %parallel_loop3A_175 = arith.mulf %parallel_loop3A_162, %parallel_loop3A_172 : vector<16xf32>
          %parallel_loop3A_176 = arith.addf %parallel_loop3A_158, %parallel_loop3A_175 : vector<16xf32>
          %parallel_loop3A_177 = arith.constant 2 : i32
          %parallel_loop3A_178 = arith.index_cast %parallel_loop3A_177 : i32 to index
          %parallel_loop3A_179 = arith.index_cast %parallel_loop3A_134 : i32 to index
          %parallel_loop3A_180 = tpu.vector_load %arg13[%parallel_loop3A_178, %parallel_loop3A_179] {strides = array<i32>} : memref<8x2048xf32, #tpu.memory_space<vmem>>, vector<16xf32>,
          %parallel_loop3A_181 = arith.index_cast %parallel_loop3A_136 : i32 to index
          %parallel_loop3A_182 = tpu.vector_load %arg41[%parallel_loop3A_181] {strides = array<i32>} : memref<1024xi32, #tpu.memory_space<vmem>>, vector<16xi32>,
          %parallel_loop3A_183 = arith.constant 16 : i32
          %parallel_loop3A_184 = vector.broadcast %parallel_loop3A_183 : i32 to vector<16xi32>
          %parallel_loop3A_185 = arith.shli %parallel_loop3A_182, %parallel_loop3A_184 : vector<16xi32>
          %parallel_loop3A_186 = vector.bitcast %parallel_loop3A_185 : vector<16xi32> to vector<16xf32>
          %parallel_loop3A_187 = arith.constant -65536 : i32
          %parallel_loop3A_188 = vector.broadcast %parallel_loop3A_187 : i32 to vector<16xi32>
          %parallel_loop3A_189 = arith.andi %parallel_loop3A_182, %parallel_loop3A_188 : vector<16xi32>
          %parallel_loop3A_190 = vector.bitcast %parallel_loop3A_189 : vector<16xi32> to vector<16xf32>
          %parallel_loop3A_191 = arith.mulf %parallel_loop3A_180, %parallel_loop3A_186 : vector<16xf32>
          %parallel_loop3A_192 = arith.addf %parallel_loop3A_174, %parallel_loop3A_191 : vector<16xf32>
          %parallel_loop3A_193 = arith.mulf %parallel_loop3A_180, %parallel_loop3A_190 : vector<16xf32>
          %parallel_loop3A_194 = arith.addf %parallel_loop3A_176, %parallel_loop3A_193 : vector<16xf32>
          %parallel_loop3A_195 = arith.constant 3 : i32
          %parallel_loop3A_196 = arith.index_cast %parallel_loop3A_195 : i32 to index
          %parallel_loop3A_197 = arith.index_cast %parallel_loop3A_134 : i32 to index
          %parallel_loop3A_198 = tpu.vector_load %arg13[%parallel_loop3A_196, %parallel_loop3A_197] {strides = array<i32>} : memref<8x2048xf32, #tpu.memory_space<vmem>>, vector<16xf32>,
          %parallel_loop3A_199 = arith.index_cast %parallel_loop3A_136 : i32 to index
          %parallel_loop3A_200 = tpu.vector_load %arg42[%parallel_loop3A_199] {strides = array<i32>} : memref<1024xi32, #tpu.memory_space<vmem>>, vector<16xi32>,
          %parallel_loop3A_201 = arith.constant 16 : i32
          %parallel_loop3A_202 = vector.broadcast %parallel_loop3A_201 : i32 to vector<16xi32>
          %parallel_loop3A_203 = arith.shli %parallel_loop3A_200, %parallel_loop3A_202 : vector<16xi32>
          %parallel_loop3A_204 = vector.bitcast %parallel_loop3A_203 : vector<16xi32> to vector<16xf32>
          %parallel_loop3A_205 = arith.constant -65536 : i32
          %parallel_loop3A_206 = vector.broadcast %parallel_loop3A_205 : i32 to vector<16xi32>
          %parallel_loop3A_207 = arith.andi %parallel_loop3A_200, %parallel_loop3A_206 : vector<16xi32>
          %parallel_loop3A_208 = vector.bitcast %parallel_loop3A_207 : vector<16xi32> to vector<16xf32>
          %parallel_loop3A_209 = arith.mulf %parallel_loop3A_198, %parallel_loop3A_204 : vector<16xf32>
          %parallel_loop3A_210 = arith.addf %parallel_loop3A_192, %parallel_loop3A_209 : vector<16xf32>
          %parallel_loop3A_211 = arith.mulf %parallel_loop3A_198, %parallel_loop3A_208 : vector<16xf32>
          %parallel_loop3A_212 = arith.addf %parallel_loop3A_194, %parallel_loop3A_211 : vector<16xf32>
          %parallel_loop3A_213 = arith.constant 4 : i32
          %parallel_loop3A_214 = arith.index_cast %parallel_loop3A_213 : i32 to index
          %parallel_loop3A_215 = arith.index_cast %parallel_loop3A_134 : i32 to index
          %parallel_loop3A_216 = tpu.vector_load %arg13[%parallel_loop3A_214, %parallel_loop3A_215] {strides = array<i32>} : memref<8x2048xf32, #tpu.memory_space<vmem>>, vector<16xf32>,
          %parallel_loop3A_217 = arith.index_cast %parallel_loop3A_136 : i32 to index
          %parallel_loop3A_218 = tpu.vector_load %arg43[%parallel_loop3A_217] {strides = array<i32>} : memref<1024xi32, #tpu.memory_space<vmem>>, vector<16xi32>,
          %parallel_loop3A_219 = arith.constant 16 : i32
          %parallel_loop3A_220 = vector.broadcast %parallel_loop3A_219 : i32 to vector<16xi32>
          %parallel_loop3A_221 = arith.shli %parallel_loop3A_218, %parallel_loop3A_220 : vector<16xi32>
          %parallel_loop3A_222 = vector.bitcast %parallel_loop3A_221 : vector<16xi32> to vector<16xf32>
          %parallel_loop3A_223 = arith.constant -65536 : i32
          %parallel_loop3A_224 = vector.broadcast %parallel_loop3A_223 : i32 to vector<16xi32>
          %parallel_loop3A_225 = arith.andi %parallel_loop3A_218, %parallel_loop3A_224 : vector<16xi32>
          %parallel_loop3A_226 = vector.bitcast %parallel_loop3A_225 : vector<16xi32> to vector<16xf32>
          %parallel_loop3A_227 = arith.mulf %parallel_loop3A_216, %parallel_loop3A_222 : vector<16xf32>
          %parallel_loop3A_228 = arith.addf %parallel_loop3A_210, %parallel_loop3A_227 : vector<16xf32>
          %parallel_loop3A_229 = arith.mulf %parallel_loop3A_216, %parallel_loop3A_226 : vector<16xf32>
          %parallel_loop3A_230 = arith.addf %parallel_loop3A_212, %parallel_loop3A_229 : vector<16xf32>
          %parallel_loop3A_231 = arith.constant 5 : i32
          %parallel_loop3A_232 = arith.index_cast %parallel_loop3A_231 : i32 to index
          %parallel_loop3A_233 = arith.index_cast %parallel_loop3A_134 : i32 to index
          %parallel_loop3A_234 = tpu.vector_load %arg13[%parallel_loop3A_232, %parallel_loop3A_233] {strides = array<i32>} : memref<8x2048xf32, #tpu.memory_space<vmem>>, vector<16xf32>,
          %parallel_loop3A_235 = arith.index_cast %parallel_loop3A_136 : i32 to index
          %parallel_loop3A_236 = tpu.vector_load %arg44[%parallel_loop3A_235] {strides = array<i32>} : memref<1024xi32, #tpu.memory_space<vmem>>, vector<16xi32>,
          %parallel_loop3A_237 = arith.constant 16 : i32
          %parallel_loop3A_238 = vector.broadcast %parallel_loop3A_237 : i32 to vector<16xi32>
          %parallel_loop3A_239 = arith.shli %parallel_loop3A_236, %parallel_loop3A_238 : vector<16xi32>
          %parallel_loop3A_240 = vector.bitcast %parallel_loop3A_239 : vector<16xi32> to vector<16xf32>
          %parallel_loop3A_241 = arith.constant -65536 : i32
          %parallel_loop3A_242 = vector.broadcast %parallel_loop3A_241 : i32 to vector<16xi32>
          %parallel_loop3A_243 = arith.andi %parallel_loop3A_236, %parallel_loop3A_242 : vector<16xi32>
          %parallel_loop3A_244 = vector.bitcast %parallel_loop3A_243 : vector<16xi32> to vector<16xf32>
          %parallel_loop3A_245 = arith.mulf %parallel_loop3A_234, %parallel_loop3A_240 : vector<16xf32>
          %parallel_loop3A_246 = arith.addf %parallel_loop3A_228, %parallel_loop3A_245 : vector<16xf32>
          %parallel_loop3A_247 = arith.mulf %parallel_loop3A_234, %parallel_loop3A_244 : vector<16xf32>
          %parallel_loop3A_248 = arith.addf %parallel_loop3A_230, %parallel_loop3A_247 : vector<16xf32>
          %parallel_loop3A_249 = arith.constant 6 : i32
          %parallel_loop3A_250 = arith.index_cast %parallel_loop3A_249 : i32 to index
          %parallel_loop3A_251 = arith.index_cast %parallel_loop3A_134 : i32 to index
          %parallel_loop3A_252 = tpu.vector_load %arg13[%parallel_loop3A_250, %parallel_loop3A_251] {strides = array<i32>} : memref<8x2048xf32, #tpu.memory_space<vmem>>, vector<16xf32>,
          %parallel_loop3A_253 = arith.index_cast %parallel_loop3A_136 : i32 to index
          %parallel_loop3A_254 = tpu.vector_load %arg45[%parallel_loop3A_253] {strides = array<i32>} : memref<1024xi32, #tpu.memory_space<vmem>>, vector<16xi32>,
          %parallel_loop3A_255 = arith.constant 16 : i32
          %parallel_loop3A_256 = vector.broadcast %parallel_loop3A_255 : i32 to vector<16xi32>
          %parallel_loop3A_257 = arith.shli %parallel_loop3A_254, %parallel_loop3A_256 : vector<16xi32>
          %parallel_loop3A_258 = vector.bitcast %parallel_loop3A_257 : vector<16xi32> to vector<16xf32>
          %parallel_loop3A_259 = arith.constant -65536 : i32
          %parallel_loop3A_260 = vector.broadcast %parallel_loop3A_259 : i32 to vector<16xi32>
          %parallel_loop3A_261 = arith.andi %parallel_loop3A_254, %parallel_loop3A_260 : vector<16xi32>
          %parallel_loop3A_262 = vector.bitcast %parallel_loop3A_261 : vector<16xi32> to vector<16xf32>
          %parallel_loop3A_263 = arith.mulf %parallel_loop3A_252, %parallel_loop3A_258 : vector<16xf32>
          %parallel_loop3A_264 = arith.addf %parallel_loop3A_246, %parallel_loop3A_263 : vector<16xf32>
          %parallel_loop3A_265 = arith.mulf %parallel_loop3A_252, %parallel_loop3A_262 : vector<16xf32>
          %parallel_loop3A_266 = arith.addf %parallel_loop3A_248, %parallel_loop3A_265 : vector<16xf32>
          %parallel_loop3A_267 = arith.constant 7 : i32
          %parallel_loop3A_268 = arith.index_cast %parallel_loop3A_267 : i32 to index
          %parallel_loop3A_269 = arith.index_cast %parallel_loop3A_134 : i32 to index
          %parallel_loop3A_270 = tpu.vector_load %arg13[%parallel_loop3A_268, %parallel_loop3A_269] {strides = array<i32>} : memref<8x2048xf32, #tpu.memory_space<vmem>>, vector<16xf32>,
          %parallel_loop3A_271 = arith.index_cast %parallel_loop3A_136 : i32 to index
          %parallel_loop3A_272 = tpu.vector_load %arg46[%parallel_loop3A_271] {strides = array<i32>} : memref<1024xi32, #tpu.memory_space<vmem>>, vector<16xi32>,
          %parallel_loop3A_273 = arith.constant 16 : i32
          %parallel_loop3A_274 = vector.broadcast %parallel_loop3A_273 : i32 to vector<16xi32>
          %parallel_loop3A_275 = arith.shli %parallel_loop3A_272, %parallel_loop3A_274 : vector<16xi32>
          %parallel_loop3A_276 = vector.bitcast %parallel_loop3A_275 : vector<16xi32> to vector<16xf32>
          %parallel_loop3A_277 = arith.constant -65536 : i32
          %parallel_loop3A_278 = vector.broadcast %parallel_loop3A_277 : i32 to vector<16xi32>
          %parallel_loop3A_279 = arith.andi %parallel_loop3A_272, %parallel_loop3A_278 : vector<16xi32>
          %parallel_loop3A_280 = vector.bitcast %parallel_loop3A_279 : vector<16xi32> to vector<16xf32>
          %parallel_loop3A_281 = arith.mulf %parallel_loop3A_270, %parallel_loop3A_276 : vector<16xf32>
          %parallel_loop3A_282 = arith.addf %parallel_loop3A_264, %parallel_loop3A_281 : vector<16xf32>
          %parallel_loop3A_283 = arith.mulf %parallel_loop3A_270, %parallel_loop3A_280 : vector<16xf32>
          %parallel_loop3A_284 = arith.addf %parallel_loop3A_266, %parallel_loop3A_283 : vector<16xf32>
          %parallel_loop3A_285 = arith.index_cast %parallel_loop3A_134 : i32 to index
          %parallel_loop3A_286 = tpu.vector_load %arg14[%parallel_loop3A_285] {strides = array<i32>} : memref<2048xf32, #tpu.memory_space<vmem>>, vector<16xf32>,
          tpu.vector_store %arg14[%parallel_loop3A_285], %parallel_loop3A_282 {strides = array<i32>} : memref<2048xf32, #tpu.memory_space<vmem>>, vector<16xf32>,
          %parallel_loop3A_287 = arith.index_cast %parallel_loop3A_134 : i32 to index
          %parallel_loop3A_288 = tpu.vector_load %arg15[%parallel_loop3A_287] {strides = array<i32>} : memref<2048xf32, #tpu.memory_space<vmem>>, vector<16xf32>,
          tpu.vector_store %arg15[%parallel_loop3A_287], %parallel_loop3A_284 {strides = array<i32>} : memref<2048xf32, #tpu.memory_space<vmem>>, vector<16xf32>,
        } {sc.loop_unroll_factor = 4 : i64, sc.parallel_access}
        %dma_wait3A_99 = arith.constant 0 : i32
        %dma_wait3A_100 = tpu.memref_slice %arg16[%dma_wait3A_99] : memref<524288xi32, #tpu.memory_space<vmem_shared>> -> memref<524288xi32, #tpu.memory_space<vmem_shared>>
        tpu.wait_indirect_dma semaphore(%arg22 : memref<!tpu.dma_semaphore, #tpu.memory_space<semaphore_mem>>) src(%dma_wait3A_100 : memref<524288xi32, #tpu.memory_space<vmem_shared>>) dst(%arg47 : memref<1024xi32, #tpu.memory_space<vmem>>)
        %dma_wait3A_101 = arith.constant 0 : i32
        %dma_wait3A_102 = tpu.memref_slice %arg16[%dma_wait3A_101] : memref<524288xi32, #tpu.memory_space<vmem_shared>> -> memref<524288xi32, #tpu.memory_space<vmem_shared>>
        tpu.wait_indirect_dma semaphore(%arg22 : memref<!tpu.dma_semaphore, #tpu.memory_space<semaphore_mem>>) src(%dma_wait3A_102 : memref<524288xi32, #tpu.memory_space<vmem_shared>>) dst(%arg48 : memref<1024xi32, #tpu.memory_space<vmem>>)
        %dma_wait3A_103 = arith.constant 0 : i32
        %dma_wait3A_104 = tpu.memref_slice %arg16[%dma_wait3A_103] : memref<524288xi32, #tpu.memory_space<vmem_shared>> -> memref<524288xi32, #tpu.memory_space<vmem_shared>>
        tpu.wait_indirect_dma semaphore(%arg22 : memref<!tpu.dma_semaphore, #tpu.memory_space<semaphore_mem>>) src(%dma_wait3A_104 : memref<524288xi32, #tpu.memory_space<vmem_shared>>) dst(%arg49 : memref<1024xi32, #tpu.memory_space<vmem>>)
        %dma_wait3A_105 = arith.constant 0 : i32
        %dma_wait3A_106 = tpu.memref_slice %arg16[%dma_wait3A_105] : memref<524288xi32, #tpu.memory_space<vmem_shared>> -> memref<524288xi32, #tpu.memory_space<vmem_shared>>
        tpu.wait_indirect_dma semaphore(%arg22 : memref<!tpu.dma_semaphore, #tpu.memory_space<semaphore_mem>>) src(%dma_wait3A_106 : memref<524288xi32, #tpu.memory_space<vmem_shared>>) dst(%arg50 : memref<1024xi32, #tpu.memory_space<vmem>>)
        %dma_wait3A_107 = arith.constant 0 : i32
        %dma_wait3A_108 = tpu.memref_slice %arg16[%dma_wait3A_107] : memref<524288xi32, #tpu.memory_space<vmem_shared>> -> memref<524288xi32, #tpu.memory_space<vmem_shared>>
        tpu.wait_indirect_dma semaphore(%arg22 : memref<!tpu.dma_semaphore, #tpu.memory_space<semaphore_mem>>) src(%dma_wait3A_108 : memref<524288xi32, #tpu.memory_space<vmem_shared>>) dst(%arg51 : memref<1024xi32, #tpu.memory_space<vmem>>)
        %dma_wait3A_109 = arith.constant 0 : i32
        %dma_wait3A_110 = tpu.memref_slice %arg16[%dma_wait3A_109] : memref<524288xi32, #tpu.memory_space<vmem_shared>> -> memref<524288xi32, #tpu.memory_space<vmem_shared>>
        tpu.wait_indirect_dma semaphore(%arg22 : memref<!tpu.dma_semaphore, #tpu.memory_space<semaphore_mem>>) src(%dma_wait3A_110 : memref<524288xi32, #tpu.memory_space<vmem_shared>>) dst(%arg52 : memref<1024xi32, #tpu.memory_space<vmem>>)
        %dma_wait3A_111 = arith.constant 0 : i32
        %dma_wait3A_112 = tpu.memref_slice %arg16[%dma_wait3A_111] : memref<524288xi32, #tpu.memory_space<vmem_shared>> -> memref<524288xi32, #tpu.memory_space<vmem_shared>>
        tpu.wait_indirect_dma semaphore(%arg22 : memref<!tpu.dma_semaphore, #tpu.memory_space<semaphore_mem>>) src(%dma_wait3A_112 : memref<524288xi32, #tpu.memory_space<vmem_shared>>) dst(%arg53 : memref<1024xi32, #tpu.memory_space<vmem>>)
        %dma_wait3A_113 = arith.constant 0 : i32
        %dma_wait3A_114 = tpu.memref_slice %arg16[%dma_wait3A_113] : memref<524288xi32, #tpu.memory_space<vmem_shared>> -> memref<524288xi32, #tpu.memory_space<vmem_shared>>
        tpu.wait_indirect_dma semaphore(%arg22 : memref<!tpu.dma_semaphore, #tpu.memory_space<semaphore_mem>>) src(%dma_wait3A_114 : memref<524288xi32, #tpu.memory_space<vmem_shared>>) dst(%arg54 : memref<1024xi32, #tpu.memory_space<vmem>>)
        %parallel_loop3A_115 = arith.constant 0 : i32
        %parallel_loop3A_116 = arith.constant 64 : i32
        %parallel_loop3A_117 = arith.constant 1 : i32
        scf.for %parallel_loop3A_130 = %parallel_loop3A_115 to %parallel_loop3A_116 step %parallel_loop3A_117  : i32 {
          %parallel_loop3A_131 = arith.constant 16 : i32
          %parallel_loop3A_132 = arith.muli %parallel_loop3A_130, %parallel_loop3A_131 : i32
          %parallel_loop3A_133 = arith.constant 1024 : i32
          %parallel_loop3A_134 = arith.addi %parallel_loop3A_133, %parallel_loop3A_132 : i32
          %parallel_loop3A_135 = arith.constant 16 : i32
          %parallel_loop3A_136 = arith.muli %parallel_loop3A_130, %parallel_loop3A_135 : i32
          %parallel_loop3A_137 = arith.constant 0.000000e+00 : f32
          %parallel_loop3A_138 = vector.broadcast %parallel_loop3A_137 : f32 to vector<16xf32>
          %parallel_loop3A_139 = arith.constant 0.000000e+00 : f32
          %parallel_loop3A_140 = vector.broadcast %parallel_loop3A_139 : f32 to vector<16xf32>
          %parallel_loop3A_141 = arith.constant 0 : i32
          %parallel_loop3A_142 = arith.index_cast %parallel_loop3A_141 : i32 to index
          %parallel_loop3A_143 = arith.index_cast %parallel_loop3A_134 : i32 to index
          %parallel_loop3A_144 = tpu.vector_load %arg13[%parallel_loop3A_142, %parallel_loop3A_143] {strides = array<i32>} : memref<8x2048xf32, #tpu.memory_space<vmem>>, vector<16xf32>,
          %parallel_loop3A_145 = arith.index_cast %parallel_loop3A_136 : i32 to index
          %parallel_loop3A_146 = tpu.vector_load %arg47[%parallel_loop3A_145] {strides = array<i32>} : memref<1024xi32, #tpu.memory_space<vmem>>, vector<16xi32>,
          %parallel_loop3A_147 = arith.constant 16 : i32
          %parallel_loop3A_148 = vector.broadcast %parallel_loop3A_147 : i32 to vector<16xi32>
          %parallel_loop3A_149 = arith.shli %parallel_loop3A_146, %parallel_loop3A_148 : vector<16xi32>
          %parallel_loop3A_150 = vector.bitcast %parallel_loop3A_149 : vector<16xi32> to vector<16xf32>
          %parallel_loop3A_151 = arith.constant -65536 : i32
          %parallel_loop3A_152 = vector.broadcast %parallel_loop3A_151 : i32 to vector<16xi32>
          %parallel_loop3A_153 = arith.andi %parallel_loop3A_146, %parallel_loop3A_152 : vector<16xi32>
          %parallel_loop3A_154 = vector.bitcast %parallel_loop3A_153 : vector<16xi32> to vector<16xf32>
          %parallel_loop3A_155 = arith.mulf %parallel_loop3A_144, %parallel_loop3A_150 : vector<16xf32>
          %parallel_loop3A_156 = arith.addf %parallel_loop3A_138, %parallel_loop3A_155 : vector<16xf32>
          %parallel_loop3A_157 = arith.mulf %parallel_loop3A_144, %parallel_loop3A_154 : vector<16xf32>
          %parallel_loop3A_158 = arith.addf %parallel_loop3A_140, %parallel_loop3A_157 : vector<16xf32>
          %parallel_loop3A_159 = arith.constant 1 : i32
          %parallel_loop3A_160 = arith.index_cast %parallel_loop3A_159 : i32 to index
          %parallel_loop3A_161 = arith.index_cast %parallel_loop3A_134 : i32 to index
          %parallel_loop3A_162 = tpu.vector_load %arg13[%parallel_loop3A_160, %parallel_loop3A_161] {strides = array<i32>} : memref<8x2048xf32, #tpu.memory_space<vmem>>, vector<16xf32>,
          %parallel_loop3A_163 = arith.index_cast %parallel_loop3A_136 : i32 to index
          %parallel_loop3A_164 = tpu.vector_load %arg48[%parallel_loop3A_163] {strides = array<i32>} : memref<1024xi32, #tpu.memory_space<vmem>>, vector<16xi32>,
          %parallel_loop3A_165 = arith.constant 16 : i32
          %parallel_loop3A_166 = vector.broadcast %parallel_loop3A_165 : i32 to vector<16xi32>
          %parallel_loop3A_167 = arith.shli %parallel_loop3A_164, %parallel_loop3A_166 : vector<16xi32>
          %parallel_loop3A_168 = vector.bitcast %parallel_loop3A_167 : vector<16xi32> to vector<16xf32>
          %parallel_loop3A_169 = arith.constant -65536 : i32
          %parallel_loop3A_170 = vector.broadcast %parallel_loop3A_169 : i32 to vector<16xi32>
          %parallel_loop3A_171 = arith.andi %parallel_loop3A_164, %parallel_loop3A_170 : vector<16xi32>
          %parallel_loop3A_172 = vector.bitcast %parallel_loop3A_171 : vector<16xi32> to vector<16xf32>
          %parallel_loop3A_173 = arith.mulf %parallel_loop3A_162, %parallel_loop3A_168 : vector<16xf32>
          %parallel_loop3A_174 = arith.addf %parallel_loop3A_156, %parallel_loop3A_173 : vector<16xf32>
          %parallel_loop3A_175 = arith.mulf %parallel_loop3A_162, %parallel_loop3A_172 : vector<16xf32>
          %parallel_loop3A_176 = arith.addf %parallel_loop3A_158, %parallel_loop3A_175 : vector<16xf32>
          %parallel_loop3A_177 = arith.constant 2 : i32
          %parallel_loop3A_178 = arith.index_cast %parallel_loop3A_177 : i32 to index
          %parallel_loop3A_179 = arith.index_cast %parallel_loop3A_134 : i32 to index
          %parallel_loop3A_180 = tpu.vector_load %arg13[%parallel_loop3A_178, %parallel_loop3A_179] {strides = array<i32>} : memref<8x2048xf32, #tpu.memory_space<vmem>>, vector<16xf32>,
          %parallel_loop3A_181 = arith.index_cast %parallel_loop3A_136 : i32 to index
          %parallel_loop3A_182 = tpu.vector_load %arg49[%parallel_loop3A_181] {strides = array<i32>} : memref<1024xi32, #tpu.memory_space<vmem>>, vector<16xi32>,
          %parallel_loop3A_183 = arith.constant 16 : i32
          %parallel_loop3A_184 = vector.broadcast %parallel_loop3A_183 : i32 to vector<16xi32>
          %parallel_loop3A_185 = arith.shli %parallel_loop3A_182, %parallel_loop3A_184 : vector<16xi32>
          %parallel_loop3A_186 = vector.bitcast %parallel_loop3A_185 : vector<16xi32> to vector<16xf32>
          %parallel_loop3A_187 = arith.constant -65536 : i32
          %parallel_loop3A_188 = vector.broadcast %parallel_loop3A_187 : i32 to vector<16xi32>
          %parallel_loop3A_189 = arith.andi %parallel_loop3A_182, %parallel_loop3A_188 : vector<16xi32>
          %parallel_loop3A_190 = vector.bitcast %parallel_loop3A_189 : vector<16xi32> to vector<16xf32>
          %parallel_loop3A_191 = arith.mulf %parallel_loop3A_180, %parallel_loop3A_186 : vector<16xf32>
          %parallel_loop3A_192 = arith.addf %parallel_loop3A_174, %parallel_loop3A_191 : vector<16xf32>
          %parallel_loop3A_193 = arith.mulf %parallel_loop3A_180, %parallel_loop3A_190 : vector<16xf32>
          %parallel_loop3A_194 = arith.addf %parallel_loop3A_176, %parallel_loop3A_193 : vector<16xf32>
          %parallel_loop3A_195 = arith.constant 3 : i32
          %parallel_loop3A_196 = arith.index_cast %parallel_loop3A_195 : i32 to index
          %parallel_loop3A_197 = arith.index_cast %parallel_loop3A_134 : i32 to index
          %parallel_loop3A_198 = tpu.vector_load %arg13[%parallel_loop3A_196, %parallel_loop3A_197] {strides = array<i32>} : memref<8x2048xf32, #tpu.memory_space<vmem>>, vector<16xf32>,
          %parallel_loop3A_199 = arith.index_cast %parallel_loop3A_136 : i32 to index
          %parallel_loop3A_200 = tpu.vector_load %arg50[%parallel_loop3A_199] {strides = array<i32>} : memref<1024xi32, #tpu.memory_space<vmem>>, vector<16xi32>,
          %parallel_loop3A_201 = arith.constant 16 : i32
          %parallel_loop3A_202 = vector.broadcast %parallel_loop3A_201 : i32 to vector<16xi32>
          %parallel_loop3A_203 = arith.shli %parallel_loop3A_200, %parallel_loop3A_202 : vector<16xi32>
          %parallel_loop3A_204 = vector.bitcast %parallel_loop3A_203 : vector<16xi32> to vector<16xf32>
          %parallel_loop3A_205 = arith.constant -65536 : i32
          %parallel_loop3A_206 = vector.broadcast %parallel_loop3A_205 : i32 to vector<16xi32>
          %parallel_loop3A_207 = arith.andi %parallel_loop3A_200, %parallel_loop3A_206 : vector<16xi32>
          %parallel_loop3A_208 = vector.bitcast %parallel_loop3A_207 : vector<16xi32> to vector<16xf32>
          %parallel_loop3A_209 = arith.mulf %parallel_loop3A_198, %parallel_loop3A_204 : vector<16xf32>
          %parallel_loop3A_210 = arith.addf %parallel_loop3A_192, %parallel_loop3A_209 : vector<16xf32>
          %parallel_loop3A_211 = arith.mulf %parallel_loop3A_198, %parallel_loop3A_208 : vector<16xf32>
          %parallel_loop3A_212 = arith.addf %parallel_loop3A_194, %parallel_loop3A_211 : vector<16xf32>
          %parallel_loop3A_213 = arith.constant 4 : i32
          %parallel_loop3A_214 = arith.index_cast %parallel_loop3A_213 : i32 to index
          %parallel_loop3A_215 = arith.index_cast %parallel_loop3A_134 : i32 to index
          %parallel_loop3A_216 = tpu.vector_load %arg13[%parallel_loop3A_214, %parallel_loop3A_215] {strides = array<i32>} : memref<8x2048xf32, #tpu.memory_space<vmem>>, vector<16xf32>,
          %parallel_loop3A_217 = arith.index_cast %parallel_loop3A_136 : i32 to index
          %parallel_loop3A_218 = tpu.vector_load %arg51[%parallel_loop3A_217] {strides = array<i32>} : memref<1024xi32, #tpu.memory_space<vmem>>, vector<16xi32>,
          %parallel_loop3A_219 = arith.constant 16 : i32
          %parallel_loop3A_220 = vector.broadcast %parallel_loop3A_219 : i32 to vector<16xi32>
          %parallel_loop3A_221 = arith.shli %parallel_loop3A_218, %parallel_loop3A_220 : vector<16xi32>
          %parallel_loop3A_222 = vector.bitcast %parallel_loop3A_221 : vector<16xi32> to vector<16xf32>
          %parallel_loop3A_223 = arith.constant -65536 : i32
          %parallel_loop3A_224 = vector.broadcast %parallel_loop3A_223 : i32 to vector<16xi32>
          %parallel_loop3A_225 = arith.andi %parallel_loop3A_218, %parallel_loop3A_224 : vector<16xi32>
          %parallel_loop3A_226 = vector.bitcast %parallel_loop3A_225 : vector<16xi32> to vector<16xf32>
          %parallel_loop3A_227 = arith.mulf %parallel_loop3A_216, %parallel_loop3A_222 : vector<16xf32>
          %parallel_loop3A_228 = arith.addf %parallel_loop3A_210, %parallel_loop3A_227 : vector<16xf32>
          %parallel_loop3A_229 = arith.mulf %parallel_loop3A_216, %parallel_loop3A_226 : vector<16xf32>
          %parallel_loop3A_230 = arith.addf %parallel_loop3A_212, %parallel_loop3A_229 : vector<16xf32>
          %parallel_loop3A_231 = arith.constant 5 : i32
          %parallel_loop3A_232 = arith.index_cast %parallel_loop3A_231 : i32 to index
          %parallel_loop3A_233 = arith.index_cast %parallel_loop3A_134 : i32 to index
          %parallel_loop3A_234 = tpu.vector_load %arg13[%parallel_loop3A_232, %parallel_loop3A_233] {strides = array<i32>} : memref<8x2048xf32, #tpu.memory_space<vmem>>, vector<16xf32>,
          %parallel_loop3A_235 = arith.index_cast %parallel_loop3A_136 : i32 to index
          %parallel_loop3A_236 = tpu.vector_load %arg52[%parallel_loop3A_235] {strides = array<i32>} : memref<1024xi32, #tpu.memory_space<vmem>>, vector<16xi32>,
          %parallel_loop3A_237 = arith.constant 16 : i32
          %parallel_loop3A_238 = vector.broadcast %parallel_loop3A_237 : i32 to vector<16xi32>
          %parallel_loop3A_239 = arith.shli %parallel_loop3A_236, %parallel_loop3A_238 : vector<16xi32>
          %parallel_loop3A_240 = vector.bitcast %parallel_loop3A_239 : vector<16xi32> to vector<16xf32>
          %parallel_loop3A_241 = arith.constant -65536 : i32
          %parallel_loop3A_242 = vector.broadcast %parallel_loop3A_241 : i32 to vector<16xi32>
          %parallel_loop3A_243 = arith.andi %parallel_loop3A_236, %parallel_loop3A_242 : vector<16xi32>
          %parallel_loop3A_244 = vector.bitcast %parallel_loop3A_243 : vector<16xi32> to vector<16xf32>
          %parallel_loop3A_245 = arith.mulf %parallel_loop3A_234, %parallel_loop3A_240 : vector<16xf32>
          %parallel_loop3A_246 = arith.addf %parallel_loop3A_228, %parallel_loop3A_245 : vector<16xf32>
          %parallel_loop3A_247 = arith.mulf %parallel_loop3A_234, %parallel_loop3A_244 : vector<16xf32>
          %parallel_loop3A_248 = arith.addf %parallel_loop3A_230, %parallel_loop3A_247 : vector<16xf32>
          %parallel_loop3A_249 = arith.constant 6 : i32
          %parallel_loop3A_250 = arith.index_cast %parallel_loop3A_249 : i32 to index
          %parallel_loop3A_251 = arith.index_cast %parallel_loop3A_134 : i32 to index
          %parallel_loop3A_252 = tpu.vector_load %arg13[%parallel_loop3A_250, %parallel_loop3A_251] {strides = array<i32>} : memref<8x2048xf32, #tpu.memory_space<vmem>>, vector<16xf32>,
          %parallel_loop3A_253 = arith.index_cast %parallel_loop3A_136 : i32 to index
          %parallel_loop3A_254 = tpu.vector_load %arg53[%parallel_loop3A_253] {strides = array<i32>} : memref<1024xi32, #tpu.memory_space<vmem>>, vector<16xi32>,
          %parallel_loop3A_255 = arith.constant 16 : i32
          %parallel_loop3A_256 = vector.broadcast %parallel_loop3A_255 : i32 to vector<16xi32>
          %parallel_loop3A_257 = arith.shli %parallel_loop3A_254, %parallel_loop3A_256 : vector<16xi32>
          %parallel_loop3A_258 = vector.bitcast %parallel_loop3A_257 : vector<16xi32> to vector<16xf32>
          %parallel_loop3A_259 = arith.constant -65536 : i32
          %parallel_loop3A_260 = vector.broadcast %parallel_loop3A_259 : i32 to vector<16xi32>
          %parallel_loop3A_261 = arith.andi %parallel_loop3A_254, %parallel_loop3A_260 : vector<16xi32>
          %parallel_loop3A_262 = vector.bitcast %parallel_loop3A_261 : vector<16xi32> to vector<16xf32>
          %parallel_loop3A_263 = arith.mulf %parallel_loop3A_252, %parallel_loop3A_258 : vector<16xf32>
          %parallel_loop3A_264 = arith.addf %parallel_loop3A_246, %parallel_loop3A_263 : vector<16xf32>
          %parallel_loop3A_265 = arith.mulf %parallel_loop3A_252, %parallel_loop3A_262 : vector<16xf32>
          %parallel_loop3A_266 = arith.addf %parallel_loop3A_248, %parallel_loop3A_265 : vector<16xf32>
          %parallel_loop3A_267 = arith.constant 7 : i32
          %parallel_loop3A_268 = arith.index_cast %parallel_loop3A_267 : i32 to index
          %parallel_loop3A_269 = arith.index_cast %parallel_loop3A_134 : i32 to index
          %parallel_loop3A_270 = tpu.vector_load %arg13[%parallel_loop3A_268, %parallel_loop3A_269] {strides = array<i32>} : memref<8x2048xf32, #tpu.memory_space<vmem>>, vector<16xf32>,
          %parallel_loop3A_271 = arith.index_cast %parallel_loop3A_136 : i32 to index
          %parallel_loop3A_272 = tpu.vector_load %arg54[%parallel_loop3A_271] {strides = array<i32>} : memref<1024xi32, #tpu.memory_space<vmem>>, vector<16xi32>,
          %parallel_loop3A_273 = arith.constant 16 : i32
          %parallel_loop3A_274 = vector.broadcast %parallel_loop3A_273 : i32 to vector<16xi32>
          %parallel_loop3A_275 = arith.shli %parallel_loop3A_272, %parallel_loop3A_274 : vector<16xi32>
          %parallel_loop3A_276 = vector.bitcast %parallel_loop3A_275 : vector<16xi32> to vector<16xf32>
          %parallel_loop3A_277 = arith.constant -65536 : i32
          %parallel_loop3A_278 = vector.broadcast %parallel_loop3A_277 : i32 to vector<16xi32>
          %parallel_loop3A_279 = arith.andi %parallel_loop3A_272, %parallel_loop3A_278 : vector<16xi32>
          %parallel_loop3A_280 = vector.bitcast %parallel_loop3A_279 : vector<16xi32> to vector<16xf32>
          %parallel_loop3A_281 = arith.mulf %parallel_loop3A_270, %parallel_loop3A_276 : vector<16xf32>
          %parallel_loop3A_282 = arith.addf %parallel_loop3A_264, %parallel_loop3A_281 : vector<16xf32>
          %parallel_loop3A_283 = arith.mulf %parallel_loop3A_270, %parallel_loop3A_280 : vector<16xf32>
          %parallel_loop3A_284 = arith.addf %parallel_loop3A_266, %parallel_loop3A_283 : vector<16xf32>
          %parallel_loop3A_285 = arith.index_cast %parallel_loop3A_134 : i32 to index
          %parallel_loop3A_286 = tpu.vector_load %arg14[%parallel_loop3A_285] {strides = array<i32>} : memref<2048xf32, #tpu.memory_space<vmem>>, vector<16xf32>,
          tpu.vector_store %arg14[%parallel_loop3A_285], %parallel_loop3A_282 {strides = array<i32>} : memref<2048xf32, #tpu.memory_space<vmem>>, vector<16xf32>,
          %parallel_loop3A_287 = arith.index_cast %parallel_loop3A_134 : i32 to index
          %parallel_loop3A_288 = tpu.vector_load %arg15[%parallel_loop3A_287] {strides = array<i32>} : memref<2048xf32, #tpu.memory_space<vmem>>, vector<16xf32>,
          tpu.vector_store %arg15[%parallel_loop3A_287], %parallel_loop3A_284 {strides = array<i32>} : memref<2048xf32, #tpu.memory_space<vmem>>, vector<16xf32>,
        } {sc.loop_unroll_factor = 4 : i64, sc.parallel_access}
        %mul3A_118 = arith.constant 2 : i32
        %mul3A_119 = arith.muli %mul3A_118, %add3A_16 : i32
        %mul3A_120 = arith.constant 1048576 : i32
        %mul3A_121 = arith.muli %mul3A_119, %mul3A_120 : i32
        %add3A_122 = arith.addi %mul3A_121, %add3A_44 : i32
        "tpu.region"() ({
          %run_scoped3A = tpu.sem_alloc : memref<!tpu.dma_semaphore, #tpu.memory_space<semaphore_mem>>
          %dma_start3A_130 = tpu.memref_slice %arg9[%add3A_122] : memref<33554432xf32, #tpu.memory_space<hbm>> -> memref<2048xf32, #tpu.memory_space<hbm>>
          %dma_start3A_131 = tpu.memref_slice %arg9[%add3A_122] : memref<33554432xf32, #tpu.memory_space<hbm>> -> memref<2048xf32, #tpu.memory_space<hbm>>
          tpu.enqueue_dma source(%arg14 : memref<2048xf32, #tpu.memory_space<vmem>>) target(%dma_start3A_131 : memref<2048xf32, #tpu.memory_space<hbm>>) target_semaphore(%run_scoped3A : memref<!tpu.dma_semaphore, #tpu.memory_space<semaphore_mem>>)
          %dma_wait3A_132 = tpu.memref_slice %arg9[%add3A_122] : memref<33554432xf32, #tpu.memory_space<hbm>> -> memref<2048xf32, #tpu.memory_space<hbm>>
          %dma_wait3A_133 = tpu.memref_slice %arg9[%add3A_122] : memref<33554432xf32, #tpu.memory_space<hbm>> -> memref<2048xf32, #tpu.memory_space<hbm>>
          tpu.wait_dma2 semaphore(%run_scoped3A : memref<!tpu.dma_semaphore, #tpu.memory_space<semaphore_mem>>) src(%arg14 : memref<2048xf32, #tpu.memory_space<vmem>>) dst(%dma_wait3A_133 : memref<2048xf32, #tpu.memory_space<hbm>>)
          tpu.yield
        }) : () -> ()
        %mul3A_123 = arith.constant 2 : i32
        %mul3A_124 = arith.muli %mul3A_123, %add3A_16 : i32
        %add3A_125 = arith.constant 1 : i32
        %add3A_126 = arith.addi %mul3A_124, %add3A_125 : i32
        %mul3A_127 = arith.constant 1048576 : i32
        %mul3A_128 = arith.muli %add3A_126, %mul3A_127 : i32
        %add3A_129 = arith.addi %mul3A_128, %add3A_44 : i32
        "tpu.region"() ({
          %run_scoped3A = tpu.sem_alloc : memref<!tpu.dma_semaphore, #tpu.memory_space<semaphore_mem>>
          %dma_start3A_130 = tpu.memref_slice %arg9[%add3A_129] : memref<33554432xf32, #tpu.memory_space<hbm>> -> memref<2048xf32, #tpu.memory_space<hbm>>
          %dma_start3A_131 = tpu.memref_slice %arg9[%add3A_129] : memref<33554432xf32, #tpu.memory_space<hbm>> -> memref<2048xf32, #tpu.memory_space<hbm>>
          tpu.enqueue_dma source(%arg15 : memref<2048xf32, #tpu.memory_space<vmem>>) target(%dma_start3A_131 : memref<2048xf32, #tpu.memory_space<hbm>>) target_semaphore(%run_scoped3A : memref<!tpu.dma_semaphore, #tpu.memory_space<semaphore_mem>>)
          %dma_wait3A_132 = tpu.memref_slice %arg9[%add3A_129] : memref<33554432xf32, #tpu.memory_space<hbm>> -> memref<2048xf32, #tpu.memory_space<hbm>>
          %dma_wait3A_133 = tpu.memref_slice %arg9[%add3A_129] : memref<33554432xf32, #tpu.memory_space<hbm>> -> memref<2048xf32, #tpu.memory_space<hbm>>
          tpu.wait_dma2 semaphore(%run_scoped3A : memref<!tpu.dma_semaphore, #tpu.memory_space<semaphore_mem>>) src(%arg15 : memref<2048xf32, #tpu.memory_space<vmem>>) dst(%dma_wait3A_133 : memref<2048xf32, #tpu.memory_space<hbm>>)
          tpu.yield
        }) : () -> ()
      }
      %scan3A_35 = arith.constant 16 : i32
      %barrier3A_36 = arith.constant 0 : index
      tpu.barrier barrier_id(%barrier3A_36)
    }
    %scan3A_6 = arith.constant 10 : i32
    %scan3A_7 = arith.constant 0 : i32
    %scan3A_8 = arith.constant 6 : i32
    %scan3A_9 = arith.addi %scan3A_7, %scan3A_8 : i32
    %scan3A_10 = arith.constant 1 : i32
    scf.for %scan3A_12 = %scan3A_7 to %scan3A_9 step %scan3A_10  : i32 {
      %mul3A_13 = arith.constant 1 : i32
      %mul3A_14 = arith.muli %scan3A_12, %mul3A_13 : i32
      %add3A_15 = arith.constant 10 : i32
      %add3A_16 = arith.addi %add3A_15, %mul3A_14 : i32
      %broadcast_in_dim3A = arith.constant 0 : i32
      %broadcast_in_dim3A_17 = vector.broadcast %broadcast_in_dim3A : i32 to vector<16xi32>
      %add3A_18 = vector.broadcast %add3A_16 : i32 to vector<16xi32>
      %add3A_19 = arith.addi %broadcast_in_dim3A_17, %add3A_18 : vector<16xi32>
      %gather3A = tpu.vector_load_idx %arg18[%add3A_19] : memref<16xf32, #tpu.memory_space<vmem>>[vector<16xi32>], vector<16xf32>,
      %gather3A_20 = tpu.vector_load_idx %arg19[%add3A_19] : memref<16xi32, #tpu.memory_space<vmem>>[vector<16xi32>], vector<16xi32>,
      %gather3A_21 = tpu.vector_load_idx %arg20[%add3A_19] : memref<16xi32, #tpu.memory_space<vmem>>[vector<16xi32>], vector<16xi32>,
      %mul3A_22 = arith.constant 524288 : i32
      %mul3A_23 = arith.muli %add3A_16, %mul3A_22 : i32
      %mul3A_24 = arith.constant 32768 : i32
      %mul3A_25 = arith.muli %arg1, %mul3A_24 : i32
      %scan3A_26 = arith.constant 0 : i32
      %scan3A_27 = arith.constant 4 : i32
      %scan3A_28 = arith.addi %scan3A_26, %scan3A_27 : i32
      %scan3A_29 = arith.constant 1 : i32
      scf.for %scan3A_37 = %scan3A_26 to %scan3A_28 step %scan3A_29  : i32 {
        %mul3A_38 = arith.constant 1 : i32
        %mul3A_39 = arith.muli %scan3A_37, %mul3A_38 : i32
        %add3A_40 = arith.constant 0 : i32
        %add3A_41 = arith.addi %add3A_40, %mul3A_39 : i32
        %mul3A_42 = arith.constant 8192 : i32
        %mul3A_43 = arith.muli %add3A_41, %mul3A_42 : i32
        %add3A_44 = arith.addi %mul3A_25, %mul3A_43 : i32
        %add3A_45 = arith.addi %mul3A_23, %add3A_44 : i32
        "tpu.region"() ({
          %run_scoped3A = tpu.sem_alloc : memref<!tpu.dma_semaphore, #tpu.memory_space<semaphore_mem>>
          %dma_start3A = tpu.memref_slice %arg5[%add3A_45] : memref<8388608xi32, #tpu.memory_space<hbm>> -> memref<8192xi32, #tpu.memory_space<hbm>>
          %dma_start3A_46 = tpu.memref_slice %arg5[%add3A_45] : memref<8388608xi32, #tpu.memory_space<hbm>> -> memref<8192xi32, #tpu.memory_space<hbm>>
          tpu.enqueue_dma source(%dma_start3A_46 : memref<8192xi32, #tpu.memory_space<hbm>>) target(%arg17 : memref<8192xi32, #tpu.memory_space<vmem>>) target_semaphore(%run_scoped3A : memref<!tpu.dma_semaphore, #tpu.memory_space<semaphore_mem>>)
          %dma_wait3A = tpu.memref_slice %arg5[%add3A_45] : memref<8388608xi32, #tpu.memory_space<hbm>> -> memref<8192xi32, #tpu.memory_space<hbm>>
          %dma_wait3A_47 = tpu.memref_slice %arg5[%add3A_45] : memref<8388608xi32, #tpu.memory_space<hbm>> -> memref<8192xi32, #tpu.memory_space<hbm>>
          tpu.wait_dma2 semaphore(%run_scoped3A : memref<!tpu.dma_semaphore, #tpu.memory_space<semaphore_mem>>) src(%dma_wait3A_47 : memref<8192xi32, #tpu.memory_space<hbm>>) dst(%arg17 : memref<8192xi32, #tpu.memory_space<vmem>>)
          tpu.yield
        }) : () -> ()
        "tpu.region"() ({
          %run_scoped3A = tpu.sem_alloc : memref<!tpu.dma_semaphore, #tpu.memory_space<semaphore_mem>>
          %dma_start3A = tpu.memref_slice %arg16[%add3A_44] : memref<524288xi32, #tpu.memory_space<vmem_shared>> -> memref<8192xi32, #tpu.memory_space<vmem_shared>>
          %dma_start3A_46 = tpu.memref_slice %arg16[%add3A_44] : memref<524288xi32, #tpu.memory_space<vmem_shared>> -> memref<8192xi32, #tpu.memory_space<vmem_shared>>
          tpu.enqueue_dma source(%arg17 : memref<8192xi32, #tpu.memory_space<vmem>>) target(%dma_start3A_46 : memref<8192xi32, #tpu.memory_space<vmem_shared>>) target_semaphore(%run_scoped3A : memref<!tpu.dma_semaphore, #tpu.memory_space<semaphore_mem>>)
          %dma_wait3A = tpu.memref_slice %arg16[%add3A_44] : memref<524288xi32, #tpu.memory_space<vmem_shared>> -> memref<8192xi32, #tpu.memory_space<vmem_shared>>
          %dma_wait3A_47 = tpu.memref_slice %arg16[%add3A_44] : memref<524288xi32, #tpu.memory_space<vmem_shared>> -> memref<8192xi32, #tpu.memory_space<vmem_shared>>
          tpu.wait_dma2 semaphore(%run_scoped3A : memref<!tpu.dma_semaphore, #tpu.memory_space<semaphore_mem>>) src(%arg17 : memref<8192xi32, #tpu.memory_space<vmem>>) dst(%dma_wait3A_47 : memref<8192xi32, #tpu.memory_space<vmem_shared>>)
          tpu.yield
        }) : () -> ()
      }
      %scan3A_30 = arith.constant 4 : i32
      %barrier3A = arith.constant 0 : index
      tpu.barrier barrier_id(%barrier3A)
      %scan3A_31 = arith.constant 0 : i32
      %scan3A_32 = arith.constant 16 : i32
      %scan3A_33 = arith.addi %scan3A_31, %scan3A_32 : i32
      %scan3A_34 = arith.constant 1 : i32
      scf.for %scan3A_37 = %scan3A_31 to %scan3A_33 step %scan3A_34  : i32 {
        %mul3A_38 = arith.constant 1 : i32
        %mul3A_39 = arith.muli %scan3A_37, %mul3A_38 : i32
        %add3A_40 = arith.constant 0 : i32
        %add3A_41 = arith.addi %add3A_40, %mul3A_39 : i32
        %mul3A_42 = arith.constant 2048 : i32
        %mul3A_43 = arith.muli %add3A_41, %mul3A_42 : i32
        %add3A_44 = arith.addi %mul3A_2, %mul3A_43 : i32
        "tpu.region"() ({
          %run_scoped3A = tpu.sem_alloc : memref<!tpu.dma_semaphore, #tpu.memory_space<semaphore_mem>>
          %dma_start3A_130 = tpu.memref_slice %arg2[%add3A_44] : memref<1048576xf32, #tpu.memory_space<hbm>> -> memref<2048xf32, #tpu.memory_space<hbm>>
          %dma_start3A_131 = tpu.memref_slice %arg2[%add3A_44] : memref<1048576xf32, #tpu.memory_space<hbm>> -> memref<2048xf32, #tpu.memory_space<hbm>>
          tpu.enqueue_dma source(%dma_start3A_131 : memref<2048xf32, #tpu.memory_space<hbm>>) target(%arg10 : memref<2048xf32, #tpu.memory_space<vmem>>) target_semaphore(%run_scoped3A : memref<!tpu.dma_semaphore, #tpu.memory_space<semaphore_mem>>)
          %dma_wait3A_132 = tpu.memref_slice %arg2[%add3A_44] : memref<1048576xf32, #tpu.memory_space<hbm>> -> memref<2048xf32, #tpu.memory_space<hbm>>
          %dma_wait3A_133 = tpu.memref_slice %arg2[%add3A_44] : memref<1048576xf32, #tpu.memory_space<hbm>> -> memref<2048xf32, #tpu.memory_space<hbm>>
          tpu.wait_dma2 semaphore(%run_scoped3A : memref<!tpu.dma_semaphore, #tpu.memory_space<semaphore_mem>>) src(%dma_wait3A_133 : memref<2048xf32, #tpu.memory_space<hbm>>) dst(%arg10 : memref<2048xf32, #tpu.memory_space<vmem>>)
          tpu.yield
        }) : () -> ()
        "tpu.region"() ({
          %run_scoped3A = tpu.sem_alloc : memref<!tpu.dma_semaphore, #tpu.memory_space<semaphore_mem>>
          %dma_start3A_130 = tpu.memref_slice %arg3[%add3A_44] : memref<1048576xf32, #tpu.memory_space<hbm>> -> memref<2048xf32, #tpu.memory_space<hbm>>
          %dma_start3A_131 = tpu.memref_slice %arg3[%add3A_44] : memref<1048576xf32, #tpu.memory_space<hbm>> -> memref<2048xf32, #tpu.memory_space<hbm>>
          tpu.enqueue_dma source(%dma_start3A_131 : memref<2048xf32, #tpu.memory_space<hbm>>) target(%arg11 : memref<2048xf32, #tpu.memory_space<vmem>>) target_semaphore(%run_scoped3A : memref<!tpu.dma_semaphore, #tpu.memory_space<semaphore_mem>>)
          %dma_wait3A_132 = tpu.memref_slice %arg3[%add3A_44] : memref<1048576xf32, #tpu.memory_space<hbm>> -> memref<2048xf32, #tpu.memory_space<hbm>>
          %dma_wait3A_133 = tpu.memref_slice %arg3[%add3A_44] : memref<1048576xf32, #tpu.memory_space<hbm>> -> memref<2048xf32, #tpu.memory_space<hbm>>
          tpu.wait_dma2 semaphore(%run_scoped3A : memref<!tpu.dma_semaphore, #tpu.memory_space<semaphore_mem>>) src(%dma_wait3A_133 : memref<2048xf32, #tpu.memory_space<hbm>>) dst(%arg11 : memref<2048xf32, #tpu.memory_space<vmem>>)
          tpu.yield
        }) : () -> ()
        "tpu.region"() ({
          %run_scoped3A = tpu.sem_alloc : memref<!tpu.dma_semaphore, #tpu.memory_space<semaphore_mem>>
          %dma_start3A_130 = tpu.memref_slice %arg4[%add3A_44] : memref<1048576xf32, #tpu.memory_space<hbm>> -> memref<2048xf32, #tpu.memory_space<hbm>>
          %dma_start3A_131 = tpu.memref_slice %arg4[%add3A_44] : memref<1048576xf32, #tpu.memory_space<hbm>> -> memref<2048xf32, #tpu.memory_space<hbm>>
          tpu.enqueue_dma source(%dma_start3A_131 : memref<2048xf32, #tpu.memory_space<hbm>>) target(%arg12 : memref<2048xf32, #tpu.memory_space<vmem>>) target_semaphore(%run_scoped3A : memref<!tpu.dma_semaphore, #tpu.memory_space<semaphore_mem>>)
          %dma_wait3A_132 = tpu.memref_slice %arg4[%add3A_44] : memref<1048576xf32, #tpu.memory_space<hbm>> -> memref<2048xf32, #tpu.memory_space<hbm>>
          %dma_wait3A_133 = tpu.memref_slice %arg4[%add3A_44] : memref<1048576xf32, #tpu.memory_space<hbm>> -> memref<2048xf32, #tpu.memory_space<hbm>>
          tpu.wait_dma2 semaphore(%run_scoped3A : memref<!tpu.dma_semaphore, #tpu.memory_space<semaphore_mem>>) src(%dma_wait3A_133 : memref<2048xf32, #tpu.memory_space<hbm>>) dst(%arg12 : memref<2048xf32, #tpu.memory_space<vmem>>)
          tpu.yield
        }) : () -> ()
        %parallel_loop3A = arith.constant 0 : i32
        %parallel_loop3A_45 = arith.constant 64 : i32
        %parallel_loop3A_46 = arith.constant 1 : i32
        scf.for %parallel_loop3A_130 = %parallel_loop3A to %parallel_loop3A_45 step %parallel_loop3A_46  : i32 {
          %parallel_loop3A_131 = arith.constant 16 : i32
          %parallel_loop3A_132 = arith.muli %parallel_loop3A_130, %parallel_loop3A_131 : i32
          %parallel_loop3A_133 = arith.constant 0 : i32
          %parallel_loop3A_134 = arith.addi %parallel_loop3A_133, %parallel_loop3A_132 : i32
          %parallel_loop3A_135 = arith.index_cast %parallel_loop3A_134 : i32 to index
          %parallel_loop3A_136 = tpu.vector_load %arg10[%parallel_loop3A_135] {strides = array<i32>} : memref<2048xf32, #tpu.memory_space<vmem>>, vector<16xf32>,
          %parallel_loop3A_137 = arith.mulf %parallel_loop3A_136, %gather3A : vector<16xf32>
          %parallel_loop3A_138 = arith.index_cast %parallel_loop3A_134 : i32 to index
          %parallel_loop3A_139 = tpu.vector_load %arg11[%parallel_loop3A_138] {strides = array<i32>} : memref<2048xf32, #tpu.memory_space<vmem>>, vector<16xf32>,
          %parallel_loop3A_140 = arith.mulf %parallel_loop3A_139, %gather3A : vector<16xf32>
          %parallel_loop3A_141 = arith.index_cast %parallel_loop3A_134 : i32 to index
          %parallel_loop3A_142 = tpu.vector_load %arg12[%parallel_loop3A_141] {strides = array<i32>} : memref<2048xf32, #tpu.memory_space<vmem>>, vector<16xf32>,
          %parallel_loop3A_143 = arith.mulf %parallel_loop3A_142, %gather3A : vector<16xf32>
          %parallel_loop3A_144 = arith.fptosi %parallel_loop3A_137 : vector<16xf32> to vector<16xi32>
          %parallel_loop3A_145 = arith.fptosi %parallel_loop3A_140 : vector<16xf32> to vector<16xi32>
          %parallel_loop3A_146 = arith.fptosi %parallel_loop3A_143 : vector<16xf32> to vector<16xi32>
          %parallel_loop3A_147 = arith.sitofp %parallel_loop3A_144 : vector<16xi32> to vector<16xf32>
          %parallel_loop3A_148 = arith.subf %parallel_loop3A_137, %parallel_loop3A_147 : vector<16xf32>
          %parallel_loop3A_149 = arith.sitofp %parallel_loop3A_145 : vector<16xi32> to vector<16xf32>
          %parallel_loop3A_150 = arith.subf %parallel_loop3A_140, %parallel_loop3A_149 : vector<16xf32>
          %parallel_loop3A_151 = arith.sitofp %parallel_loop3A_146 : vector<16xi32> to vector<16xf32>
          %parallel_loop3A_152 = arith.subf %parallel_loop3A_143, %parallel_loop3A_151 : vector<16xf32>
          %parallel_loop3A_153 = arith.constant 1.000000e+00 : f32
          %parallel_loop3A_154 = vector.broadcast %parallel_loop3A_153 : f32 to vector<16xf32>
          %parallel_loop3A_155 = arith.subf %parallel_loop3A_154, %parallel_loop3A_148 : vector<16xf32>
          %parallel_loop3A_156 = arith.constant 1.000000e+00 : f32
          %parallel_loop3A_157 = vector.broadcast %parallel_loop3A_156 : f32 to vector<16xf32>
          %parallel_loop3A_158 = arith.subf %parallel_loop3A_157, %parallel_loop3A_150 : vector<16xf32>
          %parallel_loop3A_159 = arith.constant 1.000000e+00 : f32
          %parallel_loop3A_160 = vector.broadcast %parallel_loop3A_159 : f32 to vector<16xf32>
          %parallel_loop3A_161 = arith.subf %parallel_loop3A_160, %parallel_loop3A_152 : vector<16xf32>
          %parallel_loop3A_162 = arith.constant 1 : i32
          %parallel_loop3A_163 = vector.broadcast %parallel_loop3A_162 : i32 to vector<16xi32>
          %parallel_loop3A_164 = arith.addi %parallel_loop3A_144, %parallel_loop3A_163 : vector<16xi32>
          %parallel_loop3A_165 = arith.muli %parallel_loop3A_145, %gather3A_20 : vector<16xi32>
          %parallel_loop3A_166 = arith.addi %parallel_loop3A_165, %gather3A_20 : vector<16xi32>
          %parallel_loop3A_167 = arith.muli %parallel_loop3A_146, %gather3A_21 : vector<16xi32>
          %parallel_loop3A_168 = arith.addi %parallel_loop3A_167, %gather3A_21 : vector<16xi32>
          %parallel_loop3A_169 = arith.constant 16 : i32
          %parallel_loop3A_170 = arith.muli %parallel_loop3A_130, %parallel_loop3A_169 : i32
          %parallel_loop3A_171 = arith.mulf %parallel_loop3A_155, %parallel_loop3A_158 : vector<16xf32>
          %parallel_loop3A_172 = arith.xori %parallel_loop3A_144, %parallel_loop3A_165 : vector<16xi32>
          %parallel_loop3A_173 = arith.xori %parallel_loop3A_172, %parallel_loop3A_167 : vector<16xi32>
          %parallel_loop3A_174 = arith.constant 524287 : i32
          %parallel_loop3A_175 = vector.broadcast %parallel_loop3A_174 : i32 to vector<16xi32>
          %parallel_loop3A_176 = arith.andi %parallel_loop3A_173, %parallel_loop3A_175 : vector<16xi32>
          %parallel_loop3A_177 = arith.index_cast %parallel_loop3A_170 : i32 to index
          %parallel_loop3A_178 = tpu.vector_load %arg23[%parallel_loop3A_177] {strides = array<i32>} : memref<1024xi32, #tpu.memory_space<vmem>>, vector<16xi32>,
          tpu.vector_store %arg23[%parallel_loop3A_177], %parallel_loop3A_176 {strides = array<i32>} : memref<1024xi32, #tpu.memory_space<vmem>>, vector<16xi32>,
          %parallel_loop3A_179 = arith.mulf %parallel_loop3A_171, %parallel_loop3A_161 : vector<16xf32>
          %parallel_loop3A_180 = arith.constant 0 : i32
          %parallel_loop3A_181 = arith.index_cast %parallel_loop3A_180 : i32 to index
          %parallel_loop3A_182 = arith.index_cast %parallel_loop3A_134 : i32 to index
          %parallel_loop3A_183 = tpu.vector_load %arg13[%parallel_loop3A_181, %parallel_loop3A_182] {strides = array<i32>} : memref<8x2048xf32, #tpu.memory_space<vmem>>, vector<16xf32>,
          tpu.vector_store %arg13[%parallel_loop3A_181, %parallel_loop3A_182], %parallel_loop3A_179 {strides = array<i32>} : memref<8x2048xf32, #tpu.memory_space<vmem>>, vector<16xf32>,
          %parallel_loop3A_184 = arith.xori %parallel_loop3A_144, %parallel_loop3A_165 : vector<16xi32>
          %parallel_loop3A_185 = arith.xori %parallel_loop3A_184, %parallel_loop3A_168 : vector<16xi32>
          %parallel_loop3A_186 = arith.constant 524287 : i32
          %parallel_loop3A_187 = vector.broadcast %parallel_loop3A_186 : i32 to vector<16xi32>
          %parallel_loop3A_188 = arith.andi %parallel_loop3A_185, %parallel_loop3A_187 : vector<16xi32>
          %parallel_loop3A_189 = arith.index_cast %parallel_loop3A_170 : i32 to index
          %parallel_loop3A_190 = tpu.vector_load %arg24[%parallel_loop3A_189] {strides = array<i32>} : memref<1024xi32, #tpu.memory_space<vmem>>, vector<16xi32>,
          tpu.vector_store %arg24[%parallel_loop3A_189], %parallel_loop3A_188 {strides = array<i32>} : memref<1024xi32, #tpu.memory_space<vmem>>, vector<16xi32>,
          %parallel_loop3A_191 = arith.mulf %parallel_loop3A_171, %parallel_loop3A_152 : vector<16xf32>
          %parallel_loop3A_192 = arith.constant 1 : i32
          %parallel_loop3A_193 = arith.index_cast %parallel_loop3A_192 : i32 to index
          %parallel_loop3A_194 = arith.index_cast %parallel_loop3A_134 : i32 to index
          %parallel_loop3A_195 = tpu.vector_load %arg13[%parallel_loop3A_193, %parallel_loop3A_194] {strides = array<i32>} : memref<8x2048xf32, #tpu.memory_space<vmem>>, vector<16xf32>,
          tpu.vector_store %arg13[%parallel_loop3A_193, %parallel_loop3A_194], %parallel_loop3A_191 {strides = array<i32>} : memref<8x2048xf32, #tpu.memory_space<vmem>>, vector<16xf32>,
          %parallel_loop3A_196 = arith.mulf %parallel_loop3A_155, %parallel_loop3A_150 : vector<16xf32>
          %parallel_loop3A_197 = arith.xori %parallel_loop3A_144, %parallel_loop3A_166 : vector<16xi32>
          %parallel_loop3A_198 = arith.xori %parallel_loop3A_197, %parallel_loop3A_167 : vector<16xi32>
          %parallel_loop3A_199 = arith.constant 524287 : i32
          %parallel_loop3A_200 = vector.broadcast %parallel_loop3A_199 : i32 to vector<16xi32>
          %parallel_loop3A_201 = arith.andi %parallel_loop3A_198, %parallel_loop3A_200 : vector<16xi32>
          %parallel_loop3A_202 = arith.index_cast %parallel_loop3A_170 : i32 to index
          %parallel_loop3A_203 = tpu.vector_load %arg25[%parallel_loop3A_202] {strides = array<i32>} : memref<1024xi32, #tpu.memory_space<vmem>>, vector<16xi32>,
          tpu.vector_store %arg25[%parallel_loop3A_202], %parallel_loop3A_201 {strides = array<i32>} : memref<1024xi32, #tpu.memory_space<vmem>>, vector<16xi32>,
          %parallel_loop3A_204 = arith.mulf %parallel_loop3A_196, %parallel_loop3A_161 : vector<16xf32>
          %parallel_loop3A_205 = arith.constant 2 : i32
          %parallel_loop3A_206 = arith.index_cast %parallel_loop3A_205 : i32 to index
          %parallel_loop3A_207 = arith.index_cast %parallel_loop3A_134 : i32 to index
          %parallel_loop3A_208 = tpu.vector_load %arg13[%parallel_loop3A_206, %parallel_loop3A_207] {strides = array<i32>} : memref<8x2048xf32, #tpu.memory_space<vmem>>, vector<16xf32>,
          tpu.vector_store %arg13[%parallel_loop3A_206, %parallel_loop3A_207], %parallel_loop3A_204 {strides = array<i32>} : memref<8x2048xf32, #tpu.memory_space<vmem>>, vector<16xf32>,
          %parallel_loop3A_209 = arith.xori %parallel_loop3A_144, %parallel_loop3A_166 : vector<16xi32>
          %parallel_loop3A_210 = arith.xori %parallel_loop3A_209, %parallel_loop3A_168 : vector<16xi32>
          %parallel_loop3A_211 = arith.constant 524287 : i32
          %parallel_loop3A_212 = vector.broadcast %parallel_loop3A_211 : i32 to vector<16xi32>
          %parallel_loop3A_213 = arith.andi %parallel_loop3A_210, %parallel_loop3A_212 : vector<16xi32>
          %parallel_loop3A_214 = arith.index_cast %parallel_loop3A_170 : i32 to index
          %parallel_loop3A_215 = tpu.vector_load %arg26[%parallel_loop3A_214] {strides = array<i32>} : memref<1024xi32, #tpu.memory_space<vmem>>, vector<16xi32>,
          tpu.vector_store %arg26[%parallel_loop3A_214], %parallel_loop3A_213 {strides = array<i32>} : memref<1024xi32, #tpu.memory_space<vmem>>, vector<16xi32>,
          %parallel_loop3A_216 = arith.mulf %parallel_loop3A_196, %parallel_loop3A_152 : vector<16xf32>
          %parallel_loop3A_217 = arith.constant 3 : i32
          %parallel_loop3A_218 = arith.index_cast %parallel_loop3A_217 : i32 to index
          %parallel_loop3A_219 = arith.index_cast %parallel_loop3A_134 : i32 to index
          %parallel_loop3A_220 = tpu.vector_load %arg13[%parallel_loop3A_218, %parallel_loop3A_219] {strides = array<i32>} : memref<8x2048xf32, #tpu.memory_space<vmem>>, vector<16xf32>,
          tpu.vector_store %arg13[%parallel_loop3A_218, %parallel_loop3A_219], %parallel_loop3A_216 {strides = array<i32>} : memref<8x2048xf32, #tpu.memory_space<vmem>>, vector<16xf32>,
          %parallel_loop3A_221 = arith.mulf %parallel_loop3A_148, %parallel_loop3A_158 : vector<16xf32>
          %parallel_loop3A_222 = arith.xori %parallel_loop3A_164, %parallel_loop3A_165 : vector<16xi32>
          %parallel_loop3A_223 = arith.xori %parallel_loop3A_222, %parallel_loop3A_167 : vector<16xi32>
          %parallel_loop3A_224 = arith.constant 524287 : i32
          %parallel_loop3A_225 = vector.broadcast %parallel_loop3A_224 : i32 to vector<16xi32>
          %parallel_loop3A_226 = arith.andi %parallel_loop3A_223, %parallel_loop3A_225 : vector<16xi32>
          %parallel_loop3A_227 = arith.index_cast %parallel_loop3A_170 : i32 to index
          %parallel_loop3A_228 = tpu.vector_load %arg27[%parallel_loop3A_227] {strides = array<i32>} : memref<1024xi32, #tpu.memory_space<vmem>>, vector<16xi32>,
          tpu.vector_store %arg27[%parallel_loop3A_227], %parallel_loop3A_226 {strides = array<i32>} : memref<1024xi32, #tpu.memory_space<vmem>>, vector<16xi32>,
          %parallel_loop3A_229 = arith.mulf %parallel_loop3A_221, %parallel_loop3A_161 : vector<16xf32>
          %parallel_loop3A_230 = arith.constant 4 : i32
          %parallel_loop3A_231 = arith.index_cast %parallel_loop3A_230 : i32 to index
          %parallel_loop3A_232 = arith.index_cast %parallel_loop3A_134 : i32 to index
          %parallel_loop3A_233 = tpu.vector_load %arg13[%parallel_loop3A_231, %parallel_loop3A_232] {strides = array<i32>} : memref<8x2048xf32, #tpu.memory_space<vmem>>, vector<16xf32>,
          tpu.vector_store %arg13[%parallel_loop3A_231, %parallel_loop3A_232], %parallel_loop3A_229 {strides = array<i32>} : memref<8x2048xf32, #tpu.memory_space<vmem>>, vector<16xf32>,
          %parallel_loop3A_234 = arith.xori %parallel_loop3A_164, %parallel_loop3A_165 : vector<16xi32>
          %parallel_loop3A_235 = arith.xori %parallel_loop3A_234, %parallel_loop3A_168 : vector<16xi32>
          %parallel_loop3A_236 = arith.constant 524287 : i32
          %parallel_loop3A_237 = vector.broadcast %parallel_loop3A_236 : i32 to vector<16xi32>
          %parallel_loop3A_238 = arith.andi %parallel_loop3A_235, %parallel_loop3A_237 : vector<16xi32>
          %parallel_loop3A_239 = arith.index_cast %parallel_loop3A_170 : i32 to index
          %parallel_loop3A_240 = tpu.vector_load %arg28[%parallel_loop3A_239] {strides = array<i32>} : memref<1024xi32, #tpu.memory_space<vmem>>, vector<16xi32>,
          tpu.vector_store %arg28[%parallel_loop3A_239], %parallel_loop3A_238 {strides = array<i32>} : memref<1024xi32, #tpu.memory_space<vmem>>, vector<16xi32>,
          %parallel_loop3A_241 = arith.mulf %parallel_loop3A_221, %parallel_loop3A_152 : vector<16xf32>
          %parallel_loop3A_242 = arith.constant 5 : i32
          %parallel_loop3A_243 = arith.index_cast %parallel_loop3A_242 : i32 to index
          %parallel_loop3A_244 = arith.index_cast %parallel_loop3A_134 : i32 to index
          %parallel_loop3A_245 = tpu.vector_load %arg13[%parallel_loop3A_243, %parallel_loop3A_244] {strides = array<i32>} : memref<8x2048xf32, #tpu.memory_space<vmem>>, vector<16xf32>,
          tpu.vector_store %arg13[%parallel_loop3A_243, %parallel_loop3A_244], %parallel_loop3A_241 {strides = array<i32>} : memref<8x2048xf32, #tpu.memory_space<vmem>>, vector<16xf32>,
          %parallel_loop3A_246 = arith.mulf %parallel_loop3A_148, %parallel_loop3A_150 : vector<16xf32>
          %parallel_loop3A_247 = arith.xori %parallel_loop3A_164, %parallel_loop3A_166 : vector<16xi32>
          %parallel_loop3A_248 = arith.xori %parallel_loop3A_247, %parallel_loop3A_167 : vector<16xi32>
          %parallel_loop3A_249 = arith.constant 524287 : i32
          %parallel_loop3A_250 = vector.broadcast %parallel_loop3A_249 : i32 to vector<16xi32>
          %parallel_loop3A_251 = arith.andi %parallel_loop3A_248, %parallel_loop3A_250 : vector<16xi32>
          %parallel_loop3A_252 = arith.index_cast %parallel_loop3A_170 : i32 to index
          %parallel_loop3A_253 = tpu.vector_load %arg29[%parallel_loop3A_252] {strides = array<i32>} : memref<1024xi32, #tpu.memory_space<vmem>>, vector<16xi32>,
          tpu.vector_store %arg29[%parallel_loop3A_252], %parallel_loop3A_251 {strides = array<i32>} : memref<1024xi32, #tpu.memory_space<vmem>>, vector<16xi32>,
          %parallel_loop3A_254 = arith.mulf %parallel_loop3A_246, %parallel_loop3A_161 : vector<16xf32>
          %parallel_loop3A_255 = arith.constant 6 : i32
          %parallel_loop3A_256 = arith.index_cast %parallel_loop3A_255 : i32 to index
          %parallel_loop3A_257 = arith.index_cast %parallel_loop3A_134 : i32 to index
          %parallel_loop3A_258 = tpu.vector_load %arg13[%parallel_loop3A_256, %parallel_loop3A_257] {strides = array<i32>} : memref<8x2048xf32, #tpu.memory_space<vmem>>, vector<16xf32>,
          tpu.vector_store %arg13[%parallel_loop3A_256, %parallel_loop3A_257], %parallel_loop3A_254 {strides = array<i32>} : memref<8x2048xf32, #tpu.memory_space<vmem>>, vector<16xf32>,
          %parallel_loop3A_259 = arith.xori %parallel_loop3A_164, %parallel_loop3A_166 : vector<16xi32>
          %parallel_loop3A_260 = arith.xori %parallel_loop3A_259, %parallel_loop3A_168 : vector<16xi32>
          %parallel_loop3A_261 = arith.constant 524287 : i32
          %parallel_loop3A_262 = vector.broadcast %parallel_loop3A_261 : i32 to vector<16xi32>
          %parallel_loop3A_263 = arith.andi %parallel_loop3A_260, %parallel_loop3A_262 : vector<16xi32>
          %parallel_loop3A_264 = arith.index_cast %parallel_loop3A_170 : i32 to index
          %parallel_loop3A_265 = tpu.vector_load %arg30[%parallel_loop3A_264] {strides = array<i32>} : memref<1024xi32, #tpu.memory_space<vmem>>, vector<16xi32>,
          tpu.vector_store %arg30[%parallel_loop3A_264], %parallel_loop3A_263 {strides = array<i32>} : memref<1024xi32, #tpu.memory_space<vmem>>, vector<16xi32>,
          %parallel_loop3A_266 = arith.mulf %parallel_loop3A_246, %parallel_loop3A_152 : vector<16xf32>
          %parallel_loop3A_267 = arith.constant 7 : i32
          %parallel_loop3A_268 = arith.index_cast %parallel_loop3A_267 : i32 to index
          %parallel_loop3A_269 = arith.index_cast %parallel_loop3A_134 : i32 to index
          %parallel_loop3A_270 = tpu.vector_load %arg13[%parallel_loop3A_268, %parallel_loop3A_269] {strides = array<i32>} : memref<8x2048xf32, #tpu.memory_space<vmem>>, vector<16xf32>,
          tpu.vector_store %arg13[%parallel_loop3A_268, %parallel_loop3A_269], %parallel_loop3A_266 {strides = array<i32>} : memref<8x2048xf32, #tpu.memory_space<vmem>>, vector<16xf32>,
        } {sc.loop_unroll_factor = 4 : i64, sc.parallel_access}
        %dma_start3A = arith.constant 0 : i32
        %dma_start3A_47 = tpu.memref_slice %arg16[%dma_start3A] : memref<524288xi32, #tpu.memory_space<vmem_shared>> -> memref<524288xi32, #tpu.memory_space<vmem_shared>>
        tpu.enqueue_indirect_dma source(%dma_start3A_47 : memref<524288xi32, #tpu.memory_space<vmem_shared>>) target(%arg39 : memref<1024xi32, #tpu.memory_space<vmem>>) offsets(%arg23 : memref<1024xi32, #tpu.memory_space<vmem>>) semaphore(%arg21 : memref<!tpu.dma_semaphore, #tpu.memory_space<semaphore_mem>>)
        %dma_start3A_48 = arith.constant 0 : i32
        %dma_start3A_49 = tpu.memref_slice %arg16[%dma_start3A_48] : memref<524288xi32, #tpu.memory_space<vmem_shared>> -> memref<524288xi32, #tpu.memory_space<vmem_shared>>
        tpu.enqueue_indirect_dma source(%dma_start3A_49 : memref<524288xi32, #tpu.memory_space<vmem_shared>>) target(%arg40 : memref<1024xi32, #tpu.memory_space<vmem>>) offsets(%arg24 : memref<1024xi32, #tpu.memory_space<vmem>>) semaphore(%arg21 : memref<!tpu.dma_semaphore, #tpu.memory_space<semaphore_mem>>)
        %dma_start3A_50 = arith.constant 0 : i32
        %dma_start3A_51 = tpu.memref_slice %arg16[%dma_start3A_50] : memref<524288xi32, #tpu.memory_space<vmem_shared>> -> memref<524288xi32, #tpu.memory_space<vmem_shared>>
        tpu.enqueue_indirect_dma source(%dma_start3A_51 : memref<524288xi32, #tpu.memory_space<vmem_shared>>) target(%arg41 : memref<1024xi32, #tpu.memory_space<vmem>>) offsets(%arg25 : memref<1024xi32, #tpu.memory_space<vmem>>) semaphore(%arg21 : memref<!tpu.dma_semaphore, #tpu.memory_space<semaphore_mem>>)
        %dma_start3A_52 = arith.constant 0 : i32
        %dma_start3A_53 = tpu.memref_slice %arg16[%dma_start3A_52] : memref<524288xi32, #tpu.memory_space<vmem_shared>> -> memref<524288xi32, #tpu.memory_space<vmem_shared>>
        tpu.enqueue_indirect_dma source(%dma_start3A_53 : memref<524288xi32, #tpu.memory_space<vmem_shared>>) target(%arg42 : memref<1024xi32, #tpu.memory_space<vmem>>) offsets(%arg26 : memref<1024xi32, #tpu.memory_space<vmem>>) semaphore(%arg21 : memref<!tpu.dma_semaphore, #tpu.memory_space<semaphore_mem>>)
        %dma_start3A_54 = arith.constant 0 : i32
        %dma_start3A_55 = tpu.memref_slice %arg16[%dma_start3A_54] : memref<524288xi32, #tpu.memory_space<vmem_shared>> -> memref<524288xi32, #tpu.memory_space<vmem_shared>>
        tpu.enqueue_indirect_dma source(%dma_start3A_55 : memref<524288xi32, #tpu.memory_space<vmem_shared>>) target(%arg43 : memref<1024xi32, #tpu.memory_space<vmem>>) offsets(%arg27 : memref<1024xi32, #tpu.memory_space<vmem>>) semaphore(%arg21 : memref<!tpu.dma_semaphore, #tpu.memory_space<semaphore_mem>>)
        %dma_start3A_56 = arith.constant 0 : i32
        %dma_start3A_57 = tpu.memref_slice %arg16[%dma_start3A_56] : memref<524288xi32, #tpu.memory_space<vmem_shared>> -> memref<524288xi32, #tpu.memory_space<vmem_shared>>
        tpu.enqueue_indirect_dma source(%dma_start3A_57 : memref<524288xi32, #tpu.memory_space<vmem_shared>>) target(%arg44 : memref<1024xi32, #tpu.memory_space<vmem>>) offsets(%arg28 : memref<1024xi32, #tpu.memory_space<vmem>>) semaphore(%arg21 : memref<!tpu.dma_semaphore, #tpu.memory_space<semaphore_mem>>)
        %dma_start3A_58 = arith.constant 0 : i32
        %dma_start3A_59 = tpu.memref_slice %arg16[%dma_start3A_58] : memref<524288xi32, #tpu.memory_space<vmem_shared>> -> memref<524288xi32, #tpu.memory_space<vmem_shared>>
        tpu.enqueue_indirect_dma source(%dma_start3A_59 : memref<524288xi32, #tpu.memory_space<vmem_shared>>) target(%arg45 : memref<1024xi32, #tpu.memory_space<vmem>>) offsets(%arg29 : memref<1024xi32, #tpu.memory_space<vmem>>) semaphore(%arg21 : memref<!tpu.dma_semaphore, #tpu.memory_space<semaphore_mem>>)
        %dma_start3A_60 = arith.constant 0 : i32
        %dma_start3A_61 = tpu.memref_slice %arg16[%dma_start3A_60] : memref<524288xi32, #tpu.memory_space<vmem_shared>> -> memref<524288xi32, #tpu.memory_space<vmem_shared>>
        tpu.enqueue_indirect_dma source(%dma_start3A_61 : memref<524288xi32, #tpu.memory_space<vmem_shared>>) target(%arg46 : memref<1024xi32, #tpu.memory_space<vmem>>) offsets(%arg30 : memref<1024xi32, #tpu.memory_space<vmem>>) semaphore(%arg21 : memref<!tpu.dma_semaphore, #tpu.memory_space<semaphore_mem>>)
        %parallel_loop3A_62 = arith.constant 0 : i32
        %parallel_loop3A_63 = arith.constant 64 : i32
        %parallel_loop3A_64 = arith.constant 1 : i32
        scf.for %parallel_loop3A_130 = %parallel_loop3A_62 to %parallel_loop3A_63 step %parallel_loop3A_64  : i32 {
          %parallel_loop3A_131 = arith.constant 16 : i32
          %parallel_loop3A_132 = arith.muli %parallel_loop3A_130, %parallel_loop3A_131 : i32
          %parallel_loop3A_133 = arith.constant 1024 : i32
          %parallel_loop3A_134 = arith.addi %parallel_loop3A_133, %parallel_loop3A_132 : i32
          %parallel_loop3A_135 = arith.index_cast %parallel_loop3A_134 : i32 to index
          %parallel_loop3A_136 = tpu.vector_load %arg10[%parallel_loop3A_135] {strides = array<i32>} : memref<2048xf32, #tpu.memory_space<vmem>>, vector<16xf32>,
          %parallel_loop3A_137 = arith.mulf %parallel_loop3A_136, %gather3A : vector<16xf32>
          %parallel_loop3A_138 = arith.index_cast %parallel_loop3A_134 : i32 to index
          %parallel_loop3A_139 = tpu.vector_load %arg11[%parallel_loop3A_138] {strides = array<i32>} : memref<2048xf32, #tpu.memory_space<vmem>>, vector<16xf32>,
          %parallel_loop3A_140 = arith.mulf %parallel_loop3A_139, %gather3A : vector<16xf32>
          %parallel_loop3A_141 = arith.index_cast %parallel_loop3A_134 : i32 to index
          %parallel_loop3A_142 = tpu.vector_load %arg12[%parallel_loop3A_141] {strides = array<i32>} : memref<2048xf32, #tpu.memory_space<vmem>>, vector<16xf32>,
          %parallel_loop3A_143 = arith.mulf %parallel_loop3A_142, %gather3A : vector<16xf32>
          %parallel_loop3A_144 = arith.fptosi %parallel_loop3A_137 : vector<16xf32> to vector<16xi32>
          %parallel_loop3A_145 = arith.fptosi %parallel_loop3A_140 : vector<16xf32> to vector<16xi32>
          %parallel_loop3A_146 = arith.fptosi %parallel_loop3A_143 : vector<16xf32> to vector<16xi32>
          %parallel_loop3A_147 = arith.sitofp %parallel_loop3A_144 : vector<16xi32> to vector<16xf32>
          %parallel_loop3A_148 = arith.subf %parallel_loop3A_137, %parallel_loop3A_147 : vector<16xf32>
          %parallel_loop3A_149 = arith.sitofp %parallel_loop3A_145 : vector<16xi32> to vector<16xf32>
          %parallel_loop3A_150 = arith.subf %parallel_loop3A_140, %parallel_loop3A_149 : vector<16xf32>
          %parallel_loop3A_151 = arith.sitofp %parallel_loop3A_146 : vector<16xi32> to vector<16xf32>
          %parallel_loop3A_152 = arith.subf %parallel_loop3A_143, %parallel_loop3A_151 : vector<16xf32>
          %parallel_loop3A_153 = arith.constant 1.000000e+00 : f32
          %parallel_loop3A_154 = vector.broadcast %parallel_loop3A_153 : f32 to vector<16xf32>
          %parallel_loop3A_155 = arith.subf %parallel_loop3A_154, %parallel_loop3A_148 : vector<16xf32>
          %parallel_loop3A_156 = arith.constant 1.000000e+00 : f32
          %parallel_loop3A_157 = vector.broadcast %parallel_loop3A_156 : f32 to vector<16xf32>
          %parallel_loop3A_158 = arith.subf %parallel_loop3A_157, %parallel_loop3A_150 : vector<16xf32>
          %parallel_loop3A_159 = arith.constant 1.000000e+00 : f32
          %parallel_loop3A_160 = vector.broadcast %parallel_loop3A_159 : f32 to vector<16xf32>
          %parallel_loop3A_161 = arith.subf %parallel_loop3A_160, %parallel_loop3A_152 : vector<16xf32>
          %parallel_loop3A_162 = arith.constant 1 : i32
          %parallel_loop3A_163 = vector.broadcast %parallel_loop3A_162 : i32 to vector<16xi32>
          %parallel_loop3A_164 = arith.addi %parallel_loop3A_144, %parallel_loop3A_163 : vector<16xi32>
          %parallel_loop3A_165 = arith.muli %parallel_loop3A_145, %gather3A_20 : vector<16xi32>
          %parallel_loop3A_166 = arith.addi %parallel_loop3A_165, %gather3A_20 : vector<16xi32>
          %parallel_loop3A_167 = arith.muli %parallel_loop3A_146, %gather3A_21 : vector<16xi32>
          %parallel_loop3A_168 = arith.addi %parallel_loop3A_167, %gather3A_21 : vector<16xi32>
          %parallel_loop3A_169 = arith.constant 16 : i32
          %parallel_loop3A_170 = arith.muli %parallel_loop3A_130, %parallel_loop3A_169 : i32
          %parallel_loop3A_171 = arith.mulf %parallel_loop3A_155, %parallel_loop3A_158 : vector<16xf32>
          %parallel_loop3A_172 = arith.xori %parallel_loop3A_144, %parallel_loop3A_165 : vector<16xi32>
          %parallel_loop3A_173 = arith.xori %parallel_loop3A_172, %parallel_loop3A_167 : vector<16xi32>
          %parallel_loop3A_174 = arith.constant 524287 : i32
          %parallel_loop3A_175 = vector.broadcast %parallel_loop3A_174 : i32 to vector<16xi32>
          %parallel_loop3A_176 = arith.andi %parallel_loop3A_173, %parallel_loop3A_175 : vector<16xi32>
          %parallel_loop3A_177 = arith.index_cast %parallel_loop3A_170 : i32 to index
          %parallel_loop3A_178 = tpu.vector_load %arg31[%parallel_loop3A_177] {strides = array<i32>} : memref<1024xi32, #tpu.memory_space<vmem>>, vector<16xi32>,
          tpu.vector_store %arg31[%parallel_loop3A_177], %parallel_loop3A_176 {strides = array<i32>} : memref<1024xi32, #tpu.memory_space<vmem>>, vector<16xi32>,
          %parallel_loop3A_179 = arith.mulf %parallel_loop3A_171, %parallel_loop3A_161 : vector<16xf32>
          %parallel_loop3A_180 = arith.constant 0 : i32
          %parallel_loop3A_181 = arith.index_cast %parallel_loop3A_180 : i32 to index
          %parallel_loop3A_182 = arith.index_cast %parallel_loop3A_134 : i32 to index
          %parallel_loop3A_183 = tpu.vector_load %arg13[%parallel_loop3A_181, %parallel_loop3A_182] {strides = array<i32>} : memref<8x2048xf32, #tpu.memory_space<vmem>>, vector<16xf32>,
          tpu.vector_store %arg13[%parallel_loop3A_181, %parallel_loop3A_182], %parallel_loop3A_179 {strides = array<i32>} : memref<8x2048xf32, #tpu.memory_space<vmem>>, vector<16xf32>,
          %parallel_loop3A_184 = arith.xori %parallel_loop3A_144, %parallel_loop3A_165 : vector<16xi32>
          %parallel_loop3A_185 = arith.xori %parallel_loop3A_184, %parallel_loop3A_168 : vector<16xi32>
          %parallel_loop3A_186 = arith.constant 524287 : i32
          %parallel_loop3A_187 = vector.broadcast %parallel_loop3A_186 : i32 to vector<16xi32>
          %parallel_loop3A_188 = arith.andi %parallel_loop3A_185, %parallel_loop3A_187 : vector<16xi32>
          %parallel_loop3A_189 = arith.index_cast %parallel_loop3A_170 : i32 to index
          %parallel_loop3A_190 = tpu.vector_load %arg32[%parallel_loop3A_189] {strides = array<i32>} : memref<1024xi32, #tpu.memory_space<vmem>>, vector<16xi32>,
          tpu.vector_store %arg32[%parallel_loop3A_189], %parallel_loop3A_188 {strides = array<i32>} : memref<1024xi32, #tpu.memory_space<vmem>>, vector<16xi32>,
          %parallel_loop3A_191 = arith.mulf %parallel_loop3A_171, %parallel_loop3A_152 : vector<16xf32>
          %parallel_loop3A_192 = arith.constant 1 : i32
          %parallel_loop3A_193 = arith.index_cast %parallel_loop3A_192 : i32 to index
          %parallel_loop3A_194 = arith.index_cast %parallel_loop3A_134 : i32 to index
          %parallel_loop3A_195 = tpu.vector_load %arg13[%parallel_loop3A_193, %parallel_loop3A_194] {strides = array<i32>} : memref<8x2048xf32, #tpu.memory_space<vmem>>, vector<16xf32>,
          tpu.vector_store %arg13[%parallel_loop3A_193, %parallel_loop3A_194], %parallel_loop3A_191 {strides = array<i32>} : memref<8x2048xf32, #tpu.memory_space<vmem>>, vector<16xf32>,
          %parallel_loop3A_196 = arith.mulf %parallel_loop3A_155, %parallel_loop3A_150 : vector<16xf32>
          %parallel_loop3A_197 = arith.xori %parallel_loop3A_144, %parallel_loop3A_166 : vector<16xi32>
          %parallel_loop3A_198 = arith.xori %parallel_loop3A_197, %parallel_loop3A_167 : vector<16xi32>
          %parallel_loop3A_199 = arith.constant 524287 : i32
          %parallel_loop3A_200 = vector.broadcast %parallel_loop3A_199 : i32 to vector<16xi32>
          %parallel_loop3A_201 = arith.andi %parallel_loop3A_198, %parallel_loop3A_200 : vector<16xi32>
          %parallel_loop3A_202 = arith.index_cast %parallel_loop3A_170 : i32 to index
          %parallel_loop3A_203 = tpu.vector_load %arg33[%parallel_loop3A_202] {strides = array<i32>} : memref<1024xi32, #tpu.memory_space<vmem>>, vector<16xi32>,
          tpu.vector_store %arg33[%parallel_loop3A_202], %parallel_loop3A_201 {strides = array<i32>} : memref<1024xi32, #tpu.memory_space<vmem>>, vector<16xi32>,
          %parallel_loop3A_204 = arith.mulf %parallel_loop3A_196, %parallel_loop3A_161 : vector<16xf32>
          %parallel_loop3A_205 = arith.constant 2 : i32
          %parallel_loop3A_206 = arith.index_cast %parallel_loop3A_205 : i32 to index
          %parallel_loop3A_207 = arith.index_cast %parallel_loop3A_134 : i32 to index
          %parallel_loop3A_208 = tpu.vector_load %arg13[%parallel_loop3A_206, %parallel_loop3A_207] {strides = array<i32>} : memref<8x2048xf32, #tpu.memory_space<vmem>>, vector<16xf32>,
          tpu.vector_store %arg13[%parallel_loop3A_206, %parallel_loop3A_207], %parallel_loop3A_204 {strides = array<i32>} : memref<8x2048xf32, #tpu.memory_space<vmem>>, vector<16xf32>,
          %parallel_loop3A_209 = arith.xori %parallel_loop3A_144, %parallel_loop3A_166 : vector<16xi32>
          %parallel_loop3A_210 = arith.xori %parallel_loop3A_209, %parallel_loop3A_168 : vector<16xi32>
          %parallel_loop3A_211 = arith.constant 524287 : i32
          %parallel_loop3A_212 = vector.broadcast %parallel_loop3A_211 : i32 to vector<16xi32>
          %parallel_loop3A_213 = arith.andi %parallel_loop3A_210, %parallel_loop3A_212 : vector<16xi32>
          %parallel_loop3A_214 = arith.index_cast %parallel_loop3A_170 : i32 to index
          %parallel_loop3A_215 = tpu.vector_load %arg34[%parallel_loop3A_214] {strides = array<i32>} : memref<1024xi32, #tpu.memory_space<vmem>>, vector<16xi32>,
          tpu.vector_store %arg34[%parallel_loop3A_214], %parallel_loop3A_213 {strides = array<i32>} : memref<1024xi32, #tpu.memory_space<vmem>>, vector<16xi32>,
          %parallel_loop3A_216 = arith.mulf %parallel_loop3A_196, %parallel_loop3A_152 : vector<16xf32>
          %parallel_loop3A_217 = arith.constant 3 : i32
          %parallel_loop3A_218 = arith.index_cast %parallel_loop3A_217 : i32 to index
          %parallel_loop3A_219 = arith.index_cast %parallel_loop3A_134 : i32 to index
          %parallel_loop3A_220 = tpu.vector_load %arg13[%parallel_loop3A_218, %parallel_loop3A_219] {strides = array<i32>} : memref<8x2048xf32, #tpu.memory_space<vmem>>, vector<16xf32>,
          tpu.vector_store %arg13[%parallel_loop3A_218, %parallel_loop3A_219], %parallel_loop3A_216 {strides = array<i32>} : memref<8x2048xf32, #tpu.memory_space<vmem>>, vector<16xf32>,
          %parallel_loop3A_221 = arith.mulf %parallel_loop3A_148, %parallel_loop3A_158 : vector<16xf32>
          %parallel_loop3A_222 = arith.xori %parallel_loop3A_164, %parallel_loop3A_165 : vector<16xi32>
          %parallel_loop3A_223 = arith.xori %parallel_loop3A_222, %parallel_loop3A_167 : vector<16xi32>
          %parallel_loop3A_224 = arith.constant 524287 : i32
          %parallel_loop3A_225 = vector.broadcast %parallel_loop3A_224 : i32 to vector<16xi32>
          %parallel_loop3A_226 = arith.andi %parallel_loop3A_223, %parallel_loop3A_225 : vector<16xi32>
          %parallel_loop3A_227 = arith.index_cast %parallel_loop3A_170 : i32 to index
          %parallel_loop3A_228 = tpu.vector_load %arg35[%parallel_loop3A_227] {strides = array<i32>} : memref<1024xi32, #tpu.memory_space<vmem>>, vector<16xi32>,
          tpu.vector_store %arg35[%parallel_loop3A_227], %parallel_loop3A_226 {strides = array<i32>} : memref<1024xi32, #tpu.memory_space<vmem>>, vector<16xi32>,
          %parallel_loop3A_229 = arith.mulf %parallel_loop3A_221, %parallel_loop3A_161 : vector<16xf32>
          %parallel_loop3A_230 = arith.constant 4 : i32
          %parallel_loop3A_231 = arith.index_cast %parallel_loop3A_230 : i32 to index
          %parallel_loop3A_232 = arith.index_cast %parallel_loop3A_134 : i32 to index
          %parallel_loop3A_233 = tpu.vector_load %arg13[%parallel_loop3A_231, %parallel_loop3A_232] {strides = array<i32>} : memref<8x2048xf32, #tpu.memory_space<vmem>>, vector<16xf32>,
          tpu.vector_store %arg13[%parallel_loop3A_231, %parallel_loop3A_232], %parallel_loop3A_229 {strides = array<i32>} : memref<8x2048xf32, #tpu.memory_space<vmem>>, vector<16xf32>,
          %parallel_loop3A_234 = arith.xori %parallel_loop3A_164, %parallel_loop3A_165 : vector<16xi32>
          %parallel_loop3A_235 = arith.xori %parallel_loop3A_234, %parallel_loop3A_168 : vector<16xi32>
          %parallel_loop3A_236 = arith.constant 524287 : i32
          %parallel_loop3A_237 = vector.broadcast %parallel_loop3A_236 : i32 to vector<16xi32>
          %parallel_loop3A_238 = arith.andi %parallel_loop3A_235, %parallel_loop3A_237 : vector<16xi32>
          %parallel_loop3A_239 = arith.index_cast %parallel_loop3A_170 : i32 to index
          %parallel_loop3A_240 = tpu.vector_load %arg36[%parallel_loop3A_239] {strides = array<i32>} : memref<1024xi32, #tpu.memory_space<vmem>>, vector<16xi32>,
          tpu.vector_store %arg36[%parallel_loop3A_239], %parallel_loop3A_238 {strides = array<i32>} : memref<1024xi32, #tpu.memory_space<vmem>>, vector<16xi32>,
          %parallel_loop3A_241 = arith.mulf %parallel_loop3A_221, %parallel_loop3A_152 : vector<16xf32>
          %parallel_loop3A_242 = arith.constant 5 : i32
          %parallel_loop3A_243 = arith.index_cast %parallel_loop3A_242 : i32 to index
          %parallel_loop3A_244 = arith.index_cast %parallel_loop3A_134 : i32 to index
          %parallel_loop3A_245 = tpu.vector_load %arg13[%parallel_loop3A_243, %parallel_loop3A_244] {strides = array<i32>} : memref<8x2048xf32, #tpu.memory_space<vmem>>, vector<16xf32>,
          tpu.vector_store %arg13[%parallel_loop3A_243, %parallel_loop3A_244], %parallel_loop3A_241 {strides = array<i32>} : memref<8x2048xf32, #tpu.memory_space<vmem>>, vector<16xf32>,
          %parallel_loop3A_246 = arith.mulf %parallel_loop3A_148, %parallel_loop3A_150 : vector<16xf32>
          %parallel_loop3A_247 = arith.xori %parallel_loop3A_164, %parallel_loop3A_166 : vector<16xi32>
          %parallel_loop3A_248 = arith.xori %parallel_loop3A_247, %parallel_loop3A_167 : vector<16xi32>
          %parallel_loop3A_249 = arith.constant 524287 : i32
          %parallel_loop3A_250 = vector.broadcast %parallel_loop3A_249 : i32 to vector<16xi32>
          %parallel_loop3A_251 = arith.andi %parallel_loop3A_248, %parallel_loop3A_250 : vector<16xi32>
          %parallel_loop3A_252 = arith.index_cast %parallel_loop3A_170 : i32 to index
          %parallel_loop3A_253 = tpu.vector_load %arg37[%parallel_loop3A_252] {strides = array<i32>} : memref<1024xi32, #tpu.memory_space<vmem>>, vector<16xi32>,
          tpu.vector_store %arg37[%parallel_loop3A_252], %parallel_loop3A_251 {strides = array<i32>} : memref<1024xi32, #tpu.memory_space<vmem>>, vector<16xi32>,
          %parallel_loop3A_254 = arith.mulf %parallel_loop3A_246, %parallel_loop3A_161 : vector<16xf32>
          %parallel_loop3A_255 = arith.constant 6 : i32
          %parallel_loop3A_256 = arith.index_cast %parallel_loop3A_255 : i32 to index
          %parallel_loop3A_257 = arith.index_cast %parallel_loop3A_134 : i32 to index
          %parallel_loop3A_258 = tpu.vector_load %arg13[%parallel_loop3A_256, %parallel_loop3A_257] {strides = array<i32>} : memref<8x2048xf32, #tpu.memory_space<vmem>>, vector<16xf32>,
          tpu.vector_store %arg13[%parallel_loop3A_256, %parallel_loop3A_257], %parallel_loop3A_254 {strides = array<i32>} : memref<8x2048xf32, #tpu.memory_space<vmem>>, vector<16xf32>,
          %parallel_loop3A_259 = arith.xori %parallel_loop3A_164, %parallel_loop3A_166 : vector<16xi32>
          %parallel_loop3A_260 = arith.xori %parallel_loop3A_259, %parallel_loop3A_168 : vector<16xi32>
          %parallel_loop3A_261 = arith.constant 524287 : i32
          %parallel_loop3A_262 = vector.broadcast %parallel_loop3A_261 : i32 to vector<16xi32>
          %parallel_loop3A_263 = arith.andi %parallel_loop3A_260, %parallel_loop3A_262 : vector<16xi32>
          %parallel_loop3A_264 = arith.index_cast %parallel_loop3A_170 : i32 to index
          %parallel_loop3A_265 = tpu.vector_load %arg38[%parallel_loop3A_264] {strides = array<i32>} : memref<1024xi32, #tpu.memory_space<vmem>>, vector<16xi32>,
          tpu.vector_store %arg38[%parallel_loop3A_264], %parallel_loop3A_263 {strides = array<i32>} : memref<1024xi32, #tpu.memory_space<vmem>>, vector<16xi32>,
          %parallel_loop3A_266 = arith.mulf %parallel_loop3A_246, %parallel_loop3A_152 : vector<16xf32>
          %parallel_loop3A_267 = arith.constant 7 : i32
          %parallel_loop3A_268 = arith.index_cast %parallel_loop3A_267 : i32 to index
          %parallel_loop3A_269 = arith.index_cast %parallel_loop3A_134 : i32 to index
          %parallel_loop3A_270 = tpu.vector_load %arg13[%parallel_loop3A_268, %parallel_loop3A_269] {strides = array<i32>} : memref<8x2048xf32, #tpu.memory_space<vmem>>, vector<16xf32>,
          tpu.vector_store %arg13[%parallel_loop3A_268, %parallel_loop3A_269], %parallel_loop3A_266 {strides = array<i32>} : memref<8x2048xf32, #tpu.memory_space<vmem>>, vector<16xf32>,
        } {sc.loop_unroll_factor = 4 : i64, sc.parallel_access}
        %dma_start3A_65 = arith.constant 0 : i32
        %dma_start3A_66 = tpu.memref_slice %arg16[%dma_start3A_65] : memref<524288xi32, #tpu.memory_space<vmem_shared>> -> memref<524288xi32, #tpu.memory_space<vmem_shared>>
        tpu.enqueue_indirect_dma source(%dma_start3A_66 : memref<524288xi32, #tpu.memory_space<vmem_shared>>) target(%arg47 : memref<1024xi32, #tpu.memory_space<vmem>>) offsets(%arg31 : memref<1024xi32, #tpu.memory_space<vmem>>) semaphore(%arg22 : memref<!tpu.dma_semaphore, #tpu.memory_space<semaphore_mem>>)
        %dma_start3A_67 = arith.constant 0 : i32
        %dma_start3A_68 = tpu.memref_slice %arg16[%dma_start3A_67] : memref<524288xi32, #tpu.memory_space<vmem_shared>> -> memref<524288xi32, #tpu.memory_space<vmem_shared>>
        tpu.enqueue_indirect_dma source(%dma_start3A_68 : memref<524288xi32, #tpu.memory_space<vmem_shared>>) target(%arg48 : memref<1024xi32, #tpu.memory_space<vmem>>) offsets(%arg32 : memref<1024xi32, #tpu.memory_space<vmem>>) semaphore(%arg22 : memref<!tpu.dma_semaphore, #tpu.memory_space<semaphore_mem>>)
        %dma_start3A_69 = arith.constant 0 : i32
        %dma_start3A_70 = tpu.memref_slice %arg16[%dma_start3A_69] : memref<524288xi32, #tpu.memory_space<vmem_shared>> -> memref<524288xi32, #tpu.memory_space<vmem_shared>>
        tpu.enqueue_indirect_dma source(%dma_start3A_70 : memref<524288xi32, #tpu.memory_space<vmem_shared>>) target(%arg49 : memref<1024xi32, #tpu.memory_space<vmem>>) offsets(%arg33 : memref<1024xi32, #tpu.memory_space<vmem>>) semaphore(%arg22 : memref<!tpu.dma_semaphore, #tpu.memory_space<semaphore_mem>>)
        %dma_start3A_71 = arith.constant 0 : i32
        %dma_start3A_72 = tpu.memref_slice %arg16[%dma_start3A_71] : memref<524288xi32, #tpu.memory_space<vmem_shared>> -> memref<524288xi32, #tpu.memory_space<vmem_shared>>
        tpu.enqueue_indirect_dma source(%dma_start3A_72 : memref<524288xi32, #tpu.memory_space<vmem_shared>>) target(%arg50 : memref<1024xi32, #tpu.memory_space<vmem>>) offsets(%arg34 : memref<1024xi32, #tpu.memory_space<vmem>>) semaphore(%arg22 : memref<!tpu.dma_semaphore, #tpu.memory_space<semaphore_mem>>)
        %dma_start3A_73 = arith.constant 0 : i32
        %dma_start3A_74 = tpu.memref_slice %arg16[%dma_start3A_73] : memref<524288xi32, #tpu.memory_space<vmem_shared>> -> memref<524288xi32, #tpu.memory_space<vmem_shared>>
        tpu.enqueue_indirect_dma source(%dma_start3A_74 : memref<524288xi32, #tpu.memory_space<vmem_shared>>) target(%arg51 : memref<1024xi32, #tpu.memory_space<vmem>>) offsets(%arg35 : memref<1024xi32, #tpu.memory_space<vmem>>) semaphore(%arg22 : memref<!tpu.dma_semaphore, #tpu.memory_space<semaphore_mem>>)
        %dma_start3A_75 = arith.constant 0 : i32
        %dma_start3A_76 = tpu.memref_slice %arg16[%dma_start3A_75] : memref<524288xi32, #tpu.memory_space<vmem_shared>> -> memref<524288xi32, #tpu.memory_space<vmem_shared>>
        tpu.enqueue_indirect_dma source(%dma_start3A_76 : memref<524288xi32, #tpu.memory_space<vmem_shared>>) target(%arg52 : memref<1024xi32, #tpu.memory_space<vmem>>) offsets(%arg36 : memref<1024xi32, #tpu.memory_space<vmem>>) semaphore(%arg22 : memref<!tpu.dma_semaphore, #tpu.memory_space<semaphore_mem>>)
        %dma_start3A_77 = arith.constant 0 : i32
        %dma_start3A_78 = tpu.memref_slice %arg16[%dma_start3A_77] : memref<524288xi32, #tpu.memory_space<vmem_shared>> -> memref<524288xi32, #tpu.memory_space<vmem_shared>>
        tpu.enqueue_indirect_dma source(%dma_start3A_78 : memref<524288xi32, #tpu.memory_space<vmem_shared>>) target(%arg53 : memref<1024xi32, #tpu.memory_space<vmem>>) offsets(%arg37 : memref<1024xi32, #tpu.memory_space<vmem>>) semaphore(%arg22 : memref<!tpu.dma_semaphore, #tpu.memory_space<semaphore_mem>>)
        %dma_start3A_79 = arith.constant 0 : i32
        %dma_start3A_80 = tpu.memref_slice %arg16[%dma_start3A_79] : memref<524288xi32, #tpu.memory_space<vmem_shared>> -> memref<524288xi32, #tpu.memory_space<vmem_shared>>
        tpu.enqueue_indirect_dma source(%dma_start3A_80 : memref<524288xi32, #tpu.memory_space<vmem_shared>>) target(%arg54 : memref<1024xi32, #tpu.memory_space<vmem>>) offsets(%arg38 : memref<1024xi32, #tpu.memory_space<vmem>>) semaphore(%arg22 : memref<!tpu.dma_semaphore, #tpu.memory_space<semaphore_mem>>)
        %dma_wait3A = arith.constant 0 : i32
        %dma_wait3A_81 = tpu.memref_slice %arg16[%dma_wait3A] : memref<524288xi32, #tpu.memory_space<vmem_shared>> -> memref<524288xi32, #tpu.memory_space<vmem_shared>>
        tpu.wait_indirect_dma semaphore(%arg21 : memref<!tpu.dma_semaphore, #tpu.memory_space<semaphore_mem>>) src(%dma_wait3A_81 : memref<524288xi32, #tpu.memory_space<vmem_shared>>) dst(%arg39 : memref<1024xi32, #tpu.memory_space<vmem>>)
        %dma_wait3A_82 = arith.constant 0 : i32
        %dma_wait3A_83 = tpu.memref_slice %arg16[%dma_wait3A_82] : memref<524288xi32, #tpu.memory_space<vmem_shared>> -> memref<524288xi32, #tpu.memory_space<vmem_shared>>
        tpu.wait_indirect_dma semaphore(%arg21 : memref<!tpu.dma_semaphore, #tpu.memory_space<semaphore_mem>>) src(%dma_wait3A_83 : memref<524288xi32, #tpu.memory_space<vmem_shared>>) dst(%arg40 : memref<1024xi32, #tpu.memory_space<vmem>>)
        %dma_wait3A_84 = arith.constant 0 : i32
        %dma_wait3A_85 = tpu.memref_slice %arg16[%dma_wait3A_84] : memref<524288xi32, #tpu.memory_space<vmem_shared>> -> memref<524288xi32, #tpu.memory_space<vmem_shared>>
        tpu.wait_indirect_dma semaphore(%arg21 : memref<!tpu.dma_semaphore, #tpu.memory_space<semaphore_mem>>) src(%dma_wait3A_85 : memref<524288xi32, #tpu.memory_space<vmem_shared>>) dst(%arg41 : memref<1024xi32, #tpu.memory_space<vmem>>)
        %dma_wait3A_86 = arith.constant 0 : i32
        %dma_wait3A_87 = tpu.memref_slice %arg16[%dma_wait3A_86] : memref<524288xi32, #tpu.memory_space<vmem_shared>> -> memref<524288xi32, #tpu.memory_space<vmem_shared>>
        tpu.wait_indirect_dma semaphore(%arg21 : memref<!tpu.dma_semaphore, #tpu.memory_space<semaphore_mem>>) src(%dma_wait3A_87 : memref<524288xi32, #tpu.memory_space<vmem_shared>>) dst(%arg42 : memref<1024xi32, #tpu.memory_space<vmem>>)
        %dma_wait3A_88 = arith.constant 0 : i32
        %dma_wait3A_89 = tpu.memref_slice %arg16[%dma_wait3A_88] : memref<524288xi32, #tpu.memory_space<vmem_shared>> -> memref<524288xi32, #tpu.memory_space<vmem_shared>>
        tpu.wait_indirect_dma semaphore(%arg21 : memref<!tpu.dma_semaphore, #tpu.memory_space<semaphore_mem>>) src(%dma_wait3A_89 : memref<524288xi32, #tpu.memory_space<vmem_shared>>) dst(%arg43 : memref<1024xi32, #tpu.memory_space<vmem>>)
        %dma_wait3A_90 = arith.constant 0 : i32
        %dma_wait3A_91 = tpu.memref_slice %arg16[%dma_wait3A_90] : memref<524288xi32, #tpu.memory_space<vmem_shared>> -> memref<524288xi32, #tpu.memory_space<vmem_shared>>
        tpu.wait_indirect_dma semaphore(%arg21 : memref<!tpu.dma_semaphore, #tpu.memory_space<semaphore_mem>>) src(%dma_wait3A_91 : memref<524288xi32, #tpu.memory_space<vmem_shared>>) dst(%arg44 : memref<1024xi32, #tpu.memory_space<vmem>>)
        %dma_wait3A_92 = arith.constant 0 : i32
        %dma_wait3A_93 = tpu.memref_slice %arg16[%dma_wait3A_92] : memref<524288xi32, #tpu.memory_space<vmem_shared>> -> memref<524288xi32, #tpu.memory_space<vmem_shared>>
        tpu.wait_indirect_dma semaphore(%arg21 : memref<!tpu.dma_semaphore, #tpu.memory_space<semaphore_mem>>) src(%dma_wait3A_93 : memref<524288xi32, #tpu.memory_space<vmem_shared>>) dst(%arg45 : memref<1024xi32, #tpu.memory_space<vmem>>)
        %dma_wait3A_94 = arith.constant 0 : i32
        %dma_wait3A_95 = tpu.memref_slice %arg16[%dma_wait3A_94] : memref<524288xi32, #tpu.memory_space<vmem_shared>> -> memref<524288xi32, #tpu.memory_space<vmem_shared>>
        tpu.wait_indirect_dma semaphore(%arg21 : memref<!tpu.dma_semaphore, #tpu.memory_space<semaphore_mem>>) src(%dma_wait3A_95 : memref<524288xi32, #tpu.memory_space<vmem_shared>>) dst(%arg46 : memref<1024xi32, #tpu.memory_space<vmem>>)
        %parallel_loop3A_96 = arith.constant 0 : i32
        %parallel_loop3A_97 = arith.constant 64 : i32
        %parallel_loop3A_98 = arith.constant 1 : i32
        scf.for %parallel_loop3A_130 = %parallel_loop3A_96 to %parallel_loop3A_97 step %parallel_loop3A_98  : i32 {
          %parallel_loop3A_131 = arith.constant 16 : i32
          %parallel_loop3A_132 = arith.muli %parallel_loop3A_130, %parallel_loop3A_131 : i32
          %parallel_loop3A_133 = arith.constant 0 : i32
          %parallel_loop3A_134 = arith.addi %parallel_loop3A_133, %parallel_loop3A_132 : i32
          %parallel_loop3A_135 = arith.constant 16 : i32
          %parallel_loop3A_136 = arith.muli %parallel_loop3A_130, %parallel_loop3A_135 : i32
          %parallel_loop3A_137 = arith.constant 0.000000e+00 : f32
          %parallel_loop3A_138 = vector.broadcast %parallel_loop3A_137 : f32 to vector<16xf32>
          %parallel_loop3A_139 = arith.constant 0.000000e+00 : f32
          %parallel_loop3A_140 = vector.broadcast %parallel_loop3A_139 : f32 to vector<16xf32>
          %parallel_loop3A_141 = arith.constant 0 : i32
          %parallel_loop3A_142 = arith.index_cast %parallel_loop3A_141 : i32 to index
          %parallel_loop3A_143 = arith.index_cast %parallel_loop3A_134 : i32 to index
          %parallel_loop3A_144 = tpu.vector_load %arg13[%parallel_loop3A_142, %parallel_loop3A_143] {strides = array<i32>} : memref<8x2048xf32, #tpu.memory_space<vmem>>, vector<16xf32>,
          %parallel_loop3A_145 = arith.index_cast %parallel_loop3A_136 : i32 to index
          %parallel_loop3A_146 = tpu.vector_load %arg39[%parallel_loop3A_145] {strides = array<i32>} : memref<1024xi32, #tpu.memory_space<vmem>>, vector<16xi32>,
          %parallel_loop3A_147 = arith.constant 16 : i32
          %parallel_loop3A_148 = vector.broadcast %parallel_loop3A_147 : i32 to vector<16xi32>
          %parallel_loop3A_149 = arith.shli %parallel_loop3A_146, %parallel_loop3A_148 : vector<16xi32>
          %parallel_loop3A_150 = vector.bitcast %parallel_loop3A_149 : vector<16xi32> to vector<16xf32>
          %parallel_loop3A_151 = arith.constant -65536 : i32
          %parallel_loop3A_152 = vector.broadcast %parallel_loop3A_151 : i32 to vector<16xi32>
          %parallel_loop3A_153 = arith.andi %parallel_loop3A_146, %parallel_loop3A_152 : vector<16xi32>
          %parallel_loop3A_154 = vector.bitcast %parallel_loop3A_153 : vector<16xi32> to vector<16xf32>
          %parallel_loop3A_155 = arith.mulf %parallel_loop3A_144, %parallel_loop3A_150 : vector<16xf32>
          %parallel_loop3A_156 = arith.addf %parallel_loop3A_138, %parallel_loop3A_155 : vector<16xf32>
          %parallel_loop3A_157 = arith.mulf %parallel_loop3A_144, %parallel_loop3A_154 : vector<16xf32>
          %parallel_loop3A_158 = arith.addf %parallel_loop3A_140, %parallel_loop3A_157 : vector<16xf32>
          %parallel_loop3A_159 = arith.constant 1 : i32
          %parallel_loop3A_160 = arith.index_cast %parallel_loop3A_159 : i32 to index
          %parallel_loop3A_161 = arith.index_cast %parallel_loop3A_134 : i32 to index
          %parallel_loop3A_162 = tpu.vector_load %arg13[%parallel_loop3A_160, %parallel_loop3A_161] {strides = array<i32>} : memref<8x2048xf32, #tpu.memory_space<vmem>>, vector<16xf32>,
          %parallel_loop3A_163 = arith.index_cast %parallel_loop3A_136 : i32 to index
          %parallel_loop3A_164 = tpu.vector_load %arg40[%parallel_loop3A_163] {strides = array<i32>} : memref<1024xi32, #tpu.memory_space<vmem>>, vector<16xi32>,
          %parallel_loop3A_165 = arith.constant 16 : i32
          %parallel_loop3A_166 = vector.broadcast %parallel_loop3A_165 : i32 to vector<16xi32>
          %parallel_loop3A_167 = arith.shli %parallel_loop3A_164, %parallel_loop3A_166 : vector<16xi32>
          %parallel_loop3A_168 = vector.bitcast %parallel_loop3A_167 : vector<16xi32> to vector<16xf32>
          %parallel_loop3A_169 = arith.constant -65536 : i32
          %parallel_loop3A_170 = vector.broadcast %parallel_loop3A_169 : i32 to vector<16xi32>
          %parallel_loop3A_171 = arith.andi %parallel_loop3A_164, %parallel_loop3A_170 : vector<16xi32>
          %parallel_loop3A_172 = vector.bitcast %parallel_loop3A_171 : vector<16xi32> to vector<16xf32>
          %parallel_loop3A_173 = arith.mulf %parallel_loop3A_162, %parallel_loop3A_168 : vector<16xf32>
          %parallel_loop3A_174 = arith.addf %parallel_loop3A_156, %parallel_loop3A_173 : vector<16xf32>
          %parallel_loop3A_175 = arith.mulf %parallel_loop3A_162, %parallel_loop3A_172 : vector<16xf32>
          %parallel_loop3A_176 = arith.addf %parallel_loop3A_158, %parallel_loop3A_175 : vector<16xf32>
          %parallel_loop3A_177 = arith.constant 2 : i32
          %parallel_loop3A_178 = arith.index_cast %parallel_loop3A_177 : i32 to index
          %parallel_loop3A_179 = arith.index_cast %parallel_loop3A_134 : i32 to index
          %parallel_loop3A_180 = tpu.vector_load %arg13[%parallel_loop3A_178, %parallel_loop3A_179] {strides = array<i32>} : memref<8x2048xf32, #tpu.memory_space<vmem>>, vector<16xf32>,
          %parallel_loop3A_181 = arith.index_cast %parallel_loop3A_136 : i32 to index
          %parallel_loop3A_182 = tpu.vector_load %arg41[%parallel_loop3A_181] {strides = array<i32>} : memref<1024xi32, #tpu.memory_space<vmem>>, vector<16xi32>,
          %parallel_loop3A_183 = arith.constant 16 : i32
          %parallel_loop3A_184 = vector.broadcast %parallel_loop3A_183 : i32 to vector<16xi32>
          %parallel_loop3A_185 = arith.shli %parallel_loop3A_182, %parallel_loop3A_184 : vector<16xi32>
          %parallel_loop3A_186 = vector.bitcast %parallel_loop3A_185 : vector<16xi32> to vector<16xf32>
          %parallel_loop3A_187 = arith.constant -65536 : i32
          %parallel_loop3A_188 = vector.broadcast %parallel_loop3A_187 : i32 to vector<16xi32>
          %parallel_loop3A_189 = arith.andi %parallel_loop3A_182, %parallel_loop3A_188 : vector<16xi32>
          %parallel_loop3A_190 = vector.bitcast %parallel_loop3A_189 : vector<16xi32> to vector<16xf32>
          %parallel_loop3A_191 = arith.mulf %parallel_loop3A_180, %parallel_loop3A_186 : vector<16xf32>
          %parallel_loop3A_192 = arith.addf %parallel_loop3A_174, %parallel_loop3A_191 : vector<16xf32>
          %parallel_loop3A_193 = arith.mulf %parallel_loop3A_180, %parallel_loop3A_190 : vector<16xf32>
          %parallel_loop3A_194 = arith.addf %parallel_loop3A_176, %parallel_loop3A_193 : vector<16xf32>
          %parallel_loop3A_195 = arith.constant 3 : i32
          %parallel_loop3A_196 = arith.index_cast %parallel_loop3A_195 : i32 to index
          %parallel_loop3A_197 = arith.index_cast %parallel_loop3A_134 : i32 to index
          %parallel_loop3A_198 = tpu.vector_load %arg13[%parallel_loop3A_196, %parallel_loop3A_197] {strides = array<i32>} : memref<8x2048xf32, #tpu.memory_space<vmem>>, vector<16xf32>,
          %parallel_loop3A_199 = arith.index_cast %parallel_loop3A_136 : i32 to index
          %parallel_loop3A_200 = tpu.vector_load %arg42[%parallel_loop3A_199] {strides = array<i32>} : memref<1024xi32, #tpu.memory_space<vmem>>, vector<16xi32>,
          %parallel_loop3A_201 = arith.constant 16 : i32
          %parallel_loop3A_202 = vector.broadcast %parallel_loop3A_201 : i32 to vector<16xi32>
          %parallel_loop3A_203 = arith.shli %parallel_loop3A_200, %parallel_loop3A_202 : vector<16xi32>
          %parallel_loop3A_204 = vector.bitcast %parallel_loop3A_203 : vector<16xi32> to vector<16xf32>
          %parallel_loop3A_205 = arith.constant -65536 : i32
          %parallel_loop3A_206 = vector.broadcast %parallel_loop3A_205 : i32 to vector<16xi32>
          %parallel_loop3A_207 = arith.andi %parallel_loop3A_200, %parallel_loop3A_206 : vector<16xi32>
          %parallel_loop3A_208 = vector.bitcast %parallel_loop3A_207 : vector<16xi32> to vector<16xf32>
          %parallel_loop3A_209 = arith.mulf %parallel_loop3A_198, %parallel_loop3A_204 : vector<16xf32>
          %parallel_loop3A_210 = arith.addf %parallel_loop3A_192, %parallel_loop3A_209 : vector<16xf32>
          %parallel_loop3A_211 = arith.mulf %parallel_loop3A_198, %parallel_loop3A_208 : vector<16xf32>
          %parallel_loop3A_212 = arith.addf %parallel_loop3A_194, %parallel_loop3A_211 : vector<16xf32>
          %parallel_loop3A_213 = arith.constant 4 : i32
          %parallel_loop3A_214 = arith.index_cast %parallel_loop3A_213 : i32 to index
          %parallel_loop3A_215 = arith.index_cast %parallel_loop3A_134 : i32 to index
          %parallel_loop3A_216 = tpu.vector_load %arg13[%parallel_loop3A_214, %parallel_loop3A_215] {strides = array<i32>} : memref<8x2048xf32, #tpu.memory_space<vmem>>, vector<16xf32>,
          %parallel_loop3A_217 = arith.index_cast %parallel_loop3A_136 : i32 to index
          %parallel_loop3A_218 = tpu.vector_load %arg43[%parallel_loop3A_217] {strides = array<i32>} : memref<1024xi32, #tpu.memory_space<vmem>>, vector<16xi32>,
          %parallel_loop3A_219 = arith.constant 16 : i32
          %parallel_loop3A_220 = vector.broadcast %parallel_loop3A_219 : i32 to vector<16xi32>
          %parallel_loop3A_221 = arith.shli %parallel_loop3A_218, %parallel_loop3A_220 : vector<16xi32>
          %parallel_loop3A_222 = vector.bitcast %parallel_loop3A_221 : vector<16xi32> to vector<16xf32>
          %parallel_loop3A_223 = arith.constant -65536 : i32
          %parallel_loop3A_224 = vector.broadcast %parallel_loop3A_223 : i32 to vector<16xi32>
          %parallel_loop3A_225 = arith.andi %parallel_loop3A_218, %parallel_loop3A_224 : vector<16xi32>
          %parallel_loop3A_226 = vector.bitcast %parallel_loop3A_225 : vector<16xi32> to vector<16xf32>
          %parallel_loop3A_227 = arith.mulf %parallel_loop3A_216, %parallel_loop3A_222 : vector<16xf32>
          %parallel_loop3A_228 = arith.addf %parallel_loop3A_210, %parallel_loop3A_227 : vector<16xf32>
          %parallel_loop3A_229 = arith.mulf %parallel_loop3A_216, %parallel_loop3A_226 : vector<16xf32>
          %parallel_loop3A_230 = arith.addf %parallel_loop3A_212, %parallel_loop3A_229 : vector<16xf32>
          %parallel_loop3A_231 = arith.constant 5 : i32
          %parallel_loop3A_232 = arith.index_cast %parallel_loop3A_231 : i32 to index
          %parallel_loop3A_233 = arith.index_cast %parallel_loop3A_134 : i32 to index
          %parallel_loop3A_234 = tpu.vector_load %arg13[%parallel_loop3A_232, %parallel_loop3A_233] {strides = array<i32>} : memref<8x2048xf32, #tpu.memory_space<vmem>>, vector<16xf32>,
          %parallel_loop3A_235 = arith.index_cast %parallel_loop3A_136 : i32 to index
          %parallel_loop3A_236 = tpu.vector_load %arg44[%parallel_loop3A_235] {strides = array<i32>} : memref<1024xi32, #tpu.memory_space<vmem>>, vector<16xi32>,
          %parallel_loop3A_237 = arith.constant 16 : i32
          %parallel_loop3A_238 = vector.broadcast %parallel_loop3A_237 : i32 to vector<16xi32>
          %parallel_loop3A_239 = arith.shli %parallel_loop3A_236, %parallel_loop3A_238 : vector<16xi32>
          %parallel_loop3A_240 = vector.bitcast %parallel_loop3A_239 : vector<16xi32> to vector<16xf32>
          %parallel_loop3A_241 = arith.constant -65536 : i32
          %parallel_loop3A_242 = vector.broadcast %parallel_loop3A_241 : i32 to vector<16xi32>
          %parallel_loop3A_243 = arith.andi %parallel_loop3A_236, %parallel_loop3A_242 : vector<16xi32>
          %parallel_loop3A_244 = vector.bitcast %parallel_loop3A_243 : vector<16xi32> to vector<16xf32>
          %parallel_loop3A_245 = arith.mulf %parallel_loop3A_234, %parallel_loop3A_240 : vector<16xf32>
          %parallel_loop3A_246 = arith.addf %parallel_loop3A_228, %parallel_loop3A_245 : vector<16xf32>
          %parallel_loop3A_247 = arith.mulf %parallel_loop3A_234, %parallel_loop3A_244 : vector<16xf32>
          %parallel_loop3A_248 = arith.addf %parallel_loop3A_230, %parallel_loop3A_247 : vector<16xf32>
          %parallel_loop3A_249 = arith.constant 6 : i32
          %parallel_loop3A_250 = arith.index_cast %parallel_loop3A_249 : i32 to index
          %parallel_loop3A_251 = arith.index_cast %parallel_loop3A_134 : i32 to index
          %parallel_loop3A_252 = tpu.vector_load %arg13[%parallel_loop3A_250, %parallel_loop3A_251] {strides = array<i32>} : memref<8x2048xf32, #tpu.memory_space<vmem>>, vector<16xf32>,
          %parallel_loop3A_253 = arith.index_cast %parallel_loop3A_136 : i32 to index
          %parallel_loop3A_254 = tpu.vector_load %arg45[%parallel_loop3A_253] {strides = array<i32>} : memref<1024xi32, #tpu.memory_space<vmem>>, vector<16xi32>,
          %parallel_loop3A_255 = arith.constant 16 : i32
          %parallel_loop3A_256 = vector.broadcast %parallel_loop3A_255 : i32 to vector<16xi32>
          %parallel_loop3A_257 = arith.shli %parallel_loop3A_254, %parallel_loop3A_256 : vector<16xi32>
          %parallel_loop3A_258 = vector.bitcast %parallel_loop3A_257 : vector<16xi32> to vector<16xf32>
          %parallel_loop3A_259 = arith.constant -65536 : i32
          %parallel_loop3A_260 = vector.broadcast %parallel_loop3A_259 : i32 to vector<16xi32>
          %parallel_loop3A_261 = arith.andi %parallel_loop3A_254, %parallel_loop3A_260 : vector<16xi32>
          %parallel_loop3A_262 = vector.bitcast %parallel_loop3A_261 : vector<16xi32> to vector<16xf32>
          %parallel_loop3A_263 = arith.mulf %parallel_loop3A_252, %parallel_loop3A_258 : vector<16xf32>
          %parallel_loop3A_264 = arith.addf %parallel_loop3A_246, %parallel_loop3A_263 : vector<16xf32>
          %parallel_loop3A_265 = arith.mulf %parallel_loop3A_252, %parallel_loop3A_262 : vector<16xf32>
          %parallel_loop3A_266 = arith.addf %parallel_loop3A_248, %parallel_loop3A_265 : vector<16xf32>
          %parallel_loop3A_267 = arith.constant 7 : i32
          %parallel_loop3A_268 = arith.index_cast %parallel_loop3A_267 : i32 to index
          %parallel_loop3A_269 = arith.index_cast %parallel_loop3A_134 : i32 to index
          %parallel_loop3A_270 = tpu.vector_load %arg13[%parallel_loop3A_268, %parallel_loop3A_269] {strides = array<i32>} : memref<8x2048xf32, #tpu.memory_space<vmem>>, vector<16xf32>,
          %parallel_loop3A_271 = arith.index_cast %parallel_loop3A_136 : i32 to index
          %parallel_loop3A_272 = tpu.vector_load %arg46[%parallel_loop3A_271] {strides = array<i32>} : memref<1024xi32, #tpu.memory_space<vmem>>, vector<16xi32>,
          %parallel_loop3A_273 = arith.constant 16 : i32
          %parallel_loop3A_274 = vector.broadcast %parallel_loop3A_273 : i32 to vector<16xi32>
          %parallel_loop3A_275 = arith.shli %parallel_loop3A_272, %parallel_loop3A_274 : vector<16xi32>
          %parallel_loop3A_276 = vector.bitcast %parallel_loop3A_275 : vector<16xi32> to vector<16xf32>
          %parallel_loop3A_277 = arith.constant -65536 : i32
          %parallel_loop3A_278 = vector.broadcast %parallel_loop3A_277 : i32 to vector<16xi32>
          %parallel_loop3A_279 = arith.andi %parallel_loop3A_272, %parallel_loop3A_278 : vector<16xi32>
          %parallel_loop3A_280 = vector.bitcast %parallel_loop3A_279 : vector<16xi32> to vector<16xf32>
          %parallel_loop3A_281 = arith.mulf %parallel_loop3A_270, %parallel_loop3A_276 : vector<16xf32>
          %parallel_loop3A_282 = arith.addf %parallel_loop3A_264, %parallel_loop3A_281 : vector<16xf32>
          %parallel_loop3A_283 = arith.mulf %parallel_loop3A_270, %parallel_loop3A_280 : vector<16xf32>
          %parallel_loop3A_284 = arith.addf %parallel_loop3A_266, %parallel_loop3A_283 : vector<16xf32>
          %parallel_loop3A_285 = arith.index_cast %parallel_loop3A_134 : i32 to index
          %parallel_loop3A_286 = tpu.vector_load %arg14[%parallel_loop3A_285] {strides = array<i32>} : memref<2048xf32, #tpu.memory_space<vmem>>, vector<16xf32>,
          tpu.vector_store %arg14[%parallel_loop3A_285], %parallel_loop3A_282 {strides = array<i32>} : memref<2048xf32, #tpu.memory_space<vmem>>, vector<16xf32>,
          %parallel_loop3A_287 = arith.index_cast %parallel_loop3A_134 : i32 to index
          %parallel_loop3A_288 = tpu.vector_load %arg15[%parallel_loop3A_287] {strides = array<i32>} : memref<2048xf32, #tpu.memory_space<vmem>>, vector<16xf32>,
          tpu.vector_store %arg15[%parallel_loop3A_287], %parallel_loop3A_284 {strides = array<i32>} : memref<2048xf32, #tpu.memory_space<vmem>>, vector<16xf32>,
        } {sc.loop_unroll_factor = 4 : i64, sc.parallel_access}
        %dma_wait3A_99 = arith.constant 0 : i32
        %dma_wait3A_100 = tpu.memref_slice %arg16[%dma_wait3A_99] : memref<524288xi32, #tpu.memory_space<vmem_shared>> -> memref<524288xi32, #tpu.memory_space<vmem_shared>>
        tpu.wait_indirect_dma semaphore(%arg22 : memref<!tpu.dma_semaphore, #tpu.memory_space<semaphore_mem>>) src(%dma_wait3A_100 : memref<524288xi32, #tpu.memory_space<vmem_shared>>) dst(%arg47 : memref<1024xi32, #tpu.memory_space<vmem>>)
        %dma_wait3A_101 = arith.constant 0 : i32
        %dma_wait3A_102 = tpu.memref_slice %arg16[%dma_wait3A_101] : memref<524288xi32, #tpu.memory_space<vmem_shared>> -> memref<524288xi32, #tpu.memory_space<vmem_shared>>
        tpu.wait_indirect_dma semaphore(%arg22 : memref<!tpu.dma_semaphore, #tpu.memory_space<semaphore_mem>>) src(%dma_wait3A_102 : memref<524288xi32, #tpu.memory_space<vmem_shared>>) dst(%arg48 : memref<1024xi32, #tpu.memory_space<vmem>>)
        %dma_wait3A_103 = arith.constant 0 : i32
        %dma_wait3A_104 = tpu.memref_slice %arg16[%dma_wait3A_103] : memref<524288xi32, #tpu.memory_space<vmem_shared>> -> memref<524288xi32, #tpu.memory_space<vmem_shared>>
        tpu.wait_indirect_dma semaphore(%arg22 : memref<!tpu.dma_semaphore, #tpu.memory_space<semaphore_mem>>) src(%dma_wait3A_104 : memref<524288xi32, #tpu.memory_space<vmem_shared>>) dst(%arg49 : memref<1024xi32, #tpu.memory_space<vmem>>)
        %dma_wait3A_105 = arith.constant 0 : i32
        %dma_wait3A_106 = tpu.memref_slice %arg16[%dma_wait3A_105] : memref<524288xi32, #tpu.memory_space<vmem_shared>> -> memref<524288xi32, #tpu.memory_space<vmem_shared>>
        tpu.wait_indirect_dma semaphore(%arg22 : memref<!tpu.dma_semaphore, #tpu.memory_space<semaphore_mem>>) src(%dma_wait3A_106 : memref<524288xi32, #tpu.memory_space<vmem_shared>>) dst(%arg50 : memref<1024xi32, #tpu.memory_space<vmem>>)
        %dma_wait3A_107 = arith.constant 0 : i32
        %dma_wait3A_108 = tpu.memref_slice %arg16[%dma_wait3A_107] : memref<524288xi32, #tpu.memory_space<vmem_shared>> -> memref<524288xi32, #tpu.memory_space<vmem_shared>>
        tpu.wait_indirect_dma semaphore(%arg22 : memref<!tpu.dma_semaphore, #tpu.memory_space<semaphore_mem>>) src(%dma_wait3A_108 : memref<524288xi32, #tpu.memory_space<vmem_shared>>) dst(%arg51 : memref<1024xi32, #tpu.memory_space<vmem>>)
        %dma_wait3A_109 = arith.constant 0 : i32
        %dma_wait3A_110 = tpu.memref_slice %arg16[%dma_wait3A_109] : memref<524288xi32, #tpu.memory_space<vmem_shared>> -> memref<524288xi32, #tpu.memory_space<vmem_shared>>
        tpu.wait_indirect_dma semaphore(%arg22 : memref<!tpu.dma_semaphore, #tpu.memory_space<semaphore_mem>>) src(%dma_wait3A_110 : memref<524288xi32, #tpu.memory_space<vmem_shared>>) dst(%arg52 : memref<1024xi32, #tpu.memory_space<vmem>>)
        %dma_wait3A_111 = arith.constant 0 : i32
        %dma_wait3A_112 = tpu.memref_slice %arg16[%dma_wait3A_111] : memref<524288xi32, #tpu.memory_space<vmem_shared>> -> memref<524288xi32, #tpu.memory_space<vmem_shared>>
        tpu.wait_indirect_dma semaphore(%arg22 : memref<!tpu.dma_semaphore, #tpu.memory_space<semaphore_mem>>) src(%dma_wait3A_112 : memref<524288xi32, #tpu.memory_space<vmem_shared>>) dst(%arg53 : memref<1024xi32, #tpu.memory_space<vmem>>)
        %dma_wait3A_113 = arith.constant 0 : i32
        %dma_wait3A_114 = tpu.memref_slice %arg16[%dma_wait3A_113] : memref<524288xi32, #tpu.memory_space<vmem_shared>> -> memref<524288xi32, #tpu.memory_space<vmem_shared>>
        tpu.wait_indirect_dma semaphore(%arg22 : memref<!tpu.dma_semaphore, #tpu.memory_space<semaphore_mem>>) src(%dma_wait3A_114 : memref<524288xi32, #tpu.memory_space<vmem_shared>>) dst(%arg54 : memref<1024xi32, #tpu.memory_space<vmem>>)
        %parallel_loop3A_115 = arith.constant 0 : i32
        %parallel_loop3A_116 = arith.constant 64 : i32
        %parallel_loop3A_117 = arith.constant 1 : i32
        scf.for %parallel_loop3A_130 = %parallel_loop3A_115 to %parallel_loop3A_116 step %parallel_loop3A_117  : i32 {
          %parallel_loop3A_131 = arith.constant 16 : i32
          %parallel_loop3A_132 = arith.muli %parallel_loop3A_130, %parallel_loop3A_131 : i32
          %parallel_loop3A_133 = arith.constant 1024 : i32
          %parallel_loop3A_134 = arith.addi %parallel_loop3A_133, %parallel_loop3A_132 : i32
          %parallel_loop3A_135 = arith.constant 16 : i32
          %parallel_loop3A_136 = arith.muli %parallel_loop3A_130, %parallel_loop3A_135 : i32
          %parallel_loop3A_137 = arith.constant 0.000000e+00 : f32
          %parallel_loop3A_138 = vector.broadcast %parallel_loop3A_137 : f32 to vector<16xf32>
          %parallel_loop3A_139 = arith.constant 0.000000e+00 : f32
          %parallel_loop3A_140 = vector.broadcast %parallel_loop3A_139 : f32 to vector<16xf32>
          %parallel_loop3A_141 = arith.constant 0 : i32
          %parallel_loop3A_142 = arith.index_cast %parallel_loop3A_141 : i32 to index
          %parallel_loop3A_143 = arith.index_cast %parallel_loop3A_134 : i32 to index
          %parallel_loop3A_144 = tpu.vector_load %arg13[%parallel_loop3A_142, %parallel_loop3A_143] {strides = array<i32>} : memref<8x2048xf32, #tpu.memory_space<vmem>>, vector<16xf32>,
          %parallel_loop3A_145 = arith.index_cast %parallel_loop3A_136 : i32 to index
          %parallel_loop3A_146 = tpu.vector_load %arg47[%parallel_loop3A_145] {strides = array<i32>} : memref<1024xi32, #tpu.memory_space<vmem>>, vector<16xi32>,
          %parallel_loop3A_147 = arith.constant 16 : i32
          %parallel_loop3A_148 = vector.broadcast %parallel_loop3A_147 : i32 to vector<16xi32>
          %parallel_loop3A_149 = arith.shli %parallel_loop3A_146, %parallel_loop3A_148 : vector<16xi32>
          %parallel_loop3A_150 = vector.bitcast %parallel_loop3A_149 : vector<16xi32> to vector<16xf32>
          %parallel_loop3A_151 = arith.constant -65536 : i32
          %parallel_loop3A_152 = vector.broadcast %parallel_loop3A_151 : i32 to vector<16xi32>
          %parallel_loop3A_153 = arith.andi %parallel_loop3A_146, %parallel_loop3A_152 : vector<16xi32>
          %parallel_loop3A_154 = vector.bitcast %parallel_loop3A_153 : vector<16xi32> to vector<16xf32>
          %parallel_loop3A_155 = arith.mulf %parallel_loop3A_144, %parallel_loop3A_150 : vector<16xf32>
          %parallel_loop3A_156 = arith.addf %parallel_loop3A_138, %parallel_loop3A_155 : vector<16xf32>
          %parallel_loop3A_157 = arith.mulf %parallel_loop3A_144, %parallel_loop3A_154 : vector<16xf32>
          %parallel_loop3A_158 = arith.addf %parallel_loop3A_140, %parallel_loop3A_157 : vector<16xf32>
          %parallel_loop3A_159 = arith.constant 1 : i32
          %parallel_loop3A_160 = arith.index_cast %parallel_loop3A_159 : i32 to index
          %parallel_loop3A_161 = arith.index_cast %parallel_loop3A_134 : i32 to index
          %parallel_loop3A_162 = tpu.vector_load %arg13[%parallel_loop3A_160, %parallel_loop3A_161] {strides = array<i32>} : memref<8x2048xf32, #tpu.memory_space<vmem>>, vector<16xf32>,
          %parallel_loop3A_163 = arith.index_cast %parallel_loop3A_136 : i32 to index
          %parallel_loop3A_164 = tpu.vector_load %arg48[%parallel_loop3A_163] {strides = array<i32>} : memref<1024xi32, #tpu.memory_space<vmem>>, vector<16xi32>,
          %parallel_loop3A_165 = arith.constant 16 : i32
          %parallel_loop3A_166 = vector.broadcast %parallel_loop3A_165 : i32 to vector<16xi32>
          %parallel_loop3A_167 = arith.shli %parallel_loop3A_164, %parallel_loop3A_166 : vector<16xi32>
          %parallel_loop3A_168 = vector.bitcast %parallel_loop3A_167 : vector<16xi32> to vector<16xf32>
          %parallel_loop3A_169 = arith.constant -65536 : i32
          %parallel_loop3A_170 = vector.broadcast %parallel_loop3A_169 : i32 to vector<16xi32>
          %parallel_loop3A_171 = arith.andi %parallel_loop3A_164, %parallel_loop3A_170 : vector<16xi32>
          %parallel_loop3A_172 = vector.bitcast %parallel_loop3A_171 : vector<16xi32> to vector<16xf32>
          %parallel_loop3A_173 = arith.mulf %parallel_loop3A_162, %parallel_loop3A_168 : vector<16xf32>
          %parallel_loop3A_174 = arith.addf %parallel_loop3A_156, %parallel_loop3A_173 : vector<16xf32>
          %parallel_loop3A_175 = arith.mulf %parallel_loop3A_162, %parallel_loop3A_172 : vector<16xf32>
          %parallel_loop3A_176 = arith.addf %parallel_loop3A_158, %parallel_loop3A_175 : vector<16xf32>
          %parallel_loop3A_177 = arith.constant 2 : i32
          %parallel_loop3A_178 = arith.index_cast %parallel_loop3A_177 : i32 to index
          %parallel_loop3A_179 = arith.index_cast %parallel_loop3A_134 : i32 to index
          %parallel_loop3A_180 = tpu.vector_load %arg13[%parallel_loop3A_178, %parallel_loop3A_179] {strides = array<i32>} : memref<8x2048xf32, #tpu.memory_space<vmem>>, vector<16xf32>,
          %parallel_loop3A_181 = arith.index_cast %parallel_loop3A_136 : i32 to index
          %parallel_loop3A_182 = tpu.vector_load %arg49[%parallel_loop3A_181] {strides = array<i32>} : memref<1024xi32, #tpu.memory_space<vmem>>, vector<16xi32>,
          %parallel_loop3A_183 = arith.constant 16 : i32
          %parallel_loop3A_184 = vector.broadcast %parallel_loop3A_183 : i32 to vector<16xi32>
          %parallel_loop3A_185 = arith.shli %parallel_loop3A_182, %parallel_loop3A_184 : vector<16xi32>
          %parallel_loop3A_186 = vector.bitcast %parallel_loop3A_185 : vector<16xi32> to vector<16xf32>
          %parallel_loop3A_187 = arith.constant -65536 : i32
          %parallel_loop3A_188 = vector.broadcast %parallel_loop3A_187 : i32 to vector<16xi32>
          %parallel_loop3A_189 = arith.andi %parallel_loop3A_182, %parallel_loop3A_188 : vector<16xi32>
          %parallel_loop3A_190 = vector.bitcast %parallel_loop3A_189 : vector<16xi32> to vector<16xf32>
          %parallel_loop3A_191 = arith.mulf %parallel_loop3A_180, %parallel_loop3A_186 : vector<16xf32>
          %parallel_loop3A_192 = arith.addf %parallel_loop3A_174, %parallel_loop3A_191 : vector<16xf32>
          %parallel_loop3A_193 = arith.mulf %parallel_loop3A_180, %parallel_loop3A_190 : vector<16xf32>
          %parallel_loop3A_194 = arith.addf %parallel_loop3A_176, %parallel_loop3A_193 : vector<16xf32>
          %parallel_loop3A_195 = arith.constant 3 : i32
          %parallel_loop3A_196 = arith.index_cast %parallel_loop3A_195 : i32 to index
          %parallel_loop3A_197 = arith.index_cast %parallel_loop3A_134 : i32 to index
          %parallel_loop3A_198 = tpu.vector_load %arg13[%parallel_loop3A_196, %parallel_loop3A_197] {strides = array<i32>} : memref<8x2048xf32, #tpu.memory_space<vmem>>, vector<16xf32>,
          %parallel_loop3A_199 = arith.index_cast %parallel_loop3A_136 : i32 to index
          %parallel_loop3A_200 = tpu.vector_load %arg50[%parallel_loop3A_199] {strides = array<i32>} : memref<1024xi32, #tpu.memory_space<vmem>>, vector<16xi32>,
          %parallel_loop3A_201 = arith.constant 16 : i32
          %parallel_loop3A_202 = vector.broadcast %parallel_loop3A_201 : i32 to vector<16xi32>
          %parallel_loop3A_203 = arith.shli %parallel_loop3A_200, %parallel_loop3A_202 : vector<16xi32>
          %parallel_loop3A_204 = vector.bitcast %parallel_loop3A_203 : vector<16xi32> to vector<16xf32>
          %parallel_loop3A_205 = arith.constant -65536 : i32
          %parallel_loop3A_206 = vector.broadcast %parallel_loop3A_205 : i32 to vector<16xi32>
          %parallel_loop3A_207 = arith.andi %parallel_loop3A_200, %parallel_loop3A_206 : vector<16xi32>
          %parallel_loop3A_208 = vector.bitcast %parallel_loop3A_207 : vector<16xi32> to vector<16xf32>
          %parallel_loop3A_209 = arith.mulf %parallel_loop3A_198, %parallel_loop3A_204 : vector<16xf32>
          %parallel_loop3A_210 = arith.addf %parallel_loop3A_192, %parallel_loop3A_209 : vector<16xf32>
          %parallel_loop3A_211 = arith.mulf %parallel_loop3A_198, %parallel_loop3A_208 : vector<16xf32>
          %parallel_loop3A_212 = arith.addf %parallel_loop3A_194, %parallel_loop3A_211 : vector<16xf32>
          %parallel_loop3A_213 = arith.constant 4 : i32
          %parallel_loop3A_214 = arith.index_cast %parallel_loop3A_213 : i32 to index
          %parallel_loop3A_215 = arith.index_cast %parallel_loop3A_134 : i32 to index
          %parallel_loop3A_216 = tpu.vector_load %arg13[%parallel_loop3A_214, %parallel_loop3A_215] {strides = array<i32>} : memref<8x2048xf32, #tpu.memory_space<vmem>>, vector<16xf32>,
          %parallel_loop3A_217 = arith.index_cast %parallel_loop3A_136 : i32 to index
          %parallel_loop3A_218 = tpu.vector_load %arg51[%parallel_loop3A_217] {strides = array<i32>} : memref<1024xi32, #tpu.memory_space<vmem>>, vector<16xi32>,
          %parallel_loop3A_219 = arith.constant 16 : i32
          %parallel_loop3A_220 = vector.broadcast %parallel_loop3A_219 : i32 to vector<16xi32>
          %parallel_loop3A_221 = arith.shli %parallel_loop3A_218, %parallel_loop3A_220 : vector<16xi32>
          %parallel_loop3A_222 = vector.bitcast %parallel_loop3A_221 : vector<16xi32> to vector<16xf32>
          %parallel_loop3A_223 = arith.constant -65536 : i32
          %parallel_loop3A_224 = vector.broadcast %parallel_loop3A_223 : i32 to vector<16xi32>
          %parallel_loop3A_225 = arith.andi %parallel_loop3A_218, %parallel_loop3A_224 : vector<16xi32>
          %parallel_loop3A_226 = vector.bitcast %parallel_loop3A_225 : vector<16xi32> to vector<16xf32>
          %parallel_loop3A_227 = arith.mulf %parallel_loop3A_216, %parallel_loop3A_222 : vector<16xf32>
          %parallel_loop3A_228 = arith.addf %parallel_loop3A_210, %parallel_loop3A_227 : vector<16xf32>
          %parallel_loop3A_229 = arith.mulf %parallel_loop3A_216, %parallel_loop3A_226 : vector<16xf32>
          %parallel_loop3A_230 = arith.addf %parallel_loop3A_212, %parallel_loop3A_229 : vector<16xf32>
          %parallel_loop3A_231 = arith.constant 5 : i32
          %parallel_loop3A_232 = arith.index_cast %parallel_loop3A_231 : i32 to index
          %parallel_loop3A_233 = arith.index_cast %parallel_loop3A_134 : i32 to index
          %parallel_loop3A_234 = tpu.vector_load %arg13[%parallel_loop3A_232, %parallel_loop3A_233] {strides = array<i32>} : memref<8x2048xf32, #tpu.memory_space<vmem>>, vector<16xf32>,
          %parallel_loop3A_235 = arith.index_cast %parallel_loop3A_136 : i32 to index
          %parallel_loop3A_236 = tpu.vector_load %arg52[%parallel_loop3A_235] {strides = array<i32>} : memref<1024xi32, #tpu.memory_space<vmem>>, vector<16xi32>,
          %parallel_loop3A_237 = arith.constant 16 : i32
          %parallel_loop3A_238 = vector.broadcast %parallel_loop3A_237 : i32 to vector<16xi32>
          %parallel_loop3A_239 = arith.shli %parallel_loop3A_236, %parallel_loop3A_238 : vector<16xi32>
          %parallel_loop3A_240 = vector.bitcast %parallel_loop3A_239 : vector<16xi32> to vector<16xf32>
          %parallel_loop3A_241 = arith.constant -65536 : i32
          %parallel_loop3A_242 = vector.broadcast %parallel_loop3A_241 : i32 to vector<16xi32>
          %parallel_loop3A_243 = arith.andi %parallel_loop3A_236, %parallel_loop3A_242 : vector<16xi32>
          %parallel_loop3A_244 = vector.bitcast %parallel_loop3A_243 : vector<16xi32> to vector<16xf32>
          %parallel_loop3A_245 = arith.mulf %parallel_loop3A_234, %parallel_loop3A_240 : vector<16xf32>
          %parallel_loop3A_246 = arith.addf %parallel_loop3A_228, %parallel_loop3A_245 : vector<16xf32>
          %parallel_loop3A_247 = arith.mulf %parallel_loop3A_234, %parallel_loop3A_244 : vector<16xf32>
          %parallel_loop3A_248 = arith.addf %parallel_loop3A_230, %parallel_loop3A_247 : vector<16xf32>
          %parallel_loop3A_249 = arith.constant 6 : i32
          %parallel_loop3A_250 = arith.index_cast %parallel_loop3A_249 : i32 to index
          %parallel_loop3A_251 = arith.index_cast %parallel_loop3A_134 : i32 to index
          %parallel_loop3A_252 = tpu.vector_load %arg13[%parallel_loop3A_250, %parallel_loop3A_251] {strides = array<i32>} : memref<8x2048xf32, #tpu.memory_space<vmem>>, vector<16xf32>,
          %parallel_loop3A_253 = arith.index_cast %parallel_loop3A_136 : i32 to index
          %parallel_loop3A_254 = tpu.vector_load %arg53[%parallel_loop3A_253] {strides = array<i32>} : memref<1024xi32, #tpu.memory_space<vmem>>, vector<16xi32>,
          %parallel_loop3A_255 = arith.constant 16 : i32
          %parallel_loop3A_256 = vector.broadcast %parallel_loop3A_255 : i32 to vector<16xi32>
          %parallel_loop3A_257 = arith.shli %parallel_loop3A_254, %parallel_loop3A_256 : vector<16xi32>
          %parallel_loop3A_258 = vector.bitcast %parallel_loop3A_257 : vector<16xi32> to vector<16xf32>
          %parallel_loop3A_259 = arith.constant -65536 : i32
          %parallel_loop3A_260 = vector.broadcast %parallel_loop3A_259 : i32 to vector<16xi32>
          %parallel_loop3A_261 = arith.andi %parallel_loop3A_254, %parallel_loop3A_260 : vector<16xi32>
          %parallel_loop3A_262 = vector.bitcast %parallel_loop3A_261 : vector<16xi32> to vector<16xf32>
          %parallel_loop3A_263 = arith.mulf %parallel_loop3A_252, %parallel_loop3A_258 : vector<16xf32>
          %parallel_loop3A_264 = arith.addf %parallel_loop3A_246, %parallel_loop3A_263 : vector<16xf32>
          %parallel_loop3A_265 = arith.mulf %parallel_loop3A_252, %parallel_loop3A_262 : vector<16xf32>
          %parallel_loop3A_266 = arith.addf %parallel_loop3A_248, %parallel_loop3A_265 : vector<16xf32>
          %parallel_loop3A_267 = arith.constant 7 : i32
          %parallel_loop3A_268 = arith.index_cast %parallel_loop3A_267 : i32 to index
          %parallel_loop3A_269 = arith.index_cast %parallel_loop3A_134 : i32 to index
          %parallel_loop3A_270 = tpu.vector_load %arg13[%parallel_loop3A_268, %parallel_loop3A_269] {strides = array<i32>} : memref<8x2048xf32, #tpu.memory_space<vmem>>, vector<16xf32>,
          %parallel_loop3A_271 = arith.index_cast %parallel_loop3A_136 : i32 to index
          %parallel_loop3A_272 = tpu.vector_load %arg54[%parallel_loop3A_271] {strides = array<i32>} : memref<1024xi32, #tpu.memory_space<vmem>>, vector<16xi32>,
          %parallel_loop3A_273 = arith.constant 16 : i32
          %parallel_loop3A_274 = vector.broadcast %parallel_loop3A_273 : i32 to vector<16xi32>
          %parallel_loop3A_275 = arith.shli %parallel_loop3A_272, %parallel_loop3A_274 : vector<16xi32>
          %parallel_loop3A_276 = vector.bitcast %parallel_loop3A_275 : vector<16xi32> to vector<16xf32>
          %parallel_loop3A_277 = arith.constant -65536 : i32
          %parallel_loop3A_278 = vector.broadcast %parallel_loop3A_277 : i32 to vector<16xi32>
          %parallel_loop3A_279 = arith.andi %parallel_loop3A_272, %parallel_loop3A_278 : vector<16xi32>
          %parallel_loop3A_280 = vector.bitcast %parallel_loop3A_279 : vector<16xi32> to vector<16xf32>
          %parallel_loop3A_281 = arith.mulf %parallel_loop3A_270, %parallel_loop3A_276 : vector<16xf32>
          %parallel_loop3A_282 = arith.addf %parallel_loop3A_264, %parallel_loop3A_281 : vector<16xf32>
          %parallel_loop3A_283 = arith.mulf %parallel_loop3A_270, %parallel_loop3A_280 : vector<16xf32>
          %parallel_loop3A_284 = arith.addf %parallel_loop3A_266, %parallel_loop3A_283 : vector<16xf32>
          %parallel_loop3A_285 = arith.index_cast %parallel_loop3A_134 : i32 to index
          %parallel_loop3A_286 = tpu.vector_load %arg14[%parallel_loop3A_285] {strides = array<i32>} : memref<2048xf32, #tpu.memory_space<vmem>>, vector<16xf32>,
          tpu.vector_store %arg14[%parallel_loop3A_285], %parallel_loop3A_282 {strides = array<i32>} : memref<2048xf32, #tpu.memory_space<vmem>>, vector<16xf32>,
          %parallel_loop3A_287 = arith.index_cast %parallel_loop3A_134 : i32 to index
          %parallel_loop3A_288 = tpu.vector_load %arg15[%parallel_loop3A_287] {strides = array<i32>} : memref<2048xf32, #tpu.memory_space<vmem>>, vector<16xf32>,
          tpu.vector_store %arg15[%parallel_loop3A_287], %parallel_loop3A_284 {strides = array<i32>} : memref<2048xf32, #tpu.memory_space<vmem>>, vector<16xf32>,
        } {sc.loop_unroll_factor = 4 : i64, sc.parallel_access}
        %mul3A_118 = arith.constant 2 : i32
        %mul3A_119 = arith.muli %mul3A_118, %add3A_16 : i32
        %mul3A_120 = arith.constant 1048576 : i32
        %mul3A_121 = arith.muli %mul3A_119, %mul3A_120 : i32
        %add3A_122 = arith.addi %mul3A_121, %add3A_44 : i32
        "tpu.region"() ({
          %run_scoped3A = tpu.sem_alloc : memref<!tpu.dma_semaphore, #tpu.memory_space<semaphore_mem>>
          %dma_start3A_130 = tpu.memref_slice %arg9[%add3A_122] : memref<33554432xf32, #tpu.memory_space<hbm>> -> memref<2048xf32, #tpu.memory_space<hbm>>
          %dma_start3A_131 = tpu.memref_slice %arg9[%add3A_122] : memref<33554432xf32, #tpu.memory_space<hbm>> -> memref<2048xf32, #tpu.memory_space<hbm>>
          tpu.enqueue_dma source(%arg14 : memref<2048xf32, #tpu.memory_space<vmem>>) target(%dma_start3A_131 : memref<2048xf32, #tpu.memory_space<hbm>>) target_semaphore(%run_scoped3A : memref<!tpu.dma_semaphore, #tpu.memory_space<semaphore_mem>>)
          %dma_wait3A_132 = tpu.memref_slice %arg9[%add3A_122] : memref<33554432xf32, #tpu.memory_space<hbm>> -> memref<2048xf32, #tpu.memory_space<hbm>>
          %dma_wait3A_133 = tpu.memref_slice %arg9[%add3A_122] : memref<33554432xf32, #tpu.memory_space<hbm>> -> memref<2048xf32, #tpu.memory_space<hbm>>
          tpu.wait_dma2 semaphore(%run_scoped3A : memref<!tpu.dma_semaphore, #tpu.memory_space<semaphore_mem>>) src(%arg14 : memref<2048xf32, #tpu.memory_space<vmem>>) dst(%dma_wait3A_133 : memref<2048xf32, #tpu.memory_space<hbm>>)
          tpu.yield
        }) : () -> ()
        %mul3A_123 = arith.constant 2 : i32
        %mul3A_124 = arith.muli %mul3A_123, %add3A_16 : i32
        %add3A_125 = arith.constant 1 : i32
        %add3A_126 = arith.addi %mul3A_124, %add3A_125 : i32
        %mul3A_127 = arith.constant 1048576 : i32
        %mul3A_128 = arith.muli %add3A_126, %mul3A_127 : i32
        %add3A_129 = arith.addi %mul3A_128, %add3A_44 : i32
        "tpu.region"() ({
          %run_scoped3A = tpu.sem_alloc : memref<!tpu.dma_semaphore, #tpu.memory_space<semaphore_mem>>
          %dma_start3A_130 = tpu.memref_slice %arg9[%add3A_129] : memref<33554432xf32, #tpu.memory_space<hbm>> -> memref<2048xf32, #tpu.memory_space<hbm>>
          %dma_start3A_131 = tpu.memref_slice %arg9[%add3A_129] : memref<33554432xf32, #tpu.memory_space<hbm>> -> memref<2048xf32, #tpu.memory_space<hbm>>
          tpu.enqueue_dma source(%arg15 : memref<2048xf32, #tpu.memory_space<vmem>>) target(%dma_start3A_131 : memref<2048xf32, #tpu.memory_space<hbm>>) target_semaphore(%run_scoped3A : memref<!tpu.dma_semaphore, #tpu.memory_space<semaphore_mem>>)
          %dma_wait3A_132 = tpu.memref_slice %arg9[%add3A_129] : memref<33554432xf32, #tpu.memory_space<hbm>> -> memref<2048xf32, #tpu.memory_space<hbm>>
          %dma_wait3A_133 = tpu.memref_slice %arg9[%add3A_129] : memref<33554432xf32, #tpu.memory_space<hbm>> -> memref<2048xf32, #tpu.memory_space<hbm>>
          tpu.wait_dma2 semaphore(%run_scoped3A : memref<!tpu.dma_semaphore, #tpu.memory_space<semaphore_mem>>) src(%arg15 : memref<2048xf32, #tpu.memory_space<vmem>>) dst(%dma_wait3A_133 : memref<2048xf32, #tpu.memory_space<hbm>>)
          tpu.yield
        }) : () -> ()
      }
      %scan3A_35 = arith.constant 16 : i32
      %barrier3A_36 = arith.constant 0 : index
      tpu.barrier barrier_id(%barrier3A_36)
    }
    %scan3A_11 = arith.constant 6 : i32
    return
  }
}

module attributes {stable_mosaic.version = 14 : i64} {
  func.func @_pe_body(%arg0: i32, %arg1: memref<2048x3xf32, #tpu.memory_space<vmem>>, %arg2: memref<2048x72xf32, #tpu.memory_space<vmem>>) attributes {dimension_semantics = [#tpu.dimension_semantics<arbitrary>], iteration_bounds = array<i64: 512>, scalar_prefetch = 0 : i64, scratch_operands = 0 : i64, tpu.core_type = #tpu.core_type<tc>, window_params = [{transform_indices = @transform_0, window_bounds = array<i64: 2048, 3>}, {transform_indices = @transform_1, window_bounds = array<i64: 2048, 72>}]} {
    %get3A = arith.constant 0 : index
    %get3A_0 = arith.constant 0 : index
    %get3A_1 = vector.load %arg1[%get3A, %get3A_0] : memref<2048x3xf32, #tpu.memory_space<vmem>>, vector<2048x3xf32>
    %iota3A = tpu.iota {dimensions = array<i32: 1>} : vector<1x24xi32>
    %jit3A = arith.constant 2 : i32
    %div3A = vector.broadcast %jit3A : i32 to vector<1x24xi32>
    %div3A_2 = arith.divsi %iota3A, %div3A : vector<1x24xi32>
    %sign3A = arith.constant 0 : i32
    %sign3A_3 = vector.broadcast %sign3A : i32 to vector<1x24xi32>
    %sign3A_4 = arith.cmpi sgt, %iota3A, %sign3A_3 : vector<1x24xi32>
    %sign3A_5 = arith.extui %sign3A_4 : vector<1x24xi1> to vector<1x24xi32>
    %sign3A_6 = arith.constant 0 : i32
    %sign3A_7 = vector.broadcast %sign3A_6 : i32 to vector<1x24xi32>
    %sign3A_8 = arith.cmpi slt, %iota3A, %sign3A_7 : vector<1x24xi32>
    %sign3A_9 = arith.extui %sign3A_8 : vector<1x24xi1> to vector<1x24xi32>
    %sign3A_10 = arith.subi %sign3A_5, %sign3A_9 : vector<1x24xi32>
    %sign3A_11 = arith.constant 0 : i32
    %sign3A_12 = arith.cmpi sgt, %jit3A, %sign3A_11 : i32
    %sign3A_13 = arith.extui %sign3A_12 : i1 to i32
    %sign3A_14 = arith.constant 0 : i32
    %sign3A_15 = arith.cmpi slt, %jit3A, %sign3A_14 : i32
    %sign3A_16 = arith.extui %sign3A_15 : i1 to i32
    %sign3A_17 = arith.subi %sign3A_13, %sign3A_16 : i32
    %ne3A = vector.broadcast %sign3A_17 : i32 to vector<1x24xi32>
    %ne3A_18 = arith.cmpi ne, %sign3A_10, %ne3A : vector<1x24xi32>
    %rem3A = vector.broadcast %jit3A : i32 to vector<1x24xi32>
    %rem3A_19 = arith.remsi %iota3A, %rem3A : vector<1x24xi32>
    %ne3A_20 = arith.constant 0 : i32
    %ne3A_21 = vector.broadcast %ne3A_20 : i32 to vector<1x24xi32>
    %ne3A_22 = arith.cmpi ne, %rem3A_19, %ne3A_21 : vector<1x24xi32>
    %and3A = arith.andi %ne3A_18, %ne3A_22 : vector<1x24xi1>
    %sub3A = arith.constant 1 : i32
    %sub3A_23 = vector.broadcast %sub3A : i32 to vector<1x24xi32>
    %sub3A_24 = arith.subi %div3A_2, %sub3A_23 : vector<1x24xi32>
    %select_n3A = arith.select %and3A, %sub3A_24, %div3A_2 : vector<1x24xi1>, vector<1x24xi32>
    %convert_element_type3A = arith.sitofp %select_n3A : vector<1x24xi32> to vector<1x24xf32>
    %exp23A = math.exp2 %convert_element_type3A : vector<1x24xf32>
    %mul3A = arith.constant 3.14159274 : f32
    %mul3A_25 = vector.broadcast %mul3A : f32 to vector<1x24xf32>
    %mul3A_26 = arith.mulf %exp23A, %mul3A_25 : vector<1x24xf32>
    %jit3A_27 = arith.constant 2 : i32
    %eq3A = arith.constant 0 : i32
    %eq3A_28 = arith.cmpi eq, %jit3A_27, %eq3A : i32
    %jit3A_29 = arith.constant 1 : i32
    %select_n3A_30 = arith.select %eq3A_28, %jit3A_29, %jit3A_27 : i32
    %rem3A_31 = vector.broadcast %select_n3A_30 : i32 to vector<1x24xi32>
    %rem3A_32 = arith.remsi %iota3A, %rem3A_31 : vector<1x24xi32>
    %ne3A_33 = arith.constant 0 : i32
    %ne3A_34 = vector.broadcast %ne3A_33 : i32 to vector<1x24xi32>
    %ne3A_35 = arith.cmpi ne, %rem3A_32, %ne3A_34 : vector<1x24xi32>
    %lt3A = arith.constant 0 : i32
    %lt3A_36 = vector.broadcast %lt3A : i32 to vector<1x24xi32>
    %lt3A_37 = arith.cmpi slt, %rem3A_32, %lt3A_36 : vector<1x24xi32>
    %lt3A_38 = arith.constant 0 : i32
    %lt3A_39 = arith.cmpi slt, %select_n3A_30, %lt3A_38 : i32
    %ne3A_40 = vector.broadcast %lt3A_39 : i1 to vector<1x24xi1>
    %ne3A_41 = vector.broadcast %ne3A_40 : vector<1x24xi1> to vector<1x24xi1>
    %ne3A_42 = arith.xori %lt3A_37, %ne3A_41 : vector<1x24xi1>
    %and3A_43 = arith.andi %ne3A_42, %ne3A_35 : vector<1x24xi1>
    %add3A = vector.broadcast %select_n3A_30 : i32 to vector<1x24xi32>
    %add3A_44 = arith.addi %rem3A_32, %add3A : vector<1x24xi32>
    %select_n3A_45 = arith.select %and3A_43, %add3A_44, %rem3A_32 : vector<1x24xi1>, vector<1x24xi32>
    %eq3A_46 = arith.constant 1 : i32
    %eq3A_47 = vector.broadcast %eq3A_46 : i32 to vector<1x24xi32>
    %eq3A_48 = arith.cmpi eq, %select_n3A_45, %eq3A_47 : vector<1x24xi32>
    %jit3A_49 = arith.constant 1.57079637 : f32
    %jit3A_50 = arith.constant 0.000000e+00 : f32
    %broadcast_in_dim3A = vector.broadcast %jit3A_49 : f32 to vector<1x24xf32>
    %broadcast_in_dim3A_51 = vector.broadcast %jit3A_50 : f32 to vector<1x24xf32>
    %select_n3A_52 = arith.select %eq3A_48, %broadcast_in_dim3A, %broadcast_in_dim3A_51 : vector<1x24xi1>, vector<1x24xf32>
    %slice3A = vector.extract_strided_slice %get3A_1 {offsets = [0, 0], sizes = [2048, 1], strides = [1, 1]} : vector<2048x3xf32> to vector<2048x1xf32>
    %mul3A_53 = vector.broadcast %slice3A : vector<2048x1xf32> to vector<2048x24xf32>
    %mul3A_54 = vector.broadcast %mul3A_26 : vector<1x24xf32> to vector<2048x24xf32>
    %mul3A_55 = arith.mulf %mul3A_53, %mul3A_54 : vector<2048x24xf32>
    %add3A_56 = vector.broadcast %select_n3A_52 : vector<1x24xf32> to vector<2048x24xf32>
    %add3A_57 = arith.addf %mul3A_55, %add3A_56 : vector<2048x24xf32>
    %slice3A_58 = vector.extract_strided_slice %get3A_1 {offsets = [0, 1], sizes = [2048, 1], strides = [1, 1]} : vector<2048x3xf32> to vector<2048x1xf32>
    %mul3A_59 = vector.broadcast %slice3A_58 : vector<2048x1xf32> to vector<2048x24xf32>
    %mul3A_60 = vector.broadcast %mul3A_26 : vector<1x24xf32> to vector<2048x24xf32>
    %mul3A_61 = arith.mulf %mul3A_59, %mul3A_60 : vector<2048x24xf32>
    %add3A_62 = vector.broadcast %select_n3A_52 : vector<1x24xf32> to vector<2048x24xf32>
    %add3A_63 = arith.addf %mul3A_61, %add3A_62 : vector<2048x24xf32>
    %slice3A_64 = vector.extract_strided_slice %get3A_1 {offsets = [0, 2], sizes = [2048, 1], strides = [1, 1]} : vector<2048x3xf32> to vector<2048x1xf32>
    %mul3A_65 = vector.broadcast %slice3A_64 : vector<2048x1xf32> to vector<2048x24xf32>
    %mul3A_66 = vector.broadcast %mul3A_26 : vector<1x24xf32> to vector<2048x24xf32>
    %mul3A_67 = arith.mulf %mul3A_65, %mul3A_66 : vector<2048x24xf32>
    %add3A_68 = vector.broadcast %select_n3A_52 : vector<1x24xf32> to vector<2048x24xf32>
    %add3A_69 = arith.addf %mul3A_67, %add3A_68 : vector<2048x24xf32>
    %concatenate3A = tpu.concatenate %add3A_57, %add3A_63, %add3A_69 in 1 : vector<2048x24xf32>, vector<2048x24xf32>, vector<2048x24xf32> -> vector<2048x72xf32>
    %sin3A = math.sin %concatenate3A : vector<2048x72xf32>
    %swap3A = arith.constant 0 : index
    %swap3A_70 = arith.constant 0 : index
    %swap3A_71 = vector.load %arg2[%swap3A, %swap3A_70] : memref<2048x72xf32, #tpu.memory_space<vmem>>, vector<2048x72xf32>
    tpu.vector_store %arg2[%swap3A, %swap3A_70], %sin3A {strides = array<i32>} : memref<2048x72xf32, #tpu.memory_space<vmem>>, vector<2048x72xf32>,
    return
  }
  func.func @transform_0(%arg0: i32) -> (i32, i32) {
    %c0_i32 = arith.constant 0 : i32
    %c0_i32_0 = arith.constant 0 : i32
    return %arg0, %c0_i32 : i32, i32
  }
  func.func @transform_1(%arg0: i32) -> (i32, i32) {
    %c0_i32 = arith.constant 0 : i32
    %c0_i32_0 = arith.constant 0 : i32
    return %arg0, %c0_i32 : i32, i32
  }
}

</mosaic_0001>

<sc_bundles>
// kernel: kernel.4.cloned.1.call-start
scs
__scs_entry_jumppad:
0x0: {  	(pc) =	sbr.rel $0x88, $3  }
0x1: {  	(tag) =	ssettag $0x0;
	lr =	simm.s32 $0x1  }
0x2: {  	[smem:$0x3F9F] =	sst lr;
	_ =	strace $0xD0000000  }
0x3: {  	_ = 	snop  }
0x4: {  	_ = 	snop  }
0x5: {  	_ = 	snop  }
0x6: {  	_ = 	snop  }
0x7: {  	_ = 	snop  }
__scs_overlays_trampoline_lowered:
0x8: {  	[smem:$0x3FAE] =	sst s0  }
0x9: {  	[smem:$0x3FAF] =	sst s1  }
0xa: {  	[smem:$0x3FB0] =	sst s2  }
0xb: {  	[smem:$0x3FB1] =	sst s3  }
0xc: {  	[smem:$0x3FB2] =	sst s4  }
0xd: {  	[smem:$0x3FB3] =	sst s5  }
0xe: {  	[smem:$0x3FB4] =	sst s6  }
0xf: {  	[smem:$0x3FB5] =	sst s7  }
0x10: {  	[smem:$0x3FB6] =	sst s8  }
0x11: {  	[smem:$0x3FB7] =	sst s9;
	s0 =	simm.s32 @!p0 $0x0  }
0x12: {  	s1 =	sld [smem:$0x3F9D];
	s0 =	simm.s32 @p0 $0x1  }
0x13: {  	[smem:$0x3FB8] =	sst s0;
	s0 =	simm.s32 @!p1 $0x0  }
0x14: {  	s2 =	sld [smem:$0x3F9C];
	s0 =	simm.s32 @p1 $0x1  }
0x15: {  	[smem:$0x3FB9] =	sst s0;
	s0 =	simm.s32 @!p2 $0x0  }
0x16: {  	s3 =	sld [smem:$0x3FDB];
	s0 =	simm.s32 @p2 $0x1  }
0x17: {  	s4 =	simm.s32 $0x1BF5;
	[smem:$0x3FBB] =	sst s0  }
0x18: {  	s0 =	sld [smem:$0x3F9E];
	_ =	swait.ge [sflag:s4], $0x0  }
0x19: {  	s7 =	sld [smem:$0x3F9F]  }
0x1a: {  	s8 =	sadd.s32 $0xFFFFE003, lr  }
0x1b: {  	s9 =	sadd.s32 $0xFFFFFEF7, lr;
	s5 =	simm.s32 $0xFFFFFFFF;
	p2 =	slt.u32 s8, $0xFFFFF086  }
0x1c: {  	p1 =	slt.u32 s9, $0xF7A;
	s5 =	simm.s32 @!p2 $0x0  }
0x1d: {  	s5 =	simm.s32 @p1 $0x1;
	p0 =	seq.s32 s7, s2  }
0x1e: {  	s7 =	smul.u32 @!p0 $0xF7A, s2;
	p2 =	seq.s32 @!p0 s5, $0x0  }
0x1f: {  	s9 =	smul.u32 $0xF7A, s1;
	s8 =	simm.s32 @!p0 $0x1BF5;
	p2 =	por !p2, p0  }
0x20: {  	[sflag:s8] =	ssyncset.s32 @!p0 $0xFFFFF086;
	s6 =	sadd.s32 @!p0 s3, s7;
	s7 =	simm.s32 @!p0 $0x108  }
0x21: {  	s3 =	sadd.s32 s3, s9;
	s6 =	sadd.s32 @!p0 $0x88, s6;
	s7 =	simm.s32 @p2 $0x1082  }
0x22: {  	[simem:s7], [sflag:s8] =	dma.local @!p0 [hbm:s6], $0xF7A  }
0x23: {  	s9 =	sor.u32 $0xD0000000, s2;
	s6 =	simm.s32 $0x108;
	_ =	swait.ge @!p0 [sflag:s8], $0x0  }
0x24: {  	s3 =	sadd.s32 $0x88, s3;
	s6 =	simm.s32 @!p1 $0x1082;
	[sflag:s4] =	ssyncset.s32 $0xFFFFF086  }
0x25: {  	[simem:s6], [sflag:s4] =	dma.local [hbm:s3], $0xF7A  }
0x26: {  	[smem:$0x3F9F] =	sst s1;
	(tag) =	ssettag s2;
	_ =	strace s9  }
0x27: {  	s1 =	sld [smem:$0x3FAF]  }
0x28: {  	s2 =	sld [smem:$0x3FB0]  }
0x29: {  	s4 =	sld [smem:$0x3FB2]  }
0x2a: {  	p0 =	seq.s32 s5, $0x0;
	s5 =	sld [smem:$0x3FB3]  }
0x2b: {  	s6 =	sld [smem:$0x3FB4]  }
0x2c: {  	s7 =	sld [smem:$0x3FB5]  }
0x2d: {  	s3 =	simm.s32 $0x108;
	s8 =	sld [smem:$0x3FB6]  }
0x2e: {  	s3 =	simm.s32 @!p0 $0x1082;
	s9 =	sld [smem:$0x3FB7]  }
0x2f: {  	lr =	sadd.s32 s0, s3;
	s0 =	sld [smem:$0x3FAE]  }
0x30: {  	s3 =	sld [smem:$0x3FB1]  }
0x31: {  	[smem:$0x3FBA] =	sst s10  }
0x32: {  	s10 =	sld [smem:$0x3FB8];
	_ =	sdelay $0x3  }
0x33: {  	p0 =	seq.s32 s10, $0x1;
	s10 =	sld [smem:$0x3FBA];
	_ =	sdelay $0x3  }
0x34: {  	[smem:$0x3FBA] =	sst s10  }
0x35: {  	s10 =	sld [smem:$0x3FB9];
	_ =	sdelay $0x3  }
0x36: {  	p1 =	seq.s32 s10, $0x1;
	s10 =	sld [smem:$0x3FBA];
	_ =	sdelay $0x3  }
0x37: {  	[smem:$0x3FBA] =	sst s10  }
0x38: {  	s10 =	sld [smem:$0x3FBB]  }
0x39: {  	_ = 	snop;
	(pc) =	sbr.ind lr, $3  }
0x3a: {  	_ = 	snop  }
0x3b: {  	_ = 	snop  }
0x3c: {  	p2 =	seq.s32 s10, $0x1;
	s10 =	sld [smem:$0x3FBA]  }
0x3d: {  	_ =	shalt  }
0x3e: {  	_ =	shalt  }
0x3f: {  	_ =	shalt  }
0x40: {  	_ =	shalt  }
0x41: {  	_ =	shalt  }
0x42: {  	_ =	shalt  }
0x43: {  	_ =	shalt  }
0x44: {  	_ =	shalt  }
0x45: {  	_ =	shalt  }
0x46: {  	_ =	shalt  }
0x47: {  	_ =	shalt  }
0x48: {  	_ =	shalt  }
0x49: {  	_ =	shalt  }
0x4a: {  	_ =	shalt  }
0x4b: {  	_ =	shalt  }
0x4c: {  	_ =	shalt  }
0x4d: {  	_ =	shalt  }
0x4e: {  	_ =	shalt  }
0x4f: {  	_ =	shalt  }
0x50: {  	_ =	shalt  }
0x51: {  	_ =	shalt  }
0x52: {  	_ =	shalt  }
0x53: {  	_ =	shalt  }
0x54: {  	_ =	shalt  }
0x55: {  	_ =	shalt  }
0x56: {  	_ =	shalt  }
0x57: {  	_ =	shalt  }
0x58: {  	_ =	shalt  }
0x59: {  	_ =	shalt  }
0x5a: {  	_ =	shalt  }
0x5b: {  	_ =	shalt  }
0x5c: {  	_ =	shalt  }
0x5d: {  	_ =	shalt  }
0x5e: {  	_ =	shalt  }
0x5f: {  	_ =	shalt  }
0x60: {  	_ =	shalt  }
0x61: {  	_ =	shalt  }
0x62: {  	_ =	shalt  }
0x63: {  	_ =	shalt  }
0x64: {  	_ =	shalt  }
0x65: {  	_ =	shalt  }
0x66: {  	_ =	shalt  }
0x67: {  	_ =	shalt  }
0x68: {  	_ =	shalt  }
0x69: {  	_ =	shalt  }
0x6a: {  	_ =	shalt  }
0x6b: {  	_ =	shalt  }
0x6c: {  	_ =	shalt  }
0x6d: {  	_ =	shalt  }
0x6e: {  	_ =	shalt  }
0x6f: {  	_ =	shalt  }
0x70: {  	_ =	shalt  }
0x71: {  	_ =	shalt  }
0x72: {  	_ =	shalt  }
0x73: {  	_ =	shalt  }
0x74: {  	_ =	shalt  }
0x75: {  	_ =	shalt  }
0x76: {  	_ =	shalt  }
0x77: {  	_ =	shalt  }
0x78: {  	_ =	shalt  }
0x79: {  	_ =	shalt  }
0x7a: {  	_ =	shalt  }
0x7b: {  	_ =	shalt  }
0x7c: {  	_ =	shalt  }
0x7d: {  	_ =	shalt  }
0x7e: {  	_ =	shalt  }
0x7f: {  	_ =	shalt  }
0x80: {  	_ =	shalt  }
0x81: {  	_ =	shalt  }
0x82: {  	_ =	shalt  }
0x83: {  	_ =	shalt  }
0x84: {  	_ =	shalt  }
0x85: {  	_ =	shalt  }
0x86: {  	_ =	shalt  }
0x87: {  	_ =	shalt  }
.Lfunc_end0:
.L_simem_size_0:
called_computation.1_lowered:
.L_overlay_start_0:
0x88: {  	s2 =	sld [smem:$0x3FD9]  }
0x89: {  	s3 =	sld [smem:$0x3FFE];
	_ =	sdelay $0x1  }
0x8a: {  	s1 =	srdreg.scid  }
0x8b: {  	s0 =	sand.u32 $0x1, s1  }
0x8c: {  	s14 =	sshll.u32 s0, $0xA;
	s2 =	sadd.s32 s3, s2  }
0x8d: {  	s2 =	sadd.s32 s2, s14  }
0x8e: {  	[smem:$0x3FC6] =	sst s2  }
0x8f: {  	_ = 	snop  }
0x90: {  	s2 =	sld [smem:$0x3FD0];
	_ =	sdelay $0x2  }
0x91: {  	s15 =	simm.s32 $0xA;
	s4 =	simm.s32 $0x10  }
0x92: {  	[smem:s4], [sflag:s15] =	dma.local [hbm:s2], $0x1  }
0x93: {  	_ =	swait.eq [sflag:s15], $0x1  }
0x94: {  	[sflag:s15] =	ssyncset.done $0x0  }
0x95: {  	[sflag:s15] =	ssyncadd.s32 $0xFFFFFFFF  }
0x96: {  	s16 =	sld [smem:$0x11];
	(tm) =	ssettm $0x1  }
0x97: {  	s17 =	sld [smem:$0x3FFB];
	_ =	sdelay $0x3  }
0x98: {  	_ =	strace s17  }
0x99: {  	s3 =	sld [smem:$0x3FFC];
	_ =	sdelay $0x3  }
0x9a: {  	_ =	strace s3  }
0x9b: {  	s3 =	sld [smem:$0x3FFD];
	_ =	sdelay $0x3  }
0x9c: {  	_ =	strace s3  }
0x9d: {  	_ =	strace $0x8FFFFFFF  }
0x9e: {  	s18 =	sld [smem:$0x3FDB];
	_ =	sdelay $0x1  }
0x9f: {  	s19 =	simm.s32 $_scs_section_size  }
0xa0: {  	s5 =	simm.s32 $_size__tile_overlayer_lowered;
	s6 =	simm.s32 $_tile_overlayer_lowered  }
0xa1: {  	s22 =	simm.s32 $0x1BFF;
	s21 =	sshll.u32 s6, $0x1;
	s3 =	sadd.s32 s19, s18  }
0xa2: {  	s7 =	simm.s32 $0x0;
	s20 =	sshll.u32 s5, $0x1;
	s5 =	sadd.s32 s21, s3  }
0xa3: {  	[timem:s7], [sflag:s22] =	dma.local [hbm:s5], s20  }
0xa4: {  	_ =	swait.ge [sflag:s22], s20  }
0xa5: {  	s4 =	ssub.s32 $0x0, s20;
	[sflag:s22] =	ssyncset.done $0x0  }
0xa6: {  	[sflag:s22] =	ssyncadd.s32 s4;
	_ =	sdelay $0x1  }
0xa7: {  	s23 =	simm.s32 $0x1B8B  }
0xa8: {  	_ =	swait.ge [sflag:s23], $0x1  }
0xa9: {  	[sflag:s23] =	ssyncset.done $0x0  }
0xaa: {  	s25 =	simm.s32 $0x1B8E;
	s24 =	sld [smem:$0x3FFE];
	[sflag:s23] =	ssyncadd.s32 $0xFFFFFFFF  }
0xab: {  	s26 =	simm.s32 $execute0_lowered;
	[smem:$0x3FD2] =	sst s25  }
0xac: {  	s5 =	sshll.u32 s26, $0x1;
	_ =	strace $0x80000049;
	[dreg:$0x1] =	wrdreg $0xFFFFFFFF  }
0xad: {  	s28 =	simm.s32 $_size_execute0_lowered;
	s3 =	sadd.s32 s3, s5;
	[dreg:$0x0] =	wrdreg $0x0  }
0xae: {  	s5 =	sshll.u32 s28, $0x1;
	[dreg:$0x2] =	wrdreg s3  }
0xaf: {  	[dreg:$0x3] =	wrdreg s5  }
0xb0: {  	[dreg:$0x4] =	wrdreg $0xC0  }
0xb1: {  	_ =	task [dreg:s7], $0x5FFFF  }
0xb2: {  	[dreg:$0x1] =	wrdreg $0xFFFFFFFF  }
0xb3: {  	[dreg:$0x0] =	wrdreg $0x60  }
0xb4: {  	[dreg:$0x2] =	wrdreg s24  }
0xb5: {  	[dreg:$0x3] =	wrdreg s16  }
0xb6: {  	[dreg:$0x4] =	wrdreg $0x68000  }
0xb7: {  	[dreg:$0x5] =	wrdreg $0x9  }
0xb8: {  	_ =	task.clear_ibuf [dreg:s7], $0x6FFFF;
	_ =	strace $0x90000049  }
0xb9: {  	s29 =	simm.s32 $0x9;
	_ =	strace $0x8000004B  }
0xba: {  	_ =	swait.ge [sflag:s29], $0x1  }
0xbb: {  	[sflag:s29] =	ssyncadd.s32 $0xFFFFFFFF  }
0xbc: {  	_ =	strace $0x9000004B  }
0xbd: {  	_ =	sfence  }
0xbe: {  	s30 =	sld [smem:$0x0];
	_ =	sdelay $0x2  }
0xbf: {  	s31 =	sshll.u32 s1, $0xD;
	s1 =	sshrl.u32 s1, $0x2  }
0xc0: {  	s3 =	sand.u32 $0x4000, s31;
	s1 =	sadd.s32 s1, s30  }
0xc1: {  	s0 =	sor.u32 s3, s0;
	s1 =	sshll.u32 s1, $0x11  }
0xc2: {  	s0 =	sor.u32 s1, s0  }
0xc3: {  	s0 =	sadd.s32 $0x8F2B, s0  }
0xc4: {  	[sflag:s0] =	ssyncadd.remote.s32 $0x1  }
0xc5: {  	_ =	sfence.sel $0xFFFF  }
0xc6: {  	[dreg:$0x0] =	wrdreg $0xFFFFFFFF;
	(pc) =	sbr.abs _section_cstart, $3  }
0xc7: {  	[dreg:$0x1] =	wrdreg $0xFFFFFFFF  }
0xc8: {  	_ =	task.clear_ibuf [dreg:s7], $0x2FFFF;
	_ =	strace $0x9FFFFFFF  }
0xc9: {  	(tm) =	ssettm $0x7FFFFFFF  }
tec
execute0_lowered:
.L_overlay_start_1:
0x0: {  	(tag) =	ssettag $0x1  }
0x1: {  	s0 =	rddreg [dreg:$0x0]  }
0x2: {  	s2 =	rddreg [dreg:$0x1]  }
0x3: {  	s15 =	rddreg [dreg:$0x2];
	s1 =	simm.s32 $0x0  }
0x4: {  	[smem:$0x7FF] =	sst s1;
	s3 =	sadd.s32 $0x141E00, s0  }
0x5: {  	s10 =	sadd.s32 $0x121E00, s0;
	_ =	strace $0x8000004A;
	[dreg:$0x4] =	wrdreg s3  }
0x6: {  	s11 =	sadd.s32 $0x101E00, s0;
	[dreg:$0x5] =	wrdreg s10  }
0x7: {  	s12 =	sadd.s32 $0x1E00, s0;
	[dreg:$0x6] =	wrdreg s11  }
0x8: {  	s4 =	sadd.s32 $0x161E00, s0;
	[dreg:$0x7] =	wrdreg s12  }
0x9: {  	s9 =	srdreg.scid;
	s14 =	sadd.s32 $0x162000, s0;
	[dreg:$0x8] =	wrdreg s4  }
0xa: {  	s5 =	stileid.u32;
	s0 =	sadd.s32 $0x162200, s0;
	[dreg:$0x9] =	wrdreg s14  }
0xb: {  	s19 =	smul.u32 $0x6000, s5;
	s20 =	sshll.u32 s5, $0xF;
	[dreg:$0xa] =	wrdreg s0  }
0xc: {  	s1 =	sand.u32 $0x1, s9;
	[dreg:$0xd] =	wrdreg s20  }
0xd: {  	s18 =	sshll.u32 s5, $0x10;
	s25 =	sadd.s32 s20, s15;
	[dreg:$0xb] =	wrdreg s19  }
0xe: {  	s13 =	ssub.s32 $0x2, s1;
	s26 =	sor.u32 $0x2000, s20;
	[dreg:$0x14] =	wrdreg s25  }
0xf: {  	s1 =	sshll.u32 s1, $0xF;
	s28 =	sor.u32 $0x4000, s20;
	[dreg:$0x15] =	wrdreg s26  }
0x10: {  	s1 =	sor.u32 s1, s18;
	[dreg:$0x16] =	wrdreg s28  }
0x11: {  	s21 =	sadd.s32 s19, s15;
	[dreg:$0xc] =	wrdreg s1  }
0x12: {  	s22 =	sadd.s32 $0x2000, s19;
	[dreg:$0xf] =	wrdreg s21  }
0x13: {  	s23 =	sadd.s32 $0x4000, s19;
	[dreg:$0x10] =	wrdreg s22  }
0x14: {  	s29 =	sadd.s32 s28, s15;
	[dreg:$0x11] =	wrdreg s23  }
0x15: {  	s16 =	sshrl.u32 s13, $0x1;
	s24 =	sadd.s32 s23, s15;
	[dreg:$0x19] =	wrdreg s29  }
0x16: {  	s17 =	ssub.s32 s13, s16;
	s1 =	sor.u32 $0x6000, s20;
	[dreg:$0x13] =	wrdreg s24  }
0x17: {  	s0 =	smax.u32 s17, $0x1;
	[dreg:$0x17] =	wrdreg s1  }
0x18: {  	s30 =	simm.s32 $0x400;
	s31 =	sadd.s32 s1, s15;
	[dreg:$0xe] =	wrdreg s0  }
0x19: {  	s5 =	simm.s32 $0x3;
	s0 =	sadd.s32 s22, s15;
	[dreg:$0x1a] =	wrdreg s31  }
0x1a: {  	s11 =	simm.s32 $0x1;
	[dreg:$0x12] =	wrdreg s0;
	s0 =	sadd.s32 s26, s15  }
0x1b: {  	s23 =	simm.s32 $0x2;
	s1 =	simm.s32 $0x0;
	[dreg:$0x18] =	wrdreg s0  }
.LBB2_1:
0x1c: {  	[dreg:$0x1b] =	wrdreg s1  }
0x1d: {  	s0 =	simm.s32 $0x0;
	s25 =	rddreg [dreg:$0x8];
	s3 =	simm.s32 $0x10800  }
0x1e: {  	[tilespmem:s3], [sflag:$0x3] =	stream.linear.gather [hbm4b:s25+s0], $0x80, $0x38;
	[tilespmem:$0x18980] =	vst v63  }
0x1f: {  	_ =	swait.ge [sflag:s5], $0x80  }
0x20: {  	[sflag:s5] =	ssyncset.done $0x0  }
0x21: {  	s28 =	simm.s32 $0x10880;
	s26 =	rddreg [dreg:$0x9];
	[sflag:s5] =	ssyncadd.s32 $0xFFFFFF80  }
0x22: {  	[tilespmem:s28], [sflag:$0x3] =	stream.linear.gather [hbm4b:s26+s0], $0x80, $0x38;
	[tilespmem:$0x18980] =	vst v63  }
0x23: {  	_ =	swait.ge [sflag:s5], $0x80  }
0x24: {  	[sflag:s5] =	ssyncset.done $0x0  }
0x25: {  	s31 =	simm.s32 $0x10900;
	s29 =	rddreg [dreg:$0xa];
	[sflag:s5] =	ssyncadd.s32 $0xFFFFFF80  }
0x26: {  	[tilespmem:s31], [sflag:$0x3] =	stream.linear.gather [hbm4b:s29+s0], $0x80, $0x38;
	[tilespmem:$0x18980] =	vst v63  }
0x27: {  	_ =	swait.ge [sflag:s5], $0x80  }
0x28: {  	[sflag:s5] =	ssyncset.done $0x0  }
0x29: {  	s7 =	simm.s32 $0x0;
	[sflag:s5] =	ssyncadd.s32 $0xFFFFFF80  }
.LBB2_2:
0x2a: {  	v2 =	vmov s7;
	_ =	sdelay $0x3  }
0x2b: {  	s0 =	sshll.u32 s7, $0x13;
	s1 =	simm.s32 $0x10800;
	s20 =	rddreg [dreg:$0xb]  }
0x2c: {  	s3 =	simm.s32 $0x10880;
	v0 =	vld.idx.msk [tilespmem:v2+s1+$0x0], $0xffff;
	s1 =	sor.u32 s0, s20  }
0x2d: {  	s21 =	simm.s32 $0x10900;
	s22 =	rddreg [dreg:$0x7];
	s1 =	sshrl.u32 s1, $0x3  }
0x2e: {  	s6 =	simm.s32 $0x0;
	s4 =	simm.s32 $0xE800;
	v1 =	vld.idx.msk [tilespmem:v2+s3+$0x0], $0xffff;
	s1 =	sadd.s32 s22, s1  }
0x2f: {  	v2 =	vld.idx.msk [tilespmem:v2+s21+$0x0], $0xffff;
	[tilespmem:s4], [sflag:$0x3] =	stream.linear.gather [hbm4b:s1+s6], $0x2000, $0x38  }
0x30: {  	_ =	swait.ge [sflag:s5], $0x2000  }
0x31: {  	[sflag:s5] =	ssyncset.done $0x0  }
0x32: {  	s24 =	rddreg [dreg:$0xf];
	[sflag:s5] =	ssyncadd.s32 $0xFFFFE000  }
0x33: {  	[spmem:s24] =	stream.linear.scatter [tilespmem:s4], [sflag:$0x3], $0x2000, $0x38;
	[tilespmem:$0x18980] =	vst v63  }
0x34: {  	_ =	swait.ge [sflag:s5], $0x2000  }
0x35: {  	s25 =	rddreg [dreg:$0x10]  }
0x36: {  	s1 =	sadd.s32 s0, s25  }
0x37: {  	[sflag:s5] =	ssyncset.done $0x0;
	s1 =	sshrl.u32 s1, $0x3  }
0x38: {  	[sflag:s5] =	ssyncadd.s32 $0xFFFFE000;
	s1 =	sadd.s32 s22, s1  }
0x39: {  	[tilespmem:s4], [sflag:$0x3] =	stream.linear.gather [hbm4b:s1+s6], $0x2000, $0x38;
	[tilespmem:$0x18980] =	vst v63  }
0x3a: {  	_ =	swait.ge [sflag:s5], $0x2000  }
0x3b: {  	[sflag:s5] =	ssyncset.done $0x0  }
0x3c: {  	s26 =	rddreg [dreg:$0x12];
	[sflag:s5] =	ssyncadd.s32 $0xFFFFE000  }
0x3d: {  	[spmem:s26] =	stream.linear.scatter [tilespmem:s4], [sflag:$0x3], $0x2000, $0x38;
	[tilespmem:$0x18980] =	vst v63  }
0x3e: {  	_ =	swait.ge [sflag:s5], $0x2000  }
0x3f: {  	s28 =	rddreg [dreg:$0x11]  }
0x40: {  	s0 =	sadd.s32 s0, s28  }
0x41: {  	[sflag:s5] =	ssyncset.done $0x0;
	s0 =	sshrl.u32 s0, $0x3  }
0x42: {  	[sflag:s5] =	ssyncadd.s32 $0xFFFFE000;
	s0 =	sadd.s32 s22, s0  }
0x43: {  	[tilespmem:s4], [sflag:$0x3] =	stream.linear.gather [hbm4b:s0+s6], $0x2000, $0x38;
	[tilespmem:$0x18980] =	vst v63  }
0x44: {  	_ =	swait.ge [sflag:s5], $0x2000  }
0x45: {  	[sflag:s5] =	ssyncset.done $0x0  }
0x46: {  	s29 =	rddreg [dreg:$0x13];
	[sflag:s5] =	ssyncadd.s32 $0xFFFFE000  }
0x47: {  	[spmem:s29] =	stream.linear.scatter [tilespmem:s4], [sflag:$0x3], $0x2000, $0x38;
	[tilespmem:$0x18980] =	vst v63  }
0x48: {  	_ =	swait.ge [sflag:s5], $0x2000  }
0x49: {  	[sflag:s5] =	ssyncset.done $0x0  }
0x4a: {  	[sflag:s5] =	ssyncadd.s32 $0xFFFFE000  }
0x4b: {  	[bflag:$0x0] =	sbarrier.arrive $0xFFFF  }
0x4c: {  	s31 =	sshll.u32 s7, $0x15;
	[smem:$0x7FC] =	sst s7  }
0x4d: {  	s0 =	simm.s32 $0x0;
	[smem:$0x7FD] =	sst s31  }
.LBB2_3:
0x4e: {  	s1 =	sshll.u32 s0, $0xB;
	s3 =	rddreg [dreg:$0xc]  }
0x4f: {  	s26 =	rddreg [dreg:$0x4];
	s1 =	sadd.s32 s3, s1  }
0x50: {  	[smem:$0x7FB] =	sst s1;
	s1 =	sshrl.u32 s1, $0x3  }
0x51: {  	s6 =	simm.s32 $0x0;
	s3 =	sadd.s32 s26, s1  }
0x52: {  	[tilespmem:s6], [sflag:$0x3] =	stream.linear.gather [hbm4b:s3+s6], $0x800, $0x38;
	[tilespmem:$0x18980] =	vst v63  }
0x53: {  	_ =	swait.ge [sflag:s5], $0x800  }
0x54: {  	[sflag:s5] =	ssyncset.done $0x0;
	s28 =	rddreg [dreg:$0x5]  }
0x55: {  	s4 =	simm.s32 $0x800;
	[sflag:s5] =	ssyncadd.s32 $0xFFFFF800;
	s3 =	sadd.s32 s28, s1  }
0x56: {  	[tilespmem:s4], [sflag:$0x3] =	stream.linear.gather [hbm4b:s3+s6], $0x800, $0x38;
	[tilespmem:$0x18980] =	vst v63  }
0x57: {  	_ =	swait.ge [sflag:s5], $0x800  }
0x58: {  	[sflag:s5] =	ssyncset.done $0x0;
	s29 =	rddreg [dreg:$0x6]  }
0x59: {  	s31 =	simm.s32 $0x1000;
	[sflag:s5] =	ssyncadd.s32 $0xFFFFF800;
	s1 =	sadd.s32 s29, s1  }
0x5a: {  	[tilespmem:s31], [sflag:$0x3] =	stream.linear.gather [hbm4b:s1+s6], $0x800, $0x38;
	[tilespmem:$0x18980] =	vst v63  }
0x5b: {  	p0 =	por $0x0, $0x0;
	_ =	swait.ge [sflag:s5], $0x800  }
0x5c: {  	s8 =	simm.s32 $0x0;
	s9 =	simm.s32 $0x0;
	[sflag:s5] =	ssyncset.done $0x0  }
0x5d: {  	s10 =	simm.s32 $0x0;
	s1 =	simm.s32 $0xFFFFFFFC;
	[sflag:s5] =	ssyncadd.s32 $0xFFFFF800  }
.LBB2_4:
0x5e: {  	s14 =	sshra.s32 s8, $0x2  }
0x5f: {  	v3 =	vld [tilespmem:s14+$0x0]  }
0x60: {  	v4 =	vld [tilespmem:s14+$0x800]  }
0x61: {  	v5 =	vld [tilespmem:s14+$0x1000];
	_ =	sdelay $0x3  }
0x62: {  	v3 =	vmul.f32 v3, v0  }
0x63: {  	v4 =	vmul.f32 v4, v0;
	v5 =	vmul.f32 v5, v0  }
0x64: {  	s12 =	sand.u32 $0x40, s9;
	v6 =	vtrunc.f32 v3  }
0x65: {  	s13 =	sand.u32 $0x380, s9;
	s17 =	sor.u32 $0x10, s12;
	v7 =	vtrunc.f32 v4;
	v8 =	vtrunc.f32 v5  }
0x66: {  	s5 =	sor.u32 s13, s17;
	v6 =	vcvt.f32.s32 v6;
	v7 =	vcvt.f32.s32 v7  }
0x67: {  	v14 =	vld [tilespmem:s5+$0x800];
	v8 =	vcvt.f32.s32 v8  }
0x68: {  	v17 =	vld [tilespmem:s5+$0x1000];
	v9 =	vcvt.s32.f32 v6;
	v10 =	vcvt.s32.f32 v7  }
0x69: {  	v11 =	vcvt.s32.f32 v8  }
0x6a: {  	v3 =	vsub.f32 v3, v9;
	v4 =	vsub.f32 v4, v10  }
0x6b: {  	v5 =	vsub.f32 v5, v11  }
0x6c: {  	v49 =	vld [tilespmem:s5+$0x0];
	v9 =	vsub.f32 $1.000000000e+00, v3;
	v10 =	vsub.f32 $1.000000000e+00, v4  }
0x6d: {  	v14 =	vmul.f32 v14, v0;
	v17 =	vmul.f32 v17, v0;
	v7 =	vmul.u32 v7, v1  }
0x6e: {  	v8 =	vmul.u32 v8, v2;
	v12 =	vsub.f32 $1.000000000e+00, v5;
	v13 =	vmul.f32 v10, v9  }
0x6f: {  	s3 =	sand.u32 $0x1C00, s10;
	v55 =	vtrunc.f32 v14;
	v16 =	vadd.s32 v6, v7  }
0x70: {  	s3 =	sadd.s32 $0x1800, s3;
	v57 =	vtrunc.f32 v17;
	v18 =	vadd.s32 v8, v16;
	v19 =	vmul.f32 v12, v13  }
0x71: {  	s4 =	sor.u32 s12, s3;
	v15 =	vadd.s32 v1, v7;
	v20 =	vadd.s32 v2, v8;
	v11 =	vmul.f32 v49, v0;
	[tilespmem:s14+$0x10980] =	vst v18  }
0x72: {  	v16 =	vadd.s32 v16, v20;
	v9 =	vmul.f32 v4, v9;
	v13 =	vmul.f32 v13, v5;
	[tilespmem:s4+$0x0] =	vst v19  }
0x73: {  	v56 =	vcvt.f32.s32 v55;
	v58 =	vcvt.f32.s32 v57;
	v51 =	vadd.s32 v6, v15;
	[tilespmem:s14+$0x10D80] =	vst v16  }
0x74: {  	v53 =	vadd.s32 v8, v51;
	v21 =	vtrunc.f32 v11;
	v50 =	vmul.f32 v12, v9;
	[tilespmem:s4+$0x80] =	vst v13  }
0x75: {  	s6 =	simm.s32 $0x1;
	v22 =	vcvt.s32.f32 v56;
	v6 =	vadd.s32 $0x1, v6;
	v54 =	vcvt.f32.s32 v21;
	[tilespmem:s14+$0x11180] =	vst v53  }
0x76: {  	s6 =	simm.s32 @!p0 $0x0;
	v10 =	vmul.f32 v10, v3;
	v9 =	vmul.f32 v5, v9;
	v16 =	vadd.s32 v20, v51;
	[tilespmem:s4+$0x100] =	vst v50  }
0x77: {  	s6 =	sshll.u32 s6, $0x6;
	v61 =	vcvt.s32.f32 v58;
	v7 =	vadd.s32 v6, v7;
	v60 =	vcvt.s32.f32 v54;
	[tilespmem:s14+$0x11580] =	vst v16  }
0x78: {  	v63 =	vsub.f32 v14, v22;
	v59 =	vadd.s32 v8, v7;
	v52 =	vmul.f32 v12, v10;
	[tilespmem:s4+$0x180] =	vst v9;
	s4 =	sadd.s32 s6, s10  }
0x79: {  	s16 =	sor.u32 $0x20, s12;
	v27 =	vmul.u32 v56, v1;
	v6 =	vadd.s32 v6, v15;
	v62 =	vsub.f32 v11, v60;
	[tilespmem:s14+$0x11980] =	vst v59;
	s6 =	sor.u32 $0x200, s4  }
0x7a: {  	v3 =	vmul.f32 v4, v3;
	v4 =	vsub.f32 v17, v61;
	v26 =	vsub.f32 $1.000000000e+00, v63;
	[tilespmem:s6+$0x1800] =	vst v52;
	s6 =	sor.u32 s13, s16  }
0x7b: {  	v7 =	vadd.s32 v7, v20;
	v10 =	vmul.f32 v10, v5;
	v25 =	vsub.f32 $1.000000000e+00, v62;
	v28 =	vld [tilespmem:s6+$0x0]  }
0x7c: {  	v24 =	vmul.f32 v12, v3;
	v29 =	vsub.f32 $1.000000000e+00, v4;
	v12 =	vmul.f32 v26, v62;
	s22 =	sor.u32 $0x280, s4;
	[tilespmem:s14+$0x11D80] =	vst v7;
	v32 =	vld [tilespmem:s6+$0x800]  }
0x7d: {  	v30 =	vmul.u32 v58, v2;
	v23 =	vadd.s32 v8, v6;
	v31 =	vmul.f32 v26, v25;
	v35 =	vld [tilespmem:s6+$0x1000];
	[tilespmem:s22+$0x1800] =	vst v10  }
0x7e: {  	v33 =	vadd.s32 v1, v27;
	v3 =	vmul.f32 v5, v3;
	v39 =	vmul.f32 v29, v12;
	s18 =	sor.u32 $0x300, s4;
	[tilespmem:s14+$0x12180] =	vst v23  }
0x7f: {  	s24 =	sor.u32 s10, s9;
	v6 =	vadd.s32 v20, v6;
	v46 =	vmul.f32 v12, v4;
	v36 =	vmul.f32 v29, v31;
	[tilespmem:s18+$0x1800] =	vst v24  }
0x80: {  	s25 =	sor.u32 $0x380, s24;
	v34 =	vadd.s32 v54, v27;
	v15 =	vmul.f32 v31, v4;
	v9 =	vmul.f32 v63, v62;
	[tilespmem:s14+$0x12580] =	vst v6  }
0x81: {  	v10 =	vmul.f32 v63, v25;
	[tilespmem:s25+$0x1800] =	vst v3;
	v3 =	vadd.s32 v30, v34;
	v7 =	vmul.f32 v28, v0  }
0x82: {  	s26 =	sor.u32 s17, s3;
	v37 =	vadd.s32 v2, v30;
	v16 =	vmul.f32 v32, v0;
	v18 =	vmul.f32 v35, v0;
	[tilespmem:s5+$0x10980] =	vst v3  }
0x83: {  	v17 =	vadd.s32 v34, v37;
	v3 =	vmul.f32 v29, v10;
	[tilespmem:s26+$0x0] =	vst v36;
	v41 =	vtrunc.f32 v7  }
0x84: {  	v38 =	vadd.s32 v54, v33;
	v43 =	vtrunc.f32 v16;
	v45 =	vtrunc.f32 v18;
	[tilespmem:s5+$0x10D80] =	vst v17  }
0x85: {  	v40 =	vadd.s32 v30, v38;
	v42 =	vcvt.f32.s32 v41;
	v44 =	vcvt.f32.s32 v43;
	[tilespmem:s26+$0x80] =	vst v15  }
0x86: {  	v13 =	vadd.s32 $0x1, v54;
	v10 =	vmul.f32 v4, v10;
	v47 =	vcvt.f32.s32 v45;
	[tilespmem:s5+$0x11180] =	vst v40  }
0x87: {  	v49 =	vcvt.s32.f32 v42;
	v56 =	vmul.u32 v44, v1;
	[tilespmem:s26+$0x100] =	vst v3;
	v3 =	vadd.s32 v37, v38  }
0x88: {  	v50 =	vcvt.s32.f32 v44;
	v12 =	vmul.u32 v47, v2;
	[tilespmem:s5+$0x11580] =	vst v3;
	v3 =	vadd.s32 v13, v27  }
0x89: {  	s7 =	sor.u32 $0x30, s12;
	v51 =	vcvt.s32.f32 v47;
	v17 =	vadd.s32 v42, v56;
	[tilespmem:s26+$0x180] =	vst v10;
	v48 =	vadd.s32 v30, v3  }
0x8a: {  	s12 =	sor.u32 s13, s7;
	s28 =	sadd.s32 $0x10, s4;
	v7 =	vsub.f32 v7, v49;
	v52 =	vsub.f32 v16, v50;
	v62 =	vadd.s32 v12, v17;
	[tilespmem:s5+$0x11980] =	vst v48  }
0x8b: {  	v60 =	vld [tilespmem:s12+$0x800];
	s29 =	sor.u32 $0x200, s28;
	v10 =	vsub.f32 v18, v51;
	[tilespmem:s6+$0x10980] =	vst v62  }
0x8c: {  	v57 =	vld [tilespmem:s12+$0x0];
	v3 =	vadd.s32 v3, v37;
	v54 =	vsub.f32 $1.000000000e+00, v7;
	v55 =	vsub.f32 $1.000000000e+00, v52;
	[tilespmem:s29+$0x1800] =	vst v39  }
0x8d: {  	v61 =	vld [tilespmem:s12+$0x1000];
	s31 =	sor.u32 $0x280, s28;
	v53 =	vmul.f32 v29, v9;
	v6 =	vadd.s32 v13, v33;
	[tilespmem:s5+$0x11D80] =	vst v3  }
0x8e: {  	v58 =	vsub.f32 $1.000000000e+00, v10;
	v3 =	vadd.s32 v30, v6;
	v59 =	vmul.f32 v55, v54;
	[tilespmem:s31+$0x1800] =	vst v46  }
0x8f: {  	s19 =	sor.u32 $0x300, s28;
	[tilespmem:s5+$0x12180] =	vst v3  }
0x90: {  	v16 =	vmul.f32 v60, v0;
	v3 =	vadd.s32 v37, v6;
	v63 =	vmul.f32 v58, v59;
	[tilespmem:s19+$0x1800] =	vst v53  }
0x91: {  	s21 =	sor.u32 s16, s3;
	v4 =	vmul.f32 v4, v9;
	v9 =	vmul.f32 v57, v0;
	v24 =	vadd.s32 v2, v12;
	[tilespmem:s5+$0x12580] =	vst v3  }
0x92: {  	s20 =	sor.u32 $0x380, s28;
	v17 =	vadd.s32 v17, v24;
	v18 =	vmul.f32 v61, v0;
	v31 =	vtrunc.f32 v16;
	[tilespmem:s21+$0x0] =	vst v63  }
0x93: {  	v8 =	vmul.f32 v52, v54;
	v14 =	vmul.f32 v59, v10;
	v3 =	vadd.s32 v1, v56;
	[tilespmem:s20+$0x1800] =	vst v4  }
0x94: {  	v29 =	vtrunc.f32 v9;
	v33 =	vcvt.f32.s32 v31;
	[tilespmem:s6+$0x10D80] =	vst v17;
	v26 =	vadd.s32 v42, v3  }
0x95: {  	v34 =	vtrunc.f32 v18;
	v25 =	vmul.f32 v58, v8;
	[tilespmem:s21+$0x80] =	vst v14;
	v28 =	vadd.s32 v12, v26  }
0x96: {  	v15 =	vadd.s32 $0x1, v42;
	v13 =	vmul.f32 v55, v7;
	v30 =	vcvt.f32.s32 v29;
	[tilespmem:s6+$0x11180] =	vst v28  }
0x97: {  	v36 =	vcvt.f32.s32 v34;
	v8 =	vmul.f32 v10, v8;
	v32 =	vadd.s32 v24, v26;
	[tilespmem:s21+$0x100] =	vst v25  }
0x98: {  	v35 =	vadd.s32 v15, v56;
	v7 =	vmul.f32 v52, v7;
	v39 =	vcvt.s32.f32 v33;
	[tilespmem:s6+$0x11580] =	vst v32  }
0x99: {  	s22 =	sadd.s32 $0x20, s4;
	v38 =	vadd.s32 v12, v35;
	v27 =	vmul.f32 v58, v13;
	v37 =	vcvt.s32.f32 v30;
	[tilespmem:s21+$0x180] =	vst v8  }
0x9a: {  	s24 =	sor.u32 $0x200, s22;
	v41 =	vcvt.s32.f32 v36;
	v13 =	vmul.f32 v13, v10;
	[tilespmem:s6+$0x11980] =	vst v38  }
0x9b: {  	v11 =	vsub.f32 v16, v39;
	v40 =	vsub.f32 v9, v37;
	v4 =	vadd.s32 v35, v24;
	[tilespmem:s24+$0x1800] =	vst v27  }
0x9c: {  	s25 =	sor.u32 $0x280, s22;
	v5 =	vmul.f32 v58, v7;
	v9 =	vsub.f32 v18, v41;
	v3 =	vadd.s32 v15, v3;
	[tilespmem:s6+$0x11D80] =	vst v4  }
0x9d: {  	v44 =	vsub.f32 $1.000000000e+00, v11;
	v42 =	vadd.s32 v12, v3;
	v43 =	vsub.f32 $1.000000000e+00, v40;
	[tilespmem:s25+$0x1800] =	vst v13  }
0x9e: {  	s26 =	sor.u32 $0x300, s22;
	v46 =	vmul.u32 v33, v1;
	v45 =	vmul.f32 v10, v7;
	v6 =	vmul.u32 v36, v2;
	[tilespmem:s6+$0x12180] =	vst v42  }
0x9f: {  	v3 =	vadd.s32 v24, v3;
	v47 =	vsub.f32 $1.000000000e+00, v9;
	v48 =	vmul.f32 v44, v43;
	[tilespmem:s26+$0x1800] =	vst v5  }
0xa0: {  	s5 =	sor.u32 $0x380, s22;
	[tilespmem:s6+$0x12580] =	vst v3;
	v3 =	vadd.s32 v30, v46  }
0xa1: {  	v50 =	vmul.f32 v47, v48;
	[tilespmem:s5+$0x1800] =	vst v45;
	v49 =	vadd.s32 v6, v3  }
0xa2: {  	s3 =	sor.u32 s7, s3;
	v51 =	vadd.s32 v1, v46;
	v52 =	vadd.s32 v2, v6;
	[tilespmem:s12+$0x10980] =	vst v49  }
0xa3: {  	v54 =	vmul.f32 v11, v43;
	v53 =	vmul.f32 v48, v9;
	v3 =	vadd.s32 v3, v52;
	[tilespmem:s3+$0x0] =	vst v50  }
0xa4: {  	[tilespmem:s12+$0x10D80] =	vst v3;
	v3 =	vadd.s32 v30, v51  }
0xa5: {  	v12 =	vmul.f32 v47, v54;
	[tilespmem:s3+$0x80] =	vst v53;
	v55 =	vadd.s32 v6, v3  }
0xa6: {  	v14 =	vadd.s32 $0x1, v30;
	[tilespmem:s12+$0x11180] =	vst v55  }
0xa7: {  	v57 =	vmul.f32 v44, v40;
	v56 =	vmul.f32 v9, v54;
	v3 =	vadd.s32 v52, v3;
	[tilespmem:s3+$0x100] =	vst v12  }
0xa8: {  	[tilespmem:s12+$0x11580] =	vst v3;
	v3 =	vadd.s32 v14, v46  }
0xa9: {  	s28 =	sadd.s32 $0x30, s4;
	v59 =	vmul.f32 v47, v57;
	[tilespmem:s3+$0x180] =	vst v56;
	v58 =	vadd.s32 v6, v3  }
0xaa: {  	s4 =	sor.u32 $0x200, s28;
	[tilespmem:s12+$0x11980] =	vst v58  }
0xab: {  	s1 =	sadd.s32 $0x4, s1;
	v61 =	vmul.f32 v11, v40;
	v60 =	vmul.f32 v57, v9;
	v3 =	vadd.s32 v3, v52;
	[tilespmem:s4+$0x1800] =	vst v59  }
0xac: {  	p1 =	slt.u32 s1, $0x3C;
	s29 =	sor.u32 $0x280, s28;
	[tilespmem:s12+$0x11D80] =	vst v3;
	v3 =	vadd.s32 v14, v51  }
.Ltmp0:
0xad: {  	v5 =	vmul.f32 v47, v61;
	[tilespmem:s29+$0x1800] =	vst v60;
	v62 =	vadd.s32 v6, v3;
	(pc) =	sbr.rel @p1 .LBB2_4-.Ltmp0, $4  }
0xae: {  	s31 =	sor.u32 $0x300, s28;
	[tilespmem:s12+$0x12180] =	vst v62  }
0xaf: {  	v63 =	vmul.f32 v9, v61;
	v3 =	vadd.s32 v52, v3;
	[tilespmem:s31+$0x1800] =	vst v5  }
0xb0: {  	s9 =	sadd.s32 $0x40, s9;
	s3 =	sor.u32 $0x380, s28;
	[tilespmem:s12+$0x12580] =	vst v3  }
0xb1: {  	s8 =	sadd.s32 $0x100, s8;
	p0 =	por !p0, !p0;
	s10 =	sadd.s32 $0x200, s10;
	[tilespmem:s3+$0x1800] =	vst v63  }
0xb2: {  	s1 =	simm.s32 $0x10980;
	s3 =	simm.s32 $0x14980  }
0xb3: {  	[tilespmem:s3], [sflag:$0x1] =	stream.indirect.gather [spmem:s15], $0x1, s1, s30, $0xb8;
	[tilespmem:$0x18980] =	vst v63  }
0xb4: {  	s14 =	simm.s32 $0x10D80;
	s16 =	simm.s32 $0x14D80;
	s17 =	simm.s32 $0x11180  }
0xb5: {  	[tilespmem:s16], [sflag:$0x1] =	stream.indirect.gather [spmem:s15], $0x1, s14, s30, $0xb8;
	[tilespmem:$0x18980] =	vst v63  }
0xb6: {  	s18 =	simm.s32 $0x15180;
	s19 =	simm.s32 $0x11580;
	s20 =	simm.s32 $0x15580  }
0xb7: {  	[tilespmem:s18], [sflag:$0x1] =	stream.indirect.gather [spmem:s15], $0x1, s17, s30, $0xb8;
	[tilespmem:$0x18980] =	vst v63  }
0xb8: {  	s21 =	simm.s32 $0x11980;
	s22 =	simm.s32 $0x15980;
	s24 =	simm.s32 $0x11D80  }
0xb9: {  	[tilespmem:s20], [sflag:$0x1] =	stream.indirect.gather [spmem:s15], $0x1, s19, s30, $0xb8;
	[tilespmem:$0x18980] =	vst v63  }
0xba: {  	s25 =	simm.s32 $0x15D80;
	s26 =	simm.s32 $0x12180;
	s28 =	simm.s32 $0x16180  }
0xbb: {  	[tilespmem:s22], [sflag:$0x1] =	stream.indirect.gather [spmem:s15], $0x1, s21, s30, $0xb8;
	[tilespmem:$0x18980] =	vst v63  }
0xbc: {  	s29 =	simm.s32 $0x12580;
	s31 =	simm.s32 $0x16580;
	p0 =	por $0x0, $0x0  }
0xbd: {  	[tilespmem:s25], [sflag:$0x1] =	stream.indirect.gather [spmem:s15], $0x1, s24, s30, $0xb8;
	[tilespmem:$0x18980] =	vst v63  }
0xbe: {  	s8 =	simm.s32 $0x2000;
	s9 =	simm.s32 $0x0;
	s10 =	simm.s32 $0x0  }
0xbf: {  	[tilespmem:s28], [sflag:$0x1] =	stream.indirect.gather [spmem:s15], $0x1, s26, s30, $0xb8;
	[tilespmem:$0x18980] =	vst v63  }
0xc0: {  	s12 =	simm.s32 $0x0;
	s1 =	simm.s32 $0xFFFFFFFC;
	s14 =	simm.s32 $0x0  }
0xc1: {  	[tilespmem:s31], [sflag:$0x1] =	stream.indirect.gather [spmem:s15], $0x1, s29, s30, $0xb8;
	[tilespmem:$0x18980] =	vst v63  }
.LBB2_6:
0xc2: {  	s16 =	sshra.s32 s9, $0x2  }
0xc3: {  	v3 =	vld [tilespmem:s16+$0x400]  }
0xc4: {  	v4 =	vld [tilespmem:s16+$0xC00]  }
0xc5: {  	v5 =	vld [tilespmem:s16+$0x1400];
	_ =	sdelay $0x3  }
0xc6: {  	v14 =	vld [tilespmem:s16+$0xC10];
	v3 =	vmul.f32 v3, v0  }
0xc7: {  	v4 =	vmul.f32 v4, v0;
	v5 =	vmul.f32 v5, v0  }
0xc8: {  	v17 =	vld [tilespmem:s16+$0x1410];
	v6 =	vtrunc.f32 v3  }
0xc9: {  	v7 =	vtrunc.f32 v4;
	v8 =	vtrunc.f32 v5  }
0xca: {  	v6 =	vcvt.f32.s32 v6;
	v7 =	vcvt.f32.s32 v7  }
0xcb: {  	v14 =	vmul.f32 v14, v0;
	v8 =	vcvt.f32.s32 v8  }
0xcc: {  	v9 =	vcvt.s32.f32 v6;
	v10 =	vcvt.s32.f32 v7  }
0xcd: {  	v17 =	vmul.f32 v17, v0;
	v11 =	vcvt.s32.f32 v8  }
0xce: {  	v3 =	vsub.f32 v3, v9;
	v4 =	vsub.f32 v4, v10  }
0xcf: {  	v55 =	vtrunc.f32 v14;
	v57 =	vtrunc.f32 v17;
	v5 =	vsub.f32 v5, v11  }
0xd0: {  	v49 =	vld [tilespmem:s16+$0x410];
	v56 =	vcvt.f32.s32 v55;
	v9 =	vsub.f32 $1.000000000e+00, v3;
	v10 =	vsub.f32 $1.000000000e+00, v4  }
0xd1: {  	v58 =	vcvt.f32.s32 v57;
	v7 =	vmul.u32 v7, v1;
	v8 =	vmul.u32 v8, v2  }
0xd2: {  	v22 =	vcvt.s32.f32 v56;
	v12 =	vsub.f32 $1.000000000e+00, v5;
	v13 =	vmul.f32 v10, v9  }
0xd3: {  	v61 =	vcvt.s32.f32 v58;
	v27 =	vmul.u32 v56, v1;
	v16 =	vadd.s32 v6, v7  }
0xd4: {  	s3 =	sand.u32 $0x40, s14;
	s4 =	sand.u32 $0x3C00, s8;
	v30 =	vmul.u32 v58, v2;
	v18 =	vadd.s32 v8, v16;
	v19 =	vmul.f32 v12, v13  }
0xd5: {  	s3 =	sor.u32 s3, s4;
	v15 =	vadd.s32 v1, v7;
	v20 =	vadd.s32 v2, v8;
	v11 =	vmul.f32 v49, v0;
	[tilespmem:s16+$0x12980] =	vst v18  }
0xd6: {  	v16 =	vadd.s32 v16, v20;
	v9 =	vmul.f32 v4, v9;
	v13 =	vmul.f32 v13, v5;
	[tilespmem:s3+$0x1800] =	vst v19  }
0xd7: {  	v63 =	vsub.f32 v14, v22;
	v33 =	vadd.s32 v1, v27;
	v51 =	vadd.s32 v6, v15;
	[tilespmem:s16+$0x12D80] =	vst v16  }
0xd8: {  	v35 =	vld [tilespmem:s16+$0x1420];
	v53 =	vadd.s32 v8, v51;
	v21 =	vtrunc.f32 v11;
	v50 =	vmul.f32 v12, v9;
	[tilespmem:s3+$0x1880] =	vst v13  }
0xd9: {  	s4 =	simm.s32 $0x1;
	v37 =	vadd.s32 v2, v30;
	v6 =	vadd.s32 $0x1, v6;
	v54 =	vcvt.f32.s32 v21;
	[tilespmem:s16+$0x13180] =	vst v53  }
0xda: {  	s4 =	simm.s32 @!p0 $0x0;
	v10 =	vmul.f32 v10, v3;
	v9 =	vmul.f32 v5, v9;
	v16 =	vadd.s32 v20, v51;
	[tilespmem:s3+$0x1900] =	vst v50  }
0xdb: {  	s4 =	sshll.u32 s4, $0x6;
	v7 =	vadd.s32 v6, v7;
	v6 =	vadd.s32 v6, v15;
	v26 =	vsub.f32 $1.000000000e+00, v63;
	[tilespmem:s16+$0x13580] =	vst v16  }
0xdc: {  	v32 =	vld [tilespmem:s16+$0xC20];
	s4 =	sadd.s32 s8, s4;
	v59 =	vadd.s32 v8, v7;
	v60 =	vcvt.s32.f32 v54;
	v52 =	vmul.f32 v12, v10;
	[tilespmem:s3+$0x1980] =	vst v9  }
0xdd: {  	s25 =	sor.u32 $0x200, s4;
	v18 =	vmul.f32 v35, v0;
	v7 =	vadd.s32 v7, v20;
	v23 =	vadd.s32 v8, v6;
	[tilespmem:s16+$0x13980] =	vst v59  }
0xde: {  	v28 =	vld [tilespmem:s16+$0x420];
	v3 =	vmul.f32 v4, v3;
	v10 =	vmul.f32 v10, v5;
	v62 =	vsub.f32 v11, v60;
	[tilespmem:s25+$0x1800] =	vst v52  }
0xdf: {  	s26 =	sor.u32 $0x280, s4;
	v6 =	vadd.s32 v20, v6;
	v4 =	vsub.f32 v17, v61;
	v45 =	vtrunc.f32 v18;
	[tilespmem:s16+$0x13D80] =	vst v7  }
0xe0: {  	v47 =	vcvt.f32.s32 v45;
	v24 =	vmul.f32 v12, v3;
	v25 =	vsub.f32 $1.000000000e+00, v62;
	[tilespmem:s26+$0x1800] =	vst v10  }
0xe1: {  	s28 =	sor.u32 $0x300, s4;
	v34 =	vadd.s32 v54, v27;
	v3 =	vmul.f32 v5, v3;
	v16 =	vmul.f32 v32, v0;
	[tilespmem:s16+$0x14180] =	vst v23  }
0xe2: {  	s29 =	sor.u32 s8, s14;
	v29 =	vsub.f32 $1.000000000e+00, v4;
	v12 =	vmul.f32 v26, v62;
	v31 =	vmul.f32 v26, v25;
	[tilespmem:s28+$0x1800] =	vst v24  }
0xe3: {  	s31 =	sadd.s32 $0x410, s14;
	s5 =	sadd.s32 $0x80, s8;
	v38 =	vadd.s32 v54, v33;
	s3 =	sor.u32 $0x380, s29;
	v43 =	vtrunc.f32 v16;
	v7 =	vmul.f32 v28, v0;
	[tilespmem:s16+$0x14580] =	vst v6  }
0xe4: {  	s6 =	sand.u32 $0x50, s31;
	s7 =	sand.u32 $0x3C00, s5;
	v36 =	vmul.f32 v29, v31;
	v44 =	vcvt.f32.s32 v43;
	[tilespmem:s3+$0x1800] =	vst v3;
	v3 =	vadd.s32 v30, v34  }
0xe5: {  	s4 =	sor.u32 s6, s7;
	v17 =	vadd.s32 v34, v37;
	v39 =	vmul.f32 v29, v12;
	v41 =	vtrunc.f32 v7;
	[tilespmem:s16+$0x12990] =	vst v3  }
0xe6: {  	v15 =	vmul.f32 v31, v4;
	v56 =	vmul.u32 v44, v1;
	v42 =	vcvt.f32.s32 v41;
	[tilespmem:s4+$0x1800] =	vst v36  }
0xe7: {  	v46 =	vmul.f32 v12, v4;
	v12 =	vmul.u32 v47, v2;
	v10 =	vmul.f32 v63, v25;
	[tilespmem:s16+$0x12D90] =	vst v17  }
0xe8: {  	v40 =	vadd.s32 v30, v38;
	v17 =	vadd.s32 v42, v56;
	[tilespmem:s4+$0x1880] =	vst v15  }
0xe9: {  	v9 =	vmul.f32 v63, v62;
	v3 =	vmul.f32 v29, v10;
	v62 =	vadd.s32 v12, v17;
	[tilespmem:s16+$0x13190] =	vst v40  }
0xea: {  	v13 =	vadd.s32 $0x1, v54;
	v50 =	vcvt.s32.f32 v44;
	[tilespmem:s16+$0x129A0] =	vst v62  }
0xeb: {  	v49 =	vcvt.s32.f32 v42;
	v10 =	vmul.f32 v4, v10;
	[tilespmem:s4+$0x1900] =	vst v3;
	v3 =	vadd.s32 v37, v38  }
0xec: {  	s13 =	sand.u32 $0x7, s12;
	v52 =	vsub.f32 v16, v50;
	[tilespmem:s16+$0x13590] =	vst v3;
	v3 =	vadd.s32 v13, v27  }
0xed: {  	v51 =	vcvt.s32.f32 v47;
	s3 =	sshll.u32 s13, $0x4;
	v7 =	vsub.f32 v7, v49;
	[tilespmem:s4+$0x1980] =	vst v10;
	v48 =	vadd.s32 v30, v3  }
0xee: {  	v60 =	vld [tilespmem:s16+$0xC30];
	v55 =	vsub.f32 $1.000000000e+00, v52;
	s3 =	sadd.s32 s8, s3;
	[tilespmem:s16+$0x13990] =	vst v48  }
0xef: {  	s17 =	sadd.s32 $0x90, s3;
	v54 =	vsub.f32 $1.000000000e+00, v7;
	v3 =	vadd.s32 v3, v37;
	v10 =	vsub.f32 v18, v51;
	[tilespmem:s4+$0x1A00] =	vst v39  }
0xf0: {  	v57 =	vld [tilespmem:s16+$0x430];
	v53 =	vmul.f32 v29, v9;
	v6 =	vadd.s32 v13, v33;
	s6 =	sor.u32 $0x280, s17;
	[tilespmem:s16+$0x13D90] =	vst v3  }
0xf1: {  	v59 =	vmul.f32 v55, v54;
	v58 =	vsub.f32 $1.000000000e+00, v10;
	v3 =	vadd.s32 v30, v6;
	[tilespmem:s6+$0x1800] =	vst v46  }
0xf2: {  	s19 =	sadd.s32 $0x420, s14;
	s20 =	sadd.s32 $0x100, s8;
	v61 =	vld [tilespmem:s16+$0x1430];
	[tilespmem:s16+$0x14190] =	vst v3  }
0xf3: {  	s21 =	sand.u32 $0x60, s19;
	s22 =	sand.u32 $0x3C00, s20;
	v16 =	vmul.f32 v60, v0;
	v63 =	vmul.f32 v58, v59;
	v3 =	vadd.s32 v37, v6;
	[tilespmem:s4+$0x1B00] =	vst v53  }
0xf4: {  	v24 =	vadd.s32 v2, v12;
	v4 =	vmul.f32 v4, v9;
	s4 =	sor.u32 s21, s22;
	[tilespmem:s16+$0x14590] =	vst v3  }
0xf5: {  	v31 =	vtrunc.f32 v16;
	v9 =	vmul.f32 v57, v0;
	s18 =	sor.u32 $0x380, s17;
	v17 =	vadd.s32 v17, v24;
	[tilespmem:s4+$0x1800] =	vst v63  }
0xf6: {  	v8 =	vmul.f32 v52, v54;
	v14 =	vmul.f32 v59, v10;
	v3 =	vadd.s32 v1, v56;
	[tilespmem:s18+$0x1800] =	vst v4  }
0xf7: {  	v33 =	vcvt.f32.s32 v31;
	v18 =	vmul.f32 v61, v0;
	[tilespmem:s16+$0x12DA0] =	vst v17;
	v26 =	vadd.s32 v42, v3  }
0xf8: {  	v29 =	vtrunc.f32 v9;
	v25 =	vmul.f32 v58, v8;
	[tilespmem:s4+$0x1880] =	vst v14;
	v28 =	vadd.s32 v12, v26  }
0xf9: {  	v15 =	vadd.s32 $0x1, v42;
	v13 =	vmul.f32 v55, v7;
	v34 =	vtrunc.f32 v18;
	[tilespmem:s16+$0x131A0] =	vst v28  }
0xfa: {  	v30 =	vcvt.f32.s32 v29;
	v8 =	vmul.f32 v10, v8;
	v32 =	vadd.s32 v24, v26;
	[tilespmem:s4+$0x1900] =	vst v25  }
0xfb: {  	v35 =	vadd.s32 v15, v56;
	v39 =	vcvt.s32.f32 v33;
	v36 =	vcvt.f32.s32 v34;
	[tilespmem:s16+$0x135A0] =	vst v32  }
0xfc: {  	v38 =	vadd.s32 v12, v35;
	v27 =	vmul.f32 v58, v13;
	v37 =	vcvt.s32.f32 v30;
	[tilespmem:s4+$0x1980] =	vst v8  }
0xfd: {  	s24 =	sand.u32 $0x3, s10;
	v7 =	vmul.f32 v52, v7;
	v11 =	vsub.f32 v16, v39;
	v13 =	vmul.f32 v13, v10;
	[tilespmem:s16+$0x139A0] =	vst v38  }
0xfe: {  	s5 =	sshll.u32 s24, $0x5;
	v41 =	vcvt.s32.f32 v36;
	v40 =	vsub.f32 v9, v37;
	v4 =	vadd.s32 v35, v24;
	[tilespmem:s4+$0x1A00] =	vst v27  }
0xff: {  	s5 =	sadd.s32 s8, s5;
	v5 =	vmul.f32 v58, v7;
	v44 =	vsub.f32 $1.000000000e+00, v11;
	v3 =	vadd.s32 v15, v3;
	[tilespmem:s16+$0x13DA0] =	vst v4  }
0x100: {  	s25 =	sadd.s32 $0x120, s5;
	v9 =	vsub.f32 v18, v41;
	v42 =	vadd.s32 v12, v3;
	v43 =	vsub.f32 $1.000000000e+00, v40;
	[tilespmem:s4+$0x1A80] =	vst v13  }
0x101: {  	s5 =	sor.u32 $0x300, s25;
	v45 =	vmul.f32 v10, v7;
	v46 =	vmul.u32 v33, v1;
	v6 =	vmul.u32 v36, v2;
	[tilespmem:s16+$0x141A0] =	vst v42  }
0x102: {  	v3 =	vadd.s32 v24, v3;
	v47 =	vsub.f32 $1.000000000e+00, v9;
	v48 =	vmul.f32 v44, v43;
	[tilespmem:s5+$0x1800] =	vst v5  }
0x103: {  	s26 =	sadd.s32 $0x430, s14;
	s28 =	sadd.s32 $0x180, s8;
	s4 =	sor.u32 $0x380, s25;
	[tilespmem:s16+$0x145A0] =	vst v3;
	v3 =	vadd.s32 v30, v46  }
0x104: {  	s29 =	sand.u32 $0x70, s26;
	s31 =	sand.u32 $0x3C00, s28;
	v50 =	vmul.f32 v47, v48;
	[tilespmem:s4+$0x1800] =	vst v45;
	v49 =	vadd.s32 v6, v3  }
0x105: {  	v51 =	vadd.s32 v1, v46;
	v52 =	vadd.s32 v2, v6;
	s4 =	sor.u32 s29, s31;
	[tilespmem:s16+$0x129B0] =	vst v49  }
0x106: {  	v54 =	vmul.f32 v11, v43;
	v53 =	vmul.f32 v48, v9;
	v3 =	vadd.s32 v3, v52;
	[tilespmem:s4+$0x1800] =	vst v50  }
0x107: {  	[tilespmem:s16+$0x12DB0] =	vst v3;
	v3 =	vadd.s32 v30, v51  }
0x108: {  	v12 =	vmul.f32 v47, v54;
	[tilespmem:s4+$0x1880] =	vst v53;
	v55 =	vadd.s32 v6, v3  }
0x109: {  	v14 =	vadd.s32 $0x1, v30;
	[tilespmem:s16+$0x131B0] =	vst v55  }
0x10a: {  	v57 =	vmul.f32 v44, v40;
	v56 =	vmul.f32 v9, v54;
	v3 =	vadd.s32 v52, v3;
	[tilespmem:s4+$0x1900] =	vst v12  }
0x10b: {  	[tilespmem:s16+$0x135B0] =	vst v3;
	v3 =	vadd.s32 v14, v46  }
0x10c: {  	v59 =	vmul.f32 v47, v57;
	[tilespmem:s4+$0x1980] =	vst v56;
	v58 =	vadd.s32 v6, v3  }
0x10d: {  	[tilespmem:s16+$0x139B0] =	vst v58  }
0x10e: {  	s1 =	sadd.s32 $0x4, s1;
	v61 =	vmul.f32 v11, v40;
	v60 =	vmul.f32 v57, v9;
	v3 =	vadd.s32 v3, v52;
	[tilespmem:s4+$0x1A00] =	vst v59  }
0x10f: {  	p1 =	slt.u32 s1, $0x3C;
	[tilespmem:s16+$0x13DB0] =	vst v3;
	v3 =	vadd.s32 v14, v51  }
.Ltmp1:
0x110: {  	v5 =	vmul.f32 v47, v61;
	[tilespmem:s4+$0x1A80] =	vst v60;
	v62 =	vadd.s32 v6, v3;
	(pc) =	sbr.rel @p1 .LBB2_6-.Ltmp1, $4  }
0x111: {  	[tilespmem:s16+$0x141B0] =	vst v62  }
0x112: {  	s12 =	sadd.s32 $0x4, s12;
	s3 =	sadd.s32 $0x1B0, s3;
	v63 =	vmul.f32 v9, v61;
	v3 =	vadd.s32 v52, v3;
	[tilespmem:s4+$0x1B00] =	vst v5  }
0x113: {  	s10 =	sadd.s32 $0x2, s10;
	s9 =	sadd.s32 $0x100, s9;
	s3 =	sor.u32 $0x200, s3;
	[tilespmem:s16+$0x145B0] =	vst v3  }
0x114: {  	p0 =	por !p0, !p0;
	s14 =	sadd.s32 $0x40, s14;
	s8 =	sadd.s32 $0x200, s8;
	[tilespmem:s3+$0x1800] =	vst v63  }
0x115: {  	s1 =	simm.s32 $0x12980;
	s3 =	simm.s32 $0x16980  }
0x116: {  	[tilespmem:s3], [sflag:$0x2] =	stream.indirect.gather [spmem:s15], $0x1, s1, s30, $0xb8;
	[tilespmem:$0x18980] =	vst v63  }
0x117: {  	s12 =	simm.s32 $0x12D80;
	s13 =	simm.s32 $0x16D80  }
0x118: {  	[tilespmem:s13], [sflag:$0x2] =	stream.indirect.gather [spmem:s15], $0x1, s12, s30, $0xb8;
	[tilespmem:$0x18980] =	vst v63  }
0x119: {  	s14 =	simm.s32 $0x13180;
	s16 =	simm.s32 $0x17180  }
0x11a: {  	[tilespmem:s16], [sflag:$0x2] =	stream.indirect.gather [spmem:s15], $0x1, s14, s30, $0xb8;
	[tilespmem:$0x18980] =	vst v63  }
0x11b: {  	s17 =	simm.s32 $0x13580;
	s18 =	simm.s32 $0x17580  }
0x11c: {  	[tilespmem:s18], [sflag:$0x2] =	stream.indirect.gather [spmem:s15], $0x1, s17, s30, $0xb8;
	[tilespmem:$0x18980] =	vst v63  }
0x11d: {  	s19 =	simm.s32 $0x13980;
	s20 =	simm.s32 $0x17980  }
0x11e: {  	[tilespmem:s20], [sflag:$0x2] =	stream.indirect.gather [spmem:s15], $0x1, s19, s30, $0xb8;
	[tilespmem:$0x18980] =	vst v63  }
0x11f: {  	s21 =	simm.s32 $0x13D80;
	s22 =	simm.s32 $0x17D80  }
0x120: {  	[tilespmem:s22], [sflag:$0x2] =	stream.indirect.gather [spmem:s15], $0x1, s21, s30, $0xb8;
	[tilespmem:$0x18980] =	vst v63  }
0x121: {  	s24 =	simm.s32 $0x14180;
	s25 =	simm.s32 $0x18180  }
0x122: {  	[tilespmem:s25], [sflag:$0x2] =	stream.indirect.gather [spmem:s15], $0x1, s24, s30, $0xb8;
	[tilespmem:$0x18980] =	vst v63  }
0x123: {  	s26 =	simm.s32 $0x14580;
	s28 =	simm.s32 $0x18580  }
0x124: {  	[tilespmem:s28], [sflag:$0x2] =	stream.indirect.gather [spmem:s15], $0x1, s26, s30, $0xb8;
	[tilespmem:$0x18980] =	vst v63  }
0x125: {  	_ =	swait.ge [sflag:s11], $0x400  }
0x126: {  	[sflag:s11] =	ssyncset.done $0x0  }
0x127: {  	[sflag:s11] =	ssyncadd.s32 $0xFFFFFC00  }
0x128: {  	_ =	swait.ge [sflag:s11], $0x400  }
0x129: {  	[sflag:s11] =	ssyncset.done $0x0  }
0x12a: {  	[sflag:s11] =	ssyncadd.s32 $0xFFFFFC00  }
0x12b: {  	_ =	swait.ge [sflag:s11], $0x400  }
0x12c: {  	[sflag:s11] =	ssyncset.done $0x0  }
0x12d: {  	[sflag:s11] =	ssyncadd.s32 $0xFFFFFC00  }
0x12e: {  	_ =	swait.ge [sflag:s11], $0x400  }
0x12f: {  	[sflag:s11] =	ssyncset.done $0x0  }
0x130: {  	[sflag:s11] =	ssyncadd.s32 $0xFFFFFC00  }
0x131: {  	_ =	swait.ge [sflag:s11], $0x400  }
0x132: {  	[sflag:s11] =	ssyncset.done $0x0  }
0x133: {  	[sflag:s11] =	ssyncadd.s32 $0xFFFFFC00  }
0x134: {  	_ =	swait.ge [sflag:s11], $0x400  }
0x135: {  	[sflag:s11] =	ssyncset.done $0x0  }
0x136: {  	[sflag:s11] =	ssyncadd.s32 $0xFFFFFC00  }
0x137: {  	_ =	swait.ge [sflag:s11], $0x400  }
0x138: {  	[sflag:s11] =	ssyncset.done $0x0  }
0x139: {  	[sflag:s11] =	ssyncadd.s32 $0xFFFFFC00  }
0x13a: {  	_ =	swait.ge [sflag:s11], $0x400  }
0x13b: {  	[sflag:s11] =	ssyncset.done $0x0  }
0x13c: {  	s8 =	simm.s32 $0x0;
	[sflag:s11] =	ssyncadd.s32 $0xFFFFFC00  }
0x13d: {  	v4 =	vld [tilespmem:s8+$0x16580]  }
0x13e: {  	v6 =	vld [tilespmem:s8+$0x16180]  }
0x13f: {  	v8 =	vld [tilespmem:s8+$0x15D80]  }
0x140: {  	v9 =	vld [tilespmem:s8+$0x15980]  }
0x141: {  	s9 =	simm.s32 $0x0;
	v11 =	vld [tilespmem:s8+$0x15580]  }
0x142: {  	s4 =	sand.u32 $0x40, s9;
	v13 =	vld [tilespmem:s8+$0x15180]  }
0x143: {  	s29 =	sand.u32 $0x1C00, s9;
	s5 =	sand.u32 $0x380, s9;
	s6 =	sor.u32 $0x30, s4;
	v17 =	vld [tilespmem:s8+$0x14D80]  }
0x144: {  	s14 =	sor.u32 s5, s6;
	s30 =	sadd.s32 $0x1800, s29;
	v14 =	vld [tilespmem:s8+$0x14980]  }
0x145: {  	p0 =	por $0x0, $0x0;
	s1 =	simm.s32 $0x1;
	s6 =	sor.u32 s6, s30;
	v15 =	vld [tilespmem:s14+$0x14980]  }
0x146: {  	s1 =	simm.s32 @!p0 $0x0;
	v18 =	vld [tilespmem:s6+$0x0]  }
0x147: {  	s1 =	sshll.u32 s1, $0x6;
	v19 =	vld [tilespmem:s14+$0x14D80]  }
0x148: {  	s1 =	sadd.s32 $0x0, s1;
	v20 =	vld [tilespmem:s6+$0x80]  }
0x149: {  	s31 =	sadd.s32 $0x30, s1;
	v21 =	vld [tilespmem:s14+$0x15180]  }
0x14a: {  	s10 =	sor.u32 $0x200, s31;
	v24 =	vld [tilespmem:s6+$0x100]  }
0x14b: {  	s13 =	sor.u32 $0x20, s4;
	s12 =	sor.u32 $0x300, s31;
	v29 =	vld [tilespmem:s10+$0x1800];
	v3 =	vshll.u32 v4, $0x10;
	v5 =	vshll.u32 v6, $0x10;
	v4 =	vand.u32 $0xFFFF0000, v4  }
0x14c: {  	v34 =	vld [tilespmem:s12+$0x1800];
	s10 =	sor.u32 s5, s13;
	v7 =	vshll.u32 v8, $0x10;
	v8 =	vand.u32 $0xFFFF0000, v8;
	v6 =	vand.u32 $0xFFFF0000, v6  }
0x14d: {  	v31 =	vld [tilespmem:s10+$0x14D80];
	v12 =	vshll.u32 v11, $0x10;
	v10 =	vshll.u32 v9, $0x10;
	v9 =	vand.u32 $0xFFFF0000, v9  }
0x14e: {  	v33 =	vld [tilespmem:s10+$0x15180];
	v16 =	vshll.u32 v13, $0x10;
	v13 =	vand.u32 $0xFFFF0000, v13;
	v11 =	vand.u32 $0xFFFF0000, v11  }
0x14f: {  	s12 =	sor.u32 $0x10, s4;
	v50 =	vld [tilespmem:s10+$0x15980];
	v22 =	vshll.u32 v17, $0x10;
	v23 =	vshll.u32 v15, $0x10;
	v15 =	vand.u32 $0xFFFF0000, v15  }
0x150: {  	s16 =	sor.u32 s5, s12;
	v55 =	vld [tilespmem:s10+$0x15D80];
	v25 =	vshll.u32 v14, $0x10;
	v14 =	vand.u32 $0xFFFF0000, v14;
	v26 =	vshll.u32 v19, $0x10  }
0x151: {  	v30 =	vld [tilespmem:s16+$0x14980];
	v19 =	vand.u32 $0xFFFF0000, v19;
	v23 =	vmul.f32 v23, v18;
	v15 =	vmul.f32 v15, v18  }
0x152: {  	v38 =	vld [tilespmem:s16+$0x14D80];
	v17 =	vand.u32 $0xFFFF0000, v17;
	v19 =	vmul.f32 v19, v20;
	v20 =	vmul.f32 v26, v20  }
0x153: {  	v44 =	vld [tilespmem:s16+$0x15580];
	v26 =	vshll.u32 v21, $0x10;
	v21 =	vand.u32 $0xFFFF0000, v21;
	v32 =	vshll.u32 v31, $0x10  }
0x154: {  	v18 =	vld [tilespmem:s14+$0x15580];
	v31 =	vand.u32 $0xFFFF0000, v31;
	v45 =	vshll.u32 v33, $0x10;
	v33 =	vand.u32 $0xFFFF0000, v33  }
0x155: {  	v27 =	vld [tilespmem:s6+$0x180];
	v53 =	vshll.u32 v50, $0x10;
	v54 =	vand.u32 $0xFFFF0000, v50;
	v60 =	vshll.u32 v55, $0x10  }
0x156: {  	s3 =	sor.u32 s13, s30;
	v28 =	vld [tilespmem:s14+$0x15980];
	v21 =	vmul.f32 v21, v24;
	v37 =	vand.u32 $0xFFFF0000, v30;
	v15 =	vadd.f32 $0.0e+00, v15  }
0x157: {  	v36 =	vld [tilespmem:s3+$0x0];
	v39 =	vshll.u32 v38, $0x10;
	v40 =	vand.u32 $0xFFFF0000, v38;
	v23 =	vadd.f32 $0.0e+00, v23  }
0x158: {  	s7 =	sor.u32 $0x280, s31;
	v47 =	vshll.u32 v44, $0x10;
	v15 =	vadd.f32 v19, v15;
	v19 =	vmul.f32 v26, v24;
	v24 =	vld [tilespmem:s14+$0x15D80]  }
0x159: {  	v20 =	vadd.f32 v20, v23;
	v26 =	vld [tilespmem:s7+$0x1800];
	v23 =	vshll.u32 v18, $0x10;
	v18 =	vand.u32 $0xFFFF0000, v18  }
0x15a: {  	s6 =	sor.u32 $0x380, s31;
	v15 =	vadd.f32 v21, v15;
	v21 =	vmul.f32 v23, v27;
	v18 =	vmul.f32 v18, v27;
	v23 =	vld [tilespmem:s14+$0x16180]  }
0x15b: {  	v35 =	vld [tilespmem:s6+$0x1800];
	v19 =	vadd.f32 v19, v20;
	v20 =	vshll.u32 v28, $0x10;
	v27 =	vand.u32 $0xFFFF0000, v28  }
0x15c: {  	v15 =	vadd.f32 v18, v15;
	v18 =	vmul.f32 v20, v29;
	v20 =	vmul.f32 v27, v29;
	v27 =	vld [tilespmem:s14+$0x16580]  }
0x15d: {  	v48 =	vld [tilespmem:s16+$0x15980];
	v19 =	vadd.f32 v21, v19;
	v21 =	vshll.u32 v24, $0x10;
	v24 =	vand.u32 $0xFFFF0000, v24  }
0x15e: {  	s4 =	sor.u32 s4, s30;
	v15 =	vadd.f32 v20, v15;
	v20 =	vmul.f32 v21, v26;
	v21 =	vmul.f32 v24, v26;
	v24 =	vld [tilespmem:s10+$0x14980]  }
0x15f: {  	v18 =	vadd.f32 v18, v19;
	v26 =	vld [tilespmem:s4+$0x0];
	v19 =	vshll.u32 v23, $0x10;
	v23 =	vand.u32 $0xFFFF0000, v23  }
0x160: {  	s17 =	sor.u32 s12, s30;
	v41 =	vld [tilespmem:s16+$0x15180];
	v15 =	vadd.f32 v21, v15;
	v19 =	vmul.f32 v19, v34;
	v21 =	vmul.f32 v23, v34  }
0x161: {  	v23 =	vld [tilespmem:s17+$0x0];
	v18 =	vadd.f32 v20, v18;
	v20 =	vshll.u32 v27, $0x10;
	v27 =	vand.u32 $0xFFFF0000, v27  }
0x162: {  	v51 =	vld [tilespmem:s16+$0x15D80];
	v52 =	vand.u32 $0xFFFF0000, v48;
	v15 =	vadd.f32 v21, v15;
	v21 =	vmul.f32 v27, v35  }
0x163: {  	v34 =	vld [tilespmem:s4+$0x100];
	v20 =	vmul.f32 v20, v35;
	v27 =	vshll.u32 v30, $0x10;
	v18 =	vadd.f32 v19, v18  }
0x164: {  	v19 =	vshll.u32 v24, $0x10;
	v15 =	vadd.f32 v21, v15;
	v21 =	vmul.f32 v25, v26  }
0x165: {  	v24 =	vand.u32 $0xFFFF0000, v24;
	v25 =	vmul.f32 v14, v26;
	v26 =	vld [tilespmem:s4+$0x80];
	v19 =	vmul.f32 v19, v36  }
0x166: {  	v14 =	vadd.f32 v20, v18;
	v18 =	vmul.f32 v27, v23;
	v20 =	vmul.f32 v37, v23;
	v23 =	vld [tilespmem:s17+$0x80]  }
0x167: {  	v59 =	vand.u32 $0xFFFF0000, v51;
	v30 =	vand.u32 $0xFFFF0000, v41;
	v24 =	vmul.f32 v24, v36;
	v27 =	vld [tilespmem:s3+$0x80]  }
0x168: {  	v42 =	vld [tilespmem:s17+$0x100];
	v16 =	vmul.f32 v16, v34;
	v21 =	vadd.f32 $0.0e+00, v21;
	v19 =	vadd.f32 $0.0e+00, v19  }
0x169: {  	v43 =	vld [tilespmem:s3+$0x100];
	v13 =	vmul.f32 v13, v34;
	v24 =	vadd.f32 $0.0e+00, v24;
	v25 =	vadd.f32 $0.0e+00, v25  }
0x16a: {  	v18 =	vadd.f32 $0.0e+00, v18;
	v20 =	vadd.f32 $0.0e+00, v20;
	v22 =	vmul.f32 v22, v26  }
0x16b: {  	v46 =	vld [tilespmem:s3+$0x180];
	v17 =	vmul.f32 v17, v26;
	v26 =	vshll.u32 v41, $0x10;
	v28 =	vmul.f32 v39, v23  }
0x16c: {  	v57 =	vld [tilespmem:s16+$0x16180];
	v23 =	vmul.f32 v40, v23;
	v21 =	vadd.f32 v22, v21;
	v22 =	vmul.f32 v32, v27  }
0x16d: {  	v27 =	vmul.f32 v31, v27;
	v17 =	vadd.f32 v17, v25;
	v25 =	vmul.f32 v26, v42;
	v26 =	vld [tilespmem:s17+$0x180]  }
0x16e: {  	v31 =	vmul.f32 v33, v43;
	v18 =	vadd.f32 v28, v18;
	v20 =	vadd.f32 v23, v20;
	v23 =	vld [tilespmem:s10+$0x15580]  }
0x16f: {  	v19 =	vadd.f32 v22, v19;
	v22 =	vld [tilespmem:s4+$0x180];
	v16 =	vadd.f32 v16, v21;
	v21 =	vmul.f32 v30, v42  }
0x170: {  	s18 =	sadd.s32 $0x10, s1;
	s22 =	sor.u32 $0x200, s1;
	v24 =	vadd.f32 v27, v24;
	v27 =	vmul.f32 v45, v43;
	v13 =	vadd.f32 v13, v17  }
0x171: {  	s20 =	sor.u32 $0x200, s18;
	v62 =	vshll.u32 v57, $0x10;
	v17 =	vld [tilespmem:s22+$0x1800];
	v18 =	vadd.f32 v25, v18;
	v20 =	vadd.f32 v21, v20  }
0x172: {  	s19 =	sadd.s32 $0x20, s1;
	v32 =	vand.u32 $0xFFFF0000, v44;
	v25 =	vld [tilespmem:s20+$0x1800];
	v19 =	vadd.f32 v27, v19;
	v24 =	vadd.f32 v31, v24  }
0x173: {  	s21 =	sor.u32 $0x200, s19;
	v29 =	vmul.f32 v47, v26;
	v26 =	vmul.f32 v32, v26;
	v49 =	vshll.u32 v23, $0x10  }
0x174: {  	v21 =	vld [tilespmem:s21+$0x1800];
	v23 =	vand.u32 $0xFFFF0000, v23;
	v12 =	vmul.f32 v12, v22;
	v27 =	vmul.f32 v49, v46  }
0x175: {  	s24 =	sor.u32 $0x280, s18;
	v11 =	vmul.f32 v11, v22;
	v22 =	vshll.u32 v48, $0x10;
	v23 =	vmul.f32 v23, v46  }
0x176: {  	v56 =	vld [tilespmem:s24+$0x1800];
	v18 =	vadd.f32 v29, v18;
	v20 =	vadd.f32 v26, v20;
	v58 =	vmul.f32 v9, v17  }
0x177: {  	s25 =	sor.u32 $0x280, s19;
	v61 =	vld [tilespmem:s10+$0x16180];
	v22 =	vmul.f32 v22, v25;
	v19 =	vadd.f32 v27, v19;
	v23 =	vadd.f32 v23, v24  }
0x178: {  	v26 =	vld [tilespmem:s25+$0x1800];
	v25 =	vmul.f32 v52, v25;
	v12 =	vadd.f32 v12, v16;
	v11 =	vadd.f32 v11, v13  }
0x179: {  	s26 =	sor.u32 $0x280, s1;
	[tilespmem:s14+$0x6000] =	vst v15;
	v15 =	vld [tilespmem:s10+$0x16580];
	v13 =	vmul.f32 v53, v21;
	v16 =	vmul.f32 v10, v17;
	v27 =	vshll.u32 v51, $0x10  }
0x17a: {  	s28 =	sor.u32 $0x300, s18;
	v24 =	vld [tilespmem:s26+$0x1800];
	v21 =	vmul.f32 v54, v21;
	v18 =	vadd.f32 v22, v18;
	v22 =	vadd.f32 v25, v20  }
0x17b: {  	s29 =	sor.u32 $0x300, s19;
	v9 =	vld [tilespmem:s28+$0x1800];
	v20 =	vand.u32 $0xFFFF0000, v55;
	v25 =	vmul.f32 v27, v56;
	v27 =	vadd.f32 v13, v19  }
0x17c: {  	s1 =	sor.u32 $0x300, s1;
	v10 =	vld [tilespmem:s29+$0x1800];
	v13 =	vadd.f32 v21, v23;
	v17 =	vadd.f32 v16, v12;
	v19 =	vmul.f32 v59, v56  }
0x17d: {  	v16 =	vadd.f32 v58, v11;
	v11 =	vld [tilespmem:s1+$0x1800];
	v63 =	vmul.f32 v60, v26;
	v20 =	vmul.f32 v20, v26  }
0x17e: {  	s30 =	sor.u32 $0x380, s18;
	v12 =	vld [tilespmem:s16+$0x16580];
	v18 =	vadd.f32 v25, v18;
	v26 =	vshll.u32 v61, $0x10;
	v25 =	vand.u32 $0xFFFF0000, v61  }
0x17f: {  	s31 =	sor.u32 s9, s9;
	s12 =	simm.s32 $0x0;
	s3 =	sor.u32 $0x380, s19;
	v19 =	vadd.f32 v19, v22;
	v23 =	vmul.f32 v7, v24;
	v21 =	vmul.f32 v8, v24;
	v8 =	vld [tilespmem:s30+$0x1800]  }
0x180: {  	[tilespmem:s14+$0x5800] =	vst v14;
	s14 =	simm.s32 $0x100;
	s17 =	simm.s32 $0x0;
	s1 =	sor.u32 $0x380, s31;
	v22 =	vmul.f32 v62, v9;
	v24 =	vand.u32 $0xFFFF0000, v57;
	v14 =	vadd.f32 v63, v27;
	v7 =	vld [tilespmem:s3+$0x1800]  }
.LBB2_8:
0x181: {  	s3 =	sshra.s32 s14, $0x2;
	v17 =	vadd.f32 v23, v17;
	v23 =	vld [tilespmem:s1+$0x1800];
	v9 =	vmul.f32 v24, v9;
	v13 =	vadd.f32 v20, v13  }
0x182: {  	v16 =	vadd.f32 v21, v16;
	v21 =	vmul.f32 v26, v10;
	v10 =	vmul.f32 v25, v10;
	v20 =	vld [tilespmem:s3+$0x16580]  }
0x183: {  	v5 =	vmul.f32 v5, v11;
	v6 =	vmul.f32 v6, v11;
	v11 =	vshll.u32 v12, $0x10;
	v24 =	vld [tilespmem:s3+$0x16180]  }
0x184: {  	v12 =	vand.u32 $0xFFFF0000, v12;
	v26 =	vshll.u32 v15, $0x10;
	v15 =	vand.u32 $0xFFFF0000, v15;
	v25 =	vld [tilespmem:s3+$0x15D80]  }
0x185: {  	v18 =	vadd.f32 v22, v18;
	v9 =	vadd.f32 v9, v19;
	v11 =	vmul.f32 v11, v8;
	v27 =	vld [tilespmem:s3+$0x15980]  }
0x186: {  	s9 =	sadd.s32 $0x200, s9;
	s17 =	sadd.s32 $0x40, s17;
	s12 =	sadd.s32 $0x4, s12;
	v10 =	vadd.f32 v10, v13;
	v8 =	vmul.f32 v12, v8;
	v12 =	vadd.f32 v21, v14;
	v19 =	vld [tilespmem:s3+$0x15580]  }
0x187: {  	p0 =	por !p0, !p0;
	s1 =	sand.u32 $0x40, s17;
	s4 =	sand.u32 $0x1C00, s9;
	v5 =	vadd.f32 v5, v17;
	v6 =	vadd.f32 v6, v16;
	v16 =	vmul.f32 v26, v7;
	v13 =	vld [tilespmem:s3+$0x15180]  }
0x188: {  	s6 =	sand.u32 $0x380, s17;
	p1 =	slt.u32 s12, $0x3C;
	s5 =	sor.u32 $0x30, s1;
	v7 =	vmul.f32 v15, v7;
	v17 =	vmul.f32 v3, v23;
	v11 =	vadd.f32 v11, v18;
	v14 =	vld [tilespmem:s3+$0x14D80]  }
0x189: {  	s4 =	sadd.s32 $0x1800, s4;
	s13 =	sor.u32 $0x10, s1;
	s28 =	sor.u32 s6, s5;
	v15 =	vmul.f32 v4, v23;
	v8 =	vadd.f32 v8, v9;
	v9 =	vadd.f32 v16, v12;
	v18 =	vld [tilespmem:s3+$0x14980]  }
0x18a: {  	s20 =	sor.u32 $0x20, s1;
	s18 =	sor.u32 s6, s13;
	s22 =	sor.u32 s5, s4;
	v3 =	vshll.u32 v20, $0x10;
	v16 =	vadd.f32 v17, v5;
	v21 =	vld [tilespmem:s28+$0x14980];
	[tilespmem:s16+$0x5800] =	vst v11;
	v11 =	vadd.f32 v7, v10  }
0x18b: {  	s5 =	sor.u32 s1, s4;
	s19 =	sor.u32 s13, s4;
	s6 =	sor.u32 s6, s20;
	v4 =	vand.u32 $0xFFFF0000, v20;
	v5 =	vshll.u32 v24, $0x10;
	v20 =	vadd.f32 v15, v6;
	v17 =	vld [tilespmem:s22+$0x0];
	[tilespmem:s16+$0x6000] =	vst v8  }
0x18c: {  	s1 =	sor.u32 s9, s17;
	s21 =	sor.u32 s20, s4;
	v6 =	vand.u32 $0xFFFF0000, v24;
	v7 =	vshll.u32 v25, $0x10;
	v8 =	vand.u32 $0xFFFF0000, v25;
	s16 =	smov.u32 s18;
	v22 =	vld [tilespmem:s28+$0x14D80];
	[tilespmem:s10+$0x5800] =	vst v9  }
0x18d: {  	s4 =	simm.s32 $0x1;
	s1 =	sor.u32 $0x380, s1;
	v10 =	vshll.u32 v27, $0x10;
	v12 =	vshll.u32 v19, $0x10;
	v9 =	vand.u32 $0xFFFF0000, v27;
	v23 =	vld [tilespmem:s22+$0x80];
	[tilespmem:s10+$0x6000] =	vst v11;
	s10 =	smov.u32 s6  }
0x18e: {  	s4 =	simm.s32 @!p0 $0x0;
	v15 =	vshll.u32 v13, $0x10;
	v13 =	vand.u32 $0xFFFF0000, v13;
	v11 =	vand.u32 $0xFFFF0000, v19;
	v19 =	vld [tilespmem:s28+$0x15180];
	[tilespmem:s8+$0x5800] =	vst v16  }
0x18f: {  	s4 =	sshll.u32 s4, $0x6;
	v16 =	vshll.u32 v14, $0x10;
	v24 =	vshll.u32 v21, $0x10;
	v21 =	vand.u32 $0xFFFF0000, v21;
	v25 =	vld [tilespmem:s22+$0x100];
	[tilespmem:s8+$0x6000] =	vst v20;
	s8 =	smov.u32 s3  }
0x190: {  	v20 =	vshll.u32 v18, $0x10;
	s3 =	sadd.s32 s4, s9;
	v24 =	vmul.f32 v24, v17;
	v17 =	vmul.f32 v21, v17;
	v21 =	vld [tilespmem:s28+$0x15580]  }
0x191: {  	v18 =	vand.u32 $0xFFFF0000, v18;
	s4 =	sadd.s32 $0x10, s3;
	s29 =	sadd.s32 $0x20, s3;
	s7 =	sadd.s32 $0x30, s3;
	v26 =	vshll.u32 v22, $0x10;
	v22 =	vand.u32 $0xFFFF0000, v22;
	v27 =	vld [tilespmem:s22+$0x180]  }
0x192: {  	s31 =	sor.u32 $0x200, s4;
	s6 =	sor.u32 $0x200, s29;
	s18 =	sor.u32 $0x200, s7;
	v24 =	vadd.f32 $0.0e+00, v24;
	v17 =	vadd.f32 $0.0e+00, v17;
	v22 =	vmul.f32 v22, v23;
	v28 =	vld [tilespmem:s28+$0x15980]  }
0x193: {  	s13 =	sor.u32 $0x200, s3;
	s26 =	sor.u32 $0x280, s4;
	s24 =	sor.u32 $0x280, s29;
	v23 =	vmul.f32 v26, v23;
	v26 =	vshll.u32 v19, $0x10;
	v19 =	vand.u32 $0xFFFF0000, v19;
	v29 =	vld [tilespmem:s18+$0x1800]  }
0x194: {  	s25 =	sor.u32 $0x280, s3;
	s20 =	sor.u32 $0x300, s4;
	s30 =	sor.u32 $0x280, s7;
	v17 =	vadd.f32 v22, v17;
	v22 =	vmul.f32 v26, v25;
	v19 =	vmul.f32 v19, v25;
	v25 =	vld [tilespmem:s28+$0x15D80]  }
0x195: {  	s22 =	sor.u32 $0x300, s29;
	s18 =	sor.u32 $0x300, s3;
	s3 =	sor.u32 $0x380, s4;
	v23 =	vadd.f32 v23, v24;
	v24 =	vshll.u32 v21, $0x10;
	v21 =	vand.u32 $0xFFFF0000, v21;
	v26 =	vld [tilespmem:s30+$0x1800]  }
0x196: {  	s4 =	sor.u32 $0x380, s29;
	s29 =	sor.u32 $0x300, s7;
	v17 =	vadd.f32 v19, v17;
	v19 =	vmul.f32 v24, v27;
	v21 =	vmul.f32 v21, v27;
	v24 =	vld [tilespmem:s28+$0x16180]  }
0x197: {  	v22 =	vadd.f32 v22, v23;
	v23 =	vshll.u32 v28, $0x10;
	v27 =	vand.u32 $0xFFFF0000, v28;
	v28 =	vld [tilespmem:s29+$0x1800]  }
0x198: {  	s7 =	sor.u32 $0x380, s7;
	v17 =	vadd.f32 v21, v17;
	v21 =	vmul.f32 v23, v29;
	v23 =	vmul.f32 v27, v29;
	v27 =	vld [tilespmem:s28+$0x16580]  }
0x199: {  	v19 =	vadd.f32 v19, v22;
	v22 =	vshll.u32 v25, $0x10;
	v25 =	vand.u32 $0xFFFF0000, v25;
	v29 =	vld [tilespmem:s7+$0x1800]  }
0x19a: {  	v30 =	vld [tilespmem:s16+$0x14980];
	v17 =	vadd.f32 v23, v17;
	v22 =	vmul.f32 v22, v26;
	v23 =	vmul.f32 v25, v26  }
0x19b: {  	v19 =	vadd.f32 v21, v19;
	v25 =	vld [tilespmem:s10+$0x14980];
	v21 =	vshll.u32 v24, $0x10;
	v24 =	vand.u32 $0xFFFF0000, v24  }
0x19c: {  	v26 =	vld [tilespmem:s5+$0x0];
	v17 =	vadd.f32 v23, v17;
	v21 =	vmul.f32 v21, v28;
	v23 =	vmul.f32 v24, v28  }
0x19d: {  	v19 =	vadd.f32 v22, v19;
	v24 =	vld [tilespmem:s19+$0x0];
	v22 =	vshll.u32 v27, $0x10;
	v27 =	vand.u32 $0xFFFF0000, v27  }
0x19e: {  	v28 =	vld [tilespmem:s21+$0x0];
	v17 =	vadd.f32 v23, v17;
	v22 =	vmul.f32 v22, v29;
	v23 =	vmul.f32 v27, v29  }
0x19f: {  	v19 =	vadd.f32 v21, v19;
	v27 =	vshll.u32 v30, $0x10;
	v29 =	vand.u32 $0xFFFF0000, v30;
	v30 =	vld [tilespmem:s16+$0x14D80]  }
0x1a0: {  	v21 =	vshll.u32 v25, $0x10;
	v25 =	vand.u32 $0xFFFF0000, v25;
	v31 =	vld [tilespmem:s10+$0x14D80];
	v17 =	vadd.f32 v23, v17  }
0x1a1: {  	v19 =	vadd.f32 v22, v19;
	v20 =	vmul.f32 v20, v26;
	v18 =	vmul.f32 v18, v26;
	v23 =	vld [tilespmem:s5+$0x80]  }
0x1a2: {  	v14 =	vand.u32 $0xFFFF0000, v14;
	v22 =	vmul.f32 v27, v24;
	v24 =	vmul.f32 v29, v24;
	v26 =	vld [tilespmem:s19+$0x80];
	[tilespmem:s28+$0x6000] =	vst v17  }
0x1a3: {  	v17 =	vadd.f32 $0.0e+00, v20;
	v20 =	vmul.f32 v21, v28;
	v21 =	vmul.f32 v25, v28;
	v25 =	vld [tilespmem:s21+$0x80];
	[tilespmem:s28+$0x5800] =	vst v19  }
0x1a4: {  	v19 =	vadd.f32 $0.0e+00, v22;
	v22 =	vshll.u32 v30, $0x10;
	v27 =	vand.u32 $0xFFFF0000, v30;
	v28 =	vld [tilespmem:s16+$0x15180]  }
0x1a5: {  	v24 =	vadd.f32 $0.0e+00, v24;
	v29 =	vshll.u32 v31, $0x10;
	v30 =	vand.u32 $0xFFFF0000, v31;
	v31 =	vld [tilespmem:s10+$0x15180]  }
0x1a6: {  	v20 =	vadd.f32 $0.0e+00, v20;
	v21 =	vadd.f32 $0.0e+00, v21;
	v16 =	vmul.f32 v16, v23;
	v32 =	vld [tilespmem:s5+$0x100]  }
0x1a7: {  	v18 =	vadd.f32 $0.0e+00, v18;
	v22 =	vmul.f32 v22, v26;
	v26 =	vmul.f32 v27, v26;
	v27 =	vld [tilespmem:s19+$0x100]  }
0x1a8: {  	v16 =	vadd.f32 v16, v17;
	v17 =	vmul.f32 v29, v25;
	v25 =	vmul.f32 v30, v25;
	v29 =	vld [tilespmem:s21+$0x100]  }
0x1a9: {  	v14 =	vmul.f32 v14, v23;
	v23 =	vshll.u32 v28, $0x10;
	v28 =	vand.u32 $0xFFFF0000, v28;
	v30 =	vld [tilespmem:s16+$0x15580]  }
0x1aa: {  	v19 =	vadd.f32 v22, v19;
	v22 =	vshll.u32 v31, $0x10;
	v31 =	vand.u32 $0xFFFF0000, v31;
	v33 =	vld [tilespmem:s10+$0x15580]  }
0x1ab: {  	v24 =	vadd.f32 v26, v24;
	v17 =	vadd.f32 v17, v20;
	v15 =	vmul.f32 v15, v32;
	v34 =	vld [tilespmem:s5+$0x180]  }
0x1ac: {  	v14 =	vadd.f32 v14, v18;
	v21 =	vadd.f32 v25, v21;
	v18 =	vmul.f32 v23, v27;
	v20 =	vld [tilespmem:s19+$0x180]  }
0x1ad: {  	v15 =	vadd.f32 v15, v16;
	v16 =	vmul.f32 v28, v27;
	v22 =	vmul.f32 v22, v29;
	v23 =	vld [tilespmem:s21+$0x180]  }
0x1ae: {  	v13 =	vmul.f32 v13, v32;
	v27 =	vmul.f32 v31, v29;
	v25 =	vshll.u32 v30, $0x10;
	v26 =	vld [tilespmem:s16+$0x15980]  }
0x1af: {  	v28 =	vand.u32 $0xFFFF0000, v30;
	v29 =	vshll.u32 v33, $0x10;
	v30 =	vand.u32 $0xFFFF0000, v33;
	v31 =	vld [tilespmem:s10+$0x15980]  }
0x1b0: {  	v18 =	vadd.f32 v18, v19;
	v16 =	vadd.f32 v16, v24;
	v12 =	vmul.f32 v12, v34;
	v19 =	vld [tilespmem:s31+$0x1800]  }
0x1b1: {  	v17 =	vadd.f32 v22, v17;
	v21 =	vadd.f32 v27, v21;
	v24 =	vmul.f32 v25, v20;
	v22 =	vld [tilespmem:s6+$0x1800]  }
0x1b2: {  	v13 =	vadd.f32 v13, v14;
	v20 =	vmul.f32 v28, v20;
	v14 =	vld [tilespmem:s13+$0x1800];
	v25 =	vmul.f32 v29, v23  }
0x1b3: {  	v11 =	vmul.f32 v11, v34;
	v23 =	vmul.f32 v30, v23;
	v27 =	vshll.u32 v26, $0x10;
	v28 =	vld [tilespmem:s16+$0x15D80]  }
0x1b4: {  	v26 =	vand.u32 $0xFFFF0000, v26;
	v29 =	vshll.u32 v31, $0x10;
	v30 =	vand.u32 $0xFFFF0000, v31;
	v31 =	vld [tilespmem:s10+$0x15D80]  }
0x1b5: {  	v18 =	vadd.f32 v24, v18;
	v16 =	vadd.f32 v20, v16;
	v20 =	vmul.f32 v27, v19;
	v24 =	vld [tilespmem:s26+$0x1800]  }
0x1b6: {  	v17 =	vadd.f32 v25, v17;
	v21 =	vadd.f32 v23, v21;
	v19 =	vmul.f32 v26, v19;
	v23 =	vld [tilespmem:s24+$0x1800]  }
0x1b7: {  	v12 =	vadd.f32 v12, v15;
	v11 =	vadd.f32 v11, v13;
	v13 =	vmul.f32 v29, v22;
	v15 =	vld [tilespmem:s25+$0x1800]  }
0x1b8: {  	v22 =	vmul.f32 v30, v22;
	v25 =	vmul.f32 v10, v14;
	v10 =	vshll.u32 v28, $0x10;
	v26 =	vld [tilespmem:s16+$0x16180]  }
0x1b9: {  	v14 =	vmul.f32 v9, v14;
	v27 =	vand.u32 $0xFFFF0000, v28;
	v28 =	vshll.u32 v31, $0x10;
	v29 =	vld [tilespmem:s10+$0x16180]  }
0x1ba: {  	v18 =	vadd.f32 v20, v18;
	v19 =	vadd.f32 v19, v16;
	v20 =	vand.u32 $0xFFFF0000, v31;
	v9 =	vld [tilespmem:s20+$0x1800]  }
0x1bb: {  	v31 =	vadd.f32 v13, v17;
	v13 =	vadd.f32 v22, v21;
	v30 =	vmul.f32 v10, v24;
	v10 =	vld [tilespmem:s22+$0x1800]  }
.Ltmp2:
0x1bc: {  	v17 =	vadd.f32 v25, v12;
	v16 =	vadd.f32 v14, v11;
	v14 =	vmul.f32 v27, v24;
	v11 =	vld [tilespmem:s18+$0x1800];
	(pc) =	sbr.rel @p1 .LBB2_8-.Ltmp2, $4  }
0x1bd: {  	v27 =	vmul.f32 v28, v23;
	v20 =	vmul.f32 v20, v23;
	v22 =	vshll.u32 v26, $0x10;
	v12 =	vld [tilespmem:s16+$0x16580]  }
0x1be: {  	v23 =	vmul.f32 v7, v15;
	v21 =	vmul.f32 v8, v15;
	v24 =	vand.u32 $0xFFFF0000, v26;
	v15 =	vld [tilespmem:s10+$0x16580]  }
0x1bf: {  	v18 =	vadd.f32 v30, v18;
	v26 =	vshll.u32 v29, $0x10;
	v25 =	vand.u32 $0xFFFF0000, v29;
	v8 =	vld [tilespmem:s3+$0x1800]  }
0x1c0: {  	s14 =	sadd.s32 $0x100, s14;
	v19 =	vadd.f32 v14, v19;
	v14 =	vadd.f32 v27, v31;
	v22 =	vmul.f32 v22, v9;
	v7 =	vld [tilespmem:s4+$0x1800]  }
0x1c1: {  	v17 =	vadd.f32 v23, v17  }
0x1c2: {  	v9 =	vmul.f32 v24, v9;
	v13 =	vadd.f32 v20, v13;
	v20 =	vmul.f32 v26, v10  }
0x1c3: {  	v16 =	vadd.f32 v21, v16;
	v10 =	vmul.f32 v25, v10;
	v5 =	vmul.f32 v5, v11  }
0x1c4: {  	v40 =	vld [tilespmem:s1+$0x1800];
	v6 =	vmul.f32 v6, v11;
	v11 =	vshll.u32 v12, $0x10;
	v12 =	vand.u32 $0xFFFF0000, v12  }
0x1c5: {  	v18 =	vadd.f32 v22, v18;
	v41 =	vshll.u32 v15, $0x10;
	v11 =	vmul.f32 v11, v8  }
0x1c6: {  	v15 =	vand.u32 $0xFFFF0000, v15;
	v9 =	vadd.f32 v9, v19;
	v8 =	vmul.f32 v12, v8  }
0x1c7: {  	v12 =	vadd.f32 v20, v14;
	v14 =	vmul.f32 v41, v7;
	v11 =	vadd.f32 v11, v18  }
0x1c8: {  	v10 =	vadd.f32 v10, v13;
	v7 =	vmul.f32 v15, v7;
	v8 =	vadd.f32 v8, v9  }
0x1c9: {  	v5 =	vadd.f32 v5, v17;
	v3 =	vmul.f32 v3, v40;
	v9 =	vadd.f32 v14, v12;
	[tilespmem:s16+$0x5800] =	vst v11  }
0x1ca: {  	v6 =	vadd.f32 v6, v16;
	v4 =	vmul.f32 v4, v40;
	v7 =	vadd.f32 v7, v10;
	[tilespmem:s16+$0x6000] =	vst v8  }
0x1cb: {  	v3 =	vadd.f32 v3, v5;
	[tilespmem:s10+$0x5800] =	vst v9  }
0x1cc: {  	v4 =	vadd.f32 v4, v6;
	[tilespmem:s10+$0x6000] =	vst v7  }
0x1cd: {  	[tilespmem:s8+$0x5800] =	vst v3  }
0x1ce: {  	[tilespmem:s8+$0x6000] =	vst v4  }
0x1cf: {  	_ =	swait.ge [sflag:s23], $0x400  }
0x1d0: {  	[sflag:s23] =	ssyncset.done $0x0  }
0x1d1: {  	[sflag:s23] =	ssyncadd.s32 $0xFFFFFC00  }
0x1d2: {  	_ =	swait.ge [sflag:s23], $0x400  }
0x1d3: {  	[sflag:s23] =	ssyncset.done $0x0  }
0x1d4: {  	[sflag:s23] =	ssyncadd.s32 $0xFFFFFC00  }
0x1d5: {  	_ =	swait.ge [sflag:s23], $0x400  }
0x1d6: {  	[sflag:s23] =	ssyncset.done $0x0  }
0x1d7: {  	[sflag:s23] =	ssyncadd.s32 $0xFFFFFC00  }
0x1d8: {  	_ =	swait.ge [sflag:s23], $0x400  }
0x1d9: {  	[sflag:s23] =	ssyncset.done $0x0  }
0x1da: {  	[sflag:s23] =	ssyncadd.s32 $0xFFFFFC00  }
0x1db: {  	_ =	swait.ge [sflag:s23], $0x400  }
0x1dc: {  	[sflag:s23] =	ssyncset.done $0x0  }
0x1dd: {  	[sflag:s23] =	ssyncadd.s32 $0xFFFFFC00  }
0x1de: {  	_ =	swait.ge [sflag:s23], $0x400  }
0x1df: {  	[sflag:s23] =	ssyncset.done $0x0  }
0x1e0: {  	[sflag:s23] =	ssyncadd.s32 $0xFFFFFC00  }
0x1e1: {  	_ =	swait.ge [sflag:s23], $0x400  }
0x1e2: {  	[sflag:s23] =	ssyncset.done $0x0  }
0x1e3: {  	[sflag:s23] =	ssyncadd.s32 $0xFFFFFC00  }
0x1e4: {  	_ =	swait.ge [sflag:s23], $0x400  }
0x1e5: {  	[sflag:s23] =	ssyncset.done $0x0  }
0x1e6: {  	s8 =	simm.s32 $0x0;
	[sflag:s23] =	ssyncadd.s32 $0xFFFFFC00  }
0x1e7: {  	s26 =	simm.s32 $0x430;
	s3 =	simm.s32 $0x2180;
	v3 =	vld [tilespmem:s8+$0x16980]  }
0x1e8: {  	s1 =	sand.u32 $0x70, s26;
	s3 =	sand.u32 $0x3C00, s3;
	v4 =	vld [tilespmem:s8+$0x16990]  }
0x1e9: {  	s1 =	sor.u32 s1, s3;
	v5 =	vld [tilespmem:s8+$0x169B0]  }
0x1ea: {  	v6 =	vld [tilespmem:s1+$0x1800]  }
0x1eb: {  	v7 =	vld [tilespmem:s8+$0x16DB0]  }
0x1ec: {  	v8 =	vld [tilespmem:s1+$0x1880]  }
0x1ed: {  	v43 =	vld [tilespmem:s8+$0x171A0]  }
0x1ee: {  	v44 =	vld [tilespmem:s8+$0x17580]  }
0x1ef: {  	v45 =	vld [tilespmem:s8+$0x17590]  }
0x1f0: {  	v48 =	vld [tilespmem:s8+$0x17980]  }
0x1f1: {  	v50 =	vld [tilespmem:s8+$0x17990]  }
0x1f2: {  	v52 =	vld [tilespmem:s8+$0x17D80]  }
0x1f3: {  	v54 =	vld [tilespmem:s8+$0x17D90]  }
0x1f4: {  	v9 =	vld [tilespmem:s8+$0x171B0];
	v10 =	vshll.u32 v3, $0x10;
	v11 =	vand.u32 $0xFFFF0000, v3;
	v3 =	vand.u32 $0xFFFF0000, v5  }
0x1f5: {  	v12 =	vld [tilespmem:s1+$0x1900];
	v13 =	vshll.u32 v4, $0x10;
	v5 =	vshll.u32 v5, $0x10;
	v4 =	vand.u32 $0xFFFF0000, v4  }
0x1f6: {  	v14 =	vld [tilespmem:s8+$0x175B0];
	v46 =	vshll.u32 v43, $0x10;
	v22 =	vand.u32 $0xFFFF0000, v43;
	v47 =	vand.u32 $0xFFFF0000, v44  }
0x1f7: {  	v15 =	vld [tilespmem:s1+$0x1980];
	v49 =	vand.u32 $0xFFFF0000, v45;
	v51 =	vand.u32 $0xFFFF0000, v48;
	v53 =	vand.u32 $0xFFFF0000, v50  }
0x1f8: {  	v16 =	vld [tilespmem:s8+$0x179B0];
	v55 =	vand.u32 $0xFFFF0000, v52;
	v57 =	vand.u32 $0xFFFF0000, v54;
	v3 =	vmul.f32 v3, v6  }
0x1f9: {  	v17 =	vld [tilespmem:s1+$0x1A00];
	v5 =	vmul.f32 v5, v6;
	v6 =	vand.u32 $0xFFFF0000, v7;
	v7 =	vshll.u32 v7, $0x10  }
0x1fa: {  	v18 =	vld [tilespmem:s8+$0x169A0];
	v6 =	vmul.f32 v6, v8;
	v7 =	vmul.f32 v7, v8;
	v3 =	vadd.f32 $0.0e+00, v3  }
0x1fb: {  	v56 =	vld [tilespmem:s8+$0x18180];
	v8 =	vand.u32 $0xFFFF0000, v9;
	v9 =	vshll.u32 v9, $0x10;
	v5 =	vadd.f32 $0.0e+00, v5  }
0x1fc: {  	v9 =	vmul.f32 v9, v12;
	v3 =	vadd.f32 v6, v3;
	v6 =	vmul.f32 v8, v12;
	v8 =	vld [tilespmem:s8+$0x17DB0]  }
0x1fd: {  	v5 =	vadd.f32 v7, v5;
	v7 =	vand.u32 $0xFFFF0000, v14;
	v12 =	vld [tilespmem:s1+$0x1A80];
	v14 =	vshll.u32 v14, $0x10  }
0x1fe: {  	s9 =	simm.s32 $0x2000;
	s28 =	simm.s32 $0x410;
	v14 =	vmul.f32 v14, v15;
	v3 =	vadd.f32 v6, v3;
	v6 =	vmul.f32 v7, v15;
	v7 =	vld [tilespmem:s8+$0x181B0]  }
0x1ff: {  	s4 =	simm.s32 $0x2080;
	s5 =	simm.s32 $0x420;
	s6 =	simm.s32 $0x2100;
	v5 =	vadd.f32 v9, v5;
	v9 =	vand.u32 $0xFFFF0000, v16;
	v15 =	vld [tilespmem:s1+$0x1B00];
	v16 =	vshll.u32 v16, $0x10  }
0x200: {  	s4 =	sand.u32 $0x3C00, s4;
	s5 =	sand.u32 $0x60, s5;
	s3 =	sand.u32 $0x50, s28;
	v16 =	vmul.f32 v16, v17;
	v3 =	vadd.f32 v6, v3;
	v6 =	vmul.f32 v9, v17;
	v9 =	vld [tilespmem:s8+$0x185B0]  }
0x201: {  	s6 =	sand.u32 $0x3C00, s6;
	s29 =	sor.u32 s3, s4;
	s10 =	simm.s32 $0x0;
	v5 =	vadd.f32 v14, v5;
	v17 =	vld [tilespmem:s1+$0x1B80];
	v14 =	vand.u32 $0xFFFF0000, v8;
	v8 =	vshll.u32 v8, $0x10  }
0x202: {  	s7 =	sand.u32 $0x3C00, s9;
	s31 =	sor.u32 s5, s6;
	s30 =	sand.u32 $0x40, s10;
	v3 =	vadd.f32 v6, v3;
	v6 =	vmul.f32 v14, v12;
	v8 =	vmul.f32 v8, v12;
	v12 =	vld [tilespmem:s29+$0x1800]  }
0x203: {  	s16 =	sor.u32 s30, s7;
	v5 =	vadd.f32 v16, v5;
	v16 =	vld [tilespmem:s31+$0x1800];
	v14 =	vand.u32 $0xFFFF0000, v7;
	v7 =	vshll.u32 v7, $0x10  }
0x204: {  	v3 =	vadd.f32 v6, v3;
	v6 =	vmul.f32 v14, v15;
	v7 =	vmul.f32 v7, v15;
	v14 =	vld [tilespmem:s16+$0x1800]  }
0x205: {  	v5 =	vadd.f32 v8, v5;
	v15 =	vld [tilespmem:s8+$0x16D80];
	v8 =	vshll.u32 v9, $0x10;
	v9 =	vand.u32 $0xFFFF0000, v9  }
0x206: {  	v3 =	vadd.f32 v6, v3;
	v6 =	vmul.f32 v8, v17;
	v8 =	vmul.f32 v9, v17;
	v9 =	vld [tilespmem:s8+$0x16D90]  }
0x207: {  	v17 =	vshll.u32 v18, $0x10;
	v5 =	vadd.f32 v7, v5;
	v7 =	vmul.f32 v13, v12;
	v13 =	vld [tilespmem:s8+$0x16DA0]  }
0x208: {  	v18 =	vand.u32 $0xFFFF0000, v18;
	v12 =	vmul.f32 v4, v12;
	v4 =	vadd.f32 v8, v3;
	v8 =	vld [tilespmem:s29+$0x1880]  }
0x209: {  	v17 =	vmul.f32 v17, v16;
	v3 =	vadd.f32 v6, v5;
	v5 =	vmul.f32 v10, v14;
	v10 =	vld [tilespmem:s31+$0x1880]  }
0x20a: {  	v62 =	vshll.u32 v56, $0x10;
	v16 =	vmul.f32 v18, v16;
	v6 =	vmul.f32 v11, v14;
	v11 =	vld [tilespmem:s16+$0x1880]  }
0x20b: {  	v7 =	vadd.f32 $0.0e+00, v7;
	v14 =	vshll.u32 v15, $0x10;
	v12 =	vadd.f32 $0.0e+00, v12  }
0x20c: {  	v18 =	vld [tilespmem:s8+$0x17180];
	v15 =	vand.u32 $0xFFFF0000, v15;
	v17 =	vadd.f32 $0.0e+00, v17;
	v16 =	vadd.f32 $0.0e+00, v16  }
0x20d: {  	v20 =	vld [tilespmem:s8+$0x17190];
	v19 =	vshll.u32 v9, $0x10;
	v9 =	vand.u32 $0xFFFF0000, v9;
	v5 =	vadd.f32 $0.0e+00, v5  }
0x20e: {  	v42 =	vshll.u32 v13, $0x10;
	v19 =	vmul.f32 v19, v8;
	v8 =	vmul.f32 v9, v8;
	v9 =	vld [tilespmem:s29+$0x1900]  }
0x20f: {  	v13 =	vand.u32 $0xFFFF0000, v13;
	v21 =	vmul.f32 v42, v10;
	v14 =	vmul.f32 v14, v11  }
0x210: {  	v6 =	vadd.f32 $0.0e+00, v6;
	v10 =	vmul.f32 v13, v10;
	v13 =	vld [tilespmem:s31+$0x1900];
	v11 =	vmul.f32 v15, v11  }
0x211: {  	v15 =	vld [tilespmem:s16+$0x1900];
	v7 =	vadd.f32 v19, v7;
	v19 =	vshll.u32 v18, $0x10;
	v18 =	vand.u32 $0xFFFF0000, v18  }
0x212: {  	v8 =	vadd.f32 v8, v12;
	v12 =	vshll.u32 v20, $0x10;
	v5 =	vadd.f32 v14, v5;
	v14 =	vld [tilespmem:s8+$0x175A0]  }
0x213: {  	v20 =	vand.u32 $0xFFFF0000, v20;
	v6 =	vadd.f32 v11, v6;
	v11 =	vld [tilespmem:s29+$0x1980];
	v12 =	vmul.f32 v12, v9  }
0x214: {  	v17 =	vadd.f32 v21, v17;
	v10 =	vadd.f32 v10, v16;
	v9 =	vmul.f32 v20, v9  }
0x215: {  	v16 =	vmul.f32 v46, v13;
	v7 =	vadd.f32 v12, v7;
	v12 =	vmul.f32 v22, v13;
	v13 =	vld [tilespmem:s31+$0x1980]  }
0x216: {  	v20 =	vshll.u32 v44, $0x10;
	v19 =	vmul.f32 v19, v15;
	v15 =	vmul.f32 v18, v15;
	v18 =	vld [tilespmem:s16+$0x1980]  }
0x217: {  	v8 =	vadd.f32 v9, v8;
	v9 =	vshll.u32 v45, $0x10;
	v16 =	vadd.f32 v16, v17  }
0x218: {  	v17 =	vshll.u32 v14, $0x10;
	v9 =	vmul.f32 v9, v11;
	v6 =	vadd.f32 v15, v6;
	v15 =	vld [tilespmem:s29+$0x1A00]  }
0x219: {  	v14 =	vand.u32 $0xFFFF0000, v14;
	v11 =	vmul.f32 v49, v11;
	v10 =	vadd.f32 v12, v10;
	v12 =	vld [tilespmem:s8+$0x179A0]  }
0x21a: {  	v7 =	vadd.f32 v9, v7;
	v17 =	vmul.f32 v17, v13;
	v9 =	vmul.f32 v14, v13;
	v13 =	vld [tilespmem:s31+$0x1A00]  }
0x21b: {  	v5 =	vadd.f32 v19, v5;
	v19 =	vmul.f32 v20, v18;
	v14 =	vmul.f32 v47, v18;
	v18 =	vld [tilespmem:s16+$0x1A00]  }
0x21c: {  	v8 =	vadd.f32 v11, v8;
	v11 =	vshll.u32 v50, $0x10;
	v20 =	vshll.u32 v48, $0x10  }
0x21d: {  	v58 =	vld [tilespmem:s8+$0x18190];
	v5 =	vadd.f32 v19, v5;
	v11 =	vmul.f32 v11, v15;
	v16 =	vadd.f32 v17, v16  }
0x21e: {  	v17 =	vshll.u32 v12, $0x10;
	v6 =	vadd.f32 v14, v6;
	v14 =	vmul.f32 v53, v15;
	v15 =	vld [tilespmem:s29+$0x1A80]  }
0x21f: {  	v12 =	vand.u32 $0xFFFF0000, v12;
	v9 =	vadd.f32 v9, v10;
	v10 =	vld [tilespmem:s8+$0x17DA0];
	v17 =	vmul.f32 v17, v13  }
0x220: {  	v7 =	vadd.f32 v11, v7;
	v19 =	vmul.f32 v20, v18;
	v11 =	vmul.f32 v12, v13;
	v12 =	vld [tilespmem:s31+$0x1A80]  }
0x221: {  	v8 =	vadd.f32 v14, v8;
	v14 =	vshll.u32 v54, $0x10;
	v13 =	vmul.f32 v51, v18;
	v18 =	vld [tilespmem:s16+$0x1A80]  }
0x222: {  	v20 =	vshll.u32 v52, $0x10;
	v17 =	vadd.f32 v17, v16;
	v5 =	vadd.f32 v19, v5  }
0x223: {  	v14 =	vmul.f32 v14, v15;
	v19 =	vld [tilespmem:s8+$0x181A0];
	v59 =	vadd.f32 v13, v6;
	v6 =	vmul.f32 v57, v15  }
0x224: {  	v60 =	vld [tilespmem:s29+$0x1B00];
	v16 =	vshll.u32 v10, $0x10;
	v10 =	vand.u32 $0xFFFF0000, v10;
	v9 =	vadd.f32 v11, v9  }
0x225: {  	v15 =	vld [tilespmem:s16+$0x1B00];
	v27 =	vadd.f32 v14, v7;
	v11 =	vadd.f32 v6, v8;
	v6 =	vshll.u32 v58, $0x10  }
0x226: {  	v28 =	vld [tilespmem:s31+$0x1B00];
	v8 =	vand.u32 $0xFFFF0000, v58;
	v61 =	vmul.f32 v16, v12;
	v20 =	vmul.f32 v20, v18  }
0x227: {  	v13 =	vld [tilespmem:s8+$0x18580];
	v10 =	vmul.f32 v10, v12;
	v18 =	vmul.f32 v55, v18;
	v16 =	vand.u32 $0xFFFF0000, v56  }
0x228: {  	v12 =	vld [tilespmem:s8+$0x18590];
	v7 =	vadd.f32 v61, v17;
	v17 =	vshll.u32 v19, $0x10;
	v63 =	vand.u32 $0xFFFF0000, v19  }
0x229: {  	[tilespmem:s8+$0x6430] =	vst v4;
	v14 =	vld [tilespmem:s8+$0x185A0];
	v5 =	vadd.f32 v20, v5;
	v20 =	vmul.f32 v6, v60;
	v6 =	vadd.f32 v10, v9  }
0x22a: {  	[tilespmem:s8+$0x5C30] =	vst v3;
	v4 =	vadd.f32 v18, v59;
	v19 =	vmul.f32 v8, v60;
	v10 =	vld [tilespmem:s29+$0x1B80];
	v3 =	vmul.f32 v62, v15  }
0x22b: {  	s12 =	simm.s32 $0x100;
	s1 =	simm.s32 $0x0;
	v9 =	vld [tilespmem:s31+$0x1B80];
	v18 =	vmul.f32 v17, v28;
	v17 =	vmul.f32 v63, v28;
	v8 =	vadd.f32 v20, v27  }
.LBB2_10:
0x22c: {  	s3 =	sshra.s32 s12, $0x2;
	v15 =	vmul.f32 v16, v15;
	v16 =	vld [tilespmem:s16+$0x1B80];
	v20 =	vshll.u32 v13, $0x10;
	v13 =	vand.u32 $0xFFFF0000, v13;
	s10 =	sadd.s32 $0x40, s10;
	s9 =	sadd.s32 $0x200, s9  }
0x22d: {  	s1 =	sadd.s32 $0x4, s1;
	v11 =	vadd.f32 v19, v11;
	v21 =	vld [tilespmem:s3+$0x16980];
	s4 =	sadd.s32 $0x430, s10;
	s5 =	sadd.s32 $0x180, s9;
	v19 =	vshll.u32 v12, $0x10;
	v12 =	vand.u32 $0xFFFF0000, v12  }
0x22e: {  	v7 =	vadd.f32 v18, v7;
	p0 =	slt.u32 s1, $0x3C;
	v22 =	vld [tilespmem:s3+$0x16990];
	s4 =	sand.u32 $0x70, s4;
	s5 =	sand.u32 $0x3C00, s5;
	v18 =	vshll.u32 v14, $0x10;
	v14 =	vand.u32 $0xFFFF0000, v14  }
0x22f: {  	s6 =	sadd.s32 $0x410, s10;
	s7 =	sadd.s32 $0x80, s9;
	v5 =	vadd.f32 v3, v5;
	v6 =	vadd.f32 v17, v6;
	s4 =	sor.u32 s4, s5;
	v23 =	vld [tilespmem:s3+$0x169B0];
	v19 =	vmul.f32 v19, v10  }
0x230: {  	s13 =	sadd.s32 $0x100, s9;
	v3 =	vadd.f32 v15, v4;
	s5 =	sand.u32 $0x50, s6;
	s6 =	sadd.s32 $0x420, s10;
	v10 =	vmul.f32 v12, v10;
	v17 =	vld [tilespmem:s4+$0x1800];
	v12 =	vmul.f32 v18, v9  }
0x231: {  	s7 =	sand.u32 $0x3C00, s7;
	s13 =	sand.u32 $0x3C00, s13;
	s6 =	sand.u32 $0x60, s6;
	v9 =	vmul.f32 v14, v9;
	v15 =	vld [tilespmem:s3+$0x16DB0];
	v18 =	vmul.f32 v20, v16;
	v8 =	vadd.f32 v19, v8  }
0x232: {  	s16 =	sand.u32 $0x40, s10;
	s17 =	sand.u32 $0x3C00, s9;
	s14 =	sor.u32 s5, s7;
	v4 =	vmul.f32 v13, v16;
	v14 =	vshll.u32 v21, $0x10;
	v19 =	vand.u32 $0xFFFF0000, v21;
	v20 =	vld [tilespmem:s4+$0x1880]  }
0x233: {  	s16 =	sor.u32 s16, s17;
	s17 =	sor.u32 s6, s13;
	v10 =	vadd.f32 v10, v11;
	v13 =	vshll.u32 v22, $0x10;
	v16 =	vand.u32 $0xFFFF0000, v22;
	v21 =	vld [tilespmem:s3+$0x171B0];
	[tilespmem:s8+$0x5C10] =	vst v8  }
0x234: {  	v7 =	vadd.f32 v12, v7;
	v8 =	vshll.u32 v23, $0x10;
	v11 =	vand.u32 $0xFFFF0000, v23;
	v22 =	vld [tilespmem:s4+$0x1900]  }
0x235: {  	v6 =	vadd.f32 v9, v6;
	v8 =	vmul.f32 v8, v17;
	v11 =	vmul.f32 v11, v17;
	v12 =	vld [tilespmem:s3+$0x175B0];
	[tilespmem:s8+$0x6410] =	vst v10  }
0x236: {  	v5 =	vadd.f32 v18, v5;
	v9 =	vshll.u32 v15, $0x10;
	v10 =	vand.u32 $0xFFFF0000, v15;
	v15 =	vld [tilespmem:s4+$0x1980];
	[tilespmem:s8+$0x5C20] =	vst v7  }
0x237: {  	v7 =	vadd.f32 $0.0e+00, v8;
	v8 =	vadd.f32 $0.0e+00, v11;
	v10 =	vmul.f32 v10, v20;
	v11 =	vld [tilespmem:s3+$0x179B0];
	[tilespmem:s8+$0x6420] =	vst v6  }
0x238: {  	v6 =	vmul.f32 v9, v20;
	v9 =	vshll.u32 v21, $0x10;
	v17 =	vand.u32 $0xFFFF0000, v21;
	v18 =	vld [tilespmem:s4+$0x1A00];
	[tilespmem:s8+$0x5C00] =	vst v5  }
0x239: {  	v5 =	vadd.f32 v10, v8;
	v8 =	vmul.f32 v9, v22;
	v9 =	vmul.f32 v17, v22;
	v10 =	vld [tilespmem:s3+$0x17DB0]  }
0x23a: {  	v6 =	vadd.f32 v6, v7;
	v7 =	vshll.u32 v12, $0x10;
	v12 =	vand.u32 $0xFFFF0000, v12;
	v17 =	vld [tilespmem:s4+$0x1A80]  }
0x23b: {  	v5 =	vadd.f32 v9, v5;
	v7 =	vmul.f32 v7, v15;
	v9 =	vmul.f32 v12, v15;
	v12 =	vld [tilespmem:s3+$0x181B0]  }
0x23c: {  	v6 =	vadd.f32 v8, v6;
	v8 =	vshll.u32 v11, $0x10;
	v11 =	vand.u32 $0xFFFF0000, v11;
	v15 =	vld [tilespmem:s4+$0x1B00]  }
0x23d: {  	v5 =	vadd.f32 v9, v5;
	v8 =	vmul.f32 v8, v18;
	v9 =	vmul.f32 v11, v18;
	v11 =	vld [tilespmem:s3+$0x185B0]  }
0x23e: {  	v6 =	vadd.f32 v7, v6;
	v7 =	vshll.u32 v10, $0x10;
	v10 =	vand.u32 $0xFFFF0000, v10;
	v18 =	vld [tilespmem:s4+$0x1B80]  }
0x23f: {  	v20 =	vld [tilespmem:s3+$0x169A0];
	v5 =	vadd.f32 v9, v5;
	v7 =	vmul.f32 v7, v17;
	v9 =	vmul.f32 v10, v17  }
0x240: {  	v6 =	vadd.f32 v8, v6;
	v10 =	vld [tilespmem:s14+$0x1800];
	v8 =	vshll.u32 v12, $0x10;
	v12 =	vand.u32 $0xFFFF0000, v12  }
0x241: {  	v17 =	vld [tilespmem:s17+$0x1800];
	v5 =	vadd.f32 v9, v5;
	v8 =	vmul.f32 v8, v15;
	v9 =	vmul.f32 v12, v15  }
0x242: {  	v6 =	vadd.f32 v7, v6;
	v12 =	vld [tilespmem:s16+$0x1800];
	v7 =	vshll.u32 v11, $0x10;
	v11 =	vand.u32 $0xFFFF0000, v11  }
0x243: {  	v15 =	vld [tilespmem:s3+$0x16D80];
	v5 =	vadd.f32 v9, v5;
	v7 =	vmul.f32 v7, v18;
	v9 =	vmul.f32 v11, v18  }
0x244: {  	v6 =	vadd.f32 v8, v6;
	v11 =	vld [tilespmem:s3+$0x16D90];
	v18 =	vshll.u32 v20, $0x10;
	v20 =	vand.u32 $0xFFFF0000, v20  }
0x245: {  	v8 =	vmul.f32 v13, v10;
	v10 =	vmul.f32 v16, v10;
	v13 =	vld [tilespmem:s3+$0x16DA0];
	v5 =	vadd.f32 v9, v5  }
0x246: {  	v6 =	vadd.f32 v7, v6;
	v9 =	vld [tilespmem:s14+$0x1880];
	v16 =	vmul.f32 v18, v17;
	v17 =	vmul.f32 v20, v17  }
0x247: {  	v7 =	vmul.f32 v14, v12;
	v12 =	vmul.f32 v19, v12;
	v8 =	vadd.f32 $0.0e+00, v8;
	v14 =	vld [tilespmem:s17+$0x1880];
	[tilespmem:s3+$0x6430] =	vst v5  }
0x248: {  	v10 =	vadd.f32 $0.0e+00, v10;
	v5 =	vld [tilespmem:s16+$0x1880];
	v18 =	vshll.u32 v15, $0x10;
	v15 =	vand.u32 $0xFFFF0000, v15;
	[tilespmem:s3+$0x5C30] =	vst v6  }
0x249: {  	v16 =	vadd.f32 $0.0e+00, v16;
	v6 =	vld [tilespmem:s3+$0x17180];
	v19 =	vshll.u32 v11, $0x10;
	v11 =	vand.u32 $0xFFFF0000, v11  }
0x24a: {  	v17 =	vadd.f32 $0.0e+00, v17;
	v20 =	vld [tilespmem:s3+$0x17190];
	v21 =	vshll.u32 v13, $0x10;
	v13 =	vand.u32 $0xFFFF0000, v13  }
0x24b: {  	v7 =	vadd.f32 $0.0e+00, v7;
	v12 =	vadd.f32 $0.0e+00, v12;
	v19 =	vmul.f32 v19, v9;
	v22 =	vld [tilespmem:s3+$0x171A0]  }
0x24c: {  	v3 =	vadd.f32 v4, v3;
	v9 =	vmul.f32 v11, v9;
	v11 =	vld [tilespmem:s14+$0x1900];
	v21 =	vmul.f32 v21, v14  }
0x24d: {  	v13 =	vmul.f32 v13, v14;
	v4 =	vmul.f32 v18, v5;
	v8 =	vadd.f32 v19, v8;
	v14 =	vld [tilespmem:s17+$0x1900]  }
0x24e: {  	v5 =	vmul.f32 v15, v5;
	v15 =	vld [tilespmem:s16+$0x1900];
	v18 =	vshll.u32 v6, $0x10;
	v6 =	vand.u32 $0xFFFF0000, v6;
	[tilespmem:s8+$0x6400] =	vst v3;
	s8 =	smov.u32 s3  }
0x24f: {  	v9 =	vadd.f32 v9, v10;
	v3 =	vld [tilespmem:s8+$0x17580];
	v10 =	vshll.u32 v20, $0x10;
	v19 =	vand.u32 $0xFFFF0000, v20  }
0x250: {  	v16 =	vadd.f32 v21, v16;
	v20 =	vld [tilespmem:s8+$0x17590];
	v21 =	vshll.u32 v22, $0x10;
	v22 =	vand.u32 $0xFFFF0000, v22  }
0x251: {  	v4 =	vadd.f32 v4, v7;
	v7 =	vmul.f32 v10, v11;
	v10 =	vadd.f32 v13, v17;
	v13 =	vld [tilespmem:s8+$0x175A0]  }
0x252: {  	v5 =	vadd.f32 v5, v12;
	v11 =	vmul.f32 v19, v11;
	v12 =	vld [tilespmem:s14+$0x1980];
	v17 =	vmul.f32 v21, v14  }
0x253: {  	v18 =	vmul.f32 v18, v15;
	v7 =	vadd.f32 v7, v8;
	v8 =	vmul.f32 v22, v14;
	v14 =	vld [tilespmem:s17+$0x1980]  }
0x254: {  	v6 =	vmul.f32 v6, v15;
	v15 =	vld [tilespmem:s16+$0x1980];
	v19 =	vshll.u32 v3, $0x10;
	v3 =	vand.u32 $0xFFFF0000, v3  }
0x255: {  	v9 =	vadd.f32 v11, v9;
	v21 =	vld [tilespmem:s8+$0x17980];
	v11 =	vshll.u32 v20, $0x10;
	v20 =	vand.u32 $0xFFFF0000, v20  }
0x256: {  	v16 =	vadd.f32 v17, v16;
	v22 =	vld [tilespmem:s8+$0x17990];
	v17 =	vshll.u32 v13, $0x10;
	v13 =	vand.u32 $0xFFFF0000, v13  }
0x257: {  	v4 =	vadd.f32 v18, v4;
	v8 =	vadd.f32 v8, v10;
	v11 =	vmul.f32 v11, v12;
	v10 =	vld [tilespmem:s8+$0x179A0]  }
0x258: {  	v5 =	vadd.f32 v6, v5;
	v6 =	vmul.f32 v20, v12;
	v12 =	vld [tilespmem:s14+$0x1A00];
	v17 =	vmul.f32 v17, v14  }
0x259: {  	v18 =	vmul.f32 v19, v15;
	v7 =	vadd.f32 v11, v7;
	v11 =	vmul.f32 v13, v14;
	v13 =	vld [tilespmem:s17+$0x1A00]  }
0x25a: {  	v3 =	vmul.f32 v3, v15;
	v14 =	vld [tilespmem:s16+$0x1A00];
	v15 =	vshll.u32 v21, $0x10;
	v19 =	vand.u32 $0xFFFF0000, v21  }
0x25b: {  	v6 =	vadd.f32 v6, v9;
	v20 =	vld [tilespmem:s8+$0x17D80];
	v9 =	vshll.u32 v22, $0x10;
	v21 =	vand.u32 $0xFFFF0000, v22  }
0x25c: {  	v16 =	vadd.f32 v17, v16;
	v22 =	vld [tilespmem:s8+$0x17D90];
	v17 =	vshll.u32 v10, $0x10;
	v10 =	vand.u32 $0xFFFF0000, v10  }
0x25d: {  	v4 =	vadd.f32 v18, v4;
	v8 =	vadd.f32 v11, v8;
	v9 =	vmul.f32 v9, v12;
	v11 =	vld [tilespmem:s8+$0x17DA0]  }
0x25e: {  	v3 =	vadd.f32 v3, v5;
	v5 =	vmul.f32 v21, v12;
	v12 =	vld [tilespmem:s14+$0x1A80];
	v17 =	vmul.f32 v17, v13  }
0x25f: {  	v15 =	vmul.f32 v15, v14;
	v7 =	vadd.f32 v9, v7;
	v9 =	vmul.f32 v10, v13;
	v10 =	vld [tilespmem:s17+$0x1A80]  }
0x260: {  	v13 =	vmul.f32 v19, v14;
	v14 =	vld [tilespmem:s16+$0x1A80];
	v18 =	vshll.u32 v20, $0x10;
	v19 =	vand.u32 $0xFFFF0000, v20  }
0x261: {  	v5 =	vadd.f32 v5, v6;
	v20 =	vld [tilespmem:s8+$0x18180];
	v6 =	vshll.u32 v22, $0x10;
	v21 =	vand.u32 $0xFFFF0000, v22  }
0x262: {  	v17 =	vadd.f32 v17, v16;
	v22 =	vld [tilespmem:s8+$0x18190];
	v16 =	vshll.u32 v11, $0x10;
	v11 =	vand.u32 $0xFFFF0000, v11  }
0x263: {  	v4 =	vadd.f32 v15, v4;
	v8 =	vadd.f32 v9, v8;
	v6 =	vmul.f32 v6, v12;
	v9 =	vld [tilespmem:s8+$0x181A0]  }
0x264: {  	v3 =	vadd.f32 v13, v3;
	v12 =	vmul.f32 v21, v12;
	v21 =	vld [tilespmem:s14+$0x1B00];
	v23 =	vmul.f32 v16, v10  }
0x265: {  	v18 =	vmul.f32 v18, v14;
	v24 =	vadd.f32 v6, v7;
	v6 =	vmul.f32 v11, v10;
	v25 =	vld [tilespmem:s17+$0x1B00]  }
0x266: {  	v10 =	vmul.f32 v19, v14;
	v15 =	vld [tilespmem:s16+$0x1B00];
	v26 =	vshll.u32 v20, $0x10;
	v16 =	vand.u32 $0xFFFF0000, v20  }
.Ltmp3:
0x267: {  	v11 =	vadd.f32 v12, v5;
	v13 =	vld [tilespmem:s8+$0x18580];
	v14 =	vshll.u32 v22, $0x10;
	v19 =	vand.u32 $0xFFFF0000, v22;
	(pc) =	sbr.rel @p0 .LBB2_10-.Ltmp3, $4  }
0x268: {  	v7 =	vadd.f32 v23, v17;
	v12 =	vld [tilespmem:s8+$0x18590];
	v17 =	vshll.u32 v9, $0x10;
	v9 =	vand.u32 $0xFFFF0000, v9  }
0x269: {  	v5 =	vadd.f32 v18, v4;
	v6 =	vadd.f32 v6, v8;
	v20 =	vmul.f32 v14, v21;
	v14 =	vld [tilespmem:s8+$0x185A0]  }
0x26a: {  	v4 =	vadd.f32 v10, v3;
	v19 =	vmul.f32 v19, v21;
	v10 =	vld [tilespmem:s14+$0x1B80];
	v18 =	vmul.f32 v17, v25  }
0x26b: {  	s12 =	sadd.s32 $0x100, s12;
	v17 =	vmul.f32 v9, v25;
	v3 =	vmul.f32 v26, v15;
	v8 =	vadd.f32 v20, v24;
	v9 =	vld [tilespmem:s17+$0x1B80]  }
0x26c: {  	_ =	sdelay $0x1  }
0x26d: {  	v54 =	vshll.u32 v12, $0x10  }
0x26e: {  	v11 =	vadd.f32 v19, v11;
	v56 =	vand.u32 $0xFFFF0000, v12;
	v19 =	vmul.f32 v54, v10  }
0x26f: {  	v7 =	vadd.f32 v18, v7;
	v57 =	vshll.u32 v14, $0x10;
	v58 =	vmul.f32 v56, v10  }
0x270: {  	v59 =	vand.u32 $0xFFFF0000, v14;
	v60 =	vmul.f32 v57, v9;
	v8 =	vadd.f32 v19, v8  }
0x271: {  	v6 =	vadd.f32 v17, v6;
	v61 =	vmul.f32 v59, v9;
	v10 =	vadd.f32 v58, v11  }
0x272: {  	v53 =	vld [tilespmem:s16+$0x1B80];
	v7 =	vadd.f32 v60, v7;
	[tilespmem:s8+$0x5C10] =	vst v8  }
0x273: {  	v6 =	vadd.f32 v61, v6;
	[tilespmem:s8+$0x6410] =	vst v10  }
0x274: {  	[tilespmem:s8+$0x5C20] =	vst v7  }
0x275: {  	[tilespmem:s8+$0x6420] =	vst v6  }
0x276: {  	v15 =	vmul.f32 v16, v15;
	v20 =	vshll.u32 v13, $0x10;
	s1 =	sld [smem:$0x7FD]  }
0x277: {  	v55 =	vand.u32 $0xFFFF0000, v13;
	v3 =	vadd.f32 v3, v5;
	v62 =	vmul.f32 v20, v53;
	s3 =	sld [smem:$0x7FB]  }
0x278: {  	v4 =	vadd.f32 v15, v4;
	v63 =	vmul.f32 v55, v53  }
0x279: {  	v3 =	vadd.f32 v62, v3  }
0x27a: {  	v4 =	vadd.f32 v63, v4;
	s1 =	sadd.s32 s1, s3  }
0x27b: {  	[tilespmem:s8+$0x5C00] =	vst v3;
	s1 =	sshrl.u32 s1, $0x3  }
0x27c: {  	s4 =	simm.s32 $0x0;
	s5 =	simm.s32 $0x5800;
	[tilespmem:s8+$0x6400] =	vst v4;
	s29 =	sadd.s32 s2, s1  }
0x27d: {  	[hbm4b:s29+s4] =	stream.linear.scatter [tilespmem:s5], [sflag:$0x3], $0x800, $0x38;
	[tilespmem:$0x18980] =	vst v63  }
0x27e: {  	s5 =	simm.s32 $0x3  }
0x27f: {  	s31 =	simm.s32 $0x6000;
	s0 =	sadd.s32 $0x1, s0;
	_ =	swait.ge [sflag:s5], $0x800  }
0x280: {  	p0 =	sne.s32 s0, $0x10;
	s1 =	sor.u32 $0x20000, s1;
	[sflag:s5] =	ssyncset.done $0x0  }
.Ltmp4:
0x281: {  	s1 =	sadd.s32 s2, s1;
	[sflag:s5] =	ssyncadd.s32 $0xFFFFF800;
	(pc) =	sbr.rel @p0 .LBB2_3-.Ltmp4, $4  }
0x282: {  	[hbm4b:s1+s4] =	stream.linear.scatter [tilespmem:s31], [sflag:$0x3], $0x800, $0x38;
	[tilespmem:$0x18980] =	vst v63  }
0x283: {  	_ =	swait.ge [sflag:s5], $0x800  }
0x284: {  	[sflag:s5] =	ssyncset.done $0x0  }
0x285: {  	s30 =	simm.s32 $0x400;
	[sflag:s5] =	ssyncadd.s32 $0xFFFFF800  }
0x286: {  	s7 =	sld [smem:$0x7FC];
	_ =	sdelay $0x2  }
0x287: {  	s7 =	sadd.s32 $0x1, s7  }
0x288: {  	p0 =	sne.s32 s7, $0xA  }
.Ltmp5:
0x289: {  	_ = 	snop;
	(pc) =	sbr.rel @p0 .LBB2_2-.Ltmp5, $3  }
0x28a: {  	_ =	sdelay $0x1  }
0x28b: {  	[bflag:$0x0] =	sbarrier.arrive $0xFFFF  }
0x28c: {  	s6 =	simm.s32 $0x0  }
0x28d: {  	s0 =	simm.s32 $0x0  }
.LBB2_14:
0x28e: {  	s17 =	sadd.s32 $0xA, s0  }
0x28f: {  	v2 =	vmov s17;
	_ =	sdelay $0x2  }
0x290: {  	s18 =	rddreg [dreg:$0xd];
	s1 =	sshll.u32 s17, $0x13  }
0x291: {  	[dreg:$0x1c] =	wrdreg s0;
	s2 =	simm.s32 $0x10800;
	s3 =	sor.u32 s1, s18  }
0x292: {  	s19 =	simm.s32 $0x10880;
	s21 =	rddreg [dreg:$0x7];
	s3 =	sshrl.u32 s3, $0x3;
	v0 =	vld.idx.msk [tilespmem:v2+s2+$0x0], $0xffff  }
0x293: {  	s20 =	simm.s32 $0x10900;
	s4 =	simm.s32 $0xE800;
	s3 =	sadd.s32 s21, s3;
	v1 =	vld.idx.msk [tilespmem:v2+s19+$0x0], $0xffff  }
0x294: {  	v56 =	vld.idx.msk [tilespmem:v2+s20+$0x0], $0xffff;
	[tilespmem:s4], [sflag:$0x3] =	stream.linear.gather [hbm4b:s3+s6], $0x2000, $0x38  }
0x295: {  	_ =	swait.ge [sflag:s5], $0x2000  }
0x296: {  	[sflag:s5] =	ssyncset.done $0x0  }
0x297: {  	s22 =	rddreg [dreg:$0x14];
	[sflag:s5] =	ssyncadd.s32 $0xFFFFE000  }
0x298: {  	[spmem:s22] =	stream.linear.scatter [tilespmem:s4], [sflag:$0x3], $0x2000, $0x38;
	[tilespmem:$0x18980] =	vst v63  }
0x299: {  	_ =	swait.ge [sflag:s5], $0x2000  }
0x29a: {  	s24 =	rddreg [dreg:$0x15]  }
0x29b: {  	s3 =	sor.u32 s1, s24  }
0x29c: {  	[sflag:s5] =	ssyncset.done $0x0;
	s3 =	sshrl.u32 s3, $0x3  }
0x29d: {  	[sflag:s5] =	ssyncadd.s32 $0xFFFFE000;
	s3 =	sadd.s32 s21, s3  }
0x29e: {  	[tilespmem:s4], [sflag:$0x3] =	stream.linear.gather [hbm4b:s3+s6], $0x2000, $0x38;
	[tilespmem:$0x18980] =	vst v63  }
0x29f: {  	_ =	swait.ge [sflag:s5], $0x2000  }
0x2a0: {  	[sflag:s5] =	ssyncset.done $0x0  }
0x2a1: {  	s25 =	rddreg [dreg:$0x18];
	[sflag:s5] =	ssyncadd.s32 $0xFFFFE000  }
0x2a2: {  	[spmem:s25] =	stream.linear.scatter [tilespmem:s4], [sflag:$0x3], $0x2000, $0x38;
	[tilespmem:$0x18980] =	vst v63  }
0x2a3: {  	_ =	swait.ge [sflag:s5], $0x2000  }
0x2a4: {  	s26 =	rddreg [dreg:$0x16]  }
0x2a5: {  	s3 =	sor.u32 s1, s26  }
0x2a6: {  	[sflag:s5] =	ssyncset.done $0x0;
	s3 =	sshrl.u32 s3, $0x3  }
0x2a7: {  	[sflag:s5] =	ssyncadd.s32 $0xFFFFE000;
	s3 =	sadd.s32 s21, s3  }
0x2a8: {  	[tilespmem:s4], [sflag:$0x3] =	stream.linear.gather [hbm4b:s3+s6], $0x2000, $0x38;
	[tilespmem:$0x18980] =	vst v63  }
0x2a9: {  	_ =	swait.ge [sflag:s5], $0x2000  }
0x2aa: {  	[sflag:s5] =	ssyncset.done $0x0  }
0x2ab: {  	s28 =	rddreg [dreg:$0x19];
	[sflag:s5] =	ssyncadd.s32 $0xFFFFE000  }
0x2ac: {  	[spmem:s28] =	stream.linear.scatter [tilespmem:s4], [sflag:$0x3], $0x2000, $0x38;
	[tilespmem:$0x18980] =	vst v63  }
0x2ad: {  	_ =	swait.ge [sflag:s5], $0x2000  }
0x2ae: {  	s29 =	rddreg [dreg:$0x17]  }
0x2af: {  	s1 =	sor.u32 s1, s29  }
0x2b0: {  	[sflag:s5] =	ssyncset.done $0x0;
	s1 =	sshrl.u32 s1, $0x3  }
0x2b1: {  	[sflag:s5] =	ssyncadd.s32 $0xFFFFE000;
	s1 =	sadd.s32 s21, s1  }
0x2b2: {  	[tilespmem:s4], [sflag:$0x3] =	stream.linear.gather [hbm4b:s1+s6], $0x2000, $0x38;
	[tilespmem:$0x18980] =	vst v63  }
0x2b3: {  	_ =	swait.ge [sflag:s5], $0x2000  }
0x2b4: {  	[sflag:s5] =	ssyncset.done $0x0  }
0x2b5: {  	s31 =	rddreg [dreg:$0x1a];
	[sflag:s5] =	ssyncadd.s32 $0xFFFFE000  }
0x2b6: {  	[spmem:s31] =	stream.linear.scatter [tilespmem:s4], [sflag:$0x3], $0x2000, $0x38;
	[tilespmem:$0x18980] =	vst v63  }
0x2b7: {  	_ =	swait.ge [sflag:s5], $0x2000  }
0x2b8: {  	[sflag:s5] =	ssyncset.done $0x0  }
0x2b9: {  	[sflag:s5] =	ssyncadd.s32 $0xFFFFE000  }
0x2ba: {  	s0 =	sshll.u32 s17, $0x15;
	[bflag:$0x0] =	sbarrier.arrive $0xFFFF  }
0x2bb: {  	[dreg:$0x1d] =	wrdreg s0;
	s0 =	simm.s32 $0x0  }
.LBB2_15:
0x2bc: {  	[dreg:$0x1e] =	wrdreg s0  }
0x2bd: {  	s24 =	sshll.u32 s0, $0xB;
	s1 =	rddreg [dreg:$0xc]  }
0x2be: {  	s25 =	rddreg [dreg:$0x4];
	s0 =	sadd.s32 s1, s24  }
0x2bf: {  	[dreg:$0x1f] =	wrdreg s0;
	s0 =	sshrl.u32 s0, $0x3  }
0x2c0: {  	s1 =	simm.s32 $0x0;
	s3 =	sadd.s32 s25, s0  }
0x2c1: {  	[tilespmem:s1], [sflag:$0x3] =	stream.linear.gather [hbm4b:s3+s1], $0x800, $0x38;
	[tilespmem:$0x18980] =	vst v63  }
0x2c2: {  	_ =	swait.ge [sflag:s5], $0x800  }
0x2c3: {  	[sflag:s5] =	ssyncset.done $0x0;
	s2 =	rddreg [dreg:$0x5]  }
0x2c4: {  	s28 =	simm.s32 $0x800;
	[sflag:s5] =	ssyncadd.s32 $0xFFFFF800;
	s26 =	sadd.s32 s2, s0  }
0x2c5: {  	[tilespmem:s28], [sflag:$0x3] =	stream.linear.gather [hbm4b:s26+s1], $0x800, $0x38;
	[tilespmem:$0x18980] =	vst v63  }
0x2c6: {  	_ =	swait.ge [sflag:s5], $0x800  }
0x2c7: {  	[sflag:s5] =	ssyncset.done $0x0;
	s29 =	rddreg [dreg:$0x6]  }
0x2c8: {  	s31 =	simm.s32 $0x1000;
	[sflag:s5] =	ssyncadd.s32 $0xFFFFF800;
	s0 =	sadd.s32 s29, s0  }
0x2c9: {  	[tilespmem:s31], [sflag:$0x3] =	stream.linear.gather [hbm4b:s0+s1], $0x800, $0x38;
	[tilespmem:$0x18980] =	vst v63  }
0x2ca: {  	_ =	swait.ge [sflag:s5], $0x800  }
0x2cb: {  	s7 =	simm.s32 $0xFFFFFFFC;
	p0 =	por $0x0, $0x0;
	[sflag:s5] =	ssyncset.done $0x0  }
0x2cc: {  	s8 =	simm.s32 $0x0;
	s9 =	simm.s32 $0x0;
	[sflag:s5] =	ssyncadd.s32 $0xFFFFF800  }
.LBB2_16:
0x2cd: {  	s13 =	sshra.s32 s1, $0x2  }
0x2ce: {  	s10 =	sand.u32 $0x40, s8;
	v3 =	vld [tilespmem:s13+$0x0]  }
0x2cf: {  	s12 =	sand.u32 $0x380, s8;
	v4 =	vld [tilespmem:s13+$0x800];
	s14 =	sor.u32 $0x10, s10  }
0x2d0: {  	v5 =	vld [tilespmem:s13+$0x1000];
	s5 =	sor.u32 s12, s14  }
0x2d1: {  	v18 =	vld [tilespmem:s5+$0x0]  }
0x2d2: {  	s16 =	sor.u32 $0x20, s10;
	v20 =	vld [tilespmem:s5+$0x800]  }
0x2d3: {  	s6 =	sor.u32 s12, s16;
	v22 =	vld [tilespmem:s5+$0x1000]  }
0x2d4: {  	v47 =	vld [tilespmem:s6+$0x0]  }
0x2d5: {  	v49 =	vld [tilespmem:s6+$0x800];
	v3 =	vmul.f32 v3, v0;
	v4 =	vmul.f32 v4, v0  }
0x2d6: {  	v52 =	vld [tilespmem:s6+$0x1000];
	v5 =	vmul.f32 v5, v0  }
0x2d7: {  	v6 =	vtrunc.f32 v3;
	v7 =	vtrunc.f32 v4  }
0x2d8: {  	v8 =	vtrunc.f32 v5;
	v18 =	vmul.f32 v18, v0  }
0x2d9: {  	v20 =	vmul.f32 v20, v0;
	v22 =	vmul.f32 v22, v0  }
0x2da: {  	v57 =	vmul.f32 v47, v0;
	v60 =	vmul.f32 v49, v0  }
0x2db: {  	v62 =	vmul.f32 v52, v0;
	v6 =	vcvt.f32.s32 v6  }
0x2dc: {  	v7 =	vcvt.f32.s32 v7;
	v8 =	vcvt.f32.s32 v8  }
0x2dd: {  	v26 =	vtrunc.f32 v18;
	v28 =	vtrunc.f32 v20  }
0x2de: {  	v30 =	vtrunc.f32 v22;
	v9 =	vcvt.s32.f32 v6  }
0x2df: {  	v10 =	vcvt.s32.f32 v7;
	v11 =	vcvt.s32.f32 v8;
	v7 =	vmul.u32 v7, v1  }
0x2e0: {  	v8 =	vmul.u32 v8, v56;
	v12 =	vadd.s32 $0x1, v6;
	v63 =	vcvt.f32.s32 v26  }
0x2e1: {  	v29 =	vcvt.f32.s32 v28;
	v32 =	vcvt.f32.s32 v30;
	v3 =	vsub.f32 v3, v9  }
0x2e2: {  	v4 =	vsub.f32 v4, v10;
	v5 =	vsub.f32 v5, v11;
	v13 =	vxor.u32 v6, v7  }
0x2e3: {  	v14 =	vadd.s32 v56, v8;
	v17 =	vadd.s32 v1, v7;
	v33 =	vcvt.s32.f32 v63  }
0x2e4: {  	v7 =	vxor.u32 v12, v7;
	v34 =	vcvt.s32.f32 v29;
	v35 =	vcvt.s32.f32 v32  }
0x2e5: {  	v37 =	vmul.u32 v29, v1;
	v9 =	vsub.f32 $1.000000000e+00, v3;
	v10 =	vsub.f32 $1.000000000e+00, v4  }
0x2e6: {  	v42 =	vadd.s32 $0x1, v63;
	v16 =	vxor.u32 v8, v13;
	v13 =	vxor.u32 v13, v14  }
0x2e7: {  	v6 =	vxor.u32 v6, v17;
	v11 =	vsub.f32 $1.000000000e+00, v5;
	v15 =	vmul.f32 v10, v9  }
0x2e8: {  	s0 =	sand.u32 $0x1C00, s9;
	v25 =	vxor.u32 v8, v7;
	v7 =	vxor.u32 v7, v14;
	v31 =	vxor.u32 v12, v17  }
0x2e9: {  	s3 =	sadd.s32 $0x1800, s0;
	v12 =	vmul.u32 v32, v56;
	v16 =	vand.u32 $0x7FFFF, v16;
	v19 =	vmul.f32 v11, v15  }
0x2ea: {  	s0 =	sor.u32 s10, s3;
	v32 =	vtrunc.f32 v62;
	v13 =	vand.u32 $0x7FFFF, v13;
	v21 =	vxor.u32 v8, v6;
	[tilespmem:s13+$0x10980] =	vst v16  }
0x2eb: {  	v6 =	vxor.u32 v14, v6;
	v9 =	vmul.f32 v4, v9;
	v15 =	vmul.f32 v15, v5;
	[tilespmem:s0+$0x0] =	vst v19  }
0x2ec: {  	v25 =	vand.u32 $0x7FFFF, v25;
	v7 =	vand.u32 $0x7FFFF, v7;
	v8 =	vxor.u32 v8, v31;
	[tilespmem:s13+$0x10D80] =	vst v13  }
0x2ed: {  	v41 =	vxor.u32 v63, v37;
	v21 =	vand.u32 $0x7FFFF, v21;
	v23 =	vmul.f32 v11, v9;
	[tilespmem:s0+$0x80] =	vst v15  }
0x2ee: {  	v36 =	vsub.f32 v20, v34;
	v45 =	vadd.s32 v1, v37;
	v44 =	vxor.u32 v12, v41;
	[tilespmem:s13+$0x11180] =	vst v21  }
0x2ef: {  	s4 =	simm.s32 $0x1;
	v55 =	vxor.u32 v42, v37;
	v6 =	vand.u32 $0x7FFFF, v6;
	v21 =	vand.u32 $0x7FFFF, v44;
	[tilespmem:s0+$0x100] =	vst v23  }
0x2f0: {  	s4 =	simm.s32 @!p0 $0x0;
	v10 =	vmul.f32 v10, v3;
	v9 =	vmul.f32 v5, v9;
	v13 =	vsub.f32 v18, v33;
	[tilespmem:s5+$0x10980] =	vst v21  }
0x2f1: {  	s2 =	sor.u32 $0x30, s10;
	s4 =	sshll.u32 s4, $0x6;
	v8 =	vand.u32 $0x7FFFF, v8;
	v46 =	vadd.s32 v56, v12;
	v39 =	vsub.f32 $1.000000000e+00, v36;
	[tilespmem:s13+$0x11580] =	vst v6  }
0x2f2: {  	s10 =	sor.u32 s12, s2;
	s4 =	sadd.s32 s4, s9;
	v24 =	vmul.f32 v11, v10;
	v38 =	vsub.f32 $1.000000000e+00, v13;
	v6 =	vsub.f32 v22, v35;
	[tilespmem:s0+$0x180] =	vst v9  }
0x2f3: {  	s22 =	sor.u32 $0x200, s4;
	v49 =	vld [tilespmem:s10+$0x0];
	v16 =	vxor.u32 v63, v45;
	v58 =	vxor.u32 v12, v55;
	v63 =	vtrunc.f32 v57;
	[tilespmem:s13+$0x11980] =	vst v25  }
0x2f4: {  	v10 =	vmul.f32 v10, v5;
	v43 =	vmul.f32 v39, v38;
	v40 =	vsub.f32 $1.000000000e+00, v6;
	[tilespmem:s22+$0x1800] =	vst v24  }
0x2f5: {  	s24 =	sor.u32 $0x280, s4;
	v3 =	vmul.f32 v4, v3;
	v4 =	vxor.u32 v14, v31;
	v51 =	vxor.u32 v12, v16;
	[tilespmem:s13+$0x11D80] =	vst v7  }
0x2f6: {  	v16 =	vxor.u32 v46, v16;
	v61 =	vand.u32 $0x7FFFF, v58;
	v48 =	vmul.f32 v40, v43;
	[tilespmem:s24+$0x1800] =	vst v10  }
0x2f7: {  	s28 =	sor.u32 s14, s3;
	v28 =	vxor.u32 v55, v46;
	v30 =	vcvt.f32.s32 v63;
	v11 =	vmul.f32 v11, v3;
	[tilespmem:s13+$0x12180] =	vst v8  }
0x2f8: {  	s25 =	sor.u32 $0x300, s4;
	v31 =	vtrunc.f32 v60;
	v19 =	vmul.f32 v49, v0;
	v18 =	vxor.u32 v41, v46;
	[tilespmem:s28+$0x0] =	vst v48  }
0x2f9: {  	v3 =	vmul.f32 v5, v3;
	v33 =	vcvt.f32.s32 v32;
	v50 =	vand.u32 $0x7FFFF, v18;
	[tilespmem:s25+$0x1800] =	vst v11  }
0x2fa: {  	v4 =	vand.u32 $0x7FFFF, v4;
	v63 =	vtrunc.f32 v19;
	v53 =	vmul.f32 v43, v6;
	[tilespmem:s5+$0x10D80] =	vst v50  }
0x2fb: {  	s26 =	sor.u32 s9, s8;
	v16 =	vand.u32 $0x7FFFF, v16;
	v37 =	vcvt.s32.f32 v33;
	v9 =	vmul.f32 v36, v38;
	[tilespmem:s13+$0x12580] =	vst v4  }
0x2fc: {  	v18 =	vand.u32 $0x7FFFF, v51;
	v17 =	vmul.f32 v39, v13;
	v35 =	vcvt.s32.f32 v30;
	s0 =	sor.u32 $0x380, s26;
	[tilespmem:s28+$0x80] =	vst v53  }
0x2fd: {  	v34 =	vmul.f32 v36, v13;
	v41 =	vsub.f32 v62, v37;
	v54 =	vmul.f32 v40, v9;
	[tilespmem:s0+$0x1800] =	vst v3  }
0x2fe: {  	v29 =	vmul.f32 v17, v6;
	v39 =	vsub.f32 v57, v35;
	v25 =	vcvt.f32.s32 v63;
	[tilespmem:s5+$0x11180] =	vst v18  }
0x2ff: {  	v44 =	vsub.f32 $1.000000000e+00, v41;
	v11 =	vcvt.f32.s32 v31;
	v3 =	vmul.f32 v6, v9;
	[tilespmem:s28+$0x100] =	vst v54  }
0x300: {  	v59 =	vmul.f32 v40, v17;
	v7 =	vxor.u32 v42, v45;
	v42 =	vsub.f32 $1.000000000e+00, v39;
	[tilespmem:s5+$0x11580] =	vst v16  }
0x301: {  	s29 =	sadd.s32 $0x10, s4;
	v45 =	vmul.u32 v33, v56;
	v12 =	vxor.u32 v12, v7;
	v36 =	vcvt.s32.f32 v11;
	[tilespmem:s28+$0x180] =	vst v3  }
0x302: {  	s31 =	sor.u32 $0x200, s29;
	v38 =	vxor.u32 v46, v7;
	v46 =	vadd.s32 $0x1, v30;
	v8 =	vand.u32 $0x7FFFF, v28;
	v53 =	vld [tilespmem:s10+$0x800];
	[tilespmem:s5+$0x11980] =	vst v61  }
0x303: {  	v11 =	vmul.u32 v11, v1;
	v3 =	vmul.f32 v40, v34;
	v40 =	vsub.f32 v60, v36;
	[tilespmem:s31+$0x1800] =	vst v59  }
0x304: {  	s17 =	sor.u32 $0x280, s29;
	v12 =	vand.u32 $0x7FFFF, v12;
	v5 =	vand.u32 $0x7FFFF, v38;
	v50 =	vadd.s32 v56, v45;
	v54 =	vld [tilespmem:s10+$0x1000];
	[tilespmem:s5+$0x11D80] =	vst v8  }
0x305: {  	v4 =	vmul.f32 v6, v34;
	v48 =	vxor.u32 v30, v11;
	v43 =	vsub.f32 $1.000000000e+00, v40;
	[tilespmem:s17+$0x1800] =	vst v29  }
0x306: {  	s18 =	sor.u32 $0x300, s29;
	v47 =	vadd.s32 v1, v11;
	v24 =	vxor.u32 v46, v11;
	v52 =	vxor.u32 v45, v48;
	[tilespmem:s5+$0x12180] =	vst v12  }
0x307: {  	v18 =	vxor.u32 v48, v50;
	v61 =	vmul.f32 v53, v0;
	v51 =	vmul.f32 v43, v42;
	[tilespmem:s18+$0x1800] =	vst v3  }
0x308: {  	v6 =	vmul.f32 v40, v42;
	v7 =	vmul.f32 v40, v39;
	v3 =	vand.u32 $0x7FFFF, v52;
	[tilespmem:s5+$0x12580] =	vst v5  }
0x309: {  	s0 =	sor.u32 $0x380, s29;
	v17 =	vxor.u32 v30, v47;
	v62 =	vmul.f32 v54, v0;
	v55 =	vmul.f32 v44, v51;
	[tilespmem:s6+$0x10980] =	vst v3  }
0x30a: {  	s19 =	sor.u32 s16, s3;
	v30 =	vxor.u32 v46, v47;
	v26 =	vtrunc.f32 v61;
	v59 =	vmul.f32 v44, v6;
	[tilespmem:s0+$0x1800] =	vst v4  }
0x30b: {  	v18 =	vand.u32 $0x7FFFF, v18;
	v6 =	vmul.f32 v41, v6;
	v57 =	vmul.f32 v51, v41;
	[tilespmem:s19+$0x0] =	vst v55  }
0x30c: {  	v58 =	vxor.u32 v45, v17;
	v8 =	vmul.f32 v43, v39;
	v27 =	vcvt.f32.s32 v26;
	[tilespmem:s6+$0x10D80] =	vst v18  }
0x30d: {  	v29 =	vcvt.s32.f32 v25;
	v28 =	vtrunc.f32 v62;
	v3 =	vand.u32 $0x7FFFF, v58;
	[tilespmem:s19+$0x80] =	vst v57  }
0x30e: {  	v60 =	vxor.u32 v50, v17;
	v31 =	vcvt.f32.s32 v28;
	v32 =	vcvt.s32.f32 v27;
	[tilespmem:s6+$0x11180] =	vst v3  }
0x30f: {  	v33 =	vsub.f32 v19, v29;
	v34 =	vmul.f32 v44, v8;
	v5 =	vand.u32 $0x7FFFF, v60;
	[tilespmem:s19+$0x100] =	vst v59  }
0x310: {  	v8 =	vmul.f32 v8, v41;
	v10 =	vmul.u32 v27, v1;
	v3 =	vxor.u32 v45, v24;
	[tilespmem:s6+$0x11580] =	vst v5  }
0x311: {  	s20 =	sadd.s32 $0x20, s4;
	v4 =	vxor.u32 v24, v50;
	v35 =	vsub.f32 v61, v32;
	v3 =	vand.u32 $0x7FFFF, v3;
	[tilespmem:s19+$0x180] =	vst v6  }
0x312: {  	s21 =	sor.u32 $0x200, s20;
	v36 =	vcvt.s32.f32 v31;
	v39 =	vsub.f32 $1.000000000e+00, v33;
	v42 =	vmul.u32 v31, v56;
	[tilespmem:s6+$0x11980] =	vst v3  }
0x313: {  	v4 =	vand.u32 $0x7FFFF, v4;
	v3 =	vxor.u32 v45, v30;
	v45 =	vxor.u32 v25, v10;
	[tilespmem:s21+$0x1800] =	vst v34  }
0x314: {  	s22 =	sor.u32 $0x280, s20;
	v38 =	vsub.f32 v62, v36;
	v40 =	vsub.f32 $1.000000000e+00, v35;
	v46 =	vxor.u32 v42, v45;
	[tilespmem:s6+$0x11D80] =	vst v4  }
0x315: {  	v37 =	vmul.f32 v44, v7;
	v47 =	vand.u32 $0x7FFFF, v46;
	[tilespmem:s22+$0x1800] =	vst v8  }
0x316: {  	v43 =	vsub.f32 $1.000000000e+00, v38;
	v44 =	vmul.f32 v40, v39;
	v3 =	vand.u32 $0x7FFFF, v3;
	[tilespmem:s10+$0x10980] =	vst v47  }
0x317: {  	s24 =	sor.u32 $0x300, s20;
	v5 =	vxor.u32 v50, v30;
	[tilespmem:s6+$0x12180] =	vst v3  }
0x318: {  	v48 =	vmul.f32 v43, v44;
	v3 =	vand.u32 $0x7FFFF, v5;
	[tilespmem:s24+$0x1800] =	vst v37  }
0x319: {  	s25 =	sor.u32 s2, s3;
	v41 =	vmul.f32 v41, v7;
	v49 =	vadd.s32 v1, v10;
	[tilespmem:s6+$0x12580] =	vst v3;
	v3 =	vadd.s32 v56, v42  }
0x31a: {  	s0 =	sor.u32 $0x380, s20;
	v51 =	vxor.u32 v25, v49;
	[tilespmem:s25+$0x0] =	vst v48;
	v13 =	vxor.u32 v45, v3  }
0x31b: {  	v9 =	vmul.f32 v44, v38;
	v8 =	vmul.f32 v35, v39;
	[tilespmem:s0+$0x1800] =	vst v41;
	v50 =	vand.u32 $0x7FFFF, v13  }
0x31c: {  	v52 =	vxor.u32 v42, v51;
	[tilespmem:s10+$0x10D80] =	vst v50  }
0x31d: {  	v5 =	vand.u32 $0x7FFFF, v52;
	v53 =	vmul.f32 v43, v8;
	[tilespmem:s25+$0x80] =	vst v9  }
0x31e: {  	v11 =	vadd.s32 $0x1, v25;
	v55 =	vmul.f32 v40, v33;
	v13 =	vxor.u32 v3, v51;
	[tilespmem:s10+$0x11180] =	vst v5  }
0x31f: {  	v10 =	vxor.u32 v11, v10;
	v8 =	vmul.f32 v38, v8;
	v54 =	vand.u32 $0x7FFFF, v13;
	[tilespmem:s25+$0x100] =	vst v53  }
0x320: {  	v57 =	vxor.u32 v42, v10;
	[tilespmem:s10+$0x11580] =	vst v54  }
0x321: {  	s26 =	sadd.s32 $0x30, s4;
	v58 =	vmul.f32 v43, v55;
	v5 =	vand.u32 $0x7FFFF, v57;
	[tilespmem:s25+$0x180] =	vst v8  }
0x322: {  	s28 =	sor.u32 $0x200, s26;
	v61 =	vxor.u32 v11, v49;
	v10 =	vxor.u32 v10, v3;
	[tilespmem:s10+$0x11980] =	vst v5  }
0x323: {  	s7 =	sadd.s32 $0x4, s7;
	v60 =	vmul.f32 v55, v38;
	v6 =	vmul.f32 v35, v33;
	v59 =	vand.u32 $0x7FFFF, v10;
	[tilespmem:s28+$0x1800] =	vst v58  }
0x324: {  	p1 =	slt.u32 s7, $0x3C;
	s29 =	sor.u32 $0x280, s26;
	v62 =	vxor.u32 v42, v61;
	[tilespmem:s10+$0x11D80] =	vst v59  }
.Ltmp6:
0x325: {  	v4 =	vmul.f32 v43, v6;
	v5 =	vand.u32 $0x7FFFF, v62;
	[tilespmem:s29+$0x1800] =	vst v60;
	(pc) =	sbr.rel @p1 .LBB2_16-.Ltmp6, $4  }
0x326: {  	s31 =	sor.u32 $0x300, s26;
	v3 =	vxor.u32 v3, v61;
	[tilespmem:s10+$0x12180] =	vst v5  }
0x327: {  	v63 =	vmul.f32 v38, v6;
	v3 =	vand.u32 $0x7FFFF, v3;
	[tilespmem:s31+$0x1800] =	vst v4  }
0x328: {  	s8 =	sadd.s32 $0x40, s8;
	s0 =	sor.u32 $0x380, s26;
	[tilespmem:s10+$0x12580] =	vst v3  }
0x329: {  	s1 =	sadd.s32 $0x100, s1;
	p0 =	por !p0, !p0;
	s9 =	sadd.s32 $0x200, s9;
	[tilespmem:s0+$0x1800] =	vst v63  }
0x32a: {  	s0 =	simm.s32 $0x10980;
	s1 =	simm.s32 $0x14980  }
0x32b: {  	[tilespmem:s1], [sflag:$0x1] =	stream.indirect.gather [spmem:s15], $0x1, s0, s30, $0xb8;
	[tilespmem:$0x18980] =	vst v63  }
0x32c: {  	s7 =	simm.s32 $0x10D80;
	s8 =	simm.s32 $0x14D80  }
0x32d: {  	[tilespmem:s8], [sflag:$0x1] =	stream.indirect.gather [spmem:s15], $0x1, s7, s30, $0xb8;
	[tilespmem:$0x18980] =	vst v63  }
0x32e: {  	s9 =	simm.s32 $0x11180;
	s10 =	simm.s32 $0x15180  }
0x32f: {  	[tilespmem:s10], [sflag:$0x1] =	stream.indirect.gather [spmem:s15], $0x1, s9, s30, $0xb8;
	[tilespmem:$0x18980] =	vst v63  }
0x330: {  	s12 =	simm.s32 $0x11580;
	s13 =	simm.s32 $0x15580  }
0x331: {  	[tilespmem:s13], [sflag:$0x1] =	stream.indirect.gather [spmem:s15], $0x1, s12, s30, $0xb8;
	[tilespmem:$0x18980] =	vst v63  }
0x332: {  	s14 =	simm.s32 $0x11980;
	s16 =	simm.s32 $0x15980  }
0x333: {  	[tilespmem:s16], [sflag:$0x1] =	stream.indirect.gather [spmem:s15], $0x1, s14, s30, $0xb8;
	[tilespmem:$0x18980] =	vst v63  }
0x334: {  	s17 =	simm.s32 $0x11D80;
	s18 =	simm.s32 $0x15D80  }
0x335: {  	[tilespmem:s18], [sflag:$0x1] =	stream.indirect.gather [spmem:s15], $0x1, s17, s30, $0xb8;
	[tilespmem:$0x18980] =	vst v63  }
0x336: {  	s19 =	simm.s32 $0x12180;
	s20 =	simm.s32 $0x16180  }
0x337: {  	[tilespmem:s20], [sflag:$0x1] =	stream.indirect.gather [spmem:s15], $0x1, s19, s30, $0xb8;
	[tilespmem:$0x18980] =	vst v63  }
0x338: {  	s21 =	simm.s32 $0x12580;
	s22 =	simm.s32 $0x16580;
	s7 =	simm.s32 $0x0  }
0x339: {  	[tilespmem:s22], [sflag:$0x1] =	stream.indirect.gather [spmem:s15], $0x1, s21, s30, $0xb8;
	[tilespmem:$0x18980] =	vst v63  }
0x33a: {  	v3 =	vld [tilespmem:s7+$0x1430]  }
0x33b: {  	v4 =	vld [tilespmem:s7+$0x430]  }
0x33c: {  	v5 =	vld [tilespmem:s7+$0xC30]  }
0x33d: {  	v6 =	vld [tilespmem:s7+$0x400]  }
0x33e: {  	v7 =	vld [tilespmem:s7+$0xC00]  }
0x33f: {  	v8 =	vld [tilespmem:s7+$0x410]  }
0x340: {  	v9 =	vld [tilespmem:s7+$0xC10]  }
0x341: {  	v10 =	vld [tilespmem:s7+$0x420]  }
0x342: {  	v14 =	vld [tilespmem:s7+$0xC20]  }
0x343: {  	v26 =	vld [tilespmem:s7+$0x1400]  }
0x344: {  	v29 =	vld [tilespmem:s7+$0x1410]  }
0x345: {  	v33 =	vld [tilespmem:s7+$0x1420];
	v3 =	vmul.f32 v3, v0;
	v4 =	vmul.f32 v4, v0  }
0x346: {  	v5 =	vmul.f32 v5, v0;
	v11 =	vmul.f32 v6, v0  }
0x347: {  	v15 =	vmul.f32 v7, v0;
	v17 =	vmul.f32 v8, v0  }
0x348: {  	v18 =	vmul.f32 v9, v0;
	v21 =	vmul.f32 v10, v0  }
0x349: {  	v14 =	vmul.f32 v14, v0;
	v26 =	vmul.f32 v26, v0  }
0x34a: {  	v29 =	vmul.f32 v29, v0;
	v33 =	vmul.f32 v33, v0  }
0x34b: {  	v6 =	vtrunc.f32 v3;
	v12 =	vtrunc.f32 v4  }
0x34c: {  	v13 =	vtrunc.f32 v5;
	v24 =	vtrunc.f32 v17  }
0x34d: {  	v31 =	vtrunc.f32 v18;
	v36 =	vtrunc.f32 v21  }
0x34e: {  	v37 =	vtrunc.f32 v14;
	v52 =	vtrunc.f32 v26  }
0x34f: {  	v54 =	vtrunc.f32 v33;
	v12 =	vcvt.f32.s32 v12  }
0x350: {  	v13 =	vcvt.f32.s32 v13;
	v6 =	vcvt.f32.s32 v6  }
0x351: {  	v24 =	vcvt.f32.s32 v24;
	v53 =	vcvt.f32.s32 v37  }
0x352: {  	v37 =	vcvt.f32.s32 v54;
	v7 =	vcvt.s32.f32 v12  }
0x353: {  	v16 =	vcvt.s32.f32 v13;
	v8 =	vcvt.s32.f32 v6  }
0x354: {  	v20 =	vmul.u32 v6, v56;
	v39 =	vcvt.s32.f32 v24;
	v4 =	vsub.f32 v4, v7  }
0x355: {  	v55 =	vcvt.s32.f32 v53;
	v2 =	vsub.f32 v5, v16;
	v23 =	vsub.f32 v3, v8  }
0x356: {  	v5 =	vmul.u32 v13, v1;
	v13 =	vtrunc.f32 v11;
	v16 =	vtrunc.f32 v15  }
0x357: {  	v25 =	vadd.s32 v56, v20;
	v17 =	vsub.f32 v17, v39;
	v14 =	vsub.f32 v14, v55  }
0x358: {  	v13 =	vcvt.f32.s32 v13;
	v38 =	vcvt.f32.s32 v16;
	v3 =	vsub.f32 $1.000000000e+00, v4  }
0x359: {  	v8 =	vsub.f32 $1.000000000e+00, v2;
	v22 =	vsub.f32 $1.000000000e+00, v23;
	v7 =	vxor.u32 v12, v5  }
0x35a: {  	v27 =	vadd.s32 v1, v5;
	v59 =	vsub.f32 $1.000000000e+00, v17;
	v9 =	vxor.u32 v20, v7  }
0x35b: {  	v7 =	vxor.u32 v7, v25;
	v32 =	vxor.u32 v12, v27;
	v12 =	vadd.s32 $0x1, v12  }
0x35c: {  	v6 =	vmul.f32 v8, v3;
	v28 =	vand.u32 $0x7FFFF, v9;
	v34 =	vand.u32 $0x7FFFF, v7  }
0x35d: {  	v3 =	vmul.f32 v2, v3;
	v51 =	vxor.u32 v12, v5;
	v8 =	vmul.f32 v8, v4  }
0x35e: {  	v12 =	vxor.u32 v12, v27;
	v2 =	vmul.f32 v2, v4;
	v27 =	vcvt.f32.s32 v31  }
0x35f: {  	v31 =	vcvt.f32.s32 v36;
	v16 =	vxor.u32 v51, v25;
	v4 =	vxor.u32 v20, v12  }
0x360: {  	v12 =	vxor.u32 v25, v12;
	v30 =	vmul.f32 v22, v6;
	v35 =	vmul.f32 v6, v23  }
0x361: {  	v6 =	vxor.u32 v20, v32;
	v9 =	vmul.f32 v22, v3;
	v5 =	vmul.f32 v23, v3  }
0x362: {  	v3 =	vxor.u32 v20, v51;
	v4 =	vand.u32 $0x7FFFF, v4;
	v10 =	vand.u32 $0x7FFFF, v6  }
0x363: {  	v6 =	vxor.u32 v25, v32;
	[tilespmem:$0x1FFB0] =	vst v4;
	v4 =	vmul.f32 v22, v2;
	v25 =	vtrunc.f32 v29  }
0x364: {  	v40 =	vmul.u32 v27, v1;
	v2 =	vmul.f32 v23, v2;
	v32 =	vcvt.f32.s32 v52  }
0x365: {  	v7 =	vand.u32 $0x7FFFF, v6;
	v6 =	vand.u32 $0x7FFFF, v3;
	v3 =	vmul.f32 v22, v8  }
0x366: {  	v8 =	vmul.f32 v8, v23;
	[tilespmem:$0x1FFC0] =	vst v4;
	v4 =	vand.u32 $0x7FFFF, v12;
	v12 =	vcvt.s32.f32 v13  }
0x367: {  	v23 =	vmul.u32 v38, v1;
	v38 =	vcvt.s32.f32 v38;
	v25 =	vcvt.f32.s32 v25  }
0x368: {  	v11 =	vsub.f32 v11, v12;
	v12 =	vcvt.s32.f32 v27;
	v27 =	vcvt.s32.f32 v31  }
0x369: {  	v45 =	vsub.f32 $1.000000000e+00, v14;
	v42 =	vmul.u32 v32, v56;
	v15 =	vsub.f32 v15, v38  }
0x36a: {  	v12 =	vsub.f32 v18, v12;
	v18 =	vsub.f32 v21, v27;
	v21 =	vcvt.s32.f32 v25  }
0x36b: {  	v41 =	vmul.u32 v25, v56;
	v43 =	vsub.f32 $1.000000000e+00, v15;
	v58 =	vsub.f32 $1.000000000e+00, v11  }
0x36c: {  	v27 =	vcvt.s32.f32 v37;
	v60 =	vsub.f32 $1.000000000e+00, v12;
	v47 =	vsub.f32 v29, v21  }
0x36d: {  	v21 =	vmul.u32 v37, v56;
	v37 =	vmul.f32 v43, v58;
	v43 =	vmul.f32 v43, v11  }
0x36e: {  	v19 =	vmovc v56;
	v25 =	vsub.f32 $1.000000000e+00, v18;
	v51 =	vmul.f32 v12, v59;
	v56 =	vmul.f32 v15, v11  }
0x36f: {  	[tilespmem:$0x1FFD0] =	vst v4;
	v11 =	vadd.s32 v1, v40;
	v4 =	vmul.f32 v14, v18;
	v49 =	vmul.f32 v60, v59  }
0x370: {  	v52 =	vmul.f32 v60, v17;
	v55 =	vmul.f32 v14, v25;
	v14 =	vadd.s32 $0x1, v24  }
0x371: {  	s24 =	simm.s32 $0x430;
	s25 =	simm.s32 $0x2180;
	[tilespmem:$0x1FFF0] =	vst v2;
	v59 =	vxor.u32 v24, v11;
	v60 =	vxor.u32 v14, v11;
	v11 =	vxor.u32 v24, v40  }
0x372: {  	s0 =	sand.u32 $0x70, s24;
	s1 =	sand.u32 $0x3C00, s25;
	[tilespmem:$0x1FFE0] =	vst v11  }
0x373: {  	s3 =	sor.u32 s0, s1;
	[tilespmem:s7+$0x129B0] =	vst v28  }
0x374: {  	[tilespmem:s3+$0x1800] =	vst v30  }
0x375: {  	[tilespmem:s7+$0x12DB0] =	vst v34  }
0x376: {  	[tilespmem:s3+$0x1880] =	vst v35  }
0x377: {  	[tilespmem:s7+$0x131B0] =	vst v10  }
0x378: {  	[tilespmem:s3+$0x1900] =	vst v9  }
0x379: {  	[tilespmem:s7+$0x135B0] =	vst v7  }
0x37a: {  	[tilespmem:s3+$0x1980] =	vst v5  }
0x37b: {  	[tilespmem:s7+$0x139B0] =	vst v6  }
0x37c: {  	v16 =	vand.u32 $0x7FFFF, v16;
	[tilespmem:s3+$0x1A00] =	vst v3  }
0x37d: {  	[tilespmem:s7+$0x13DB0] =	vst v16  }
0x37e: {  	v57 =	vcvt.s32.f32 v32;
	[tilespmem:s3+$0x1A80] =	vst v8  }
0x37f: {  	v3 =	vld [tilespmem:$0x1FFB0]  }
0x380: {  	v46 =	vsub.f32 v26, v57  }
0x381: {  	v44 =	vmul.u32 v53, v1;
	v63 =	vxor.u32 v13, v23;
	v62 =	vadd.s32 v19, v42  }
0x382: {  	v20 =	vmovc v0;
	v0 =	vadd.s32 v19, v41;
	v39 =	vsub.f32 $1.000000000e+00, v46;
	v38 =	vmul.f32 v15, v58  }
0x383: {  	v48 =	vsub.f32 v33, v27;
	v57 =	vmul.f32 v12, v17;
	v15 =	vadd.s32 v1, v44  }
0x384: {  	v12 =	vadd.s32 $0x1, v13;
	v27 =	vxor.u32 v31, v44;
	v61 =	vxor.u32 v31, v15;
	[tilespmem:s7+$0x141B0] =	vst v3  }
0x385: {  	v2 =	vxor.u32 v12, v23;
	v50 =	vsub.f32 $1.000000000e+00, v47;
	v53 =	vsub.f32 $1.000000000e+00, v48;
	v3 =	vld [tilespmem:$0x1FFC0]  }
0x386: {  	v54 =	vmul.f32 v45, v25;
	v25 =	vadd.s32 v1, v23;
	v45 =	vmul.f32 v45, v18  }
0x387: {  	v17 =	vadd.s32 $0x1, v31;
	v29 =	vmul.f32 v39, v37;
	v36 =	vmul.f32 v39, v38  }
0x388: {  	v26 =	vadd.s32 v19, v21;
	v33 =	vmul.f32 v46, v38;
	v31 =	vmul.f32 v39, v43  }
0x389: {  	p0 =	por $0x0, $0x0;
	v39 =	vmul.f32 v39, v56;
	v18 =	vxor.u32 v13, v25;
	v25 =	vxor.u32 v12, v25  }
0x38a: {  	s4 =	simm.s32 $0x410;
	s5 =	simm.s32 $0x2080;
	s6 =	simm.s32 $0x420;
	v23 =	vxor.u32 v17, v44;
	v44 =	vxor.u32 v21, v61;
	v28 =	vmul.f32 v37, v46;
	[tilespmem:s3+$0x1B00] =	vst v3  }
0x38b: {  	s4 =	sand.u32 $0x50, s4;
	s5 =	sand.u32 $0x3C00, s5;
	s0 =	simm.s32 $0x1;
	v37 =	vmul.f32 v46, v56;
	v30 =	vmul.f32 v43, v46;
	v46 =	vxor.u32 v26, v61;
	v61 =	vld [tilespmem:$0x1FFD0]  }
0x38c: {  	s6 =	sand.u32 $0x60, s6;
	s0 =	simm.s32 @!p0 $0x0;
	s10 =	simm.s32 $0x0;
	v22 =	vmovc v1;
	v1 =	vxor.u32 v17, v15;
	v58 =	vxor.u32 v14, v40;
	v13 =	vmul.f32 v47, v51  }
0x38d: {  	s25 =	simm.s32 $0x100;
	s0 =	sshll.u32 s0, $0x6;
	s26 =	sand.u32 $0x3, s10;
	v38 =	vxor.u32 v41, v59;
	v24 =	vxor.u32 v0, v59;
	v15 =	vmul.f32 v49, v47  }
0x38e: {  	s8 =	simm.s32 $0x2100;
	s0 =	sadd.s32 $0x2000, s0;
	s1 =	sshll.u32 s26, $0x5;
	v32 =	vxor.u32 v42, v18;
	v12 =	vmul.f32 v50, v52;
	v11 =	vmul.f32 v52, v47  }
0x38f: {  	s29 =	sor.u32 $0x200, s0;
	s24 =	sor.u32 $0x280, s0;
	s1 =	sadd.s32 $0x2000, s1;
	v40 =	vxor.u32 v41, v60;
	v43 =	vxor.u32 v0, v60;
	v60 =	vmul.f32 v45, v48  }
0x390: {  	s12 =	sand.u32 $0x40, s10;
	s26 =	simm.s32 $0x0;
	s1 =	sadd.s32 $0x120, s1;
	v52 =	vxor.u32 v63, v62;
	v10 =	vmul.f32 v53, v54;
	v7 =	vmul.f32 v53, v55;
	[tilespmem:s7+$0x145B0] =	vst v61  }
0x391: {  	s14 =	sand.u32 $0x3C00, s8;
	s16 =	sand.u32 $0x7, s10;
	s9 =	sor.u32 $0x300, s1;
	v5 =	vmul.f32 v53, v45;
	v8 =	vmul.f32 v53, v4;
	v53 =	vxor.u32 v42, v63;
	v63 =	vld [tilespmem:$0x1FFE0]  }
0x392: {  	s8 =	sor.u32 $0x380, s1;
	s19 =	simm.s32 $0x2000;
	s20 =	simm.s32 $0x0;
	v45 =	vxor.u32 v21, v1;
	v16 =	vmul.f32 v47, v57;
	v47 =	vxor.u32 v26, v1;
	v1 =	vld [tilespmem:$0x1FFF0]  }
0x393: {  	s13 =	sand.u32 $0x3C00, s19;
	s17 =	sor.u32 s19, s10;
	s30 =	sshll.u32 s16, $0x4;
	v17 =	vmul.f32 v50, v49;
	v14 =	vmul.f32 v50, v51;
	v51 =	vxor.u32 v42, v2  }
0x394: {  	s22 =	sor.u32 $0x300, s0;
	s1 =	sor.u32 s12, s13;
	s0 =	sadd.s32 $0x2000, s30;
	v34 =	vxor.u32 v42, v25;
	v25 =	vxor.u32 v62, v25;
	v35 =	vxor.u32 v62, v18  }
0x395: {  	s21 =	sor.u32 s4, s5;
	s31 =	sadd.s32 $0x90, s0;
	s0 =	sadd.s32 $0x1B0, s0;
	v18 =	vmul.f32 v50, v57;
	v50 =	vxor.u32 v2, v62;
	v9 =	vmul.f32 v54, v48  }
0x396: {  	s16 =	sor.u32 s6, s14;
	s28 =	sor.u32 $0x380, s17;
	s0 =	sor.u32 $0x200, s0;
	v6 =	vmul.f32 v48, v55;
	v4 =	vmul.f32 v48, v4;
	v42 =	vxor.u32 v41, v58  }
0x397: {  	s12 =	simm.s32 $0x0;
	s18 =	sor.u32 $0x280, s31;
	s17 =	sor.u32 $0x380, s31;
	v49 =	vxor.u32 v41, v63;
	[tilespmem:s0+$0x1800] =	vst v1;
	v48 =	vxor.u32 v63, v0;
	v41 =	vxor.u32 v58, v0  }
.LBB2_18:
0x398: {  	v54 =	vxor.u32 v21, v27;
	v55 =	vxor.u32 v27, v26  }
0x399: {  	v56 =	vxor.u32 v21, v23;
	v58 =	vand.u32 $0x7FFFF, v32;
	v0 =	vand.u32 $0x7FFFF, v46;
	[tilespmem:$0x1FF80] =	vst v60  }
0x39a: {  	s14 =	sshra.s32 s25, $0x2;
	v32 =	vand.u32 $0x7FFFF, v38;
	v21 =	vand.u32 $0x7FFFF, v24;
	v38 =	vand.u32 $0x7FFFF, v45;
	[tilespmem:$0x1FF70] =	vst v0  }
0x39b: {  	v27 =	vand.u32 $0x7FFFF, v40;
	v40 =	vand.u32 $0x7FFFF, v53;
	v53 =	vand.u32 $0x7FFFF, v47;
	v24 =	vld [tilespmem:s14+$0x400];
	[tilespmem:$0x1FF90] =	vst v38  }
0x39c: {  	v60 =	vxor.u32 v23, v26;
	v26 =	vand.u32 $0x7FFFF, v43;
	v43 =	vld [tilespmem:s14+$0xC00];
	[tilespmem:$0x1FFA0] =	vst v53  }
0x39d: {  	v45 =	vld [tilespmem:s14+$0x410];
	[tilespmem:s7+$0x12980] =	vst v40  }
0x39e: {  	v40 =	vand.u32 $0x7FFFF, v49;
	v49 =	vld [tilespmem:s14+$0xC10];
	[tilespmem:s1+$0x1800] =	vst v29  }
0x39f: {  	v23 =	vand.u32 $0x7FFFF, v44;
	v44 =	vand.u32 $0x7FFFF, v52;
	v29 =	vand.u32 $0x7FFFF, v54;
	v54 =	vld [tilespmem:s14+$0x1410];
	[tilespmem:s7+$0x12990] =	vst v40  }
0x3a0: {  	[tilespmem:s7+$0x12D80] =	vst v44  }
0x3a1: {  	[tilespmem:s21+$0x1800] =	vst v17  }
0x3a2: {  	v38 =	vand.u32 $0x7FFFF, v48;
	[tilespmem:s1+$0x1880] =	vst v28  }
0x3a3: {  	[tilespmem:s7+$0x12D90] =	vst v38  }
0x3a4: {  	v53 =	vld [tilespmem:s14+$0x1400];
	[tilespmem:s7+$0x13180] =	vst v58  }
0x3a5: {  	[tilespmem:s21+$0x1880] =	vst v15  }
0x3a6: {  	v61 =	vld [tilespmem:s14+$0x430];
	[tilespmem:s1+$0x1900] =	vst v36  }
0x3a7: {  	v59 =	vand.u32 $0x7FFFF, v35;
	[tilespmem:s7+$0x13190] =	vst v32  }
0x3a8: {  	v63 =	vand.u32 $0x7FFFF, v25;
	v25 =	vld [tilespmem:s14+$0xC30];
	[tilespmem:s7+$0x13580] =	vst v59  }
0x3a9: {  	[tilespmem:s21+$0x1900] =	vst v14  }
0x3aa: {  	[tilespmem:s1+$0x1980] =	vst v33  }
0x3ab: {  	v46 =	vand.u32 $0x7FFFF, v51;
	v57 =	vld [tilespmem:s14+$0x1430];
	v51 =	vmul.f32 v61, v20;
	[tilespmem:s7+$0x13590] =	vst v21  }
0x3ac: {  	v48 =	vld [tilespmem:s14+$0x420];
	[tilespmem:s7+$0x13980] =	vst v46  }
0x3ad: {  	v44 =	vld [tilespmem:s14+$0xC20];
	v52 =	vmul.f32 v25, v20;
	v25 =	vtrunc.f32 v51;
	[tilespmem:s21+$0x1980] =	vst v13  }
0x3ae: {  	v28 =	vand.u32 $0x7FFFF, v55;
	v55 =	vcvt.f32.s32 v25;
	v25 =	vand.u32 $0x7FFFF, v56;
	v56 =	vld [tilespmem:s14+$0x1420];
	[tilespmem:s7+$0x129A0] =	vst v29  }
0x3af: {  	v35 =	vand.u32 $0x7FFFF, v42;
	[tilespmem:s29+$0x1800] =	vst v31  }
0x3b0: {  	v62 =	vand.u32 $0x7FFFF, v34;
	v47 =	vand.u32 $0x7FFFF, v50;
	v50 =	vmul.f32 v57, v20;
	[tilespmem:s7+$0x13990] =	vst v35  }
0x3b1: {  	v34 =	vand.u32 $0x7FFFF, v41;
	v41 =	vmul.f32 v24, v20;
	v36 =	vmul.f32 v43, v20;
	[tilespmem:s16+$0x1800] =	vst v10  }
0x3b2: {  	v42 =	vmul.f32 v45, v20;
	v43 =	vmul.f32 v48, v20;
	[tilespmem:s7+$0x13D80] =	vst v47  }
0x3b3: {  	v54 =	vmul.f32 v54, v20;
	v24 =	vtrunc.f32 v50;
	[tilespmem:s21+$0x1A00] =	vst v12  }
0x3b4: {  	v0 =	vtrunc.f32 v52;
	v33 =	vmul.f32 v49, v20;
	[tilespmem:s7+$0x12DA0] =	vst v28  }
0x3b5: {  	v1 =	vcvt.f32.s32 v0;
	v2 =	vcvt.f32.s32 v24;
	[tilespmem:s24+$0x1800] =	vst v30  }
0x3b6: {  	v24 =	vand.u32 $0x7FFFF, v60;
	v31 =	vmul.f32 v44, v20;
	v60 =	vcvt.s32.f32 v55;
	[tilespmem:s7+$0x13D90] =	vst v34  }
0x3b7: {  	v61 =	vcvt.s32.f32 v1;
	v0 =	vcvt.s32.f32 v2;
	[tilespmem:s16+$0x1880] =	vst v9  }
0x3b8: {  	v53 =	vmul.f32 v53, v20;
	v48 =	vmul.u32 v1, v22;
	v46 =	vsub.f32 v51, v60;
	[tilespmem:s7+$0x14180] =	vst v62  }
0x3b9: {  	v30 =	vtrunc.f32 v41;
	v49 =	vsub.f32 v52, v61;
	v44 =	vsub.f32 v50, v0;
	[tilespmem:s18+$0x1800] =	vst v11  }
0x3ba: {  	v50 =	vtrunc.f32 v36;
	v51 =	vmul.u32 v2, v19;
	v1 =	vxor.u32 v55, v48;
	[tilespmem:s7+$0x131A0] =	vst v23  }
0x3bb: {  	v61 =	vadd.s32 v22, v48;
	v62 =	vtrunc.f32 v31;
	v30 =	vcvt.f32.s32 v30;
	[tilespmem:s22+$0x1800] =	vst v39  }
0x3bc: {  	v39 =	vtrunc.f32 v42;
	v56 =	vmul.f32 v56, v20;
	[tilespmem:s7+$0x14190] =	vst v27;
	v45 =	vsub.f32 $1.000000000e+00, v46  }
0x3bd: {  	v50 =	vcvt.f32.s32 v50;
	[tilespmem:s16+$0x1900] =	vst v7;
	v47 =	vsub.f32 $1.000000000e+00, v49;
	v52 =	vsub.f32 $1.000000000e+00, v44  }
0x3be: {  	v7 =	vld [tilespmem:$0x1FF70];
	v59 =	vadd.s32 v19, v51;
	v2 =	vxor.u32 v51, v1;
	[tilespmem:s7+$0x14580] =	vst v63;
	v63 =	vtrunc.f32 v33  }
0x3bf: {  	[tilespmem:s21+$0x1B00] =	vst v18;
	v60 =	vand.u32 $0x7FFFF, v2;
	v1 =	vxor.u32 v1, v59;
	v57 =	vmul.f32 v47, v45  }
0x3c0: {  	s26 =	sadd.s32 $0x40, s26;
	s19 =	sadd.s32 $0x200, s19;
	[tilespmem:s28+$0x1800] =	vst v37;
	v2 =	vxor.u32 v55, v61;
	v45 =	vmul.f32 v49, v45;
	v47 =	vmul.f32 v47, v46  }
0x3c1: {  	s10 =	sadd.s32 $0x2, s10;
	s3 =	sadd.s32 $0x430, s26;
	s4 =	sadd.s32 $0x180, s19;
	v55 =	vadd.s32 $0x1, v55;
	[tilespmem:s7+$0x14590] =	vst v26;
	v46 =	vmul.f32 v49, v46;
	v49 =	vcvt.f32.s32 v63  }
0x3c2: {  	s13 =	sand.u32 $0x3, s10;
	s3 =	sand.u32 $0x70, s3;
	s4 =	sand.u32 $0x3C00, s4;
	[tilespmem:s14+$0x129B0] =	vst v60;
	v37 =	vand.u32 $0x7FFFF, v1;
	v63 =	vtrunc.f32 v53;
	v0 =	vmul.f32 v52, v57  }
0x3c3: {  	s1 =	sshll.u32 s13, $0x5;
	s13 =	sor.u32 s3, s4;
	v60 =	vtrunc.f32 v43;
	v48 =	vxor.u32 v55, v48;
	v63 =	vcvt.f32.s32 v63;
	[tilespmem:s7+$0x135A0] =	vst v7  }
0x3c4: {  	v57 =	vmul.f32 v57, v44;
	v1 =	vmul.f32 v52, v45;
	[tilespmem:s13+$0x1800] =	vst v0;
	v0 =	vxor.u32 v51, v2  }
0x3c5: {  	v45 =	vmul.f32 v44, v45;
	[tilespmem:s14+$0x12DB0] =	vst v37;
	v37 =	vand.u32 $0x7FFFF, v0;
	v0 =	vmul.f32 v52, v47  }
0x3c6: {  	v2 =	vxor.u32 v59, v2;
	v47 =	vmul.f32 v47, v44;
	v44 =	vmul.f32 v44, v46;
	[tilespmem:s13+$0x1880] =	vst v57  }
0x3c7: {  	[tilespmem:s14+$0x131B0] =	vst v37;
	v37 =	vand.u32 $0x7FFFF, v2;
	v2 =	vxor.u32 v55, v61;
	v61 =	vmul.f32 v52, v46  }
0x3c8: {  	v58 =	vxor.u32 v51, v48;
	v52 =	vcvt.f32.s32 v62;
	v55 =	vtrunc.f32 v56;
	[tilespmem:s13+$0x1900] =	vst v1  }
0x3c9: {  	v1 =	vxor.u32 v48, v59;
	v48 =	vtrunc.f32 v54;
	[tilespmem:s14+$0x135B0] =	vst v37;
	v37 =	vand.u32 $0x7FFFF, v58  }
0x3ca: {  	p0 =	por !p0, !p0;
	s0 =	simm.s32 $0x1;
	[tilespmem:s16+$0x1980] =	vst v6;
	v57 =	vand.u32 $0x7FFFF, v1;
	v58 =	vxor.u32 v51, v2;
	v1 =	vcvt.s32.f32 v30  }
0x3cb: {  	s0 =	simm.s32 @!p0 $0x0;
	v17 =	vcvt.f32.s32 v48;
	[tilespmem:s13+$0x1980] =	vst v45;
	v45 =	vand.u32 $0x7FFFF, v58;
	v58 =	vcvt.s32.f32 v63  }
0x3cc: {  	s12 =	sadd.s32 $0x4, s12;
	s0 =	sshll.u32 s0, $0x6;
	[tilespmem:s14+$0x139B0] =	vst v37;
	v37 =	vcvt.f32.s32 v39;
	v39 =	vcvt.f32.s32 v60  }
0x3cd: {  	s30 =	sand.u32 $0x40, s26;
	s0 =	sadd.s32 s19, s0;
	s1 =	sadd.s32 s19, s1;
	v15 =	vcvt.s32.f32 v17;
	[tilespmem:s13+$0x1A00] =	vst v0;
	v0 =	vxor.u32 v59, v2;
	v2 =	vcvt.s32.f32 v50  }
0x3ce: {  	s31 =	sand.u32 $0x3C00, s19;
	s1 =	sadd.s32 $0x120, s1;
	s29 =	sor.u32 $0x200, s0;
	[tilespmem:s14+$0x13DB0] =	vst v57;
	v60 =	vcvt.s32.f32 v37;
	v57 =	vmul.u32 v49, v22;
	v62 =	vcvt.s32.f32 v39  }
0x3cf: {  	s4 =	sor.u32 $0x300, s1;
	s3 =	sor.u32 $0x380, s1;
	s24 =	sadd.s32 $0x100, s19;
	v18 =	vadd.s32 $0x1, v37;
	[tilespmem:s13+$0x1A80] =	vst v47;
	v47 =	vmul.u32 v50, v22;
	v36 =	vsub.f32 v36, v2  }
0x3d0: {  	s1 =	sor.u32 s30, s31;
	s30 =	sand.u32 $0x7, s12;
	s2 =	sand.u32 $0x3C00, s24;
	v2 =	vcvt.f32.s32 v55;
	v50 =	vmul.u32 v52, v22;
	[tilespmem:s14+$0x141B0] =	vst v45;
	v45 =	vand.u32 $0x7FFFF, v0  }
0x3d1: {  	s24 =	sor.u32 $0x280, s0;
	s22 =	sor.u32 $0x300, s0;
	s0 =	sshll.u32 s30, $0x4;
	[tilespmem:s7+$0x139A0] =	vst v25;
	v0 =	vcvt.s32.f32 v52;
	v43 =	vsub.f32 v43, v62;
	v52 =	vsub.f32 v53, v58  }
0x3d2: {  	s0 =	sadd.s32 s19, s0;
	v53 =	vsub.f32 v54, v15;
	v3 =	vxor.u32 v37, v57;
	[tilespmem:s13+$0x1B00] =	vst v61;
	v61 =	vcvt.s32.f32 v49  }
0x3d3: {  	s31 =	sadd.s32 $0x90, s0;
	s0 =	sadd.s32 $0x1B0, s0;
	[tilespmem:s16+$0x1A00] =	vst v5;
	v59 =	vcvt.s32.f32 v2;
	v21 =	vmul.u32 v2, v19;
	v11 =	vadd.s32 v22, v47  }
0x3d4: {  	s30 =	sor.u32 $0x380, s31;
	v5 =	vld [tilespmem:$0x1FF80];
	s13 =	sor.u32 $0x280, s31;
	s31 =	sor.u32 $0x200, s0;
	v26 =	vadd.s32 v22, v50;
	[tilespmem:s14+$0x145B0] =	vst v45;
	v31 =	vsub.f32 v31, v0;
	v45 =	vsub.f32 $1.000000000e+00, v52  }
0x3d5: {  	v27 =	vxor.u32 v39, v50;
	v46 =	vsub.f32 $1.000000000e+00, v53;
	[tilespmem:s31+$0x1800] =	vst v44;
	v44 =	vsub.f32 v41, v1  }
0x3d6: {  	[tilespmem:s17+$0x1800] =	vst v16;
	v16 =	vxor.u32 v30, v11;
	v1 =	vsub.f32 v42, v60;
	v33 =	vsub.f32 v33, v61  }
0x3d7: {  	v61 =	vsub.f32 $1.000000000e+00, v36;
	v42 =	vmul.u32 v17, v19;
	v17 =	vsub.f32 $1.000000000e+00, v43  }
0x3d8: {  	[tilespmem:s7+$0x13DA0] =	vst v24;
	v41 =	vmul.u32 v63, v19;
	v49 =	vsub.f32 v56, v59;
	v63 =	vsub.f32 $1.000000000e+00, v31  }
0x3d9: {  	[tilespmem:s16+$0x1A80] =	vst v5;
	v5 =	vld [tilespmem:$0x1FF90];
	v59 =	vmul.f32 v31, v43;
	v60 =	vsub.f32 $1.000000000e+00, v44;
	v14 =	vsub.f32 $1.000000000e+00, v1  }
0x3da: {  	v62 =	vsub.f32 $1.000000000e+00, v33;
	v12 =	vmul.f32 v61, v44;
	v58 =	vmul.f32 v31, v17  }
0x3db: {  	v55 =	vsub.f32 $1.000000000e+00, v49;
	v44 =	vmul.f32 v36, v44;
	v48 =	vmul.f32 v33, v1  }
0x3dc: {  	v31 =	vadd.s32 $0x1, v39;
	v0 =	vadd.s32 v19, v42;
	v32 =	vxor.u32 v41, v16  }
0x3dd: {  	v56 =	vmul.f32 v63, v17;
	v51 =	vmul.f32 v63, v43;
	v17 =	vadd.s32 $0x1, v30  }
0x3de: {  	[tilespmem:s7+$0x141A0] =	vst v5;
	v63 =	vxor.u32 v30, v47;
	v13 =	vmul.f32 v61, v60;
	v15 =	vmul.f32 v36, v60  }
0x3df: {  	[tilespmem:s9+$0x1800] =	vst v8;
	v8 =	vld [tilespmem:$0x1FFA0];
	v23 =	vxor.u32 v31, v50;
	v38 =	vmul.f32 v62, v14;
	v54 =	vmul.f32 v33, v14  }
0x3e0: {  	v40 =	vmul.f32 v62, v1;
	v14 =	vadd.s32 v22, v57;
	v11 =	vxor.u32 v17, v11  }
0x3e1: {  	v61 =	vxor.u32 v39, v26;
	v62 =	vadd.s32 v19, v41;
	v1 =	vxor.u32 v31, v26  }
0x3e2: {  	v2 =	vxor.u32 v17, v47;
	v31 =	vmul.f32 v45, v12;
	v30 =	vmul.f32 v12, v52  }
0x3e3: {  	v57 =	vxor.u32 v18, v57;
	v7 =	vmul.f32 v55, v58;
	v6 =	vmul.f32 v49, v58  }
0x3e4: {  	[tilespmem:s7+$0x145A0] =	vst v8;
	v26 =	vadd.s32 v19, v21;
	v39 =	vmul.f32 v45, v44;
	v8 =	vmul.f32 v55, v59  }
0x3e5: {  	[tilespmem:s8+$0x1800] =	vst v4;
	v4 =	vmul.f32 v49, v59;
	v43 =	vxor.u32 v37, v14;
	v60 =	vxor.u32 v18, v14  }
0x3e6: {  	v35 =	vxor.u32 v62, v16;
	v10 =	vmul.f32 v55, v56;
	v9 =	vmul.f32 v56, v49  }
0x3e7: {  	v34 =	vxor.u32 v41, v11;
	v5 =	vmul.f32 v55, v51;
	v37 =	vmul.f32 v52, v44  }
0x3e8: {  	v25 =	vxor.u32 v62, v11;
	v18 =	vmul.f32 v46, v48;
	v16 =	vmul.f32 v53, v48  }
0x3e9: {  	v44 =	vxor.u32 v21, v61;
	v29 =	vmul.f32 v45, v13;
	v28 =	vmul.f32 v13, v52  }
0x3ea: {  	s20 =	sadd.s32 $0x4, s20;
	v47 =	vxor.u32 v26, v1;
	v36 =	vmul.f32 v45, v15;
	v33 =	vmul.f32 v52, v15  }
0x3eb: {  	s25 =	sadd.s32 $0x100, s25;
	p1 =	slt.u32 s20, $0x3C;
	v50 =	vxor.u32 v2, v62;
	v17 =	vmul.f32 v46, v38;
	v15 =	vmul.f32 v38, v53  }
0x3ec: {  	s5 =	sadd.s32 $0x410, s26;
	s6 =	sadd.s32 $0x80, s19;
	s15 =	sadd.s32 $0x420, s26;
	v48 =	vxor.u32 v3, v0;
	v14 =	vmul.f32 v46, v54;
	v13 =	vmul.f32 v53, v54  }
.Ltmp7:
0x3ed: {  	s5 =	sand.u32 $0x50, s5;
	s6 =	sand.u32 $0x3C00, s6;
	v38 =	vxor.u32 v42, v43;
	v12 =	vmul.f32 v46, v40;
	v11 =	vmul.f32 v40, v53;
	(pc) =	sbr.rel @p1 .LBB2_18-.Ltmp7, $4  }
0x3ee: {  	s6 =	sor.u32 s5, s6;
	s28 =	sand.u32 $0x60, s15;
	s15 =	sor.u32 s19, s26;
	v24 =	vxor.u32 v0, v43;
	v40 =	vxor.u32 v42, v60;
	v43 =	vxor.u32 v0, v60  }
0x3ef: {  	s21 =	smov.u32 s6;
	s5 =	sor.u32 s28, s2;
	s28 =	sor.u32 $0x380, s15;
	v60 =	vmul.f32 v51, v49;
	v46 =	vxor.u32 v26, v61;
	v45 =	vxor.u32 v21, v1  }
0x3f0: {  	s17 =	smov.u32 s30;
	s16 =	smov.u32 s5;
	s9 =	smov.u32 s4;
	v53 =	vxor.u32 v41, v63;
	v52 =	vxor.u32 v63, v62;
	v51 =	vxor.u32 v41, v2  }
0x3f1: {  	s18 =	smov.u32 s13;
	s7 =	smov.u32 s14;
	s8 =	smov.u32 s3;
	v49 =	vxor.u32 v42, v3;
	v42 =	vxor.u32 v42, v57;
	v41 =	vxor.u32 v57, v0  }
0x3f2: {  	v0 =	vand.u32 $0x7FFFF, v53  }
0x3f3: {  	[tilespmem:s7+$0x12980] =	vst v0  }
0x3f4: {  	v0 =	vand.u32 $0x7FFFF, v52;
	[tilespmem:s1+$0x1800] =	vst v29  }
0x3f5: {  	[tilespmem:s7+$0x12D80] =	vst v0  }
0x3f6: {  	v0 =	vand.u32 $0x7FFFF, v32;
	[tilespmem:s1+$0x1880] =	vst v28  }
0x3f7: {  	[tilespmem:s7+$0x13180] =	vst v0  }
0x3f8: {  	v0 =	vand.u32 $0x7FFFF, v35;
	[tilespmem:s1+$0x1900] =	vst v36  }
0x3f9: {  	[tilespmem:s7+$0x13580] =	vst v0  }
0x3fa: {  	v0 =	vand.u32 $0x7FFFF, v51;
	[tilespmem:s1+$0x1980] =	vst v33  }
0x3fb: {  	[tilespmem:s7+$0x13980] =	vst v0  }
0x3fc: {  	v0 =	vand.u32 $0x7FFFF, v50;
	[tilespmem:s29+$0x1800] =	vst v31  }
0x3fd: {  	[tilespmem:s7+$0x13D80] =	vst v0  }
0x3fe: {  	v0 =	vand.u32 $0x7FFFF, v34;
	[tilespmem:s24+$0x1800] =	vst v30  }
0x3ff: {  	[tilespmem:s7+$0x14180] =	vst v0  }
0x400: {  	v0 =	vand.u32 $0x7FFFF, v25;
	[tilespmem:s22+$0x1800] =	vst v39  }
0x401: {  	[tilespmem:s7+$0x14580] =	vst v0  }
0x402: {  	v0 =	vand.u32 $0x7FFFF, v49;
	[tilespmem:s28+$0x1800] =	vst v37  }
0x403: {  	[tilespmem:s7+$0x12990] =	vst v0  }
0x404: {  	v0 =	vand.u32 $0x7FFFF, v48;
	[tilespmem:s21+$0x1800] =	vst v17  }
0x405: {  	[tilespmem:s7+$0x12D90] =	vst v0  }
0x406: {  	v0 =	vand.u32 $0x7FFFF, v38;
	[tilespmem:s21+$0x1880] =	vst v15  }
0x407: {  	[tilespmem:s7+$0x13190] =	vst v0  }
0x408: {  	v0 =	vand.u32 $0x7FFFF, v24;
	[tilespmem:s21+$0x1900] =	vst v14  }
0x409: {  	[tilespmem:s7+$0x13590] =	vst v0  }
0x40a: {  	v0 =	vand.u32 $0x7FFFF, v42;
	[tilespmem:s21+$0x1980] =	vst v13  }
0x40b: {  	[tilespmem:s7+$0x13990] =	vst v0  }
0x40c: {  	v0 =	vand.u32 $0x7FFFF, v41;
	[tilespmem:s21+$0x1A00] =	vst v12  }
0x40d: {  	[tilespmem:s7+$0x13D90] =	vst v0  }
0x40e: {  	v0 =	vand.u32 $0x7FFFF, v40;
	[tilespmem:s18+$0x1800] =	vst v11  }
0x40f: {  	[tilespmem:s7+$0x14190] =	vst v0  }
0x410: {  	v0 =	vand.u32 $0x7FFFF, v43;
	[tilespmem:s21+$0x1B00] =	vst v18  }
0x411: {  	v1 =	vxor.u32 v21, v27;
	[tilespmem:s7+$0x14590] =	vst v0  }
0x412: {  	v0 =	vand.u32 $0x7FFFF, v1;
	[tilespmem:s17+$0x1800] =	vst v16  }
0x413: {  	v1 =	vxor.u32 v27, v26;
	[tilespmem:s7+$0x129A0] =	vst v0  }
0x414: {  	v0 =	vand.u32 $0x7FFFF, v1;
	[tilespmem:s16+$0x1800] =	vst v10  }
0x415: {  	[tilespmem:s7+$0x12DA0] =	vst v0  }
0x416: {  	v0 =	vand.u32 $0x7FFFF, v44;
	[tilespmem:s16+$0x1880] =	vst v9  }
0x417: {  	[tilespmem:s7+$0x131A0] =	vst v0  }
0x418: {  	v0 =	vand.u32 $0x7FFFF, v46;
	[tilespmem:s16+$0x1900] =	vst v7  }
0x419: {  	v1 =	vxor.u32 v21, v23;
	[tilespmem:s7+$0x135A0] =	vst v0  }
0x41a: {  	v0 =	vand.u32 $0x7FFFF, v1;
	[tilespmem:s16+$0x1980] =	vst v6  }
0x41b: {  	v1 =	vxor.u32 v23, v26;
	[tilespmem:s7+$0x139A0] =	vst v0  }
0x41c: {  	v0 =	vand.u32 $0x7FFFF, v1;
	[tilespmem:s16+$0x1A00] =	vst v5  }
0x41d: {  	[tilespmem:s7+$0x13DA0] =	vst v0  }
0x41e: {  	v0 =	vand.u32 $0x7FFFF, v45;
	[tilespmem:s16+$0x1A80] =	vst v60  }
0x41f: {  	[tilespmem:s7+$0x141A0] =	vst v0  }
0x420: {  	v0 =	vand.u32 $0x7FFFF, v47;
	[tilespmem:s9+$0x1800] =	vst v8  }
0x421: {  	s0 =	rddreg [dreg:$0x2];
	[tilespmem:s7+$0x145A0] =	vst v0  }
0x422: {  	s30 =	simm.s32 $0x400;
	s6 =	simm.s32 $0x12980;
	s2 =	simm.s32 $0x16980;
	[tilespmem:s8+$0x1800] =	vst v4  }
0x423: {  	[tilespmem:s2], [sflag:$0x2] =	stream.indirect.gather [spmem:s0], $0x1, s6, s30, $0xb8;
	[tilespmem:$0x18980] =	vst v63  }
0x424: {  	s7 =	simm.s32 $0x12D80;
	s8 =	simm.s32 $0x16D80  }
0x425: {  	[tilespmem:s8], [sflag:$0x2] =	stream.indirect.gather [spmem:s0], $0x1, s7, s30, $0xb8;
	[tilespmem:$0x18980] =	vst v63  }
0x426: {  	s10 =	simm.s32 $0x17180;
	s9 =	simm.s32 $0x13180  }
0x427: {  	[tilespmem:s10], [sflag:$0x2] =	stream.indirect.gather [spmem:s0], $0x1, s9, s30, $0xb8;
	[tilespmem:$0x18980] =	vst v63  }
0x428: {  	s12 =	simm.s32 $0x13580;
	s13 =	simm.s32 $0x17580  }
0x429: {  	[tilespmem:s13], [sflag:$0x2] =	stream.indirect.gather [spmem:s0], $0x1, s12, s30, $0xb8;
	[tilespmem:$0x18980] =	vst v63  }
0x42a: {  	s14 =	simm.s32 $0x13980;
	s15 =	simm.s32 $0x17980  }
0x42b: {  	[tilespmem:s15], [sflag:$0x2] =	stream.indirect.gather [spmem:s0], $0x1, s14, s30, $0xb8;
	[tilespmem:$0x18980] =	vst v63  }
0x42c: {  	s17 =	simm.s32 $0x17D80;
	s16 =	simm.s32 $0x13D80  }
0x42d: {  	[tilespmem:s17], [sflag:$0x2] =	stream.indirect.gather [spmem:s0], $0x1, s16, s30, $0xb8;
	[tilespmem:$0x18980] =	vst v63  }
0x42e: {  	s19 =	simm.s32 $0x18180;
	s18 =	simm.s32 $0x14180  }
0x42f: {  	[tilespmem:s19], [sflag:$0x2] =	stream.indirect.gather [spmem:s0], $0x1, s18, s30, $0xb8;
	[tilespmem:$0x18980] =	vst v63  }
0x430: {  	s20 =	simm.s32 $0x14580;
	s21 =	simm.s32 $0x18580  }
0x431: {  	[tilespmem:s21], [sflag:$0x2] =	stream.indirect.gather [spmem:s0], $0x1, s20, s30, $0xb8;
	[tilespmem:$0x18980] =	vst v63  }
0x432: {  	_ =	swait.ge [sflag:s11], $0x400  }
0x433: {  	[sflag:s11] =	ssyncset.done $0x0  }
0x434: {  	[sflag:s11] =	ssyncadd.s32 $0xFFFFFC00  }
0x435: {  	_ =	swait.ge [sflag:s11], $0x400  }
0x436: {  	[sflag:s11] =	ssyncset.done $0x0  }
0x437: {  	[sflag:s11] =	ssyncadd.s32 $0xFFFFFC00  }
0x438: {  	_ =	swait.ge [sflag:s11], $0x400  }
0x439: {  	[sflag:s11] =	ssyncset.done $0x0  }
0x43a: {  	[sflag:s11] =	ssyncadd.s32 $0xFFFFFC00  }
0x43b: {  	_ =	swait.ge [sflag:s11], $0x400  }
0x43c: {  	[sflag:s11] =	ssyncset.done $0x0  }
0x43d: {  	[sflag:s11] =	ssyncadd.s32 $0xFFFFFC00  }
0x43e: {  	_ =	swait.ge [sflag:s11], $0x400  }
0x43f: {  	[sflag:s11] =	ssyncset.done $0x0  }
0x440: {  	[sflag:s11] =	ssyncadd.s32 $0xFFFFFC00  }
0x441: {  	_ =	swait.ge [sflag:s11], $0x400  }
0x442: {  	[sflag:s11] =	ssyncset.done $0x0  }
0x443: {  	[sflag:s11] =	ssyncadd.s32 $0xFFFFFC00  }
0x444: {  	_ =	swait.ge [sflag:s11], $0x400  }
0x445: {  	[sflag:s11] =	ssyncset.done $0x0  }
0x446: {  	[sflag:s11] =	ssyncadd.s32 $0xFFFFFC00  }
0x447: {  	_ =	swait.ge [sflag:s11], $0x400  }
0x448: {  	[sflag:s11] =	ssyncset.done $0x0  }
0x449: {  	s7 =	simm.s32 $0x0;
	[sflag:s11] =	ssyncadd.s32 $0xFFFFFC00  }
0x44a: {  	v0 =	vld [tilespmem:s7+$0x16580]  }
0x44b: {  	v1 =	vld [tilespmem:s7+$0x16180]  }
0x44c: {  	v2 =	vld [tilespmem:s7+$0x15D80]  }
0x44d: {  	v9 =	vld [tilespmem:s7+$0x15980]  }
0x44e: {  	s8 =	simm.s32 $0x0;
	v11 =	vld [tilespmem:s7+$0x15580]  }
0x44f: {  	s4 =	sand.u32 $0x40, s8;
	v13 =	vld [tilespmem:s7+$0x15180]  }
0x450: {  	s5 =	sand.u32 $0x380, s8;
	s24 =	sor.u32 $0x30, s4;
	v17 =	vld [tilespmem:s7+$0x14D80]  }
0x451: {  	s14 =	sor.u32 s5, s24;
	v14 =	vld [tilespmem:s7+$0x14980]  }
0x452: {  	s6 =	sor.u32 $0x20, s4;
	v15 =	vld [tilespmem:s14+$0x14980]  }
0x453: {  	s22 =	sand.u32 $0x1C00, s8;
	s9 =	sor.u32 s5, s6;
	v18 =	vld [tilespmem:s14+$0x15180]  }
0x454: {  	s3 =	sadd.s32 $0x1800, s22;
	v42 =	vld [tilespmem:s9+$0x14D80]  }
0x455: {  	s12 =	sor.u32 s4, s3;
	v44 =	vld [tilespmem:s9+$0x15180]  }
0x456: {  	v45 =	vld [tilespmem:s12+$0x100]  }
0x457: {  	v48 =	vld [tilespmem:s9+$0x15580];
	v3 =	vshll.u32 v0, $0x10;
	v5 =	vshll.u32 v1, $0x10;
	v4 =	vand.u32 $0xFFFF0000, v0  }
0x458: {  	v49 =	vld [tilespmem:s12+$0x180];
	v7 =	vshll.u32 v2, $0x10;
	v8 =	vand.u32 $0xFFFF0000, v2;
	v6 =	vand.u32 $0xFFFF0000, v1  }
0x459: {  	s0 =	sor.u32 s24, s3;
	v52 =	vld [tilespmem:s9+$0x15980];
	v12 =	vshll.u32 v11, $0x10;
	v10 =	vshll.u32 v9, $0x10;
	v9 =	vand.u32 $0xFFFF0000, v9  }
0x45a: {  	v0 =	vld [tilespmem:s0+$0x0];
	v16 =	vshll.u32 v13, $0x10;
	v13 =	vand.u32 $0xFFFF0000, v13;
	v11 =	vand.u32 $0xFFFF0000, v11  }
0x45b: {  	v56 =	vmovc v19;
	v54 =	vmovc v20;
	p0 =	por $0x0, $0x0;
	s1 =	simm.s32 $0x1;
	v1 =	vld [tilespmem:s14+$0x14D80];
	v19 =	vshll.u32 v17, $0x10;
	v20 =	vshll.u32 v15, $0x10;
	v15 =	vand.u32 $0xFFFF0000, v15  }
0x45c: {  	v55 =	vmovc v22;
	s1 =	simm.s32 @!p0 $0x0;
	v2 =	vld [tilespmem:s0+$0x80];
	v22 =	vshll.u32 v14, $0x10;
	v14 =	vand.u32 $0xFFFF0000, v14;
	v43 =	vshll.u32 v42, $0x10  }
0x45d: {  	s1 =	sshll.u32 s1, $0x6;
	v21 =	vld [tilespmem:s0+$0x100];
	v28 =	vand.u32 $0xFFFF0000, v42;
	v30 =	vand.u32 $0xFFFF0000, v44;
	v50 =	vshll.u32 v48, $0x10  }
0x45e: {  	s1 =	sadd.s32 $0x0, s1;
	v24 =	vld [tilespmem:s0+$0x180];
	v51 =	vand.u32 $0xFFFF0000, v48;
	v16 =	vmul.f32 v16, v45;
	v13 =	vmul.f32 v13, v45  }
0x45f: {  	s25 =	sadd.s32 $0x30, s1;
	v57 =	vand.u32 $0xFFFF0000, v52;
	v20 =	vmul.f32 v20, v0;
	v0 =	vmul.f32 v15, v0;
	v15 =	vld [tilespmem:s14+$0x15580]  }
0x460: {  	s26 =	sor.u32 $0x200, s25;
	s31 =	sor.u32 $0x10, s4;
	v25 =	vld [tilespmem:s14+$0x15980];
	v12 =	vmul.f32 v12, v49;
	v23 =	vshll.u32 v1, $0x10;
	v1 =	vand.u32 $0xFFFF0000, v1  }
0x461: {  	s10 =	sor.u32 s5, s31;
	v26 =	vld [tilespmem:s26+$0x1800];
	v1 =	vmul.f32 v1, v2;
	v2 =	vmul.f32 v23, v2;
	v0 =	vadd.f32 $0.0e+00, v0  }
0x462: {  	v27 =	vld [tilespmem:s10+$0x14980];
	v23 =	vshll.u32 v18, $0x10;
	v18 =	vand.u32 $0xFFFF0000, v18;
	v20 =	vadd.f32 $0.0e+00, v20  }
0x463: {  	s28 =	sor.u32 $0x280, s25;
	v18 =	vmul.f32 v18, v21;
	v0 =	vadd.f32 v1, v0;
	v1 =	vmul.f32 v23, v21;
	v21 =	vld [tilespmem:s14+$0x15D80]  }
0x464: {  	v2 =	vadd.f32 v2, v20;
	v23 =	vld [tilespmem:s28+$0x1800];
	v20 =	vshll.u32 v15, $0x10;
	v15 =	vand.u32 $0xFFFF0000, v15  }
0x465: {  	s29 =	sor.u32 $0x300, s25;
	v0 =	vadd.f32 v18, v0;
	v18 =	vmul.f32 v20, v24;
	v15 =	vmul.f32 v15, v24;
	v20 =	vld [tilespmem:s14+$0x16180]  }
0x466: {  	v1 =	vadd.f32 v1, v2;
	v2 =	vshll.u32 v25, $0x10;
	v24 =	vand.u32 $0xFFFF0000, v25;
	v25 =	vld [tilespmem:s29+$0x1800]  }
0x467: {  	s0 =	sor.u32 $0x380, s25;
	v2 =	vmul.f32 v2, v26;
	v0 =	vadd.f32 v15, v0;
	v15 =	vmul.f32 v24, v26;
	v24 =	vld [tilespmem:s14+$0x16580]  }
0x468: {  	v26 =	vld [tilespmem:s0+$0x1800];
	v1 =	vadd.f32 v18, v1;
	v18 =	vshll.u32 v21, $0x10;
	v21 =	vand.u32 $0xFFFF0000, v21  }
0x469: {  	v58 =	vld [tilespmem:s9+$0x15D80];
	v0 =	vadd.f32 v15, v0;
	v15 =	vmul.f32 v18, v23;
	v18 =	vmul.f32 v21, v23  }
0x46a: {  	v21 =	vld [tilespmem:s9+$0x14980];
	v1 =	vadd.f32 v2, v1;
	v2 =	vshll.u32 v20, $0x10;
	v20 =	vand.u32 $0xFFFF0000, v20  }
0x46b: {  	s13 =	sor.u32 s31, s3;
	v23 =	vld [tilespmem:s12+$0x0];
	v0 =	vadd.f32 v18, v0;
	v2 =	vmul.f32 v2, v25;
	v18 =	vmul.f32 v20, v25  }
0x46c: {  	s3 =	sor.u32 s6, s3;
	v20 =	vld [tilespmem:s13+$0x0];
	v1 =	vadd.f32 v15, v1;
	v15 =	vshll.u32 v24, $0x10;
	v24 =	vand.u32 $0xFFFF0000, v24  }
0x46d: {  	v25 =	vld [tilespmem:s3+$0x0];
	v0 =	vadd.f32 v18, v0;
	v18 =	vmul.f32 v15, v26;
	v15 =	vmul.f32 v24, v26  }
0x46e: {  	v24 =	vshll.u32 v27, $0x10;
	v26 =	vand.u32 $0xFFFF0000, v27;
	v27 =	vld [tilespmem:s10+$0x14D80];
	v1 =	vadd.f32 v2, v1  }
0x46f: {  	v2 =	vshll.u32 v21, $0x10;
	v21 =	vand.u32 $0xFFFF0000, v21;
	v15 =	vadd.f32 v15, v0  }
0x470: {  	v0 =	vmul.f32 v22, v23;
	v22 =	vmul.f32 v14, v23;
	v23 =	vld [tilespmem:s12+$0x80];
	v14 =	vadd.f32 v18, v1  }
0x471: {  	v1 =	vand.u32 $0xFFFF0000, v17;
	v17 =	vmul.f32 v24, v20;
	v18 =	vmul.f32 v26, v20;
	v20 =	vld [tilespmem:s13+$0x80]  }
0x472: {  	v60 =	vshll.u32 v58, $0x10;
	v2 =	vmul.f32 v2, v25;
	v21 =	vmul.f32 v21, v25;
	v24 =	vld [tilespmem:s3+$0x80]  }
0x473: {  	v0 =	vadd.f32 $0.0e+00, v0;
	v25 =	vshll.u32 v27, $0x10;
	v26 =	vand.u32 $0xFFFF0000, v27;
	v27 =	vld [tilespmem:s10+$0x15180]  }
0x474: {  	v11 =	vmul.f32 v11, v49;
	v22 =	vadd.f32 $0.0e+00, v22;
	v17 =	vadd.f32 $0.0e+00, v17  }
0x475: {  	v46 =	vld [tilespmem:s3+$0x100];
	v18 =	vadd.f32 $0.0e+00, v18;
	v2 =	vadd.f32 $0.0e+00, v2;
	v19 =	vmul.f32 v19, v23  }
0x476: {  	v47 =	vld [tilespmem:s10+$0x15580];
	v21 =	vadd.f32 $0.0e+00, v21;
	v1 =	vmul.f32 v1, v23;
	v25 =	vmul.f32 v25, v20  }
0x477: {  	v20 =	vmul.f32 v26, v20;
	v26 =	vld [tilespmem:s13+$0x100];
	v0 =	vadd.f32 v19, v0;
	v19 =	vmul.f32 v43, v24  }
0x478: {  	v24 =	vmul.f32 v28, v24;
	v1 =	vadd.f32 v1, v22;
	v23 =	vshll.u32 v27, $0x10  }
0x479: {  	v27 =	vand.u32 $0xFFFF0000, v27;
	v17 =	vadd.f32 v25, v17;
	v18 =	vadd.f32 v20, v18  }
0x47a: {  	s15 =	sadd.s32 $0x10, s1;
	v25 =	vshll.u32 v44, $0x10;
	v20 =	vld [tilespmem:s13+$0x180];
	v2 =	vadd.f32 v19, v2;
	v21 =	vadd.f32 v24, v21  }
0x47b: {  	s17 =	sor.u32 $0x200, s15;
	v0 =	vadd.f32 v16, v0;
	v22 =	vmul.f32 v25, v46;
	v24 =	vshll.u32 v47, $0x10;
	v25 =	vld [tilespmem:s10+$0x15980]  }
0x47c: {  	v53 =	vld [tilespmem:s17+$0x1800];
	v1 =	vadd.f32 v13, v1;
	v19 =	vmul.f32 v23, v26;
	v16 =	vmul.f32 v27, v26  }
0x47d: {  	s16 =	sadd.s32 $0x20, s1;
	s19 =	sor.u32 $0x200, s1;
	v23 =	vld [tilespmem:s3+$0x180];
	v26 =	vmul.f32 v30, v46;
	v2 =	vadd.f32 v22, v2;
	v0 =	vadd.f32 v12, v0  }
0x47e: {  	s18 =	sor.u32 $0x200, s16;
	v13 =	vld [tilespmem:s19+$0x1800];
	v27 =	vand.u32 $0xFFFF0000, v47;
	v1 =	vadd.f32 v11, v1;
	v17 =	vadd.f32 v19, v17  }
0x47f: {  	v16 =	vadd.f32 v16, v18;
	v18 =	vld [tilespmem:s18+$0x1800];
	v19 =	vmul.f32 v24, v20;
	v21 =	vadd.f32 v26, v21  }
0x480: {  	s20 =	sor.u32 $0x280, s15;
	v20 =	vmul.f32 v27, v20;
	v26 =	vld [tilespmem:s10+$0x15D80];
	v27 =	vshll.u32 v52, $0x10;
	v24 =	vshll.u32 v25, $0x10  }
0x481: {  	v59 =	vld [tilespmem:s20+$0x1800];
	v25 =	vand.u32 $0xFFFF0000, v25;
	v17 =	vadd.f32 v19, v17;
	v19 =	vmul.f32 v24, v53  }
0x482: {  	s21 =	sor.u32 $0x280, s16;
	v61 =	vld [tilespmem:s9+$0x16180];
	v16 =	vadd.f32 v20, v16;
	v24 =	vmul.f32 v25, v53;
	v22 =	vmul.f32 v50, v23  }
0x483: {  	v12 =	vmul.f32 v10, v13;
	v20 =	vld [tilespmem:s21+$0x1800];
	v23 =	vmul.f32 v51, v23;
	v19 =	vadd.f32 v19, v17  }
0x484: {  	v25 =	vld [tilespmem:s10+$0x16180];
	v62 =	vadd.f32 v24, v16;
	v24 =	vand.u32 $0xFFFF0000, v58;
	v2 =	vadd.f32 v22, v2  }
0x485: {  	s22 =	sor.u32 $0x280, s1;
	[tilespmem:s14+$0x6000] =	vst v15;
	v15 =	vld [tilespmem:s9+$0x16580];
	v21 =	vadd.f32 v23, v21;
	v11 =	vmul.f32 v27, v18;
	v23 =	vshll.u32 v26, $0x10  }
0x486: {  	s24 =	sor.u32 $0x300, s15;
	v22 =	vld [tilespmem:s22+$0x1800];
	v18 =	vmul.f32 v57, v18;
	v27 =	vmul.f32 v9, v13;
	v26 =	vand.u32 $0xFFFF0000, v26  }
0x487: {  	s25 =	sor.u32 $0x300, s16;
	v17 =	vadd.f32 v12, v0;
	v9 =	vld [tilespmem:s24+$0x1800];
	v63 =	vmul.f32 v23, v59;
	v0 =	vmul.f32 v26, v59  }
0x488: {  	v10 =	vld [tilespmem:s25+$0x1800];
	v26 =	vshll.u32 v61, $0x10;
	v2 =	vadd.f32 v11, v2;
	v13 =	vadd.f32 v18, v21  }
0x489: {  	s26 =	sor.u32 $0x300, s1;
	v12 =	vld [tilespmem:s10+$0x16580];
	v16 =	vadd.f32 v27, v1;
	v1 =	vshll.u32 v25, $0x10;
	v27 =	vmul.f32 v60, v20  }
0x48a: {  	s28 =	sor.u32 $0x380, s15;
	v11 =	vld [tilespmem:s26+$0x1800];
	v20 =	vmul.f32 v24, v20;
	v24 =	vand.u32 $0xFFFF0000, v25;
	v25 =	vand.u32 $0xFFFF0000, v61  }
0x48b: {  	s31 =	sor.u32 $0x380, s16;
	s16 =	simm.s32 $0x0;
	s29 =	sor.u32 s8, s8;
	v18 =	vadd.f32 v63, v19;
	v23 =	vmul.f32 v7, v22;
	v21 =	vmul.f32 v8, v22;
	v8 =	vld [tilespmem:s28+$0x1800]  }
0x48c: {  	s1 =	sor.u32 $0x380, s29;
	s12 =	simm.s32 $0x0;
	[tilespmem:s14+$0x5800] =	vst v14;
	s14 =	simm.s32 $0x100;
	v19 =	vadd.f32 v0, v62;
	v14 =	vadd.f32 v27, v2;
	v22 =	vmul.f32 v1, v9;
	v7 =	vld [tilespmem:s31+$0x1800]  }
.LBB2_20:
0x48d: {  	s3 =	sshra.s32 s14, $0x2;
	v0 =	vadd.f32 v23, v17;
	v1 =	vld [tilespmem:s1+$0x1800];
	v2 =	vmul.f32 v24, v9;
	v9 =	vadd.f32 v20, v13  }
0x48e: {  	v16 =	vadd.f32 v21, v16;
	v17 =	vmul.f32 v26, v10;
	v10 =	vmul.f32 v25, v10;
	v13 =	vld [tilespmem:s3+$0x16580]  }
0x48f: {  	v5 =	vmul.f32 v5, v11;
	v6 =	vmul.f32 v6, v11;
	v11 =	vshll.u32 v12, $0x10;
	v20 =	vld [tilespmem:s3+$0x16180]  }
0x490: {  	v12 =	vand.u32 $0xFFFF0000, v12;
	v23 =	vshll.u32 v15, $0x10;
	v15 =	vand.u32 $0xFFFF0000, v15;
	v21 =	vld [tilespmem:s3+$0x15D80]  }
0x491: {  	v18 =	vadd.f32 v22, v18;
	v2 =	vadd.f32 v2, v19;
	v11 =	vmul.f32 v11, v8;
	v24 =	vld [tilespmem:s3+$0x15980]  }
0x492: {  	s8 =	sadd.s32 $0x200, s8;
	s16 =	sadd.s32 $0x40, s16;
	s12 =	sadd.s32 $0x4, s12;
	v9 =	vadd.f32 v10, v9;
	v8 =	vmul.f32 v12, v8;
	v12 =	vadd.f32 v17, v14;
	v19 =	vld [tilespmem:s3+$0x15580]  }
0x493: {  	p0 =	por !p0, !p0;
	s0 =	sand.u32 $0x40, s16;
	s1 =	sand.u32 $0x1C00, s8;
	v0 =	vadd.f32 v5, v0;
	v6 =	vadd.f32 v6, v16;
	v5 =	vmul.f32 v23, v7;
	v17 =	vld [tilespmem:s3+$0x15180]  }
0x494: {  	s2 =	sand.u32 $0x380, s16;
	p1 =	slt.u32 s12, $0x3C;
	s4 =	sor.u32 $0x30, s0;
	v7 =	vmul.f32 v15, v7;
	v10 =	vmul.f32 v3, v1;
	v11 =	vadd.f32 v11, v18;
	v14 =	vld [tilespmem:s3+$0x14D80]  }
0x495: {  	s1 =	sadd.s32 $0x1800, s1;
	s6 =	sor.u32 $0x10, s0;
	s26 =	sor.u32 s2, s4;
	v1 =	vmul.f32 v4, v1;
	v2 =	vadd.f32 v8, v2;
	v12 =	vadd.f32 v5, v12;
	v18 =	vld [tilespmem:s3+$0x14980]  }
0x496: {  	s15 =	sor.u32 $0x20, s0;
	s13 =	sor.u32 s2, s6;
	s4 =	sor.u32 s4, s1;
	v3 =	vshll.u32 v13, $0x10;
	v0 =	vadd.f32 v10, v0;
	v22 =	vld [tilespmem:s26+$0x14980];
	[tilespmem:s10+$0x5800] =	vst v11;
	v11 =	vadd.f32 v7, v9  }
0x497: {  	s5 =	sor.u32 s0, s1;
	s18 =	sor.u32 s6, s1;
	s0 =	sor.u32 s2, s15;
	v4 =	vand.u32 $0xFFFF0000, v13;
	v5 =	vshll.u32 v20, $0x10;
	v1 =	vadd.f32 v1, v6;
	v23 =	vld [tilespmem:s4+$0x0];
	[tilespmem:s10+$0x6000] =	vst v2  }
0x498: {  	s2 =	sor.u32 s8, s16;
	s20 =	sor.u32 s15, s1;
	v6 =	vand.u32 $0xFFFF0000, v20;
	v8 =	vand.u32 $0xFFFF0000, v21;
	v7 =	vshll.u32 v21, $0x10;
	s10 =	smov.u32 s13;
	v2 =	vld [tilespmem:s26+$0x14D80];
	[tilespmem:s9+$0x5800] =	vst v12  }
0x499: {  	s1 =	sor.u32 $0x380, s2;
	v10 =	vshll.u32 v24, $0x10;
	v9 =	vand.u32 $0xFFFF0000, v24;
	v12 =	vshll.u32 v19, $0x10;
	v20 =	vld [tilespmem:s4+$0x80];
	[tilespmem:s9+$0x6000] =	vst v11;
	s9 =	smov.u32 s0;
	s0 =	simm.s32 $0x1  }
0x49a: {  	v15 =	vshll.u32 v17, $0x10;
	v13 =	vand.u32 $0xFFFF0000, v17;
	v11 =	vand.u32 $0xFFFF0000, v19;
	s0 =	simm.s32 @!p0 $0x0;
	v17 =	vld [tilespmem:s26+$0x15180];
	[tilespmem:s7+$0x5800] =	vst v0  }
0x49b: {  	v16 =	vshll.u32 v14, $0x10;
	s0 =	sshll.u32 s0, $0x6;
	v0 =	vshll.u32 v22, $0x10;
	v19 =	vand.u32 $0xFFFF0000, v22;
	v21 =	vld [tilespmem:s4+$0x100];
	[tilespmem:s7+$0x6000] =	vst v1;
	s7 =	smov.u32 s3  }
0x49c: {  	v1 =	vshll.u32 v18, $0x10;
	s0 =	sadd.s32 s0, s8;
	v0 =	vmul.f32 v0, v23;
	v19 =	vmul.f32 v19, v23;
	v22 =	vld [tilespmem:s26+$0x15580]  }
0x49d: {  	v18 =	vand.u32 $0xFFFF0000, v18;
	s2 =	sadd.s32 $0x10, s0;
	s15 =	sadd.s32 $0x20, s0;
	v23 =	vshll.u32 v2, $0x10;
	v2 =	vand.u32 $0xFFFF0000, v2;
	v24 =	vld [tilespmem:s4+$0x180];
	s29 =	sadd.s32 $0x30, s0  }
0x49e: {  	s28 =	sor.u32 $0x200, s2;
	s6 =	sor.u32 $0x200, s15;
	v0 =	vadd.f32 $0.0e+00, v0;
	v19 =	vadd.f32 $0.0e+00, v19;
	v2 =	vmul.f32 v2, v20;
	s3 =	sor.u32 $0x200, s29;
	v25 =	vld [tilespmem:s26+$0x15980]  }
0x49f: {  	s13 =	sor.u32 $0x200, s0;
	s25 =	sor.u32 $0x280, s2;
	s22 =	sor.u32 $0x280, s15;
	v20 =	vmul.f32 v23, v20;
	v23 =	vshll.u32 v17, $0x10;
	v17 =	vand.u32 $0xFFFF0000, v17;
	v26 =	vld [tilespmem:s3+$0x1800]  }
0x4a0: {  	s24 =	sor.u32 $0x280, s0;
	s19 =	sor.u32 $0x300, s2;
	s4 =	sor.u32 $0x280, s29;
	v2 =	vadd.f32 v2, v19;
	v19 =	vmul.f32 v23, v21;
	v17 =	vmul.f32 v17, v21;
	v21 =	vld [tilespmem:s26+$0x15D80]  }
0x4a1: {  	s17 =	sor.u32 $0x300, s0;
	s21 =	sor.u32 $0x300, s15;
	s3 =	sor.u32 $0x380, s2;
	v0 =	vadd.f32 v20, v0;
	v20 =	vshll.u32 v22, $0x10;
	v22 =	vand.u32 $0xFFFF0000, v22;
	v23 =	vld [tilespmem:s4+$0x1800]  }
0x4a2: {  	s0 =	sor.u32 $0x300, s29;
	s4 =	sor.u32 $0x380, s15;
	v2 =	vadd.f32 v17, v2;
	v17 =	vmul.f32 v20, v24;
	v20 =	vmul.f32 v22, v24;
	v22 =	vld [tilespmem:s26+$0x16180]  }
0x4a3: {  	v0 =	vadd.f32 v19, v0;
	v19 =	vshll.u32 v25, $0x10;
	v24 =	vand.u32 $0xFFFF0000, v25;
	v25 =	vld [tilespmem:s0+$0x1800]  }
0x4a4: {  	s0 =	sor.u32 $0x380, s29;
	v2 =	vadd.f32 v20, v2;
	v19 =	vmul.f32 v19, v26;
	v20 =	vmul.f32 v24, v26;
	v24 =	vld [tilespmem:s26+$0x16580]  }
0x4a5: {  	v0 =	vadd.f32 v17, v0;
	v17 =	vshll.u32 v21, $0x10;
	v21 =	vand.u32 $0xFFFF0000, v21;
	v26 =	vld [tilespmem:s0+$0x1800]  }
0x4a6: {  	v27 =	vld [tilespmem:s10+$0x14980];
	v2 =	vadd.f32 v20, v2;
	v17 =	vmul.f32 v17, v23;
	v20 =	vmul.f32 v21, v23  }
0x4a7: {  	v0 =	vadd.f32 v19, v0;
	v21 =	vld [tilespmem:s9+$0x14980];
	v19 =	vshll.u32 v22, $0x10;
	v22 =	vand.u32 $0xFFFF0000, v22  }
0x4a8: {  	v23 =	vld [tilespmem:s5+$0x0];
	v2 =	vadd.f32 v20, v2;
	v19 =	vmul.f32 v19, v25;
	v20 =	vmul.f32 v22, v25  }
0x4a9: {  	v0 =	vadd.f32 v17, v0;
	v22 =	vld [tilespmem:s18+$0x0];
	v17 =	vshll.u32 v24, $0x10;
	v24 =	vand.u32 $0xFFFF0000, v24  }
0x4aa: {  	v25 =	vld [tilespmem:s20+$0x0];
	v2 =	vadd.f32 v20, v2;
	v17 =	vmul.f32 v17, v26;
	v20 =	vmul.f32 v24, v26  }
0x4ab: {  	v0 =	vadd.f32 v19, v0;
	v24 =	vshll.u32 v27, $0x10;
	v26 =	vand.u32 $0xFFFF0000, v27;
	v27 =	vld [tilespmem:s10+$0x14D80]  }
0x4ac: {  	v19 =	vshll.u32 v21, $0x10;
	v21 =	vand.u32 $0xFFFF0000, v21;
	v28 =	vld [tilespmem:s9+$0x14D80];
	v2 =	vadd.f32 v20, v2  }
0x4ad: {  	v0 =	vadd.f32 v17, v0;
	v1 =	vmul.f32 v1, v23;
	v18 =	vmul.f32 v18, v23;
	v20 =	vld [tilespmem:s5+$0x80]  }
0x4ae: {  	v14 =	vand.u32 $0xFFFF0000, v14;
	v17 =	vmul.f32 v24, v22;
	v22 =	vmul.f32 v26, v22;
	v23 =	vld [tilespmem:s18+$0x80];
	[tilespmem:s26+$0x6000] =	vst v2  }
0x4af: {  	v1 =	vadd.f32 $0.0e+00, v1;
	v2 =	vmul.f32 v19, v25;
	v19 =	vmul.f32 v21, v25;
	v21 =	vld [tilespmem:s20+$0x80];
	[tilespmem:s26+$0x5800] =	vst v0  }
0x4b0: {  	v0 =	vadd.f32 $0.0e+00, v17;
	v17 =	vshll.u32 v27, $0x10;
	v24 =	vand.u32 $0xFFFF0000, v27;
	v25 =	vld [tilespmem:s10+$0x15180]  }
0x4b1: {  	v22 =	vadd.f32 $0.0e+00, v22;
	v26 =	vshll.u32 v28, $0x10;
	v27 =	vand.u32 $0xFFFF0000, v28;
	v28 =	vld [tilespmem:s9+$0x15180]  }
0x4b2: {  	v2 =	vadd.f32 $0.0e+00, v2;
	v19 =	vadd.f32 $0.0e+00, v19;
	v16 =	vmul.f32 v16, v20;
	v29 =	vld [tilespmem:s5+$0x100]  }
0x4b3: {  	v18 =	vadd.f32 $0.0e+00, v18;
	v17 =	vmul.f32 v17, v23;
	v23 =	vmul.f32 v24, v23;
	v24 =	vld [tilespmem:s18+$0x100]  }
0x4b4: {  	v1 =	vadd.f32 v16, v1;
	v16 =	vmul.f32 v26, v21;
	v21 =	vmul.f32 v27, v21;
	v26 =	vld [tilespmem:s20+$0x100]  }
0x4b5: {  	v14 =	vmul.f32 v14, v20;
	v20 =	vshll.u32 v25, $0x10;
	v25 =	vand.u32 $0xFFFF0000, v25;
	v27 =	vld [tilespmem:s10+$0x15580]  }
0x4b6: {  	v0 =	vadd.f32 v17, v0;
	v17 =	vshll.u32 v28, $0x10;
	v28 =	vand.u32 $0xFFFF0000, v28;
	v30 =	vld [tilespmem:s9+$0x15580]  }
0x4b7: {  	v22 =	vadd.f32 v23, v22;
	v2 =	vadd.f32 v16, v2;
	v15 =	vmul.f32 v15, v29;
	v31 =	vld [tilespmem:s5+$0x180]  }
0x4b8: {  	v14 =	vadd.f32 v14, v18;
	v19 =	vadd.f32 v21, v19;
	v16 =	vmul.f32 v20, v24;
	v18 =	vld [tilespmem:s18+$0x180]  }
0x4b9: {  	v1 =	vadd.f32 v15, v1;
	v15 =	vmul.f32 v25, v24;
	v17 =	vmul.f32 v17, v26;
	v20 =	vld [tilespmem:s20+$0x180]  }
0x4ba: {  	v13 =	vmul.f32 v13, v29;
	v24 =	vmul.f32 v28, v26;
	v21 =	vshll.u32 v27, $0x10;
	v23 =	vld [tilespmem:s10+$0x15980]  }
0x4bb: {  	v25 =	vand.u32 $0xFFFF0000, v27;
	v26 =	vshll.u32 v30, $0x10;
	v27 =	vand.u32 $0xFFFF0000, v30;
	v28 =	vld [tilespmem:s9+$0x15980]  }
0x4bc: {  	v0 =	vadd.f32 v16, v0;
	v15 =	vadd.f32 v15, v22;
	v12 =	vmul.f32 v12, v31;
	v16 =	vld [tilespmem:s28+$0x1800]  }
0x4bd: {  	v2 =	vadd.f32 v17, v2;
	v17 =	vadd.f32 v24, v19;
	v21 =	vmul.f32 v21, v18;
	v19 =	vld [tilespmem:s6+$0x1800]  }
0x4be: {  	v13 =	vadd.f32 v13, v14;
	v18 =	vmul.f32 v25, v18;
	v14 =	vld [tilespmem:s13+$0x1800];
	v22 =	vmul.f32 v26, v20  }
0x4bf: {  	v11 =	vmul.f32 v11, v31;
	v20 =	vmul.f32 v27, v20;
	v24 =	vshll.u32 v23, $0x10;
	v25 =	vld [tilespmem:s10+$0x15D80]  }
0x4c0: {  	v23 =	vand.u32 $0xFFFF0000, v23;
	v26 =	vshll.u32 v28, $0x10;
	v27 =	vand.u32 $0xFFFF0000, v28;
	v28 =	vld [tilespmem:s9+$0x15D80]  }
0x4c1: {  	v0 =	vadd.f32 v21, v0;
	v15 =	vadd.f32 v18, v15;
	v18 =	vmul.f32 v24, v16;
	v21 =	vld [tilespmem:s25+$0x1800]  }
0x4c2: {  	v2 =	vadd.f32 v22, v2;
	v17 =	vadd.f32 v20, v17;
	v16 =	vmul.f32 v23, v16;
	v20 =	vld [tilespmem:s22+$0x1800]  }
0x4c3: {  	v1 =	vadd.f32 v12, v1;
	v11 =	vadd.f32 v11, v13;
	v12 =	vmul.f32 v26, v19;
	v22 =	vld [tilespmem:s24+$0x1800]  }
0x4c4: {  	v13 =	vmul.f32 v27, v19;
	v23 =	vmul.f32 v10, v14;
	v10 =	vshll.u32 v25, $0x10;
	v24 =	vld [tilespmem:s10+$0x16180]  }
0x4c5: {  	v14 =	vmul.f32 v9, v14;
	v19 =	vand.u32 $0xFFFF0000, v25;
	v25 =	vshll.u32 v28, $0x10;
	v27 =	vld [tilespmem:s9+$0x16180]  }
0x4c6: {  	v0 =	vadd.f32 v18, v0;
	v29 =	vadd.f32 v16, v15;
	v15 =	vand.u32 $0xFFFF0000, v28;
	v9 =	vld [tilespmem:s19+$0x1800]  }
0x4c7: {  	v2 =	vadd.f32 v12, v2;
	v13 =	vadd.f32 v13, v17;
	v18 =	vmul.f32 v10, v21;
	v10 =	vld [tilespmem:s21+$0x1800]  }
.Ltmp8:
0x4c8: {  	v17 =	vadd.f32 v23, v1;
	v16 =	vadd.f32 v14, v11;
	v1 =	vmul.f32 v19, v21;
	v11 =	vld [tilespmem:s17+$0x1800];
	(pc) =	sbr.rel @p1 .LBB2_20-.Ltmp8, $4  }
0x4c9: {  	v28 =	vmul.f32 v25, v20;
	v20 =	vmul.f32 v15, v20;
	v14 =	vshll.u32 v24, $0x10;
	v12 =	vld [tilespmem:s10+$0x16580]  }
0x4ca: {  	v23 =	vmul.f32 v7, v22;
	v21 =	vmul.f32 v8, v22;
	v24 =	vand.u32 $0xFFFF0000, v24;
	v15 =	vld [tilespmem:s9+$0x16580]  }
0x4cb: {  	v18 =	vadd.f32 v18, v0;
	v26 =	vshll.u32 v27, $0x10;
	v25 =	vand.u32 $0xFFFF0000, v27;
	v8 =	vld [tilespmem:s3+$0x1800]  }
0x4cc: {  	s14 =	sadd.s32 $0x100, s14;
	v19 =	vadd.f32 v1, v29;
	v22 =	vmul.f32 v14, v9;
	v14 =	vadd.f32 v28, v2;
	v7 =	vld [tilespmem:s4+$0x1800]  }
0x4cd: {  	v0 =	vadd.f32 v23, v17  }
0x4ce: {  	v1 =	vmul.f32 v24, v9;
	v2 =	vadd.f32 v20, v13;
	v9 =	vmul.f32 v26, v10  }
0x4cf: {  	v13 =	vadd.f32 v21, v16;
	v10 =	vmul.f32 v25, v10;
	v5 =	vmul.f32 v5, v11  }
0x4d0: {  	v16 =	vld [tilespmem:s1+$0x1800];
	v6 =	vmul.f32 v6, v11;
	v11 =	vshll.u32 v12, $0x10;
	v12 =	vand.u32 $0xFFFF0000, v12  }
0x4d1: {  	v18 =	vadd.f32 v22, v18;
	v17 =	vshll.u32 v15, $0x10;
	v11 =	vmul.f32 v11, v8  }
0x4d2: {  	v15 =	vand.u32 $0xFFFF0000, v15;
	v1 =	vadd.f32 v1, v19;
	v8 =	vmul.f32 v12, v8  }
0x4d3: {  	v9 =	vadd.f32 v9, v14;
	v12 =	vmul.f32 v17, v7;
	v11 =	vadd.f32 v11, v18  }
0x4d4: {  	v2 =	vadd.f32 v10, v2;
	v7 =	vmul.f32 v15, v7;
	v1 =	vadd.f32 v8, v1  }
0x4d5: {  	v0 =	vadd.f32 v5, v0;
	v3 =	vmul.f32 v3, v16;
	v5 =	vadd.f32 v12, v9;
	[tilespmem:s10+$0x5800] =	vst v11  }
0x4d6: {  	v6 =	vadd.f32 v6, v13;
	v4 =	vmul.f32 v4, v16;
	v2 =	vadd.f32 v7, v2;
	[tilespmem:s10+$0x6000] =	vst v1  }
0x4d7: {  	v0 =	vadd.f32 v3, v0;
	[tilespmem:s9+$0x5800] =	vst v5  }
0x4d8: {  	v1 =	vadd.f32 v4, v6;
	[tilespmem:s9+$0x6000] =	vst v2  }
0x4d9: {  	[tilespmem:s7+$0x5800] =	vst v0  }
0x4da: {  	[tilespmem:s7+$0x6000] =	vst v1  }
0x4db: {  	_ =	swait.ge [sflag:s23], $0x400  }
0x4dc: {  	[sflag:s23] =	ssyncset.done $0x0  }
0x4dd: {  	[sflag:s23] =	ssyncadd.s32 $0xFFFFFC00  }
0x4de: {  	_ =	swait.ge [sflag:s23], $0x400  }
0x4df: {  	[sflag:s23] =	ssyncset.done $0x0  }
0x4e0: {  	[sflag:s23] =	ssyncadd.s32 $0xFFFFFC00  }
0x4e1: {  	_ =	swait.ge [sflag:s23], $0x400  }
0x4e2: {  	[sflag:s23] =	ssyncset.done $0x0  }
0x4e3: {  	[sflag:s23] =	ssyncadd.s32 $0xFFFFFC00  }
0x4e4: {  	_ =	swait.ge [sflag:s23], $0x400  }
0x4e5: {  	[sflag:s23] =	ssyncset.done $0x0  }
0x4e6: {  	[sflag:s23] =	ssyncadd.s32 $0xFFFFFC00  }
0x4e7: {  	_ =	swait.ge [sflag:s23], $0x400  }
0x4e8: {  	[sflag:s23] =	ssyncset.done $0x0  }
0x4e9: {  	[sflag:s23] =	ssyncadd.s32 $0xFFFFFC00  }
0x4ea: {  	_ =	swait.ge [sflag:s23], $0x400  }
0x4eb: {  	[sflag:s23] =	ssyncset.done $0x0  }
0x4ec: {  	[sflag:s23] =	ssyncadd.s32 $0xFFFFFC00  }
0x4ed: {  	_ =	swait.ge [sflag:s23], $0x400  }
0x4ee: {  	[sflag:s23] =	ssyncset.done $0x0  }
0x4ef: {  	[sflag:s23] =	ssyncadd.s32 $0xFFFFFC00  }
0x4f0: {  	_ =	swait.ge [sflag:s23], $0x400  }
0x4f1: {  	[sflag:s23] =	ssyncset.done $0x0  }
0x4f2: {  	s7 =	simm.s32 $0x0;
	[sflag:s23] =	ssyncadd.s32 $0xFFFFFC00  }
0x4f3: {  	s0 =	simm.s32 $0x430;
	s24 =	simm.s32 $0x2180;
	v0 =	vld [tilespmem:s7+$0x16980]  }
0x4f4: {  	s0 =	sand.u32 $0x70, s0;
	s1 =	sand.u32 $0x3C00, s24;
	v1 =	vld [tilespmem:s7+$0x16990]  }
0x4f5: {  	s0 =	sor.u32 s0, s1;
	v2 =	vld [tilespmem:s7+$0x169B0]  }
0x4f6: {  	v3 =	vld [tilespmem:s0+$0x1800]  }
0x4f7: {  	v4 =	vld [tilespmem:s7+$0x16DB0]  }
0x4f8: {  	v5 =	vld [tilespmem:s0+$0x1880]  }
0x4f9: {  	v6 =	vld [tilespmem:s7+$0x171B0]  }
0x4fa: {  	v9 =	vld [tilespmem:s0+$0x1900]  }
0x4fb: {  	v11 =	vld [tilespmem:s7+$0x175B0]  }
0x4fc: {  	v12 =	vld [tilespmem:s0+$0x1980];
	v7 =	vshll.u32 v0, $0x10;
	v0 =	vand.u32 $0xFFFF0000, v0;
	v8 =	vand.u32 $0xFFFF0000, v2  }
0x4fd: {  	v13 =	vld [tilespmem:s7+$0x179B0];
	v10 =	vshll.u32 v1, $0x10;
	v2 =	vshll.u32 v2, $0x10;
	v8 =	vmul.f32 v8, v3  }
0x4fe: {  	v14 =	vld [tilespmem:s0+$0x1A00];
	v1 =	vand.u32 $0xFFFF0000, v1;
	v2 =	vmul.f32 v2, v3;
	v3 =	vand.u32 $0xFFFF0000, v4  }
0x4ff: {  	v15 =	vld [tilespmem:s7+$0x169A0];
	v4 =	vshll.u32 v4, $0x10;
	v3 =	vmul.f32 v3, v5;
	v8 =	vadd.f32 $0.0e+00, v8  }
0x500: {  	v17 =	vld [tilespmem:s7+$0x17190];
	v4 =	vmul.f32 v4, v5;
	v5 =	vand.u32 $0xFFFF0000, v6;
	v2 =	vadd.f32 $0.0e+00, v2  }
0x501: {  	v6 =	vshll.u32 v6, $0x10;
	v5 =	vmul.f32 v5, v9;
	v3 =	vadd.f32 v3, v8;
	v8 =	vld [tilespmem:s7+$0x17DB0]  }
0x502: {  	v6 =	vmul.f32 v6, v9;
	v9 =	vld [tilespmem:s0+$0x1A80];
	v2 =	vadd.f32 v4, v2;
	v4 =	vand.u32 $0xFFFF0000, v11  }
0x503: {  	v11 =	vshll.u32 v11, $0x10;
	v4 =	vmul.f32 v4, v12;
	v3 =	vadd.f32 v5, v3;
	v5 =	vld [tilespmem:s7+$0x181B0]  }
0x504: {  	s8 =	simm.s32 $0x2000;
	s25 =	simm.s32 $0x410;
	v11 =	vmul.f32 v11, v12;
	v12 =	vld [tilespmem:s0+$0x1B00];
	v2 =	vadd.f32 v6, v2;
	v6 =	vand.u32 $0xFFFF0000, v13  }
0x505: {  	s2 =	simm.s32 $0x2080;
	s3 =	simm.s32 $0x420;
	s4 =	simm.s32 $0x2100;
	v13 =	vshll.u32 v13, $0x10;
	v3 =	vadd.f32 v4, v3;
	v4 =	vmul.f32 v6, v14;
	v6 =	vld [tilespmem:s7+$0x185B0]  }
0x506: {  	s2 =	sand.u32 $0x3C00, s2;
	s26 =	sand.u32 $0x60, s3;
	s1 =	sand.u32 $0x50, s25;
	v13 =	vmul.f32 v13, v14;
	v2 =	vadd.f32 v11, v2;
	v14 =	vld [tilespmem:s0+$0x1B80];
	v11 =	vand.u32 $0xFFFF0000, v8  }
0x507: {  	s28 =	sand.u32 $0x3C00, s4;
	s1 =	sor.u32 s1, s2;
	s9 =	simm.s32 $0x0;
	v60 =	vld [tilespmem:s7+$0x181A0];
	v8 =	vshll.u32 v8, $0x10;
	v3 =	vadd.f32 v4, v3;
	v4 =	vmul.f32 v11, v9  }
0x508: {  	s31 =	sand.u32 $0x3C00, s8;
	s3 =	sor.u32 s26, s28;
	s29 =	sand.u32 $0x40, s9;
	v8 =	vmul.f32 v8, v9;
	v9 =	vld [tilespmem:s1+$0x1800];
	v2 =	vadd.f32 v13, v2;
	v11 =	vand.u32 $0xFFFF0000, v5  }
0x509: {  	s10 =	sor.u32 s29, s31;
	v13 =	vld [tilespmem:s3+$0x1800];
	v5 =	vshll.u32 v5, $0x10;
	v3 =	vadd.f32 v4, v3;
	v4 =	vmul.f32 v11, v12  }
0x50a: {  	v5 =	vmul.f32 v5, v12;
	v11 =	vld [tilespmem:s10+$0x1800];
	v2 =	vadd.f32 v8, v2;
	v8 =	vshll.u32 v6, $0x10  }
0x50b: {  	v12 =	vld [tilespmem:s7+$0x16D80];
	v6 =	vand.u32 $0xFFFF0000, v6;
	v3 =	vadd.f32 v4, v3;
	v8 =	vmul.f32 v8, v14  }
0x50c: {  	v4 =	vmul.f32 v6, v14;
	v6 =	vld [tilespmem:s7+$0x16D90];
	v14 =	vshll.u32 v15, $0x10;
	v15 =	vand.u32 $0xFFFF0000, v15  }
0x50d: {  	v2 =	vadd.f32 v5, v2;
	v5 =	vmul.f32 v10, v9;
	v1 =	vmul.f32 v1, v9;
	v9 =	vld [tilespmem:s7+$0x16DA0]  }
0x50e: {  	v63 =	vand.u32 $0xFFFF0000, v60;
	v10 =	vld [tilespmem:s1+$0x1880];
	v14 =	vmul.f32 v14, v13;
	v13 =	vmul.f32 v15, v13  }
0x50f: {  	v4 =	vadd.f32 v4, v3;
	v3 =	vadd.f32 v8, v2;
	v8 =	vld [tilespmem:s10+$0x1880];
	v2 =	vmul.f32 v7, v11  }
0x510: {  	v0 =	vmul.f32 v0, v11;
	v7 =	vld [tilespmem:s3+$0x1880];
	v5 =	vadd.f32 $0.0e+00, v5;
	v11 =	vshll.u32 v12, $0x10  }
0x511: {  	v15 =	vld [tilespmem:s7+$0x17180];
	v12 =	vand.u32 $0xFFFF0000, v12;
	v1 =	vadd.f32 $0.0e+00, v1;
	v14 =	vadd.f32 $0.0e+00, v14  }
0x512: {  	v19 =	vld [tilespmem:s7+$0x171A0];
	v13 =	vadd.f32 $0.0e+00, v13;
	v16 =	vshll.u32 v6, $0x10;
	v6 =	vand.u32 $0xFFFF0000, v6  }
0x513: {  	v20 =	vld [tilespmem:s7+$0x17580];
	v2 =	vadd.f32 $0.0e+00, v2;
	v0 =	vadd.f32 $0.0e+00, v0;
	v16 =	vmul.f32 v16, v10  }
0x514: {  	v53 =	vld [tilespmem:s7+$0x17590];
	v18 =	vshll.u32 v9, $0x10;
	v6 =	vmul.f32 v6, v10;
	v11 =	vmul.f32 v11, v8  }
0x515: {  	v9 =	vand.u32 $0xFFFF0000, v9;
	v10 =	vld [tilespmem:s1+$0x1900];
	v8 =	vmul.f32 v12, v8;
	v18 =	vmul.f32 v18, v7  }
0x516: {  	v12 =	vld [tilespmem:s10+$0x1900];
	v5 =	vadd.f32 v16, v5;
	v7 =	vmul.f32 v9, v7;
	v16 =	vshll.u32 v15, $0x10  }
0x517: {  	v9 =	vld [tilespmem:s3+$0x1900];
	v15 =	vand.u32 $0xFFFF0000, v15;
	v1 =	vadd.f32 v6, v1;
	v6 =	vshll.u32 v17, $0x10  }
0x518: {  	v57 =	vld [tilespmem:s7+$0x17990];
	v17 =	vand.u32 $0xFFFF0000, v17;
	v2 =	vadd.f32 v11, v2;
	v0 =	vadd.f32 v8, v0  }
0x519: {  	v11 =	vld [tilespmem:s7+$0x175A0];
	v14 =	vadd.f32 v18, v14;
	v18 =	vshll.u32 v19, $0x10;
	v19 =	vand.u32 $0xFFFF0000, v19  }
0x51a: {  	v7 =	vadd.f32 v7, v13;
	v6 =	vmul.f32 v6, v10;
	v8 =	vmul.f32 v17, v10;
	v10 =	vld [tilespmem:s1+$0x1980]  }
0x51b: {  	v17 =	vshll.u32 v20, $0x10;
	v16 =	vmul.f32 v16, v12;
	v12 =	vmul.f32 v15, v12;
	v15 =	vld [tilespmem:s10+$0x1980]  }
0x51c: {  	v13 =	vmul.f32 v18, v9;
	v5 =	vadd.f32 v6, v5;
	v6 =	vmul.f32 v19, v9;
	v9 =	vld [tilespmem:s3+$0x1980]  }
0x51d: {  	v18 =	vand.u32 $0xFFFF0000, v20;
	v1 =	vadd.f32 v8, v1;
	v8 =	vshll.u32 v53, $0x10  }
0x51e: {  	v19 =	vld [tilespmem:s7+$0x17980];
	v20 =	vand.u32 $0xFFFF0000, v53;
	v2 =	vadd.f32 v16, v2;
	v0 =	vadd.f32 v12, v0  }
0x51f: {  	v12 =	vld [tilespmem:s1+$0x1A00];
	v13 =	vadd.f32 v13, v14;
	v14 =	vshll.u32 v11, $0x10;
	v11 =	vand.u32 $0xFFFF0000, v11  }
0x520: {  	v58 =	vld [tilespmem:s7+$0x17D90];
	v6 =	vadd.f32 v6, v7;
	v8 =	vmul.f32 v8, v10;
	v10 =	vmul.f32 v20, v10  }
0x521: {  	v7 =	vld [tilespmem:s7+$0x179A0];
	v20 =	vand.u32 $0xFFFF0000, v57;
	v16 =	vmul.f32 v17, v15;
	v14 =	vmul.f32 v14, v9  }
0x522: {  	v5 =	vadd.f32 v8, v5;
	v8 =	vmul.f32 v11, v9;
	v9 =	vld [tilespmem:s3+$0x1A00];
	v11 =	vmul.f32 v18, v15  }
0x523: {  	v15 =	vld [tilespmem:s10+$0x1A00];
	v17 =	vshll.u32 v19, $0x10;
	v1 =	vadd.f32 v10, v1;
	v10 =	vshll.u32 v57, $0x10  }
0x524: {  	v18 =	vand.u32 $0xFFFF0000, v19;
	v19 =	vld [tilespmem:s7+$0x17D80];
	v2 =	vadd.f32 v16, v2;
	v10 =	vmul.f32 v10, v12  }
0x525: {  	v6 =	vadd.f32 v8, v6;
	v8 =	vld [tilespmem:s7+$0x17DA0];
	v0 =	vadd.f32 v11, v0;
	v11 =	vmul.f32 v20, v12  }
0x526: {  	v13 =	vadd.f32 v14, v13;
	v14 =	vshll.u32 v7, $0x10;
	v7 =	vand.u32 $0xFFFF0000, v7;
	v12 =	vld [tilespmem:s1+$0x1A80]  }
0x527: {  	v59 =	vld [tilespmem:s7+$0x18190];
	v20 =	vand.u32 $0xFFFF0000, v58;
	v5 =	vadd.f32 v10, v5;
	v1 =	vadd.f32 v11, v1  }
0x528: {  	v11 =	vshll.u32 v58, $0x10;
	v14 =	vmul.f32 v14, v9;
	v7 =	vmul.f32 v7, v9;
	v9 =	vld [tilespmem:s3+$0x1A80]  }
0x529: {  	v16 =	vmul.f32 v17, v15;
	v10 =	vmul.f32 v18, v15;
	v15 =	vld [tilespmem:s10+$0x1A80];
	v17 =	vshll.u32 v19, $0x10  }
0x52a: {  	v18 =	vand.u32 $0xFFFF0000, v19;
	v19 =	vld [tilespmem:s7+$0x18180];
	v14 =	vadd.f32 v14, v13;
	v13 =	vshll.u32 v8, $0x10  }
0x52b: {  	v8 =	vand.u32 $0xFFFF0000, v8;
	v2 =	vadd.f32 v16, v2;
	v11 =	vmul.f32 v11, v12  }
0x52c: {  	v6 =	vadd.f32 v7, v6;
	v0 =	vadd.f32 v10, v0;
	v7 =	vmul.f32 v20, v12;
	v10 =	vld [tilespmem:s1+$0x1B00]  }
0x52d: {  	v61 =	vadd.f32 v11, v5;
	v20 =	vmul.f32 v13, v9;
	v8 =	vmul.f32 v8, v9;
	v9 =	vld [tilespmem:s3+$0x1B00]  }
0x52e: {  	v11 =	vadd.f32 v7, v1;
	v17 =	vmul.f32 v17, v15;
	v18 =	vmul.f32 v18, v15;
	v15 =	vld [tilespmem:s10+$0x1B00]  }
0x52f: {  	v1 =	vshll.u32 v59, $0x10;
	v62 =	vshll.u32 v19, $0x10;
	v16 =	vand.u32 $0xFFFF0000, v19;
	v13 =	vld [tilespmem:s7+$0x18580]  }
0x530: {  	v12 =	vld [tilespmem:s7+$0x18590];
	v19 =	vand.u32 $0xFFFF0000, v59;
	v7 =	vadd.f32 v20, v14;
	v20 =	vshll.u32 v60, $0x10  }
0x531: {  	v5 =	vadd.f32 v17, v2;
	v1 =	vmul.f32 v1, v10;
	v6 =	vadd.f32 v8, v6;
	v14 =	vld [tilespmem:s7+$0x185A0]  }
0x532: {  	[tilespmem:s7+$0x6430] =	vst v4;
	v4 =	vadd.f32 v18, v0;
	v19 =	vmul.f32 v19, v10;
	v10 =	vld [tilespmem:s1+$0x1B80];
	v18 =	vmul.f32 v20, v9  }
0x533: {  	s12 =	simm.s32 $0x100;
	[tilespmem:s7+$0x5C30] =	vst v3;
	s1 =	simm.s32 $0x0;
	v8 =	vadd.f32 v1, v61;
	v3 =	vmul.f32 v62, v15;
	v17 =	vmul.f32 v63, v9;
	v9 =	vld [tilespmem:s3+$0x1B80]  }
.LBB2_22:
0x534: {  	s3 =	sshra.s32 s12, $0x2;
	v0 =	vmul.f32 v16, v15;
	v1 =	vld [tilespmem:s10+$0x1B80];
	v2 =	vshll.u32 v13, $0x10;
	v13 =	vand.u32 $0xFFFF0000, v13;
	s9 =	sadd.s32 $0x40, s9;
	s8 =	sadd.s32 $0x200, s8  }
0x535: {  	s1 =	sadd.s32 $0x4, s1;
	v11 =	vadd.f32 v19, v11;
	v15 =	vld [tilespmem:s3+$0x16980];
	s0 =	sadd.s32 $0x430, s9;
	s2 =	sadd.s32 $0x180, s8;
	v16 =	vshll.u32 v12, $0x10;
	v12 =	vand.u32 $0xFFFF0000, v12  }
0x536: {  	v7 =	vadd.f32 v18, v7;
	p0 =	slt.u32 s1, $0x3C;
	v19 =	vld [tilespmem:s3+$0x16990];
	s0 =	sand.u32 $0x70, s0;
	s2 =	sand.u32 $0x3C00, s2;
	v18 =	vshll.u32 v14, $0x10;
	v14 =	vand.u32 $0xFFFF0000, v14  }
0x537: {  	s5 =	sadd.s32 $0x410, s9;
	s6 =	sadd.s32 $0x80, s8;
	v5 =	vadd.f32 v3, v5;
	v6 =	vadd.f32 v17, v6;
	s4 =	sor.u32 s0, s2;
	v20 =	vld [tilespmem:s3+$0x169B0];
	v16 =	vmul.f32 v16, v10  }
0x538: {  	v3 =	vadd.f32 v0, v4;
	s0 =	sand.u32 $0x50, s5;
	s2 =	sadd.s32 $0x420, s9;
	s5 =	sadd.s32 $0x100, s8;
	v0 =	vmul.f32 v12, v10;
	v17 =	vld [tilespmem:s4+$0x1800];
	v10 =	vmul.f32 v18, v9  }
0x539: {  	s6 =	sand.u32 $0x3C00, s6;
	s2 =	sand.u32 $0x60, s2;
	s5 =	sand.u32 $0x3C00, s5;
	v9 =	vmul.f32 v14, v9;
	v12 =	vld [tilespmem:s3+$0x16DB0];
	v2 =	vmul.f32 v2, v1;
	v8 =	vadd.f32 v16, v8  }
0x53a: {  	s10 =	sand.u32 $0x40, s9;
	s13 =	sand.u32 $0x3C00, s8;
	s14 =	sor.u32 s0, s6;
	v4 =	vmul.f32 v13, v1;
	v14 =	vshll.u32 v15, $0x10;
	v15 =	vand.u32 $0xFFFF0000, v15;
	v16 =	vld [tilespmem:s4+$0x1880]  }
0x53b: {  	s10 =	sor.u32 s10, s13;
	s16 =	sor.u32 s2, s5;
	v0 =	vadd.f32 v0, v11;
	v1 =	vshll.u32 v19, $0x10;
	v13 =	vand.u32 $0xFFFF0000, v19;
	v18 =	vld [tilespmem:s3+$0x171B0];
	[tilespmem:s7+$0x5C10] =	vst v8  }
0x53c: {  	v7 =	vadd.f32 v10, v7;
	v8 =	vshll.u32 v20, $0x10;
	v11 =	vand.u32 $0xFFFF0000, v20;
	v19 =	vld [tilespmem:s4+$0x1900]  }
0x53d: {  	v8 =	vmul.f32 v8, v17;
	v10 =	vmul.f32 v11, v17;
	v11 =	vld [tilespmem:s3+$0x175B0];
	[tilespmem:s7+$0x6410] =	vst v0;
	v0 =	vadd.f32 v9, v6  }
0x53e: {  	v2 =	vadd.f32 v2, v5;
	v6 =	vshll.u32 v12, $0x10;
	v9 =	vand.u32 $0xFFFF0000, v12;
	v12 =	vld [tilespmem:s4+$0x1980];
	[tilespmem:s7+$0x5C20] =	vst v7  }
0x53f: {  	v5 =	vadd.f32 $0.0e+00, v8;
	v7 =	vadd.f32 $0.0e+00, v10;
	v8 =	vmul.f32 v9, v16;
	v9 =	vld [tilespmem:s3+$0x179B0];
	[tilespmem:s7+$0x6420] =	vst v0  }
0x540: {  	v0 =	vmul.f32 v6, v16;
	v6 =	vshll.u32 v18, $0x10;
	v10 =	vand.u32 $0xFFFF0000, v18;
	v16 =	vld [tilespmem:s4+$0x1A00];
	[tilespmem:s7+$0x5C00] =	vst v2  }
0x541: {  	v2 =	vadd.f32 v8, v7;
	v6 =	vmul.f32 v6, v19;
	v7 =	vmul.f32 v10, v19;
	v8 =	vld [tilespmem:s3+$0x17DB0]  }
0x542: {  	v0 =	vadd.f32 v0, v5;
	v5 =	vshll.u32 v11, $0x10;
	v10 =	vand.u32 $0xFFFF0000, v11;
	v11 =	vld [tilespmem:s4+$0x1A80]  }
0x543: {  	v2 =	vadd.f32 v7, v2;
	v5 =	vmul.f32 v5, v12;
	v7 =	vmul.f32 v10, v12;
	v10 =	vld [tilespmem:s3+$0x181B0]  }
0x544: {  	v0 =	vadd.f32 v6, v0;
	v6 =	vshll.u32 v9, $0x10;
	v9 =	vand.u32 $0xFFFF0000, v9;
	v12 =	vld [tilespmem:s4+$0x1B00]  }
0x545: {  	v2 =	vadd.f32 v7, v2;
	v6 =	vmul.f32 v6, v16;
	v7 =	vmul.f32 v9, v16;
	v9 =	vld [tilespmem:s3+$0x185B0]  }
0x546: {  	v0 =	vadd.f32 v5, v0;
	v5 =	vshll.u32 v8, $0x10;
	v8 =	vand.u32 $0xFFFF0000, v8;
	v16 =	vld [tilespmem:s4+$0x1B80]  }
0x547: {  	v17 =	vld [tilespmem:s3+$0x169A0];
	v2 =	vadd.f32 v7, v2;
	v5 =	vmul.f32 v5, v11;
	v7 =	vmul.f32 v8, v11  }
0x548: {  	v0 =	vadd.f32 v6, v0;
	v8 =	vld [tilespmem:s14+$0x1800];
	v6 =	vshll.u32 v10, $0x10;
	v10 =	vand.u32 $0xFFFF0000, v10  }
0x549: {  	v11 =	vld [tilespmem:s16+$0x1800];
	v2 =	vadd.f32 v7, v2;
	v6 =	vmul.f32 v6, v12;
	v7 =	vmul.f32 v10, v12  }
0x54a: {  	v0 =	vadd.f32 v5, v0;
	v10 =	vld [tilespmem:s10+$0x1800];
	v5 =	vshll.u32 v9, $0x10;
	v9 =	vand.u32 $0xFFFF0000, v9  }
0x54b: {  	v12 =	vld [tilespmem:s3+$0x16D80];
	v2 =	vadd.f32 v7, v2;
	v5 =	vmul.f32 v5, v16;
	v7 =	vmul.f32 v9, v16  }
0x54c: {  	v0 =	vadd.f32 v6, v0;
	v9 =	vld [tilespmem:s3+$0x16D90];
	v16 =	vshll.u32 v17, $0x10;
	v17 =	vand.u32 $0xFFFF0000, v17  }
0x54d: {  	v1 =	vmul.f32 v1, v8;
	v6 =	vmul.f32 v13, v8;
	v8 =	vld [tilespmem:s3+$0x16DA0];
	v2 =	vadd.f32 v7, v2  }
0x54e: {  	v0 =	vadd.f32 v5, v0;
	v7 =	vld [tilespmem:s14+$0x1880];
	v13 =	vmul.f32 v16, v11;
	v11 =	vmul.f32 v17, v11  }
0x54f: {  	v5 =	vmul.f32 v14, v10;
	v10 =	vmul.f32 v15, v10;
	v1 =	vadd.f32 $0.0e+00, v1;
	v14 =	vld [tilespmem:s16+$0x1880];
	[tilespmem:s3+$0x6430] =	vst v2  }
0x550: {  	v6 =	vadd.f32 $0.0e+00, v6;
	v2 =	vld [tilespmem:s10+$0x1880];
	v15 =	vshll.u32 v12, $0x10;
	v12 =	vand.u32 $0xFFFF0000, v12;
	[tilespmem:s3+$0x5C30] =	vst v0  }
0x551: {  	v13 =	vadd.f32 $0.0e+00, v13;
	v0 =	vld [tilespmem:s3+$0x17180];
	v16 =	vshll.u32 v9, $0x10;
	v9 =	vand.u32 $0xFFFF0000, v9  }
0x552: {  	v11 =	vadd.f32 $0.0e+00, v11;
	v17 =	vld [tilespmem:s3+$0x17190];
	v18 =	vshll.u32 v8, $0x10;
	v8 =	vand.u32 $0xFFFF0000, v8  }
0x553: {  	v5 =	vadd.f32 $0.0e+00, v5;
	v10 =	vadd.f32 $0.0e+00, v10;
	v16 =	vmul.f32 v16, v7;
	v19 =	vld [tilespmem:s3+$0x171A0]  }
0x554: {  	v3 =	vadd.f32 v4, v3;
	v7 =	vmul.f32 v9, v7;
	v9 =	vld [tilespmem:s14+$0x1900];
	v18 =	vmul.f32 v18, v14  }
0x555: {  	v8 =	vmul.f32 v8, v14;
	v4 =	vmul.f32 v15, v2;
	v1 =	vadd.f32 v16, v1;
	v14 =	vld [tilespmem:s16+$0x1900]  }
0x556: {  	v2 =	vmul.f32 v12, v2;
	v12 =	vld [tilespmem:s10+$0x1900];
	v15 =	vshll.u32 v0, $0x10;
	v0 =	vand.u32 $0xFFFF0000, v0;
	[tilespmem:s7+$0x6400] =	vst v3;
	s7 =	smov.u32 s3  }
0x557: {  	v6 =	vadd.f32 v7, v6;
	v3 =	vld [tilespmem:s7+$0x17580];
	v7 =	vshll.u32 v17, $0x10;
	v16 =	vand.u32 $0xFFFF0000, v17  }
0x558: {  	v13 =	vadd.f32 v18, v13;
	v17 =	vld [tilespmem:s7+$0x17590];
	v18 =	vshll.u32 v19, $0x10;
	v19 =	vand.u32 $0xFFFF0000, v19  }
0x559: {  	v4 =	vadd.f32 v4, v5;
	v5 =	vmul.f32 v7, v9;
	v7 =	vadd.f32 v8, v11;
	v8 =	vld [tilespmem:s7+$0x175A0]  }
0x55a: {  	v2 =	vadd.f32 v2, v10;
	v9 =	vmul.f32 v16, v9;
	v10 =	vld [tilespmem:s14+$0x1980];
	v11 =	vmul.f32 v18, v14  }
0x55b: {  	v15 =	vmul.f32 v15, v12;
	v1 =	vadd.f32 v5, v1;
	v5 =	vmul.f32 v19, v14;
	v14 =	vld [tilespmem:s16+$0x1980]  }
0x55c: {  	v0 =	vmul.f32 v0, v12;
	v12 =	vld [tilespmem:s10+$0x1980];
	v16 =	vshll.u32 v3, $0x10;
	v3 =	vand.u32 $0xFFFF0000, v3  }
0x55d: {  	v6 =	vadd.f32 v9, v6;
	v18 =	vld [tilespmem:s7+$0x17980];
	v9 =	vshll.u32 v17, $0x10;
	v17 =	vand.u32 $0xFFFF0000, v17  }
0x55e: {  	v11 =	vadd.f32 v11, v13;
	v19 =	vld [tilespmem:s7+$0x17990];
	v13 =	vshll.u32 v8, $0x10;
	v8 =	vand.u32 $0xFFFF0000, v8  }
0x55f: {  	v4 =	vadd.f32 v15, v4;
	v5 =	vadd.f32 v5, v7;
	v9 =	vmul.f32 v9, v10;
	v7 =	vld [tilespmem:s7+$0x179A0]  }
0x560: {  	v0 =	vadd.f32 v0, v2;
	v2 =	vmul.f32 v17, v10;
	v10 =	vld [tilespmem:s14+$0x1A00];
	v13 =	vmul.f32 v13, v14  }
0x561: {  	v8 =	vmul.f32 v8, v14;
	v15 =	vmul.f32 v16, v12;
	v1 =	vadd.f32 v9, v1;
	v9 =	vld [tilespmem:s16+$0x1A00]  }
0x562: {  	v3 =	vmul.f32 v3, v12;
	v12 =	vld [tilespmem:s10+$0x1A00];
	v14 =	vshll.u32 v18, $0x10;
	v16 =	vand.u32 $0xFFFF0000, v18  }
0x563: {  	v2 =	vadd.f32 v2, v6;
	v17 =	vld [tilespmem:s7+$0x17D80];
	v6 =	vshll.u32 v19, $0x10;
	v18 =	vand.u32 $0xFFFF0000, v19  }
0x564: {  	v11 =	vadd.f32 v13, v11;
	v19 =	vld [tilespmem:s7+$0x17D90];
	v13 =	vshll.u32 v7, $0x10;
	v7 =	vand.u32 $0xFFFF0000, v7  }
0x565: {  	v5 =	vadd.f32 v8, v5;
	v4 =	vadd.f32 v15, v4;
	v6 =	vmul.f32 v6, v10;
	v8 =	vld [tilespmem:s7+$0x17DA0]  }
0x566: {  	v0 =	vadd.f32 v3, v0;
	v3 =	vmul.f32 v18, v10;
	v10 =	vld [tilespmem:s14+$0x1A80];
	v13 =	vmul.f32 v13, v9  }
0x567: {  	v14 =	vmul.f32 v14, v12;
	v1 =	vadd.f32 v6, v1;
	v6 =	vmul.f32 v7, v9;
	v7 =	vld [tilespmem:s16+$0x1A80]  }
0x568: {  	v9 =	vmul.f32 v16, v12;
	v12 =	vld [tilespmem:s10+$0x1A80];
	v15 =	vshll.u32 v17, $0x10;
	v16 =	vand.u32 $0xFFFF0000, v17  }
0x569: {  	v2 =	vadd.f32 v3, v2;
	v17 =	vld [tilespmem:s7+$0x18180];
	v3 =	vshll.u32 v19, $0x10;
	v18 =	vand.u32 $0xFFFF0000, v19  }
0x56a: {  	v20 =	vadd.f32 v13, v11;
	v19 =	vld [tilespmem:s7+$0x18190];
	v11 =	vshll.u32 v8, $0x10;
	v8 =	vand.u32 $0xFFFF0000, v8  }
0x56b: {  	v4 =	vadd.f32 v14, v4;
	v6 =	vadd.f32 v6, v5;
	v3 =	vmul.f32 v3, v10;
	v5 =	vld [tilespmem:s7+$0x181A0]  }
0x56c: {  	v0 =	vadd.f32 v9, v0;
	v9 =	vmul.f32 v18, v10;
	v10 =	vld [tilespmem:s14+$0x1B00];
	v14 =	vmul.f32 v11, v7  }
0x56d: {  	v18 =	vmul.f32 v15, v12;
	v1 =	vadd.f32 v3, v1;
	v3 =	vmul.f32 v8, v7;
	v21 =	vld [tilespmem:s16+$0x1B00]  }
0x56e: {  	v8 =	vmul.f32 v16, v12;
	v15 =	vld [tilespmem:s10+$0x1B00];
	v22 =	vshll.u32 v17, $0x10;
	v16 =	vand.u32 $0xFFFF0000, v17  }
.Ltmp9:
0x56f: {  	v11 =	vadd.f32 v9, v2;
	v13 =	vld [tilespmem:s7+$0x18580];
	v2 =	vshll.u32 v19, $0x10;
	v9 =	vand.u32 $0xFFFF0000, v19;
	(pc) =	sbr.rel @p0 .LBB2_22-.Ltmp9, $4  }
0x570: {  	v7 =	vadd.f32 v14, v20;
	v12 =	vld [tilespmem:s7+$0x18590];
	v17 =	vshll.u32 v5, $0x10;
	v20 =	vand.u32 $0xFFFF0000, v5  }
0x571: {  	v6 =	vadd.f32 v3, v6;
	v5 =	vadd.f32 v18, v4;
	v2 =	vmul.f32 v2, v10;
	v14 =	vld [tilespmem:s7+$0x185A0]  }
0x572: {  	v4 =	vadd.f32 v8, v0;
	v19 =	vmul.f32 v9, v10;
	v10 =	vld [tilespmem:s14+$0x1B80];
	v18 =	vmul.f32 v17, v21  }
0x573: {  	s12 =	sadd.s32 $0x100, s12;
	v17 =	vmul.f32 v20, v21;
	v3 =	vmul.f32 v22, v15;
	v8 =	vadd.f32 v2, v1;
	v9 =	vld [tilespmem:s16+$0x1B80]  }
0x574: {  	_ =	sdelay $0x1  }
0x575: {  	v0 =	vmul.f32 v16, v15;
	v51 =	vshll.u32 v12, $0x10  }
0x576: {  	v11 =	vadd.f32 v19, v11;
	v53 =	vand.u32 $0xFFFF0000, v12;
	v15 =	vmul.f32 v51, v10  }
0x577: {  	v7 =	vadd.f32 v18, v7;
	v57 =	vshll.u32 v14, $0x10;
	v58 =	vmul.f32 v53, v10  }
0x578: {  	v1 =	vld [tilespmem:s10+$0x1B80];
	v59 =	vand.u32 $0xFFFF0000, v14;
	v60 =	vmul.f32 v57, v9;
	v8 =	vadd.f32 v15, v8  }
0x579: {  	v6 =	vadd.f32 v17, v6;
	v61 =	vmul.f32 v59, v9;
	v10 =	vadd.f32 v58, v11  }
0x57a: {  	v62 =	vadd.f32 v60, v7;
	[tilespmem:s7+$0x5C10] =	vst v8  }
0x57b: {  	v63 =	vadd.f32 v61, v6;
	[tilespmem:s7+$0x6410] =	vst v10  }
0x57c: {  	v2 =	vshll.u32 v13, $0x10;
	[tilespmem:s7+$0x5C20] =	vst v62  }
0x57d: {  	v52 =	vand.u32 $0xFFFF0000, v13;
	v3 =	vadd.f32 v3, v5;
	v2 =	vmul.f32 v2, v1;
	[tilespmem:s7+$0x6420] =	vst v63  }
0x57e: {  	v0 =	vadd.f32 v0, v4;
	v1 =	vmul.f32 v52, v1;
	s0 =	rddreg [dreg:$0x1d]  }
0x57f: {  	v2 =	vadd.f32 v2, v3;
	s1 =	rddreg [dreg:$0x1f]  }
0x580: {  	v0 =	vadd.f32 v1, v0;
	s0 =	sadd.s32 s0, s1  }
0x581: {  	s2 =	rddreg [dreg:$0x1];
	s3 =	simm.s32 $0x0;
	[tilespmem:s7+$0x5C00] =	vst v2;
	s0 =	sshrl.u32 s0, $0x3  }
0x582: {  	s4 =	simm.s32 $0x5800;
	s5 =	simm.s32 $0x3;
	[tilespmem:s7+$0x6400] =	vst v0;
	s28 =	sadd.s32 s2, s0  }
0x583: {  	[hbm4b:s28+s3] =	stream.linear.scatter [tilespmem:s4], [sflag:$0x3], $0x800, $0x38;
	[tilespmem:$0x18980] =	vst v63  }
0x584: {  	_ =	swait.ge [sflag:s5], $0x800  }
0x585: {  	s0 =	sor.u32 $0x20000, s0;
	[sflag:s5] =	ssyncset.done $0x0  }
0x586: {  	s29 =	simm.s32 $0x6000;
	s0 =	sadd.s32 s2, s0;
	[sflag:s5] =	ssyncadd.s32 $0xFFFFF800  }
0x587: {  	[hbm4b:s0+s3] =	stream.linear.scatter [tilespmem:s29], [sflag:$0x3], $0x800, $0x38;
	[tilespmem:$0x18980] =	vst v63  }
0x588: {  	_ =	swait.ge [sflag:s5], $0x800  }
0x589: {  	s31 =	rddreg [dreg:$0x1e]  }
0x58a: {  	s0 =	sadd.s32 $0x1, s31  }
0x58b: {  	p0 =	sne.s32 s0, $0x10  }
.Ltmp10:
0x58c: {  	_ = 	snop;
	(pc) =	sbr.rel @p0 .LBB2_15-.Ltmp10, $4  }
0x58d: {  	_ = 	snop  }
0x58e: {  	[sflag:s5] =	ssyncset.done $0x0  }
0x58f: {  	[sflag:s5] =	ssyncadd.s32 $0xFFFFF800  }
0x590: {  	v1 =	vmov v55;
	v0 =	vmov v54;
	s15 =	rddreg [dreg:$0x2]  }
0x591: {  	s0 =	rddreg [dreg:$0x1c]  }
0x592: {  	s0 =	sadd.s32 $0x1, s0  }
0x593: {  	p0 =	sne.s32 s0, $0x6  }
.Ltmp11:
0x594: {  	_ = 	snop;
	(pc) =	sbr.rel @p0 .LBB2_14-.Ltmp11, $3  }
0x595: {  	_ =	sdelay $0x1  }
0x596: {  	[bflag:$0x0] =	sbarrier.arrive $0xFFFF  }
0x597: {  	s6 =	simm.s32 $0x0  }
0x598: {  	s1 =	rddreg [dreg:$0x1b]  }
0x599: {  	s0 =	rddreg [dreg:$0xe];
	s1 =	sadd.s32 $0x1, s1  }
0x59a: {  	p0 =	sne.s32 s1, s0  }
.Ltmp12:
0x59b: {  	_ = 	snop;
	(pc) =	sbr.rel @p0 .LBB2_1-.Ltmp12, $1  }
0x59c: {  	_ =	sdelay $0x3  }
0x59d: {  	_ =	sfence.sel $0x180000  }
0x59e: {  	[bflag:$0x0] =	sbarrier.arrive $0xFFFF  }
0x59f: {  	_ =	strace $0x9000004A  }
0x5a0: {  	s0 =	stileid.u32;
	[bflag:$0x2] =	sbarrier.arrive $0xFFFF  }
0x5a1: {  	p0 =	sne.s32 s0, $0x0;
	s0 =	rddreg [dreg:$0x3]  }
0x5a2: {  	s0 =	sadd.s32 @!p0 $0x100000, s0  }
0x5a3: {  	[sflag:s0] =	ssyncadd.tile.s32 @!p0 $0x1;
	_ =	shalt  }
.Lfunc_end2:
_tile_overlayer_lowered:
.L_overlay_start_2:
0x5a4: {  	(tag) =	ssettag $0x2  }
0x5a5: {  	s0 =	rddreg [dreg:$0x0];
	s2 =	stileid.u32  }
0x5a6: {  	s1 =	rddreg [dreg:$0x1];
	p0 =	sne.s32 s2, $0x0  }
0x5a7: {  	s3 =	rddreg [dreg:$0x2];
	[bflag:$0x3] =	sbarrier.arrive $0xFFFF;
	s2 =	simm.s32 @!p0 $0x1C03  }
0x5a8: {  	[timem:s3], [sflag:s2] =	dma.local @!p0 [hbm:s0], s1  }
0x5a9: {  	s0 =	simm.s32 @!p0 $0x3  }
0x5aa: {  	_ =	swait.ge @!p0 [sflag:s0], s1  }
0x5ab: {  	s1 =	ssub.s32 @!p0 $0x0, s1;
	[sflag:s0] =	ssyncset.done @!p0 $0x0  }
0x5ac: {  	[sflag:s0] =	ssyncadd.s32 @!p0 s1  }
0x5ad: {  	[bflag:$0x3] =	sbarrier.arrive $0xFFFF  }
0x5ae: {  	_ =	shalt  }

// kernel: sparse-core-data-format-call.cloned.1.call-start
scs
called_computation_lowered:
.L_overlay_start_0:
0x0: {  	s2 =	sld [smem:$0x3FD9]  }
0x1: {  	s3 =	sld [smem:$0x3FFE];
	_ =	sdelay $0x1  }
0x2: {  	s1 =	srdreg.scid  }
0x3: {  	s0 =	sand.u32 $0x1, s1  }
0x4: {  	s15 =	sshll.u32 s0, $0xA;
	s2 =	sadd.s32 s3, s2  }
0x5: {  	s2 =	sadd.s32 s2, s15  }
0x6: {  	[smem:$0x3FC6] =	sst s2  }
0x7: {  	_ = 	snop  }
0x8: {  	s2 =	sld [smem:$0x3FD0];
	_ =	sdelay $0x2  }
0x9: {  	s16 =	simm.s32 $0xA;
	s4 =	simm.s32 $0x10  }
0xa: {  	[smem:s4], [sflag:s16] =	dma.local [hbm:s2], $0x1  }
0xb: {  	_ =	swait.eq [sflag:s16], $0x1  }
0xc: {  	[sflag:s16] =	ssyncset.done $0x0  }
0xd: {  	[sflag:s16] =	ssyncadd.s32 $0xFFFFFFFF  }
0xe: {  	s17 =	sld [smem:$0x11];
	(tm) =	ssettm $0x1  }
0xf: {  	s18 =	sld [smem:$0x3FFB];
	_ =	sdelay $0x3  }
0x10: {  	_ =	strace s18  }
0x11: {  	s3 =	sld [smem:$0x3FFC];
	_ =	sdelay $0x3  }
0x12: {  	_ =	strace s3  }
0x13: {  	s3 =	sld [smem:$0x3FFD];
	_ =	sdelay $0x3  }
0x14: {  	_ =	strace s3  }
0x15: {  	_ =	strace $0x8FFFFFFF  }
0x16: {  	s19 =	sld [smem:$0x3FDB];
	_ =	sdelay $0x1  }
0x17: {  	s20 =	simm.s32 $_scs_section_size  }
0x18: {  	s5 =	simm.s32 $_size__tile_overlayer_lowered;
	s6 =	simm.s32 $_tile_overlayer_lowered  }
0x19: {  	s23 =	simm.s32 $0x1BFF;
	s22 =	sshll.u32 s6, $0x1;
	s3 =	sadd.s32 s20, s19  }
0x1a: {  	s7 =	simm.s32 $0x0;
	s21 =	sshll.u32 s5, $0x1;
	s5 =	sadd.s32 s22, s3  }
0x1b: {  	[timem:s7], [sflag:s23] =	dma.local [hbm:s5], s21  }
0x1c: {  	_ =	swait.ge [sflag:s23], s21  }
0x1d: {  	s4 =	ssub.s32 $0x0, s21;
	[sflag:s23] =	ssyncset.done $0x0  }
0x1e: {  	[sflag:s23] =	ssyncadd.s32 s4;
	_ =	sdelay $0x1  }
0x1f: {  	s24 =	simm.s32 $0x1B8B  }
0x20: {  	_ =	swait.ge [sflag:s24], $0x1  }
0x21: {  	[sflag:s24] =	ssyncset.done $0x0  }
0x22: {  	s26 =	simm.s32 $0x1B8E;
	s25 =	sld [smem:$0x3FFE];
	[sflag:s24] =	ssyncadd.s32 $0xFFFFFFFF  }
0x23: {  	s27 =	simm.s32 $execute0_lowered;
	[smem:$0x3FD2] =	sst s26  }
0x24: {  	s5 =	sshll.u32 s27, $0x1;
	_ =	strace $0x80000046;
	[dreg:$0x1] =	wrdreg $0xFFFFFFFF  }
0x25: {  	s28 =	simm.s32 $_size_execute0_lowered;
	s3 =	sadd.s32 s3, s5;
	[dreg:$0x0] =	wrdreg $0x0  }
0x26: {  	s5 =	sshll.u32 s28, $0x1;
	[dreg:$0x2] =	wrdreg s3  }
0x27: {  	[dreg:$0x3] =	wrdreg s5  }
0x28: {  	[dreg:$0x4] =	wrdreg $0xC0  }
0x29: {  	_ =	task [dreg:s7], $0x5FFFF  }
0x2a: {  	[dreg:$0x1] =	wrdreg $0xFFFFFFFF  }
0x2b: {  	[dreg:$0x0] =	wrdreg $0x60  }
0x2c: {  	[dreg:$0x2] =	wrdreg s17  }
0x2d: {  	[dreg:$0x3] =	wrdreg s25  }
0x2e: {  	[dreg:$0x4] =	wrdreg $0x9  }
0x2f: {  	_ =	task.clear_ibuf [dreg:s7], $0x5FFFF;
	_ =	strace $0x90000046  }
0x30: {  	s29 =	simm.s32 $0x9;
	_ =	strace $0x80000048  }
0x31: {  	_ =	swait.ge [sflag:s29], $0x1  }
0x32: {  	[sflag:s29] =	ssyncadd.s32 $0xFFFFFFFF  }
0x33: {  	_ =	strace $0x90000048  }
0x34: {  	_ =	sfence  }
0x35: {  	s30 =	sld [smem:$0x0];
	_ =	sdelay $0x2  }
0x36: {  	s31 =	sshll.u32 s1, $0xD;
	s1 =	sshrl.u32 s1, $0x2  }
0x37: {  	s3 =	sand.u32 $0x4000, s31;
	s1 =	sadd.s32 s1, s30  }
0x38: {  	s0 =	sor.u32 s3, s0;
	s1 =	sshll.u32 s1, $0x11  }
0x39: {  	s0 =	sor.u32 s1, s0  }
0x3a: {  	s0 =	sadd.s32 $0x8F2B, s0  }
0x3b: {  	[sflag:s0] =	ssyncadd.remote.s32 $0x1  }
0x3c: {  	_ =	sfence.sel $0xFFFF  }
0x3d: {  	[dreg:$0x0] =	wrdreg $0xFFFFFFFF;
	(pc) =	sbr.abs _section_cstart, $3  }
0x3e: {  	[dreg:$0x1] =	wrdreg $0xFFFFFFFF  }
0x3f: {  	_ =	task.clear_ibuf [dreg:s7], $0x2FFFF;
	_ =	strace $0x9FFFFFFF  }
0x40: {  	(tm) =	ssettm $0x7FFFFFFF  }
0x41: {  	_ =	shalt  }
tec
execute0_lowered:
.L_overlay_start_1:
0x0: {  	(tag) =	ssettag $0x1  }
0x1: {  	s0 =	stileid.u32;
	s1 =	srdreg.scid  }
0x2: {  	s7 =	rddreg [dreg:$0x1];
	s31 =	simm.s32 $0x2;
	s15 =	simm.s32 $0x0  }
0x3: {  	s10 =	simm.s32 $0x80000;
	s2 =	sshll.u32 s0, $0x3;
	s1 =	sshll.u32 s1, $0x7  }
0x4: {  	s11 =	simm.s32 $0x0;
	s16 =	simm.s32 $0x0;
	s1 =	sor.u32 s2, s1  }
0x5: {  	s14 =	simm.s32 $0x0;
	s3 =	sand.u32 $0x1, s0;
	s1 =	sand.u32 $0xF0, s1  }
0x6: {  	s7 =	sadd.s32 $0x1E00, s7;
	s5 =	ssub.s32 $0x2, s3;
	s4 =	ssub.s32 $0x1000, s1  }
0x7: {  	s2 =	rddreg [dreg:$0x0];
	s8 =	sshrl.u32 s5, $0x1;
	s6 =	sand.u32 $0xF0, s4  }
0x8: {  	s5 =	sand.u32 $0x1, s5;
	p0 =	sne.s32 s6, $0x0;
	s6 =	simm.s32 $0x1  }
.Ltmp0:
0x9: {  	s9 =	sshrl.u32 s4, $0x8;
	s6 =	simm.s32 @!p0 $0x0;
	(pc) =	sbr.rel .LBB1_1-.Ltmp0, $4  }
0xa: {  	s8 =	sadd.s32 s5, s8;
	s5 =	simm.s32 $0x1;
	s6 =	sadd.s32 s6, s9  }
0xb: {  	s4 =	rddreg [dreg:$0x2];
	_ =	strace $0x80000047;
	s6 =	smul.u32 s8, s6  }
0xc: {  	s13 =	smov.u32 s3;
	s12 =	smov.u32 s1;
	[sflag:s5] =	ssyncpa.u1 $0x0  }
0xd: {  	[sflag:s31] =	ssyncpa.u1 $0x0;
	s9 =	simm.s32 $0x800;
	s8 =	sadd.s32 $0x1, s6  }
.LBB1_7:
0xe: {  	s17 =	sadd.s32 $0x100, s12  }
0xf: {  	s15 =	sadd.s32 $0x2, s13;
	s19 =	smov.u32 s13;
	p1 =	sgt.s32 s17, $0xFFF  }
0x10: {  	s19 =	smov.u32 @p1 s15  }
0x11: {  	s17 =	smov.u32 @p1 s1;
	p1 =	sgt.s32 s19, $0x1  }
0x12: {  	s19 =	smov.u32 @p1 s3;
	p1 =	sne.s32 s14, s8  }
.Ltmp1:
0x13: {  	p0 =	slt.u32 s14, $0x2;
	(pc) =	sbr.rel @!p1 .LBB1_8-.Ltmp1, $4  }
0x14: {  	s18 =	simm.s32 @!p0 $0x2  }
0x15: {  	s16 =	smov.u32 s13;
	s11 =	sadd.s32 $0x4000, s11;
	_ =	swait.ge @!p0 [sflag:s18], $0x4000  }
0x16: {  	s15 =	smov.u32 s12;
	[sflag:s18] =	ssyncset.done @!p0 $0x0;
	s12 =	smov.u32 s17  }
0x17: {  	s14 =	sadd.s32 $0x1, s14;
	[sflag:s18] =	ssyncadd.s32 @!p0 $0xFFFFC000;
	s13 =	smov.u32 s19  }
.LBB1_1:
0x18: {  	p0 =	sge.u32 s14, s6  }
0x19: {  	s31 =	sadd.s32 $0xFFFFFFFF, s14;
	s17 =	sxor.u32 @!p0 $0xFFFFFFFF, s14;
	s18 =	sshll.u32 @!p0 s13, $0x13  }
0x1a: {  	s19 =	sshll.u32 @!p0 s12, $0x7;
	s17 =	sshll.u32 @!p0 s17, $0xE;
	s18 =	sadd.s32 @!p0 s2, s18  }
0x1b: {  	s17 =	sand.u32 @!p0 $0x4000, s17;
	s18 =	sadd.s32 @!p0 s19, s18;
	s19 =	simm.s32 @!p0 $0x0  }
0x1c: {  	[tilespmem:s17], [sflag:$0x1] =	stream.linear.gather @!p0 [hbm4b:s18+s19], $0x4000, $0x38;
	[tilespmem:$0x10000] =	vst v63  }
0x1d: {  	p0 =	sge.u32 s31, s6  }
.Ltmp2:
0x1e: {  	_ = 	snop;
	(pc) =	sbr.rel @p0 .LBB1_7-.Ltmp2, $1  }
0x1f: {  	_ =	sdelay $0x3  }
0x20: {  	s18 =	sand.u32 $0x4000, s11  }
0x21: {  	_ =	swait.ge [sflag:s5], $0x4000;
	s20 =	sshll.u32 s14, $0xE;
	s17 =	sor.u32 $0x8040, s18  }
0x22: {  	s19 =	sor.u32 $0x40, s18;
	[sflag:s5] =	ssyncset.done $0x0;
	s31 =	sand.u32 $0x4000, s20  }
0x23: {  	s20 =	simm.s32 $0x0;
	[sflag:s5] =	ssyncadd.s32 $0xFFFFC000;
	s18 =	sor.u32 $0x8000, s31  }
.LBB1_3:
0x24: {  	v0 =	vmov s19;
	_ =	sdelay $0x3  }
0x25: {  	s22 =	simm.s32 $0x0  }
0x26: {  	v6 =	vld.idx.msk [tilespmem:v0+s22+$0x30 ss:$0x1], $0xffff  }
0x27: {  	v7 =	vld.idx.msk [tilespmem:v0+s22+$0xFFFFFFC0 ss:$0x1], $0xffff  }
0x28: {  	v5 =	vld.idx.msk [tilespmem:v0+s22+$0xFFFFFFD0 ss:$0x1], $0xffff  }
0x29: {  	v4 =	vld.idx.msk [tilespmem:v0+s22+$0xFFFFFFE0 ss:$0x1], $0xffff  }
0x2a: {  	v3 =	vld.idx.msk [tilespmem:v0+s22+$0xFFFFFFF0 ss:$0x1], $0xffff  }
0x2b: {  	v1 =	vld.idx.msk [tilespmem:v0+s22+$0x0 ss:$0x1], $0xffff  }
0x2c: {  	v2 =	vld.idx.msk [tilespmem:v0+s22+$0x10 ss:$0x1], $0xffff;
	[tilespmem:s17+$0x30] =	vst v6  }
0x2d: {  	s21 =	simm.s32 $0x80;
	s23 =	simm.s32 $0x400;
	[tilespmem:s17+$0xFFFFFFC0] =	vst v7;
	v6 =	vld.idx.msk [tilespmem:v0+s22+$0x20 ss:$0x1], $0xffff;
	s22 =	smov.u32 s17  }
.LBB1_4:
0x2e: {  	p0 =	sne.s32 s23, $0xE00;
	v7 =	vld.idx.msk [tilespmem:v0+s21+$0x30 ss:$0x1], $0xffff;
	[tilespmem:s22+$0xFFFFFFD0] =	vst v5  }
0x2f: {  	v8 =	vld.idx.msk [tilespmem:v0+s21+$0xFFFFFFC0 ss:$0x1], $0xffff;
	[tilespmem:s22+$0xFFFFFFE0] =	vst v4  }
0x30: {  	v5 =	vld.idx.msk [tilespmem:v0+s21+$0xFFFFFFD0 ss:$0x1], $0xffff;
	[tilespmem:s22+$0xFFFFFFF0] =	vst v3  }
.Ltmp3:
0x31: {  	v4 =	vld.idx.msk [tilespmem:v0+s21+$0xFFFFFFE0 ss:$0x1], $0xffff;
	[tilespmem:s22+$0x0] =	vst v1;
	(pc) =	sbr.rel @p0 .LBB1_4-.Ltmp3, $4  }
0x32: {  	v3 =	vld.idx.msk [tilespmem:v0+s21+$0xFFFFFFF0 ss:$0x1], $0xffff;
	[tilespmem:s22+$0x10] =	vst v2  }
0x33: {  	v1 =	vld.idx.msk [tilespmem:v0+s21+$0x0 ss:$0x1], $0xffff;
	[tilespmem:s22+$0x20] =	vst v6;
	s22 =	sadd.s32 $0x800, s22  }
0x34: {  	v2 =	vld.idx.msk [tilespmem:v0+s21+$0x10 ss:$0x1], $0xffff;
	[tilespmem:s22+$0x30] =	vst v7  }
0x35: {  	[tilespmem:s22+$0xFFFFFFC0] =	vst v8;
	v6 =	vld.idx.msk [tilespmem:v0+s21+$0x20 ss:$0x1], $0xffff;
	s21 =	sshra.s32 s23, $0x2;
	s23 =	sadd.s32 $0x200, s23  }
0x36: {  	_ =	sdelay $0x2  }
0x37: {  	[tilespmem:s22+$0xFFFFFFD0] =	vst v5  }
0x38: {  	v56 =	vld.idx.msk [tilespmem:v0+s21+$0x30 ss:$0x1], $0xffff;
	[tilespmem:s22+$0xFFFFFFE0] =	vst v4  }
0x39: {  	v57 =	vld.idx.msk [tilespmem:v0+s21+$0xFFFFFFC0 ss:$0x1], $0xffff;
	[tilespmem:s22+$0xFFFFFFF0] =	vst v3  }
0x3a: {  	v58 =	vld.idx.msk [tilespmem:v0+s21+$0xFFFFFFD0 ss:$0x1], $0xffff;
	[tilespmem:s22+$0x0] =	vst v1  }
0x3b: {  	v59 =	vld.idx.msk [tilespmem:v0+s21+$0xFFFFFFE0 ss:$0x1], $0xffff;
	[tilespmem:s22+$0x10] =	vst v2  }
0x3c: {  	v60 =	vld.idx.msk [tilespmem:v0+s21+$0xFFFFFFF0 ss:$0x1], $0xffff;
	s31 =	sadd.s32 $0x800, s22;
	[tilespmem:s22+$0x20] =	vst v6  }
0x3d: {  	v61 =	vld.idx.msk [tilespmem:v0+s21+$0x0 ss:$0x1], $0xffff;
	[tilespmem:s31+$0x30] =	vst v56  }
0x3e: {  	v62 =	vld.idx.msk [tilespmem:v0+s21+$0x10 ss:$0x1], $0xffff;
	s20 =	sadd.s32 $0x1, s20;
	[tilespmem:s31+$0xFFFFFFC0] =	vst v57  }
0x3f: {  	v63 =	vld.idx.msk [tilespmem:v0+s21+$0x20 ss:$0x1], $0xffff;
	p0 =	sne.s32 s20, $0x10;
	[tilespmem:s31+$0xFFFFFFD0] =	vst v58  }
.Ltmp4:
0x40: {  	[tilespmem:s31+$0xFFFFFFE0] =	vst v59;
	(pc) =	sbr.rel @p0 .LBB1_3-.Ltmp4, $4  }
0x41: {  	[tilespmem:s31+$0xFFFFFFF0] =	vst v60  }
0x42: {  	[tilespmem:s31+$0x0] =	vst v61  }
0x43: {  	[tilespmem:s31+$0x10] =	vst v62  }
0x44: {  	s17 =	sadd.s32 $0x80, s17;
	s19 =	sadd.s32 $0x400, s19;
	[tilespmem:s31+$0x20] =	vst v63  }
.Ltmp5:
0x45: {  	(pc) =	sbr.rel .LBB1_7-.Ltmp5, $4  }
0x46: {  	s16 =	sshll.u32 s16, $0x13;
	s15 =	sshll.u32 s15, $0x4  }
0x47: {  	s15 =	sand.u32 $0xFFF0, s15;
	s16 =	sadd.s32 s7, s16  }
0x48: {  	s15 =	sadd.s32 s15, s16  }
0x49: {  	[hbm4b:s15+s9] =	stream.strided.scatter [tilespmem:s18], [sflag:$0x2], $0x4000, s10, s9, $0x38;
	[tilespmem:$0x10000] =	vst v63  }
.LBB1_8:
0x4a: {  	_ =	sfence.sel $0x180000  }
0x4b: {  	s1 =	simm.s32 $0x1;
	[bflag:$0x0] =	sbarrier.arrive $0xFFFF  }
0x4c: {  	s31 =	simm.s32 $0x2;
	[sflag:s1] =	ssyncpa.u1 $0x1  }
0x4d: {  	[sflag:s31] =	ssyncpa.u1 $0x1  }
0x4e: {  	p0 =	sne.s32 s0, $0x0;
	_ =	strace $0x90000047  }
0x4f: {  	s0 =	sadd.s32 @!p0 $0x100000, s4;
	[bflag:$0x2] =	sbarrier.arrive $0xFFFF  }
0x50: {  	[sflag:s0] =	ssyncadd.tile.s32 @!p0 $0x1;
	_ =	shalt  }
.Lfunc_end1:
_tile_overlayer_lowered:
.L_overlay_start_2:
0x51: {  	(tag) =	ssettag $0x2  }
0x52: {  	s0 =	rddreg [dreg:$0x0];
	s2 =	stileid.u32  }
0x53: {  	s1 =	rddreg [dreg:$0x1];
	p0 =	sne.s32 s2, $0x0  }
0x54: {  	s3 =	rddreg [dreg:$0x2];
	[bflag:$0x3] =	sbarrier.arrive $0xFFFF;
	s2 =	simm.s32 @!p0 $0x1C01  }
0x55: {  	[timem:s3], [sflag:s2] =	dma.local @!p0 [hbm:s0], s1  }
0x56: {  	s0 =	simm.s32 @!p0 $0x1  }
0x57: {  	_ =	swait.ge @!p0 [sflag:s0], s1  }
0x58: {  	s1 =	ssub.s32 @!p0 $0x0, s1;
	[sflag:s0] =	ssyncset.done @!p0 $0x0  }
0x59: {  	[sflag:s0] =	ssyncadd.s32 @!p0 s1  }
0x5a: {  	[bflag:$0x3] =	sbarrier.arrive $0xFFFF  }
0x5b: {  	_ =	shalt  }

</sc_bundles>
